<compile_context>
chip_gen: v7x
topology: tpu7x:2x2x1
jax: 0.10.2.dev20260603
libtpu: 0.0.44.dev20260713+nightly
codegen_flags: <defaults>
</compile_context>

<pallas_src>
import functools

import jax
import jax.numpy as jnp
from jax import lax
from jax.experimental import pallas as pl
from jax.experimental.pallas import tpu as pltpu
from jax.experimental.pallas import tpu_sc as plsc

EMB = 64
NUM_PRED = 4
N_ATOMS_PER_PRED = 4096
TOTAL = NUM_PRED * N_ATOMS_PER_PRED
NC, NS, L = 2, 16, 16
NW = NC * NS
APW = TOTAL // NW
CHUNK = 128
NCHUNK = APW // CHUNK

_MESH = plsc.VectorSubcoreMesh(core_axis_name="c", subcore_axis_name="s")


@functools.partial(
    pl.kernel,
    out_type=(
        jax.ShapeDtypeStruct((NW, APW, EMB), jnp.float32),
        jax.ShapeDtypeStruct((NW, APW), jnp.float32),
    ),
    mesh=_MESH,
    compiler_params=pltpu.CompilerParams(use_tc_tiling_on_sc=False),
    scratch_types=[
        pltpu.VMEM((NCHUNK, CHUNK), jnp.int32),
        pltpu.VMEM((NCHUNK, CHUNK), jnp.int32),
        pltpu.VMEM((NCHUNK, CHUNK), jnp.int32),
        pltpu.VMEM((NCHUNK, CHUNK), jnp.int32),
        pltpu.VMEM((APW, EMB), jnp.float32),
        pltpu.VMEM((APW, EMB), jnp.float32),
        pltpu.VMEM((APW, EMB), jnp.float32),
        pltpu.VMEM((APW,), jnp.float32),
        pltpu.VMEM((EMB,), jnp.float32),
        pltpu.SemaphoreType.DMA,
    ],
)
def _sc_kernel(x_hbm, idxh_hbm, idxt_hbm, ctab_hbm, ptab_hbm,
               emb_hbm, scores_hbm,
               idxh_v, idxt_v, xh_v, xt_v, rows_h, rows_t, emb_v,
               scores_v, pred_v, sem):
    wid = lax.axis_index("s") * NC + lax.axis_index("c")

    pltpu.sync_copy(idxh_hbm.at[wid], idxh_v)
    pltpu.sync_copy(idxt_hbm.at[wid], idxt_v)
    p = wid // (N_ATOMS_PER_PRED // APW)
    pltpu.sync_copy(ptab_hbm.at[p], pred_v)

    cps = []
    for j in range(NCHUNK):
        cps.append(pltpu.async_copy(x_hbm.at[idxh_v.at[j]], xh_v.at[j], sem))
        cps.append(pltpu.async_copy(x_hbm.at[idxt_v.at[j]], xt_v.at[j], sem))
    for c in cps:
        c.wait()

    cps = []
    for j in range(NCHUNK):
        cps.append(pltpu.async_copy(
            ctab_hbm.at[xh_v.at[j]], rows_h.at[pl.ds(j * CHUNK, CHUNK)], sem))
        cps.append(pltpu.async_copy(
            ctab_hbm.at[xt_v.at[j]], rows_t.at[pl.ds(j * CHUNK, CHUNK)], sem))
    for c in cps:
        c.wait()

    pk = [pred_v[pl.ds(k * L, L)] for k in range(EMB // L)]
    lane = lax.iota(jnp.int32, L)

    @pl.loop(0, APW // L)
    def _group(g):
        score_vec = jnp.zeros((L,), jnp.float32)
        for a16 in range(L):
            a = g * L + a16
            s = None
            for k in range(EMB // L):
                e = pk[k] * rows_h[a, pl.ds(k * L, L)] * rows_t[a, pl.ds(k * L, L)]
                emb_v[a, pl.ds(k * L, L)] = e
                s = e if s is None else s + e
            for b in range(4):
                s = s + s.at[lane ^ (1 << b)].get(mode="promise_in_bounds")
            score_vec = jnp.where(lane == a16, s, score_vec)
        scores_v[pl.ds(g * L, L)] = 1.0 / (1.0 + jnp.exp(-score_vec))

    pltpu.sync_copy(emb_v, emb_hbm.at[wid])
    pltpu.sync_copy(scores_v, scores_hbm.at[wid])


def kernel(X_domain_entity, A_pred0, A_pred1, A_pred2, A_pred3,
           constant_table, predicate_table):
    A = jnp.concatenate([A_pred0, A_pred1, A_pred2, A_pred3], axis=0)
    idx_h = A[:, 0].astype(jnp.int32).reshape(NW, NCHUNK, CHUNK)
    idx_t = A[:, 1].astype(jnp.int32).reshape(NW, NCHUNK, CHUNK)
    x = X_domain_entity.astype(jnp.int32)
    emb, scores = _sc_kernel(x, idx_h, idx_t, constant_table, predicate_table)
    atom_embeddings = emb.reshape(TOTAL, EMB)
    atom_outputs = scores.reshape(TOTAL, 1, 1)
    return (atom_outputs, atom_embeddings)

# --- scband reference (transcript-rebuilt; emitter-appended) ---
"""Pipeline reference for scband-kgemodel-6485400617228 (READ-ONLY COPY).

The authoritative reference and input builder live on the scoring server;
editing this copy changes nothing except your own understanding.
"""

import jax, jax.numpy as jnp
import numpy as np

NUM_CONSTANTS = 100000
EMB = 64
NUM_PRED = 4
N_X = 50000
N_ATOMS = 4096


def setup_inputs(seed: int = 0) -> dict:
    key = jax.random.key(seed)
    ks = jax.random.split(key, 8)
    inp = {}
    inp["X_domain_entity"] = jax.random.randint(ks[0], (N_X,), 0, NUM_CONSTANTS)
    inp["A_pred0"] = jax.random.randint(ks[1], (N_ATOMS, 2), 0, N_X)
    inp["A_pred1"] = jax.random.randint(ks[2], (N_ATOMS, 2), 0, N_X)
    inp["A_pred2"] = jax.random.randint(ks[3], (N_ATOMS, 2), 0, N_X)
    inp["A_pred3"] = jax.random.randint(ks[4], (N_ATOMS, 2), 0, N_X)
    # learned parameters (per init_kwargs: vocab=100000, emb sizes all 64, 4 predicates)
    inp["constant_table"] = jax.random.normal(ks[5], (NUM_CONSTANTS, EMB), dtype=jnp.float32) * 0.02
    inp["predicate_table"] = jax.random.normal(ks[6], (NUM_PRED, EMB), dtype=jnp.float32) * 0.02
    return inp


def reference(X_domain_entity, A_pred0, A_pred1, A_pred2, A_pred3, constant_table, predicate_table):
    # ConstantEmbeddings: lookup embeddings for the active constants of the domain
    const_emb = jnp.take(constant_table, X_domain_entity, axis=0)  # [N_X, EMB]
    # PredicateEmbeddings over predicate_index_tensor = arange(num_predicates)
    pred_idx = jnp.arange(NUM_PRED)
    pred_emb = jnp.take(predicate_table, pred_idx, axis=0)  # [NUM_PRED, EMB]
    A_predicates = [A_pred0, A_pred1, A_pred2, A_pred3]
    # create_triplets: repeat each predicate embedding per grounding; gather constant embeddings per domain slot
    pred_per_triplet = []
    const_per_triplet = []
    for i, a in enumerate(A_predicates):
        p_e = jnp.expand_dims(pred_emb[i], axis=0)
        pred_per_triplet.append(jnp.repeat(p_e, a.shape[0], axis=0))
        # gather per-domain constants then stack on axis=-2 -> [n_atoms, arity=2, EMB]
        c0 = jnp.take(const_emb, a[..., 0], axis=0)
        c1 = jnp.take(const_emb, a[..., 1], axis=0)
        const_per_triplet.append(jnp.stack([c0, c1], axis=-2))
    P = jnp.concatenate(pred_per_triplet, axis=0)  # [total_atoms, EMB]
    C = jnp.concatenate(const_per_triplet, axis=0)  # [total_atoms, 2, EMB]
    # KGE embedder (DistMult): atom embedding = r * h * t (elementwise)
    atom_embeddings = P * C[:, 0, :] * C[:, 1, :]  # [total_atoms, EMB]
    # output layer: score = sigmoid(sum over embedding dim), then expand_dims(-1)
    scores = jnp.sum(atom_embeddings, axis=-1, keepdims=True)  # [total_atoms, 1]
    atom_outputs = jnp.expand_dims(jax.nn.sigmoid(scores), -1)  # [total_atoms, 1, 1]
    return (atom_outputs, atom_embeddings)

if __name__ == "__main__":
    import jax
    _d = setup_inputs()
    print(jax.jit(kernel)(*tuple(_d.values())))

</pallas_src>

<mosaic_0001>
#map = affine_map<(d0, d1) -> (0)>
#map1 = affine_map<(d0, d1) -> (0, 0, 0)>
#map2 = affine_map<(d0, d1) -> (0, 0)>
module attributes {stable_mosaic.version = 14 : i64} {
  func.func @_sc_kernel(%arg0: i32, %arg1: i32, %arg2: memref<50000xi32, #tpu.memory_space<hbm>>, %arg3: memref<32x4x128xi32, #tpu.memory_space<hbm>>, %arg4: memref<32x4x128xi32, #tpu.memory_space<hbm>>, %arg5: memref<100000x64xf32, #tpu.memory_space<hbm>>, %arg6: memref<4x64xf32, #tpu.memory_space<hbm>>, %arg7: memref<32x512x64xf32, #tpu.memory_space<hbm>>, %arg8: memref<32x512xf32, #tpu.memory_space<hbm>>, %arg9: memref<4x128xi32, #tpu.memory_space<vmem>>, %arg10: memref<4x128xi32, #tpu.memory_space<vmem>>, %arg11: memref<4x128xi32, #tpu.memory_space<vmem>>, %arg12: memref<4x128xi32, #tpu.memory_space<vmem>>, %arg13: memref<512x64xf32, #tpu.memory_space<vmem>>, %arg14: memref<512x64xf32, #tpu.memory_space<vmem>>, %arg15: memref<512x64xf32, #tpu.memory_space<vmem>>, %arg16: memref<512xf32, #tpu.memory_space<vmem>>, %arg17: memref<64xf32, #tpu.memory_space<vmem>>, %arg18: memref<!tpu.dma_semaphore, #tpu.memory_space<semaphore_mem>>) attributes {dimension_semantics = [#tpu.dimension_semantics<core_parallel>, #tpu.dimension_semantics<subcore_parallel>], iteration_bounds = array<i64: 2, 16>, scalar_prefetch = 0 : i64, scratch_operands = 10 : i64, tpu.core_type = #tpu.core_type<sc_vector_subcore>, window_params = [{transform_indices = #map}, {transform_indices = #map1}, {transform_indices = #map1}, {transform_indices = #map2}, {transform_indices = #map2}, {transform_indices = #map1}, {transform_indices = #map2}]} {
    %mul3A = arith.constant 2 : i32
    %mul3A_0 = arith.muli %arg1, %mul3A : i32
    %add3A = arith.addi %mul3A_0, %arg0 : i32
    "tpu.region"() ({
      %run_scoped3A = tpu.sem_alloc : memref<!tpu.dma_semaphore, #tpu.memory_space<semaphore_mem>>
      %dma_start3A_350 = arith.constant 0 : i32
      %dma_start3A_351 = arith.constant 0 : i32
      %dma_start3A_352 = tpu.memref_slice %arg3[%add3A, %dma_start3A_350, %dma_start3A_351] : memref<32x4x128xi32, #tpu.memory_space<hbm>> -> memref<1x4x128xi32, #tpu.memory_space<hbm>>
      %dma_start3A_353 = tpu.memref_squeeze %dma_start3A_352 : memref<1x4x128xi32, #tpu.memory_space<hbm>> -> memref<4x128xi32, #tpu.memory_space<hbm>>
      %dma_start3A_354 = arith.constant 0 : i32
      %dma_start3A_355 = arith.constant 0 : i32
      %dma_start3A_356 = tpu.memref_slice %arg3[%add3A, %dma_start3A_354, %dma_start3A_355] : memref<32x4x128xi32, #tpu.memory_space<hbm>> -> memref<1x4x128xi32, #tpu.memory_space<hbm>>
      %dma_start3A_357 = tpu.memref_squeeze %dma_start3A_356 : memref<1x4x128xi32, #tpu.memory_space<hbm>> -> memref<4x128xi32, #tpu.memory_space<hbm>>
      tpu.enqueue_dma source(%dma_start3A_357 : memref<4x128xi32, #tpu.memory_space<hbm>>) target(%arg9 : memref<4x128xi32, #tpu.memory_space<vmem>>) target_semaphore(%run_scoped3A : memref<!tpu.dma_semaphore, #tpu.memory_space<semaphore_mem>>)
      %dma_wait3A_358 = arith.constant 0 : i32
      %dma_wait3A_359 = arith.constant 0 : i32
      %dma_wait3A_360 = tpu.memref_slice %arg3[%add3A, %dma_wait3A_358, %dma_wait3A_359] : memref<32x4x128xi32, #tpu.memory_space<hbm>> -> memref<1x4x128xi32, #tpu.memory_space<hbm>>
      %dma_wait3A_361 = tpu.memref_squeeze %dma_wait3A_360 : memref<1x4x128xi32, #tpu.memory_space<hbm>> -> memref<4x128xi32, #tpu.memory_space<hbm>>
      %dma_wait3A_362 = arith.constant 0 : i32
      %dma_wait3A_363 = arith.constant 0 : i32
      %dma_wait3A_364 = tpu.memref_slice %arg3[%add3A, %dma_wait3A_362, %dma_wait3A_363] : memref<32x4x128xi32, #tpu.memory_space<hbm>> -> memref<1x4x128xi32, #tpu.memory_space<hbm>>
      %dma_wait3A_365 = tpu.memref_squeeze %dma_wait3A_364 : memref<1x4x128xi32, #tpu.memory_space<hbm>> -> memref<4x128xi32, #tpu.memory_space<hbm>>
      tpu.wait_dma2 semaphore(%run_scoped3A : memref<!tpu.dma_semaphore, #tpu.memory_space<semaphore_mem>>) src(%dma_wait3A_365 : memref<4x128xi32, #tpu.memory_space<hbm>>) dst(%arg9 : memref<4x128xi32, #tpu.memory_space<vmem>>)
      tpu.yield
    }) : () -> ()
    "tpu.region"() ({
      %run_scoped3A = tpu.sem_alloc : memref<!tpu.dma_semaphore, #tpu.memory_space<semaphore_mem>>
      %dma_start3A_350 = arith.constant 0 : i32
      %dma_start3A_351 = arith.constant 0 : i32
      %dma_start3A_352 = tpu.memref_slice %arg4[%add3A, %dma_start3A_350, %dma_start3A_351] : memref<32x4x128xi32, #tpu.memory_space<hbm>> -> memref<1x4x128xi32, #tpu.memory_space<hbm>>
      %dma_start3A_353 = tpu.memref_squeeze %dma_start3A_352 : memref<1x4x128xi32, #tpu.memory_space<hbm>> -> memref<4x128xi32, #tpu.memory_space<hbm>>
      %dma_start3A_354 = arith.constant 0 : i32
      %dma_start3A_355 = arith.constant 0 : i32
      %dma_start3A_356 = tpu.memref_slice %arg4[%add3A, %dma_start3A_354, %dma_start3A_355] : memref<32x4x128xi32, #tpu.memory_space<hbm>> -> memref<1x4x128xi32, #tpu.memory_space<hbm>>
      %dma_start3A_357 = tpu.memref_squeeze %dma_start3A_356 : memref<1x4x128xi32, #tpu.memory_space<hbm>> -> memref<4x128xi32, #tpu.memory_space<hbm>>
      tpu.enqueue_dma source(%dma_start3A_357 : memref<4x128xi32, #tpu.memory_space<hbm>>) target(%arg10 : memref<4x128xi32, #tpu.memory_space<vmem>>) target_semaphore(%run_scoped3A : memref<!tpu.dma_semaphore, #tpu.memory_space<semaphore_mem>>)
      %dma_wait3A_358 = arith.constant 0 : i32
      %dma_wait3A_359 = arith.constant 0 : i32
      %dma_wait3A_360 = tpu.memref_slice %arg4[%add3A, %dma_wait3A_358, %dma_wait3A_359] : memref<32x4x128xi32, #tpu.memory_space<hbm>> -> memref<1x4x128xi32, #tpu.memory_space<hbm>>
      %dma_wait3A_361 = tpu.memref_squeeze %dma_wait3A_360 : memref<1x4x128xi32, #tpu.memory_space<hbm>> -> memref<4x128xi32, #tpu.memory_space<hbm>>
      %dma_wait3A_362 = arith.constant 0 : i32
      %dma_wait3A_363 = arith.constant 0 : i32
      %dma_wait3A_364 = tpu.memref_slice %arg4[%add3A, %dma_wait3A_362, %dma_wait3A_363] : memref<32x4x128xi32, #tpu.memory_space<hbm>> -> memref<1x4x128xi32, #tpu.memory_space<hbm>>
      %dma_wait3A_365 = tpu.memref_squeeze %dma_wait3A_364 : memref<1x4x128xi32, #tpu.memory_space<hbm>> -> memref<4x128xi32, #tpu.memory_space<hbm>>
      tpu.wait_dma2 semaphore(%run_scoped3A : memref<!tpu.dma_semaphore, #tpu.memory_space<semaphore_mem>>) src(%dma_wait3A_365 : memref<4x128xi32, #tpu.memory_space<hbm>>) dst(%arg10 : memref<4x128xi32, #tpu.memory_space<vmem>>)
      tpu.yield
    }) : () -> ()
    %jit3A = arith.constant 8 : i32
    %div3A = arith.divsi %add3A, %jit3A : i32
    %sign3A = arith.constant 0 : i32
    %sign3A_1 = arith.cmpi sgt, %add3A, %sign3A : i32
    %sign3A_2 = arith.extui %sign3A_1 : i1 to i32
    %sign3A_3 = arith.constant 0 : i32
    %sign3A_4 = arith.cmpi slt, %add3A, %sign3A_3 : i32
    %sign3A_5 = arith.extui %sign3A_4 : i1 to i32
    %sign3A_6 = arith.subi %sign3A_2, %sign3A_5 : i32
    %sign3A_7 = arith.constant 0 : i32
    %sign3A_8 = arith.cmpi sgt, %jit3A, %sign3A_7 : i32
    %sign3A_9 = arith.extui %sign3A_8 : i1 to i32
    %sign3A_10 = arith.constant 0 : i32
    %sign3A_11 = arith.cmpi slt, %jit3A, %sign3A_10 : i32
    %sign3A_12 = arith.extui %sign3A_11 : i1 to i32
    %sign3A_13 = arith.subi %sign3A_9, %sign3A_12 : i32
    %ne3A = arith.cmpi ne, %sign3A_6, %sign3A_13 : i32
    %rem3A = arith.remsi %add3A, %jit3A : i32
    %ne3A_14 = arith.constant 0 : i32
    %ne3A_15 = arith.cmpi ne, %rem3A, %ne3A_14 : i32
    %and3A = arith.andi %ne3A, %ne3A_15 : i1
    %sub3A = arith.constant 1 : i32
    %sub3A_16 = arith.subi %div3A, %sub3A : i32
    %select_n3A = arith.select %and3A, %sub3A_16, %div3A : i32
    "tpu.region"() ({
      %run_scoped3A = tpu.sem_alloc : memref<!tpu.dma_semaphore, #tpu.memory_space<semaphore_mem>>
      %dma_start3A_350 = arith.constant 0 : i32
      %dma_start3A_351 = tpu.memref_slice %arg6[%select_n3A, %dma_start3A_350] : memref<4x64xf32, #tpu.memory_space<hbm>> -> memref<1x64xf32, #tpu.memory_space<hbm>>
      %dma_start3A_352 = tpu.memref_squeeze %dma_start3A_351 : memref<1x64xf32, #tpu.memory_space<hbm>> -> memref<64xf32, #tpu.memory_space<hbm>>
      %dma_start3A_353 = arith.constant 0 : i32
      %dma_start3A_354 = tpu.memref_slice %arg6[%select_n3A, %dma_start3A_353] : memref<4x64xf32, #tpu.memory_space<hbm>> -> memref<1x64xf32, #tpu.memory_space<hbm>>
      %dma_start3A_355 = tpu.memref_squeeze %dma_start3A_354 : memref<1x64xf32, #tpu.memory_space<hbm>> -> memref<64xf32, #tpu.memory_space<hbm>>
      tpu.enqueue_dma source(%dma_start3A_355 : memref<64xf32, #tpu.memory_space<hbm>>) target(%arg17 : memref<64xf32, #tpu.memory_space<vmem>>) target_semaphore(%run_scoped3A : memref<!tpu.dma_semaphore, #tpu.memory_space<semaphore_mem>>)
      %dma_wait3A_356 = arith.constant 0 : i32
      %dma_wait3A_357 = tpu.memref_slice %arg6[%select_n3A, %dma_wait3A_356] : memref<4x64xf32, #tpu.memory_space<hbm>> -> memref<1x64xf32, #tpu.memory_space<hbm>>
      %dma_wait3A_358 = tpu.memref_squeeze %dma_wait3A_357 : memref<1x64xf32, #tpu.memory_space<hbm>> -> memref<64xf32, #tpu.memory_space<hbm>>
      %dma_wait3A_359 = arith.constant 0 : i32
      %dma_wait3A_360 = tpu.memref_slice %arg6[%select_n3A, %dma_wait3A_359] : memref<4x64xf32, #tpu.memory_space<hbm>> -> memref<1x64xf32, #tpu.memory_space<hbm>>
      %dma_wait3A_361 = tpu.memref_squeeze %dma_wait3A_360 : memref<1x64xf32, #tpu.memory_space<hbm>> -> memref<64xf32, #tpu.memory_space<hbm>>
      tpu.wait_dma2 semaphore(%run_scoped3A : memref<!tpu.dma_semaphore, #tpu.memory_space<semaphore_mem>>) src(%dma_wait3A_361 : memref<64xf32, #tpu.memory_space<hbm>>) dst(%arg17 : memref<64xf32, #tpu.memory_space<vmem>>)
      tpu.yield
    }) : () -> ()
    %dma_start3A = arith.constant 0 : i32
    %dma_start3A_17 = arith.constant 0 : i32
    %dma_start3A_18 = arith.constant 0 : i32
    %dma_start3A_19 = tpu.memref_slice %arg11[%dma_start3A_17, %dma_start3A_18] : memref<4x128xi32, #tpu.memory_space<vmem>> -> memref<1x128xi32, #tpu.memory_space<vmem>>
    %dma_start3A_20 = tpu.memref_squeeze %dma_start3A_19 : memref<1x128xi32, #tpu.memory_space<vmem>> -> memref<128xi32, #tpu.memory_space<vmem>>
    %dma_start3A_21 = arith.constant 0 : i32
    %dma_start3A_22 = tpu.memref_slice %arg9[%dma_start3A, %dma_start3A_21] : memref<4x128xi32, #tpu.memory_space<vmem>> -> memref<1x128xi32, #tpu.memory_space<vmem>>
    %dma_start3A_23 = tpu.memref_squeeze %dma_start3A_22 : memref<1x128xi32, #tpu.memory_space<vmem>> -> memref<128xi32, #tpu.memory_space<vmem>>
    %dma_start3A_24 = arith.constant 0 : i32
    %dma_start3A_25 = tpu.memref_slice %arg2[%dma_start3A_24] : memref<50000xi32, #tpu.memory_space<hbm>> -> memref<50000xi32, #tpu.memory_space<hbm>>
    tpu.enqueue_indirect_dma source(%dma_start3A_25 : memref<50000xi32, #tpu.memory_space<hbm>>) target(%dma_start3A_20 : memref<128xi32, #tpu.memory_space<vmem>>) offsets(%dma_start3A_23 : memref<128xi32, #tpu.memory_space<vmem>>) semaphore(%arg18 : memref<!tpu.dma_semaphore, #tpu.memory_space<semaphore_mem>>)
    %dma_start3A_26 = arith.constant 0 : i32
    %dma_start3A_27 = arith.constant 0 : i32
    %dma_start3A_28 = arith.constant 0 : i32
    %dma_start3A_29 = tpu.memref_slice %arg12[%dma_start3A_27, %dma_start3A_28] : memref<4x128xi32, #tpu.memory_space<vmem>> -> memref<1x128xi32, #tpu.memory_space<vmem>>
    %dma_start3A_30 = tpu.memref_squeeze %dma_start3A_29 : memref<1x128xi32, #tpu.memory_space<vmem>> -> memref<128xi32, #tpu.memory_space<vmem>>
    %dma_start3A_31 = arith.constant 0 : i32
    %dma_start3A_32 = tpu.memref_slice %arg10[%dma_start3A_26, %dma_start3A_31] : memref<4x128xi32, #tpu.memory_space<vmem>> -> memref<1x128xi32, #tpu.memory_space<vmem>>
    %dma_start3A_33 = tpu.memref_squeeze %dma_start3A_32 : memref<1x128xi32, #tpu.memory_space<vmem>> -> memref<128xi32, #tpu.memory_space<vmem>>
    %dma_start3A_34 = arith.constant 0 : i32
    %dma_start3A_35 = tpu.memref_slice %arg2[%dma_start3A_34] : memref<50000xi32, #tpu.memory_space<hbm>> -> memref<50000xi32, #tpu.memory_space<hbm>>
    tpu.enqueue_indirect_dma source(%dma_start3A_35 : memref<50000xi32, #tpu.memory_space<hbm>>) target(%dma_start3A_30 : memref<128xi32, #tpu.memory_space<vmem>>) offsets(%dma_start3A_33 : memref<128xi32, #tpu.memory_space<vmem>>) semaphore(%arg18 : memref<!tpu.dma_semaphore, #tpu.memory_space<semaphore_mem>>)
    %dma_start3A_36 = arith.constant 1 : i32
    %dma_start3A_37 = arith.constant 1 : i32
    %dma_start3A_38 = arith.constant 0 : i32
    %dma_start3A_39 = tpu.memref_slice %arg11[%dma_start3A_37, %dma_start3A_38] : memref<4x128xi32, #tpu.memory_space<vmem>> -> memref<1x128xi32, #tpu.memory_space<vmem>>
    %dma_start3A_40 = tpu.memref_squeeze %dma_start3A_39 : memref<1x128xi32, #tpu.memory_space<vmem>> -> memref<128xi32, #tpu.memory_space<vmem>>
    %dma_start3A_41 = arith.constant 0 : i32
    %dma_start3A_42 = tpu.memref_slice %arg9[%dma_start3A_36, %dma_start3A_41] : memref<4x128xi32, #tpu.memory_space<vmem>> -> memref<1x128xi32, #tpu.memory_space<vmem>>
    %dma_start3A_43 = tpu.memref_squeeze %dma_start3A_42 : memref<1x128xi32, #tpu.memory_space<vmem>> -> memref<128xi32, #tpu.memory_space<vmem>>
    %dma_start3A_44 = arith.constant 0 : i32
    %dma_start3A_45 = tpu.memref_slice %arg2[%dma_start3A_44] : memref<50000xi32, #tpu.memory_space<hbm>> -> memref<50000xi32, #tpu.memory_space<hbm>>
    tpu.enqueue_indirect_dma source(%dma_start3A_45 : memref<50000xi32, #tpu.memory_space<hbm>>) target(%dma_start3A_40 : memref<128xi32, #tpu.memory_space<vmem>>) offsets(%dma_start3A_43 : memref<128xi32, #tpu.memory_space<vmem>>) semaphore(%arg18 : memref<!tpu.dma_semaphore, #tpu.memory_space<semaphore_mem>>)
    %dma_start3A_46 = arith.constant 1 : i32
    %dma_start3A_47 = arith.constant 1 : i32
    %dma_start3A_48 = arith.constant 0 : i32
    %dma_start3A_49 = tpu.memref_slice %arg12[%dma_start3A_47, %dma_start3A_48] : memref<4x128xi32, #tpu.memory_space<vmem>> -> memref<1x128xi32, #tpu.memory_space<vmem>>
    %dma_start3A_50 = tpu.memref_squeeze %dma_start3A_49 : memref<1x128xi32, #tpu.memory_space<vmem>> -> memref<128xi32, #tpu.memory_space<vmem>>
    %dma_start3A_51 = arith.constant 0 : i32
    %dma_start3A_52 = tpu.memref_slice %arg10[%dma_start3A_46, %dma_start3A_51] : memref<4x128xi32, #tpu.memory_space<vmem>> -> memref<1x128xi32, #tpu.memory_space<vmem>>
    %dma_start3A_53 = tpu.memref_squeeze %dma_start3A_52 : memref<1x128xi32, #tpu.memory_space<vmem>> -> memref<128xi32, #tpu.memory_space<vmem>>
    %dma_start3A_54 = arith.constant 0 : i32
    %dma_start3A_55 = tpu.memref_slice %arg2[%dma_start3A_54] : memref<50000xi32, #tpu.memory_space<hbm>> -> memref<50000xi32, #tpu.memory_space<hbm>>
    tpu.enqueue_indirect_dma source(%dma_start3A_55 : memref<50000xi32, #tpu.memory_space<hbm>>) target(%dma_start3A_50 : memref<128xi32, #tpu.memory_space<vmem>>) offsets(%dma_start3A_53 : memref<128xi32, #tpu.memory_space<vmem>>) semaphore(%arg18 : memref<!tpu.dma_semaphore, #tpu.memory_space<semaphore_mem>>)
    %dma_start3A_56 = arith.constant 2 : i32
    %dma_start3A_57 = arith.constant 2 : i32
    %dma_start3A_58 = arith.constant 0 : i32
    %dma_start3A_59 = tpu.memref_slice %arg11[%dma_start3A_57, %dma_start3A_58] : memref<4x128xi32, #tpu.memory_space<vmem>> -> memref<1x128xi32, #tpu.memory_space<vmem>>
    %dma_start3A_60 = tpu.memref_squeeze %dma_start3A_59 : memref<1x128xi32, #tpu.memory_space<vmem>> -> memref<128xi32, #tpu.memory_space<vmem>>
    %dma_start3A_61 = arith.constant 0 : i32
    %dma_start3A_62 = tpu.memref_slice %arg9[%dma_start3A_56, %dma_start3A_61] : memref<4x128xi32, #tpu.memory_space<vmem>> -> memref<1x128xi32, #tpu.memory_space<vmem>>
    %dma_start3A_63 = tpu.memref_squeeze %dma_start3A_62 : memref<1x128xi32, #tpu.memory_space<vmem>> -> memref<128xi32, #tpu.memory_space<vmem>>
    %dma_start3A_64 = arith.constant 0 : i32
    %dma_start3A_65 = tpu.memref_slice %arg2[%dma_start3A_64] : memref<50000xi32, #tpu.memory_space<hbm>> -> memref<50000xi32, #tpu.memory_space<hbm>>
    tpu.enqueue_indirect_dma source(%dma_start3A_65 : memref<50000xi32, #tpu.memory_space<hbm>>) target(%dma_start3A_60 : memref<128xi32, #tpu.memory_space<vmem>>) offsets(%dma_start3A_63 : memref<128xi32, #tpu.memory_space<vmem>>) semaphore(%arg18 : memref<!tpu.dma_semaphore, #tpu.memory_space<semaphore_mem>>)
    %dma_start3A_66 = arith.constant 2 : i32
    %dma_start3A_67 = arith.constant 2 : i32
    %dma_start3A_68 = arith.constant 0 : i32
    %dma_start3A_69 = tpu.memref_slice %arg12[%dma_start3A_67, %dma_start3A_68] : memref<4x128xi32, #tpu.memory_space<vmem>> -> memref<1x128xi32, #tpu.memory_space<vmem>>
    %dma_start3A_70 = tpu.memref_squeeze %dma_start3A_69 : memref<1x128xi32, #tpu.memory_space<vmem>> -> memref<128xi32, #tpu.memory_space<vmem>>
    %dma_start3A_71 = arith.constant 0 : i32
    %dma_start3A_72 = tpu.memref_slice %arg10[%dma_start3A_66, %dma_start3A_71] : memref<4x128xi32, #tpu.memory_space<vmem>> -> memref<1x128xi32, #tpu.memory_space<vmem>>
    %dma_start3A_73 = tpu.memref_squeeze %dma_start3A_72 : memref<1x128xi32, #tpu.memory_space<vmem>> -> memref<128xi32, #tpu.memory_space<vmem>>
    %dma_start3A_74 = arith.constant 0 : i32
    %dma_start3A_75 = tpu.memref_slice %arg2[%dma_start3A_74] : memref<50000xi32, #tpu.memory_space<hbm>> -> memref<50000xi32, #tpu.memory_space<hbm>>
    tpu.enqueue_indirect_dma source(%dma_start3A_75 : memref<50000xi32, #tpu.memory_space<hbm>>) target(%dma_start3A_70 : memref<128xi32, #tpu.memory_space<vmem>>) offsets(%dma_start3A_73 : memref<128xi32, #tpu.memory_space<vmem>>) semaphore(%arg18 : memref<!tpu.dma_semaphore, #tpu.memory_space<semaphore_mem>>)
    %dma_start3A_76 = arith.constant 3 : i32
    %dma_start3A_77 = arith.constant 3 : i32
    %dma_start3A_78 = arith.constant 0 : i32
    %dma_start3A_79 = tpu.memref_slice %arg11[%dma_start3A_77, %dma_start3A_78] : memref<4x128xi32, #tpu.memory_space<vmem>> -> memref<1x128xi32, #tpu.memory_space<vmem>>
    %dma_start3A_80 = tpu.memref_squeeze %dma_start3A_79 : memref<1x128xi32, #tpu.memory_space<vmem>> -> memref<128xi32, #tpu.memory_space<vmem>>
    %dma_start3A_81 = arith.constant 0 : i32
    %dma_start3A_82 = tpu.memref_slice %arg9[%dma_start3A_76, %dma_start3A_81] : memref<4x128xi32, #tpu.memory_space<vmem>> -> memref<1x128xi32, #tpu.memory_space<vmem>>
    %dma_start3A_83 = tpu.memref_squeeze %dma_start3A_82 : memref<1x128xi32, #tpu.memory_space<vmem>> -> memref<128xi32, #tpu.memory_space<vmem>>
    %dma_start3A_84 = arith.constant 0 : i32
    %dma_start3A_85 = tpu.memref_slice %arg2[%dma_start3A_84] : memref<50000xi32, #tpu.memory_space<hbm>> -> memref<50000xi32, #tpu.memory_space<hbm>>
    tpu.enqueue_indirect_dma source(%dma_start3A_85 : memref<50000xi32, #tpu.memory_space<hbm>>) target(%dma_start3A_80 : memref<128xi32, #tpu.memory_space<vmem>>) offsets(%dma_start3A_83 : memref<128xi32, #tpu.memory_space<vmem>>) semaphore(%arg18 : memref<!tpu.dma_semaphore, #tpu.memory_space<semaphore_mem>>)
    %dma_start3A_86 = arith.constant 3 : i32
    %dma_start3A_87 = arith.constant 3 : i32
    %dma_start3A_88 = arith.constant 0 : i32
    %dma_start3A_89 = tpu.memref_slice %arg12[%dma_start3A_87, %dma_start3A_88] : memref<4x128xi32, #tpu.memory_space<vmem>> -> memref<1x128xi32, #tpu.memory_space<vmem>>
    %dma_start3A_90 = tpu.memref_squeeze %dma_start3A_89 : memref<1x128xi32, #tpu.memory_space<vmem>> -> memref<128xi32, #tpu.memory_space<vmem>>
    %dma_start3A_91 = arith.constant 0 : i32
    %dma_start3A_92 = tpu.memref_slice %arg10[%dma_start3A_86, %dma_start3A_91] : memref<4x128xi32, #tpu.memory_space<vmem>> -> memref<1x128xi32, #tpu.memory_space<vmem>>
    %dma_start3A_93 = tpu.memref_squeeze %dma_start3A_92 : memref<1x128xi32, #tpu.memory_space<vmem>> -> memref<128xi32, #tpu.memory_space<vmem>>
    %dma_start3A_94 = arith.constant 0 : i32
    %dma_start3A_95 = tpu.memref_slice %arg2[%dma_start3A_94] : memref<50000xi32, #tpu.memory_space<hbm>> -> memref<50000xi32, #tpu.memory_space<hbm>>
    tpu.enqueue_indirect_dma source(%dma_start3A_95 : memref<50000xi32, #tpu.memory_space<hbm>>) target(%dma_start3A_90 : memref<128xi32, #tpu.memory_space<vmem>>) offsets(%dma_start3A_93 : memref<128xi32, #tpu.memory_space<vmem>>) semaphore(%arg18 : memref<!tpu.dma_semaphore, #tpu.memory_space<semaphore_mem>>)
    %dma_wait3A = arith.constant 0 : i32
    %dma_wait3A_96 = arith.constant 0 : i32
    %dma_wait3A_97 = arith.constant 0 : i32
    %dma_wait3A_98 = tpu.memref_slice %arg11[%dma_wait3A_96, %dma_wait3A_97] : memref<4x128xi32, #tpu.memory_space<vmem>> -> memref<1x128xi32, #tpu.memory_space<vmem>>
    %dma_wait3A_99 = tpu.memref_squeeze %dma_wait3A_98 : memref<1x128xi32, #tpu.memory_space<vmem>> -> memref<128xi32, #tpu.memory_space<vmem>>
    %dma_wait3A_100 = arith.constant 0 : i32
    %dma_wait3A_101 = tpu.memref_slice %arg9[%dma_wait3A, %dma_wait3A_100] : memref<4x128xi32, #tpu.memory_space<vmem>> -> memref<1x128xi32, #tpu.memory_space<vmem>>
    %dma_wait3A_102 = tpu.memref_squeeze %dma_wait3A_101 : memref<1x128xi32, #tpu.memory_space<vmem>> -> memref<128xi32, #tpu.memory_space<vmem>>
    %dma_wait3A_103 = arith.constant 0 : i32
    %dma_wait3A_104 = tpu.memref_slice %arg2[%dma_wait3A_103] : memref<50000xi32, #tpu.memory_space<hbm>> -> memref<50000xi32, #tpu.memory_space<hbm>>
    tpu.wait_indirect_dma semaphore(%arg18 : memref<!tpu.dma_semaphore, #tpu.memory_space<semaphore_mem>>) src(%dma_wait3A_104 : memref<50000xi32, #tpu.memory_space<hbm>>) dst(%dma_wait3A_99 : memref<128xi32, #tpu.memory_space<vmem>>)
    %dma_wait3A_105 = arith.constant 0 : i32
    %dma_wait3A_106 = arith.constant 0 : i32
    %dma_wait3A_107 = arith.constant 0 : i32
    %dma_wait3A_108 = tpu.memref_slice %arg12[%dma_wait3A_106, %dma_wait3A_107] : memref<4x128xi32, #tpu.memory_space<vmem>> -> memref<1x128xi32, #tpu.memory_space<vmem>>
    %dma_wait3A_109 = tpu.memref_squeeze %dma_wait3A_108 : memref<1x128xi32, #tpu.memory_space<vmem>> -> memref<128xi32, #tpu.memory_space<vmem>>
    %dma_wait3A_110 = arith.constant 0 : i32
    %dma_wait3A_111 = tpu.memref_slice %arg10[%dma_wait3A_105, %dma_wait3A_110] : memref<4x128xi32, #tpu.memory_space<vmem>> -> memref<1x128xi32, #tpu.memory_space<vmem>>
    %dma_wait3A_112 = tpu.memref_squeeze %dma_wait3A_111 : memref<1x128xi32, #tpu.memory_space<vmem>> -> memref<128xi32, #tpu.memory_space<vmem>>
    %dma_wait3A_113 = arith.constant 0 : i32
    %dma_wait3A_114 = tpu.memref_slice %arg2[%dma_wait3A_113] : memref<50000xi32, #tpu.memory_space<hbm>> -> memref<50000xi32, #tpu.memory_space<hbm>>
    tpu.wait_indirect_dma semaphore(%arg18 : memref<!tpu.dma_semaphore, #tpu.memory_space<semaphore_mem>>) src(%dma_wait3A_114 : memref<50000xi32, #tpu.memory_space<hbm>>) dst(%dma_wait3A_109 : memref<128xi32, #tpu.memory_space<vmem>>)
    %dma_wait3A_115 = arith.constant 1 : i32
    %dma_wait3A_116 = arith.constant 1 : i32
    %dma_wait3A_117 = arith.constant 0 : i32
    %dma_wait3A_118 = tpu.memref_slice %arg11[%dma_wait3A_116, %dma_wait3A_117] : memref<4x128xi32, #tpu.memory_space<vmem>> -> memref<1x128xi32, #tpu.memory_space<vmem>>
    %dma_wait3A_119 = tpu.memref_squeeze %dma_wait3A_118 : memref<1x128xi32, #tpu.memory_space<vmem>> -> memref<128xi32, #tpu.memory_space<vmem>>
    %dma_wait3A_120 = arith.constant 0 : i32
    %dma_wait3A_121 = tpu.memref_slice %arg9[%dma_wait3A_115, %dma_wait3A_120] : memref<4x128xi32, #tpu.memory_space<vmem>> -> memref<1x128xi32, #tpu.memory_space<vmem>>
    %dma_wait3A_122 = tpu.memref_squeeze %dma_wait3A_121 : memref<1x128xi32, #tpu.memory_space<vmem>> -> memref<128xi32, #tpu.memory_space<vmem>>
    %dma_wait3A_123 = arith.constant 0 : i32
    %dma_wait3A_124 = tpu.memref_slice %arg2[%dma_wait3A_123] : memref<50000xi32, #tpu.memory_space<hbm>> -> memref<50000xi32, #tpu.memory_space<hbm>>
    tpu.wait_indirect_dma semaphore(%arg18 : memref<!tpu.dma_semaphore, #tpu.memory_space<semaphore_mem>>) src(%dma_wait3A_124 : memref<50000xi32, #tpu.memory_space<hbm>>) dst(%dma_wait3A_119 : memref<128xi32, #tpu.memory_space<vmem>>)
    %dma_wait3A_125 = arith.constant 1 : i32
    %dma_wait3A_126 = arith.constant 1 : i32
    %dma_wait3A_127 = arith.constant 0 : i32
    %dma_wait3A_128 = tpu.memref_slice %arg12[%dma_wait3A_126, %dma_wait3A_127] : memref<4x128xi32, #tpu.memory_space<vmem>> -> memref<1x128xi32, #tpu.memory_space<vmem>>
    %dma_wait3A_129 = tpu.memref_squeeze %dma_wait3A_128 : memref<1x128xi32, #tpu.memory_space<vmem>> -> memref<128xi32, #tpu.memory_space<vmem>>
    %dma_wait3A_130 = arith.constant 0 : i32
    %dma_wait3A_131 = tpu.memref_slice %arg10[%dma_wait3A_125, %dma_wait3A_130] : memref<4x128xi32, #tpu.memory_space<vmem>> -> memref<1x128xi32, #tpu.memory_space<vmem>>
    %dma_wait3A_132 = tpu.memref_squeeze %dma_wait3A_131 : memref<1x128xi32, #tpu.memory_space<vmem>> -> memref<128xi32, #tpu.memory_space<vmem>>
    %dma_wait3A_133 = arith.constant 0 : i32
    %dma_wait3A_134 = tpu.memref_slice %arg2[%dma_wait3A_133] : memref<50000xi32, #tpu.memory_space<hbm>> -> memref<50000xi32, #tpu.memory_space<hbm>>
    tpu.wait_indirect_dma semaphore(%arg18 : memref<!tpu.dma_semaphore, #tpu.memory_space<semaphore_mem>>) src(%dma_wait3A_134 : memref<50000xi32, #tpu.memory_space<hbm>>) dst(%dma_wait3A_129 : memref<128xi32, #tpu.memory_space<vmem>>)
    %dma_wait3A_135 = arith.constant 2 : i32
    %dma_wait3A_136 = arith.constant 2 : i32
    %dma_wait3A_137 = arith.constant 0 : i32
    %dma_wait3A_138 = tpu.memref_slice %arg11[%dma_wait3A_136, %dma_wait3A_137] : memref<4x128xi32, #tpu.memory_space<vmem>> -> memref<1x128xi32, #tpu.memory_space<vmem>>
    %dma_wait3A_139 = tpu.memref_squeeze %dma_wait3A_138 : memref<1x128xi32, #tpu.memory_space<vmem>> -> memref<128xi32, #tpu.memory_space<vmem>>
    %dma_wait3A_140 = arith.constant 0 : i32
    %dma_wait3A_141 = tpu.memref_slice %arg9[%dma_wait3A_135, %dma_wait3A_140] : memref<4x128xi32, #tpu.memory_space<vmem>> -> memref<1x128xi32, #tpu.memory_space<vmem>>
    %dma_wait3A_142 = tpu.memref_squeeze %dma_wait3A_141 : memref<1x128xi32, #tpu.memory_space<vmem>> -> memref<128xi32, #tpu.memory_space<vmem>>
    %dma_wait3A_143 = arith.constant 0 : i32
    %dma_wait3A_144 = tpu.memref_slice %arg2[%dma_wait3A_143] : memref<50000xi32, #tpu.memory_space<hbm>> -> memref<50000xi32, #tpu.memory_space<hbm>>
    tpu.wait_indirect_dma semaphore(%arg18 : memref<!tpu.dma_semaphore, #tpu.memory_space<semaphore_mem>>) src(%dma_wait3A_144 : memref<50000xi32, #tpu.memory_space<hbm>>) dst(%dma_wait3A_139 : memref<128xi32, #tpu.memory_space<vmem>>)
    %dma_wait3A_145 = arith.constant 2 : i32
    %dma_wait3A_146 = arith.constant 2 : i32
    %dma_wait3A_147 = arith.constant 0 : i32
    %dma_wait3A_148 = tpu.memref_slice %arg12[%dma_wait3A_146, %dma_wait3A_147] : memref<4x128xi32, #tpu.memory_space<vmem>> -> memref<1x128xi32, #tpu.memory_space<vmem>>
    %dma_wait3A_149 = tpu.memref_squeeze %dma_wait3A_148 : memref<1x128xi32, #tpu.memory_space<vmem>> -> memref<128xi32, #tpu.memory_space<vmem>>
    %dma_wait3A_150 = arith.constant 0 : i32
    %dma_wait3A_151 = tpu.memref_slice %arg10[%dma_wait3A_145, %dma_wait3A_150] : memref<4x128xi32, #tpu.memory_space<vmem>> -> memref<1x128xi32, #tpu.memory_space<vmem>>
    %dma_wait3A_152 = tpu.memref_squeeze %dma_wait3A_151 : memref<1x128xi32, #tpu.memory_space<vmem>> -> memref<128xi32, #tpu.memory_space<vmem>>
    %dma_wait3A_153 = arith.constant 0 : i32
    %dma_wait3A_154 = tpu.memref_slice %arg2[%dma_wait3A_153] : memref<50000xi32, #tpu.memory_space<hbm>> -> memref<50000xi32, #tpu.memory_space<hbm>>
    tpu.wait_indirect_dma semaphore(%arg18 : memref<!tpu.dma_semaphore, #tpu.memory_space<semaphore_mem>>) src(%dma_wait3A_154 : memref<50000xi32, #tpu.memory_space<hbm>>) dst(%dma_wait3A_149 : memref<128xi32, #tpu.memory_space<vmem>>)
    %dma_wait3A_155 = arith.constant 3 : i32
    %dma_wait3A_156 = arith.constant 3 : i32
    %dma_wait3A_157 = arith.constant 0 : i32
    %dma_wait3A_158 = tpu.memref_slice %arg11[%dma_wait3A_156, %dma_wait3A_157] : memref<4x128xi32, #tpu.memory_space<vmem>> -> memref<1x128xi32, #tpu.memory_space<vmem>>
    %dma_wait3A_159 = tpu.memref_squeeze %dma_wait3A_158 : memref<1x128xi32, #tpu.memory_space<vmem>> -> memref<128xi32, #tpu.memory_space<vmem>>
    %dma_wait3A_160 = arith.constant 0 : i32
    %dma_wait3A_161 = tpu.memref_slice %arg9[%dma_wait3A_155, %dma_wait3A_160] : memref<4x128xi32, #tpu.memory_space<vmem>> -> memref<1x128xi32, #tpu.memory_space<vmem>>
    %dma_wait3A_162 = tpu.memref_squeeze %dma_wait3A_161 : memref<1x128xi32, #tpu.memory_space<vmem>> -> memref<128xi32, #tpu.memory_space<vmem>>
    %dma_wait3A_163 = arith.constant 0 : i32
    %dma_wait3A_164 = tpu.memref_slice %arg2[%dma_wait3A_163] : memref<50000xi32, #tpu.memory_space<hbm>> -> memref<50000xi32, #tpu.memory_space<hbm>>
    tpu.wait_indirect_dma semaphore(%arg18 : memref<!tpu.dma_semaphore, #tpu.memory_space<semaphore_mem>>) src(%dma_wait3A_164 : memref<50000xi32, #tpu.memory_space<hbm>>) dst(%dma_wait3A_159 : memref<128xi32, #tpu.memory_space<vmem>>)
    %dma_wait3A_165 = arith.constant 3 : i32
    %dma_wait3A_166 = arith.constant 3 : i32
    %dma_wait3A_167 = arith.constant 0 : i32
    %dma_wait3A_168 = tpu.memref_slice %arg12[%dma_wait3A_166, %dma_wait3A_167] : memref<4x128xi32, #tpu.memory_space<vmem>> -> memref<1x128xi32, #tpu.memory_space<vmem>>
    %dma_wait3A_169 = tpu.memref_squeeze %dma_wait3A_168 : memref<1x128xi32, #tpu.memory_space<vmem>> -> memref<128xi32, #tpu.memory_space<vmem>>
    %dma_wait3A_170 = arith.constant 0 : i32
    %dma_wait3A_171 = tpu.memref_slice %arg10[%dma_wait3A_165, %dma_wait3A_170] : memref<4x128xi32, #tpu.memory_space<vmem>> -> memref<1x128xi32, #tpu.memory_space<vmem>>
    %dma_wait3A_172 = tpu.memref_squeeze %dma_wait3A_171 : memref<1x128xi32, #tpu.memory_space<vmem>> -> memref<128xi32, #tpu.memory_space<vmem>>
    %dma_wait3A_173 = arith.constant 0 : i32
    %dma_wait3A_174 = tpu.memref_slice %arg2[%dma_wait3A_173] : memref<50000xi32, #tpu.memory_space<hbm>> -> memref<50000xi32, #tpu.memory_space<hbm>>
    tpu.wait_indirect_dma semaphore(%arg18 : memref<!tpu.dma_semaphore, #tpu.memory_space<semaphore_mem>>) src(%dma_wait3A_174 : memref<50000xi32, #tpu.memory_space<hbm>>) dst(%dma_wait3A_169 : memref<128xi32, #tpu.memory_space<vmem>>)
    %dma_start3A_175 = arith.constant 0 : i32
    %dma_start3A_176 = arith.constant 0 : i32
    %dma_start3A_177 = arith.constant 0 : i32
    %dma_start3A_178 = tpu.memref_slice %arg13[%dma_start3A_176, %dma_start3A_177] : memref<512x64xf32, #tpu.memory_space<vmem>> -> memref<128x64xf32, #tpu.memory_space<vmem>>
    %dma_start3A_179 = arith.constant 0 : i32
    %dma_start3A_180 = tpu.memref_slice %arg11[%dma_start3A_175, %dma_start3A_179] : memref<4x128xi32, #tpu.memory_space<vmem>> -> memref<1x128xi32, #tpu.memory_space<vmem>>
    %dma_start3A_181 = tpu.memref_squeeze %dma_start3A_180 : memref<1x128xi32, #tpu.memory_space<vmem>> -> memref<128xi32, #tpu.memory_space<vmem>>
    %dma_start3A_182 = arith.constant 0 : i32
    %dma_start3A_183 = arith.constant 0 : i32
    %dma_start3A_184 = tpu.memref_slice %arg5[%dma_start3A_182, %dma_start3A_183] : memref<100000x64xf32, #tpu.memory_space<hbm>> -> memref<100000x64xf32, #tpu.memory_space<hbm>>
    tpu.enqueue_indirect_dma source(%dma_start3A_184 : memref<100000x64xf32, #tpu.memory_space<hbm>>) target(%dma_start3A_178 : memref<128x64xf32, #tpu.memory_space<vmem>>) offsets(%dma_start3A_181 : memref<128xi32, #tpu.memory_space<vmem>>) semaphore(%arg18 : memref<!tpu.dma_semaphore, #tpu.memory_space<semaphore_mem>>)
    %dma_start3A_185 = arith.constant 0 : i32
    %dma_start3A_186 = arith.constant 0 : i32
    %dma_start3A_187 = arith.constant 0 : i32
    %dma_start3A_188 = tpu.memref_slice %arg14[%dma_start3A_186, %dma_start3A_187] : memref<512x64xf32, #tpu.memory_space<vmem>> -> memref<128x64xf32, #tpu.memory_space<vmem>>
    %dma_start3A_189 = arith.constant 0 : i32
    %dma_start3A_190 = tpu.memref_slice %arg12[%dma_start3A_185, %dma_start3A_189] : memref<4x128xi32, #tpu.memory_space<vmem>> -> memref<1x128xi32, #tpu.memory_space<vmem>>
    %dma_start3A_191 = tpu.memref_squeeze %dma_start3A_190 : memref<1x128xi32, #tpu.memory_space<vmem>> -> memref<128xi32, #tpu.memory_space<vmem>>
    %dma_start3A_192 = arith.constant 0 : i32
    %dma_start3A_193 = arith.constant 0 : i32
    %dma_start3A_194 = tpu.memref_slice %arg5[%dma_start3A_192, %dma_start3A_193] : memref<100000x64xf32, #tpu.memory_space<hbm>> -> memref<100000x64xf32, #tpu.memory_space<hbm>>
    tpu.enqueue_indirect_dma source(%dma_start3A_194 : memref<100000x64xf32, #tpu.memory_space<hbm>>) target(%dma_start3A_188 : memref<128x64xf32, #tpu.memory_space<vmem>>) offsets(%dma_start3A_191 : memref<128xi32, #tpu.memory_space<vmem>>) semaphore(%arg18 : memref<!tpu.dma_semaphore, #tpu.memory_space<semaphore_mem>>)
    %dma_start3A_195 = arith.constant 1 : i32
    %dma_start3A_196 = arith.constant 128 : i32
    %dma_start3A_197 = arith.constant 0 : i32
    %dma_start3A_198 = tpu.memref_slice %arg13[%dma_start3A_196, %dma_start3A_197] : memref<512x64xf32, #tpu.memory_space<vmem>> -> memref<128x64xf32, #tpu.memory_space<vmem>>
    %dma_start3A_199 = arith.constant 0 : i32
    %dma_start3A_200 = tpu.memref_slice %arg11[%dma_start3A_195, %dma_start3A_199] : memref<4x128xi32, #tpu.memory_space<vmem>> -> memref<1x128xi32, #tpu.memory_space<vmem>>
    %dma_start3A_201 = tpu.memref_squeeze %dma_start3A_200 : memref<1x128xi32, #tpu.memory_space<vmem>> -> memref<128xi32, #tpu.memory_space<vmem>>
    %dma_start3A_202 = arith.constant 0 : i32
    %dma_start3A_203 = arith.constant 0 : i32
    %dma_start3A_204 = tpu.memref_slice %arg5[%dma_start3A_202, %dma_start3A_203] : memref<100000x64xf32, #tpu.memory_space<hbm>> -> memref<100000x64xf32, #tpu.memory_space<hbm>>
    tpu.enqueue_indirect_dma source(%dma_start3A_204 : memref<100000x64xf32, #tpu.memory_space<hbm>>) target(%dma_start3A_198 : memref<128x64xf32, #tpu.memory_space<vmem>>) offsets(%dma_start3A_201 : memref<128xi32, #tpu.memory_space<vmem>>) semaphore(%arg18 : memref<!tpu.dma_semaphore, #tpu.memory_space<semaphore_mem>>)
    %dma_start3A_205 = arith.constant 1 : i32
    %dma_start3A_206 = arith.constant 128 : i32
    %dma_start3A_207 = arith.constant 0 : i32
    %dma_start3A_208 = tpu.memref_slice %arg14[%dma_start3A_206, %dma_start3A_207] : memref<512x64xf32, #tpu.memory_space<vmem>> -> memref<128x64xf32, #tpu.memory_space<vmem>>
    %dma_start3A_209 = arith.constant 0 : i32
    %dma_start3A_210 = tpu.memref_slice %arg12[%dma_start3A_205, %dma_start3A_209] : memref<4x128xi32, #tpu.memory_space<vmem>> -> memref<1x128xi32, #tpu.memory_space<vmem>>
    %dma_start3A_211 = tpu.memref_squeeze %dma_start3A_210 : memref<1x128xi32, #tpu.memory_space<vmem>> -> memref<128xi32, #tpu.memory_space<vmem>>
    %dma_start3A_212 = arith.constant 0 : i32
    %dma_start3A_213 = arith.constant 0 : i32
    %dma_start3A_214 = tpu.memref_slice %arg5[%dma_start3A_212, %dma_start3A_213] : memref<100000x64xf32, #tpu.memory_space<hbm>> -> memref<100000x64xf32, #tpu.memory_space<hbm>>
    tpu.enqueue_indirect_dma source(%dma_start3A_214 : memref<100000x64xf32, #tpu.memory_space<hbm>>) target(%dma_start3A_208 : memref<128x64xf32, #tpu.memory_space<vmem>>) offsets(%dma_start3A_211 : memref<128xi32, #tpu.memory_space<vmem>>) semaphore(%arg18 : memref<!tpu.dma_semaphore, #tpu.memory_space<semaphore_mem>>)
    %dma_start3A_215 = arith.constant 2 : i32
    %dma_start3A_216 = arith.constant 256 : i32
    %dma_start3A_217 = arith.constant 0 : i32
    %dma_start3A_218 = tpu.memref_slice %arg13[%dma_start3A_216, %dma_start3A_217] : memref<512x64xf32, #tpu.memory_space<vmem>> -> memref<128x64xf32, #tpu.memory_space<vmem>>
    %dma_start3A_219 = arith.constant 0 : i32
    %dma_start3A_220 = tpu.memref_slice %arg11[%dma_start3A_215, %dma_start3A_219] : memref<4x128xi32, #tpu.memory_space<vmem>> -> memref<1x128xi32, #tpu.memory_space<vmem>>
    %dma_start3A_221 = tpu.memref_squeeze %dma_start3A_220 : memref<1x128xi32, #tpu.memory_space<vmem>> -> memref<128xi32, #tpu.memory_space<vmem>>
    %dma_start3A_222 = arith.constant 0 : i32
    %dma_start3A_223 = arith.constant 0 : i32
    %dma_start3A_224 = tpu.memref_slice %arg5[%dma_start3A_222, %dma_start3A_223] : memref<100000x64xf32, #tpu.memory_space<hbm>> -> memref<100000x64xf32, #tpu.memory_space<hbm>>
    tpu.enqueue_indirect_dma source(%dma_start3A_224 : memref<100000x64xf32, #tpu.memory_space<hbm>>) target(%dma_start3A_218 : memref<128x64xf32, #tpu.memory_space<vmem>>) offsets(%dma_start3A_221 : memref<128xi32, #tpu.memory_space<vmem>>) semaphore(%arg18 : memref<!tpu.dma_semaphore, #tpu.memory_space<semaphore_mem>>)
    %dma_start3A_225 = arith.constant 2 : i32
    %dma_start3A_226 = arith.constant 256 : i32
    %dma_start3A_227 = arith.constant 0 : i32
    %dma_start3A_228 = tpu.memref_slice %arg14[%dma_start3A_226, %dma_start3A_227] : memref<512x64xf32, #tpu.memory_space<vmem>> -> memref<128x64xf32, #tpu.memory_space<vmem>>
    %dma_start3A_229 = arith.constant 0 : i32
    %dma_start3A_230 = tpu.memref_slice %arg12[%dma_start3A_225, %dma_start3A_229] : memref<4x128xi32, #tpu.memory_space<vmem>> -> memref<1x128xi32, #tpu.memory_space<vmem>>
    %dma_start3A_231 = tpu.memref_squeeze %dma_start3A_230 : memref<1x128xi32, #tpu.memory_space<vmem>> -> memref<128xi32, #tpu.memory_space<vmem>>
    %dma_start3A_232 = arith.constant 0 : i32
    %dma_start3A_233 = arith.constant 0 : i32
    %dma_start3A_234 = tpu.memref_slice %arg5[%dma_start3A_232, %dma_start3A_233] : memref<100000x64xf32, #tpu.memory_space<hbm>> -> memref<100000x64xf32, #tpu.memory_space<hbm>>
    tpu.enqueue_indirect_dma source(%dma_start3A_234 : memref<100000x64xf32, #tpu.memory_space<hbm>>) target(%dma_start3A_228 : memref<128x64xf32, #tpu.memory_space<vmem>>) offsets(%dma_start3A_231 : memref<128xi32, #tpu.memory_space<vmem>>) semaphore(%arg18 : memref<!tpu.dma_semaphore, #tpu.memory_space<semaphore_mem>>)
    %dma_start3A_235 = arith.constant 3 : i32
    %dma_start3A_236 = arith.constant 384 : i32
    %dma_start3A_237 = arith.constant 0 : i32
    %dma_start3A_238 = tpu.memref_slice %arg13[%dma_start3A_236, %dma_start3A_237] : memref<512x64xf32, #tpu.memory_space<vmem>> -> memref<128x64xf32, #tpu.memory_space<vmem>>
    %dma_start3A_239 = arith.constant 0 : i32
    %dma_start3A_240 = tpu.memref_slice %arg11[%dma_start3A_235, %dma_start3A_239] : memref<4x128xi32, #tpu.memory_space<vmem>> -> memref<1x128xi32, #tpu.memory_space<vmem>>
    %dma_start3A_241 = tpu.memref_squeeze %dma_start3A_240 : memref<1x128xi32, #tpu.memory_space<vmem>> -> memref<128xi32, #tpu.memory_space<vmem>>
    %dma_start3A_242 = arith.constant 0 : i32
    %dma_start3A_243 = arith.constant 0 : i32
    %dma_start3A_244 = tpu.memref_slice %arg5[%dma_start3A_242, %dma_start3A_243] : memref<100000x64xf32, #tpu.memory_space<hbm>> -> memref<100000x64xf32, #tpu.memory_space<hbm>>
    tpu.enqueue_indirect_dma source(%dma_start3A_244 : memref<100000x64xf32, #tpu.memory_space<hbm>>) target(%dma_start3A_238 : memref<128x64xf32, #tpu.memory_space<vmem>>) offsets(%dma_start3A_241 : memref<128xi32, #tpu.memory_space<vmem>>) semaphore(%arg18 : memref<!tpu.dma_semaphore, #tpu.memory_space<semaphore_mem>>)
    %dma_start3A_245 = arith.constant 3 : i32
    %dma_start3A_246 = arith.constant 384 : i32
    %dma_start3A_247 = arith.constant 0 : i32
    %dma_start3A_248 = tpu.memref_slice %arg14[%dma_start3A_246, %dma_start3A_247] : memref<512x64xf32, #tpu.memory_space<vmem>> -> memref<128x64xf32, #tpu.memory_space<vmem>>
    %dma_start3A_249 = arith.constant 0 : i32
    %dma_start3A_250 = tpu.memref_slice %arg12[%dma_start3A_245, %dma_start3A_249] : memref<4x128xi32, #tpu.memory_space<vmem>> -> memref<1x128xi32, #tpu.memory_space<vmem>>
    %dma_start3A_251 = tpu.memref_squeeze %dma_start3A_250 : memref<1x128xi32, #tpu.memory_space<vmem>> -> memref<128xi32, #tpu.memory_space<vmem>>
    %dma_start3A_252 = arith.constant 0 : i32
    %dma_start3A_253 = arith.constant 0 : i32
    %dma_start3A_254 = tpu.memref_slice %arg5[%dma_start3A_252, %dma_start3A_253] : memref<100000x64xf32, #tpu.memory_space<hbm>> -> memref<100000x64xf32, #tpu.memory_space<hbm>>
    tpu.enqueue_indirect_dma source(%dma_start3A_254 : memref<100000x64xf32, #tpu.memory_space<hbm>>) target(%dma_start3A_248 : memref<128x64xf32, #tpu.memory_space<vmem>>) offsets(%dma_start3A_251 : memref<128xi32, #tpu.memory_space<vmem>>) semaphore(%arg18 : memref<!tpu.dma_semaphore, #tpu.memory_space<semaphore_mem>>)
    %dma_wait3A_255 = arith.constant 0 : i32
    %dma_wait3A_256 = arith.constant 0 : i32
    %dma_wait3A_257 = arith.constant 0 : i32
    %dma_wait3A_258 = tpu.memref_slice %arg13[%dma_wait3A_256, %dma_wait3A_257] : memref<512x64xf32, #tpu.memory_space<vmem>> -> memref<128x64xf32, #tpu.memory_space<vmem>>
    %dma_wait3A_259 = arith.constant 0 : i32
    %dma_wait3A_260 = tpu.memref_slice %arg11[%dma_wait3A_255, %dma_wait3A_259] : memref<4x128xi32, #tpu.memory_space<vmem>> -> memref<1x128xi32, #tpu.memory_space<vmem>>
    %dma_wait3A_261 = tpu.memref_squeeze %dma_wait3A_260 : memref<1x128xi32, #tpu.memory_space<vmem>> -> memref<128xi32, #tpu.memory_space<vmem>>
    %dma_wait3A_262 = arith.constant 0 : i32
    %dma_wait3A_263 = arith.constant 0 : i32
    %dma_wait3A_264 = tpu.memref_slice %arg5[%dma_wait3A_262, %dma_wait3A_263] : memref<100000x64xf32, #tpu.memory_space<hbm>> -> memref<100000x64xf32, #tpu.memory_space<hbm>>
    tpu.wait_indirect_dma semaphore(%arg18 : memref<!tpu.dma_semaphore, #tpu.memory_space<semaphore_mem>>) src(%dma_wait3A_264 : memref<100000x64xf32, #tpu.memory_space<hbm>>) dst(%dma_wait3A_258 : memref<128x64xf32, #tpu.memory_space<vmem>>)
    %dma_wait3A_265 = arith.constant 0 : i32
    %dma_wait3A_266 = arith.constant 0 : i32
    %dma_wait3A_267 = arith.constant 0 : i32
    %dma_wait3A_268 = tpu.memref_slice %arg14[%dma_wait3A_266, %dma_wait3A_267] : memref<512x64xf32, #tpu.memory_space<vmem>> -> memref<128x64xf32, #tpu.memory_space<vmem>>
    %dma_wait3A_269 = arith.constant 0 : i32
    %dma_wait3A_270 = tpu.memref_slice %arg12[%dma_wait3A_265, %dma_wait3A_269] : memref<4x128xi32, #tpu.memory_space<vmem>> -> memref<1x128xi32, #tpu.memory_space<vmem>>
    %dma_wait3A_271 = tpu.memref_squeeze %dma_wait3A_270 : memref<1x128xi32, #tpu.memory_space<vmem>> -> memref<128xi32, #tpu.memory_space<vmem>>
    %dma_wait3A_272 = arith.constant 0 : i32
    %dma_wait3A_273 = arith.constant 0 : i32
    %dma_wait3A_274 = tpu.memref_slice %arg5[%dma_wait3A_272, %dma_wait3A_273] : memref<100000x64xf32, #tpu.memory_space<hbm>> -> memref<100000x64xf32, #tpu.memory_space<hbm>>
    tpu.wait_indirect_dma semaphore(%arg18 : memref<!tpu.dma_semaphore, #tpu.memory_space<semaphore_mem>>) src(%dma_wait3A_274 : memref<100000x64xf32, #tpu.memory_space<hbm>>) dst(%dma_wait3A_268 : memref<128x64xf32, #tpu.memory_space<vmem>>)
    %dma_wait3A_275 = arith.constant 1 : i32
    %dma_wait3A_276 = arith.constant 128 : i32
    %dma_wait3A_277 = arith.constant 0 : i32
    %dma_wait3A_278 = tpu.memref_slice %arg13[%dma_wait3A_276, %dma_wait3A_277] : memref<512x64xf32, #tpu.memory_space<vmem>> -> memref<128x64xf32, #tpu.memory_space<vmem>>
    %dma_wait3A_279 = arith.constant 0 : i32
    %dma_wait3A_280 = tpu.memref_slice %arg11[%dma_wait3A_275, %dma_wait3A_279] : memref<4x128xi32, #tpu.memory_space<vmem>> -> memref<1x128xi32, #tpu.memory_space<vmem>>
    %dma_wait3A_281 = tpu.memref_squeeze %dma_wait3A_280 : memref<1x128xi32, #tpu.memory_space<vmem>> -> memref<128xi32, #tpu.memory_space<vmem>>
    %dma_wait3A_282 = arith.constant 0 : i32
    %dma_wait3A_283 = arith.constant 0 : i32
    %dma_wait3A_284 = tpu.memref_slice %arg5[%dma_wait3A_282, %dma_wait3A_283] : memref<100000x64xf32, #tpu.memory_space<hbm>> -> memref<100000x64xf32, #tpu.memory_space<hbm>>
    tpu.wait_indirect_dma semaphore(%arg18 : memref<!tpu.dma_semaphore, #tpu.memory_space<semaphore_mem>>) src(%dma_wait3A_284 : memref<100000x64xf32, #tpu.memory_space<hbm>>) dst(%dma_wait3A_278 : memref<128x64xf32, #tpu.memory_space<vmem>>)
    %dma_wait3A_285 = arith.constant 1 : i32
    %dma_wait3A_286 = arith.constant 128 : i32
    %dma_wait3A_287 = arith.constant 0 : i32
    %dma_wait3A_288 = tpu.memref_slice %arg14[%dma_wait3A_286, %dma_wait3A_287] : memref<512x64xf32, #tpu.memory_space<vmem>> -> memref<128x64xf32, #tpu.memory_space<vmem>>
    %dma_wait3A_289 = arith.constant 0 : i32
    %dma_wait3A_290 = tpu.memref_slice %arg12[%dma_wait3A_285, %dma_wait3A_289] : memref<4x128xi32, #tpu.memory_space<vmem>> -> memref<1x128xi32, #tpu.memory_space<vmem>>
    %dma_wait3A_291 = tpu.memref_squeeze %dma_wait3A_290 : memref<1x128xi32, #tpu.memory_space<vmem>> -> memref<128xi32, #tpu.memory_space<vmem>>
    %dma_wait3A_292 = arith.constant 0 : i32
    %dma_wait3A_293 = arith.constant 0 : i32
    %dma_wait3A_294 = tpu.memref_slice %arg5[%dma_wait3A_292, %dma_wait3A_293] : memref<100000x64xf32, #tpu.memory_space<hbm>> -> memref<100000x64xf32, #tpu.memory_space<hbm>>
    tpu.wait_indirect_dma semaphore(%arg18 : memref<!tpu.dma_semaphore, #tpu.memory_space<semaphore_mem>>) src(%dma_wait3A_294 : memref<100000x64xf32, #tpu.memory_space<hbm>>) dst(%dma_wait3A_288 : memref<128x64xf32, #tpu.memory_space<vmem>>)
    %dma_wait3A_295 = arith.constant 2 : i32
    %dma_wait3A_296 = arith.constant 256 : i32
    %dma_wait3A_297 = arith.constant 0 : i32
    %dma_wait3A_298 = tpu.memref_slice %arg13[%dma_wait3A_296, %dma_wait3A_297] : memref<512x64xf32, #tpu.memory_space<vmem>> -> memref<128x64xf32, #tpu.memory_space<vmem>>
    %dma_wait3A_299 = arith.constant 0 : i32
    %dma_wait3A_300 = tpu.memref_slice %arg11[%dma_wait3A_295, %dma_wait3A_299] : memref<4x128xi32, #tpu.memory_space<vmem>> -> memref<1x128xi32, #tpu.memory_space<vmem>>
    %dma_wait3A_301 = tpu.memref_squeeze %dma_wait3A_300 : memref<1x128xi32, #tpu.memory_space<vmem>> -> memref<128xi32, #tpu.memory_space<vmem>>
    %dma_wait3A_302 = arith.constant 0 : i32
    %dma_wait3A_303 = arith.constant 0 : i32
    %dma_wait3A_304 = tpu.memref_slice %arg5[%dma_wait3A_302, %dma_wait3A_303] : memref<100000x64xf32, #tpu.memory_space<hbm>> -> memref<100000x64xf32, #tpu.memory_space<hbm>>
    tpu.wait_indirect_dma semaphore(%arg18 : memref<!tpu.dma_semaphore, #tpu.memory_space<semaphore_mem>>) src(%dma_wait3A_304 : memref<100000x64xf32, #tpu.memory_space<hbm>>) dst(%dma_wait3A_298 : memref<128x64xf32, #tpu.memory_space<vmem>>)
    %dma_wait3A_305 = arith.constant 2 : i32
    %dma_wait3A_306 = arith.constant 256 : i32
    %dma_wait3A_307 = arith.constant 0 : i32
    %dma_wait3A_308 = tpu.memref_slice %arg14[%dma_wait3A_306, %dma_wait3A_307] : memref<512x64xf32, #tpu.memory_space<vmem>> -> memref<128x64xf32, #tpu.memory_space<vmem>>
    %dma_wait3A_309 = arith.constant 0 : i32
    %dma_wait3A_310 = tpu.memref_slice %arg12[%dma_wait3A_305, %dma_wait3A_309] : memref<4x128xi32, #tpu.memory_space<vmem>> -> memref<1x128xi32, #tpu.memory_space<vmem>>
    %dma_wait3A_311 = tpu.memref_squeeze %dma_wait3A_310 : memref<1x128xi32, #tpu.memory_space<vmem>> -> memref<128xi32, #tpu.memory_space<vmem>>
    %dma_wait3A_312 = arith.constant 0 : i32
    %dma_wait3A_313 = arith.constant 0 : i32
    %dma_wait3A_314 = tpu.memref_slice %arg5[%dma_wait3A_312, %dma_wait3A_313] : memref<100000x64xf32, #tpu.memory_space<hbm>> -> memref<100000x64xf32, #tpu.memory_space<hbm>>
    tpu.wait_indirect_dma semaphore(%arg18 : memref<!tpu.dma_semaphore, #tpu.memory_space<semaphore_mem>>) src(%dma_wait3A_314 : memref<100000x64xf32, #tpu.memory_space<hbm>>) dst(%dma_wait3A_308 : memref<128x64xf32, #tpu.memory_space<vmem>>)
    %dma_wait3A_315 = arith.constant 3 : i32
    %dma_wait3A_316 = arith.constant 384 : i32
    %dma_wait3A_317 = arith.constant 0 : i32
    %dma_wait3A_318 = tpu.memref_slice %arg13[%dma_wait3A_316, %dma_wait3A_317] : memref<512x64xf32, #tpu.memory_space<vmem>> -> memref<128x64xf32, #tpu.memory_space<vmem>>
    %dma_wait3A_319 = arith.constant 0 : i32
    %dma_wait3A_320 = tpu.memref_slice %arg11[%dma_wait3A_315, %dma_wait3A_319] : memref<4x128xi32, #tpu.memory_space<vmem>> -> memref<1x128xi32, #tpu.memory_space<vmem>>
    %dma_wait3A_321 = tpu.memref_squeeze %dma_wait3A_320 : memref<1x128xi32, #tpu.memory_space<vmem>> -> memref<128xi32, #tpu.memory_space<vmem>>
    %dma_wait3A_322 = arith.constant 0 : i32
    %dma_wait3A_323 = arith.constant 0 : i32
    %dma_wait3A_324 = tpu.memref_slice %arg5[%dma_wait3A_322, %dma_wait3A_323] : memref<100000x64xf32, #tpu.memory_space<hbm>> -> memref<100000x64xf32, #tpu.memory_space<hbm>>
    tpu.wait_indirect_dma semaphore(%arg18 : memref<!tpu.dma_semaphore, #tpu.memory_space<semaphore_mem>>) src(%dma_wait3A_324 : memref<100000x64xf32, #tpu.memory_space<hbm>>) dst(%dma_wait3A_318 : memref<128x64xf32, #tpu.memory_space<vmem>>)
    %dma_wait3A_325 = arith.constant 3 : i32
    %dma_wait3A_326 = arith.constant 384 : i32
    %dma_wait3A_327 = arith.constant 0 : i32
    %dma_wait3A_328 = tpu.memref_slice %arg14[%dma_wait3A_326, %dma_wait3A_327] : memref<512x64xf32, #tpu.memory_space<vmem>> -> memref<128x64xf32, #tpu.memory_space<vmem>>
    %dma_wait3A_329 = arith.constant 0 : i32
    %dma_wait3A_330 = tpu.memref_slice %arg12[%dma_wait3A_325, %dma_wait3A_329] : memref<4x128xi32, #tpu.memory_space<vmem>> -> memref<1x128xi32, #tpu.memory_space<vmem>>
    %dma_wait3A_331 = tpu.memref_squeeze %dma_wait3A_330 : memref<1x128xi32, #tpu.memory_space<vmem>> -> memref<128xi32, #tpu.memory_space<vmem>>
    %dma_wait3A_332 = arith.constant 0 : i32
    %dma_wait3A_333 = arith.constant 0 : i32
    %dma_wait3A_334 = tpu.memref_slice %arg5[%dma_wait3A_332, %dma_wait3A_333] : memref<100000x64xf32, #tpu.memory_space<hbm>> -> memref<100000x64xf32, #tpu.memory_space<hbm>>
    tpu.wait_indirect_dma semaphore(%arg18 : memref<!tpu.dma_semaphore, #tpu.memory_space<semaphore_mem>>) src(%dma_wait3A_334 : memref<100000x64xf32, #tpu.memory_space<hbm>>) dst(%dma_wait3A_328 : memref<128x64xf32, #tpu.memory_space<vmem>>)
    %get3A = arith.constant 0 : index
    %get3A_335 = tpu.vector_load %arg17[%get3A] {strides = array<i32>} : memref<64xf32, #tpu.memory_space<vmem>>, vector<16xf32>,
    %get3A_336 = vector.shape_cast %get3A_335 : vector<16xf32> to vector<16xf32>
    %get3A_337 = arith.constant 16 : index
    %get3A_338 = tpu.vector_load %arg17[%get3A_337] {strides = array<i32>} : memref<64xf32, #tpu.memory_space<vmem>>, vector<16xf32>,
    %get3A_339 = vector.shape_cast %get3A_338 : vector<16xf32> to vector<16xf32>
    %get3A_340 = arith.constant 32 : index
    %get3A_341 = tpu.vector_load %arg17[%get3A_340] {strides = array<i32>} : memref<64xf32, #tpu.memory_space<vmem>>, vector<16xf32>,
    %get3A_342 = vector.shape_cast %get3A_341 : vector<16xf32> to vector<16xf32>
    %get3A_343 = arith.constant 48 : index
    %get3A_344 = tpu.vector_load %arg17[%get3A_343] {strides = array<i32>} : memref<64xf32, #tpu.memory_space<vmem>>, vector<16xf32>,
    %get3A_345 = vector.shape_cast %get3A_344 : vector<16xf32> to vector<16xf32>
    %iota3A = tpu.iota {dimensions = array<i32: 0>} : vector<16xi32>
    %scan3A = arith.constant 0 : i32
    %scan3A_346 = arith.constant 32 : i32
    %scan3A_347 = arith.addi %scan3A, %scan3A_346 : i32
    %scan3A_348 = arith.constant 1 : i32
    scf.for %scan3A_350 = %scan3A to %scan3A_347 step %scan3A_348  : i32 {
      %mul3A_351 = arith.constant 1 : i32
      %mul3A_352 = arith.muli %scan3A_350, %mul3A_351 : i32
      %add3A_353 = arith.constant 0 : i32
      %add3A_354 = arith.addi %add3A_353, %mul3A_352 : i32
      %broadcast_in_dim3A = arith.constant 0.000000e+00 : f32
      %broadcast_in_dim3A_355 = vector.broadcast %broadcast_in_dim3A : f32 to vector<16xf32>
      %mul3A_356 = arith.constant 16 : i32
      %mul3A_357 = arith.muli %add3A_354, %mul3A_356 : i32
      %add3A_358 = arith.constant 0 : i32
      %add3A_359 = arith.addi %mul3A_357, %add3A_358 : i32
      %get3A_360 = arith.index_cast %add3A_359 : i32 to index
      %get3A_361 = arith.constant 0 : index
      %get3A_362 = tpu.vector_load %arg13[%get3A_360, %get3A_361] {strides = array<i32>} : memref<512x64xf32, #tpu.memory_space<vmem>>, vector<1x16xf32>,
      %get3A_363 = vector.shape_cast %get3A_362 : vector<1x16xf32> to vector<16xf32>
      %mul3A_364 = arith.mulf %get3A_336, %get3A_363 : vector<16xf32>
      %get3A_365 = arith.index_cast %add3A_359 : i32 to index
      %get3A_366 = arith.constant 0 : index
      %get3A_367 = tpu.vector_load %arg14[%get3A_365, %get3A_366] {strides = array<i32>} : memref<512x64xf32, #tpu.memory_space<vmem>>, vector<1x16xf32>,
      %get3A_368 = vector.shape_cast %get3A_367 : vector<1x16xf32> to vector<16xf32>
      %mul3A_369 = arith.mulf %mul3A_364, %get3A_368 : vector<16xf32>
      %swap3A = arith.index_cast %add3A_359 : i32 to index
      %swap3A_370 = arith.constant 0 : index
      %swap3A_371 = tpu.vector_load %arg15[%swap3A, %swap3A_370] {strides = array<i32>} : memref<512x64xf32, #tpu.memory_space<vmem>>, vector<1x16xf32>,
      %swap3A_372 = vector.shape_cast %swap3A_371 : vector<1x16xf32> to vector<16xf32>
      %swap3A_373 = vector.shape_cast %mul3A_369 : vector<16xf32> to vector<1x16xf32>
      tpu.vector_store %arg15[%swap3A, %swap3A_370], %swap3A_373 {strides = array<i32>} : memref<512x64xf32, #tpu.memory_space<vmem>>, vector<1x16xf32>,
      %get3A_374 = arith.index_cast %add3A_359 : i32 to index
      %get3A_375 = arith.constant 16 : index
      %get3A_376 = tpu.vector_load %arg13[%get3A_374, %get3A_375] {strides = array<i32>} : memref<512x64xf32, #tpu.memory_space<vmem>>, vector<1x16xf32>,
      %get3A_377 = vector.shape_cast %get3A_376 : vector<1x16xf32> to vector<16xf32>
      %mul3A_378 = arith.mulf %get3A_339, %get3A_377 : vector<16xf32>
      %get3A_379 = arith.index_cast %add3A_359 : i32 to index
      %get3A_380 = arith.constant 16 : index
      %get3A_381 = tpu.vector_load %arg14[%get3A_379, %get3A_380] {strides = array<i32>} : memref<512x64xf32, #tpu.memory_space<vmem>>, vector<1x16xf32>,
      %get3A_382 = vector.shape_cast %get3A_381 : vector<1x16xf32> to vector<16xf32>
      %mul3A_383 = arith.mulf %mul3A_378, %get3A_382 : vector<16xf32>
      %swap3A_384 = arith.index_cast %add3A_359 : i32 to index
      %swap3A_385 = arith.constant 16 : index
      %swap3A_386 = tpu.vector_load %arg15[%swap3A_384, %swap3A_385] {strides = array<i32>} : memref<512x64xf32, #tpu.memory_space<vmem>>, vector<1x16xf32>,
      %swap3A_387 = vector.shape_cast %swap3A_386 : vector<1x16xf32> to vector<16xf32>
      %swap3A_388 = vector.shape_cast %mul3A_383 : vector<16xf32> to vector<1x16xf32>
      tpu.vector_store %arg15[%swap3A_384, %swap3A_385], %swap3A_388 {strides = array<i32>} : memref<512x64xf32, #tpu.memory_space<vmem>>, vector<1x16xf32>,
      %add3A_389 = arith.addf %mul3A_369, %mul3A_383 : vector<16xf32>
      %get3A_390 = arith.index_cast %add3A_359 : i32 to index
      %get3A_391 = arith.constant 32 : index
      %get3A_392 = tpu.vector_load %arg13[%get3A_390, %get3A_391] {strides = array<i32>} : memref<512x64xf32, #tpu.memory_space<vmem>>, vector<1x16xf32>,
      %get3A_393 = vector.shape_cast %get3A_392 : vector<1x16xf32> to vector<16xf32>
      %mul3A_394 = arith.mulf %get3A_342, %get3A_393 : vector<16xf32>
      %get3A_395 = arith.index_cast %add3A_359 : i32 to index
      %get3A_396 = arith.constant 32 : index
      %get3A_397 = tpu.vector_load %arg14[%get3A_395, %get3A_396] {strides = array<i32>} : memref<512x64xf32, #tpu.memory_space<vmem>>, vector<1x16xf32>,
      %get3A_398 = vector.shape_cast %get3A_397 : vector<1x16xf32> to vector<16xf32>
      %mul3A_399 = arith.mulf %mul3A_394, %get3A_398 : vector<16xf32>
      %swap3A_400 = arith.index_cast %add3A_359 : i32 to index
      %swap3A_401 = arith.constant 32 : index
      %swap3A_402 = tpu.vector_load %arg15[%swap3A_400, %swap3A_401] {strides = array<i32>} : memref<512x64xf32, #tpu.memory_space<vmem>>, vector<1x16xf32>,
      %swap3A_403 = vector.shape_cast %swap3A_402 : vector<1x16xf32> to vector<16xf32>
      %swap3A_404 = vector.shape_cast %mul3A_399 : vector<16xf32> to vector<1x16xf32>
      tpu.vector_store %arg15[%swap3A_400, %swap3A_401], %swap3A_404 {strides = array<i32>} : memref<512x64xf32, #tpu.memory_space<vmem>>, vector<1x16xf32>,
      %add3A_405 = arith.addf %add3A_389, %mul3A_399 : vector<16xf32>
      %get3A_406 = arith.index_cast %add3A_359 : i32 to index
      %get3A_407 = arith.constant 48 : index
      %get3A_408 = tpu.vector_load %arg13[%get3A_406, %get3A_407] {strides = array<i32>} : memref<512x64xf32, #tpu.memory_space<vmem>>, vector<1x16xf32>,
      %get3A_409 = vector.shape_cast %get3A_408 : vector<1x16xf32> to vector<16xf32>
      %mul3A_410 = arith.mulf %get3A_345, %get3A_409 : vector<16xf32>
      %get3A_411 = arith.index_cast %add3A_359 : i32 to index
      %get3A_412 = arith.constant 48 : index
      %get3A_413 = tpu.vector_load %arg14[%get3A_411, %get3A_412] {strides = array<i32>} : memref<512x64xf32, #tpu.memory_space<vmem>>, vector<1x16xf32>,
      %get3A_414 = vector.shape_cast %get3A_413 : vector<1x16xf32> to vector<16xf32>
      %mul3A_415 = arith.mulf %mul3A_410, %get3A_414 : vector<16xf32>
      %swap3A_416 = arith.index_cast %add3A_359 : i32 to index
      %swap3A_417 = arith.constant 48 : index
      %swap3A_418 = tpu.vector_load %arg15[%swap3A_416, %swap3A_417] {strides = array<i32>} : memref<512x64xf32, #tpu.memory_space<vmem>>, vector<1x16xf32>,
      %swap3A_419 = vector.shape_cast %swap3A_418 : vector<1x16xf32> to vector<16xf32>
      %swap3A_420 = vector.shape_cast %mul3A_415 : vector<16xf32> to vector<1x16xf32>
      tpu.vector_store %arg15[%swap3A_416, %swap3A_417], %swap3A_420 {strides = array<i32>} : memref<512x64xf32, #tpu.memory_space<vmem>>, vector<1x16xf32>,
      %add3A_421 = arith.addf %add3A_405, %mul3A_415 : vector<16xf32>
      %xor3A = arith.constant 1 : i32
      %xor3A_422 = vector.broadcast %xor3A : i32 to vector<16xi32>
      %xor3A_423 = arith.xori %iota3A, %xor3A_422 : vector<16xi32>
      %lt3A = arith.constant 0 : i32
      %lt3A_424 = vector.broadcast %lt3A : i32 to vector<16xi32>
      %lt3A_425 = arith.cmpi slt, %xor3A_423, %lt3A_424 : vector<16xi32>
      %add3A_426 = arith.constant 16 : i32
      %add3A_427 = vector.broadcast %add3A_426 : i32 to vector<16xi32>
      %add3A_428 = arith.addi %xor3A_423, %add3A_427 : vector<16xi32>
      %select_n3A_429 = arith.select %lt3A_425, %add3A_428, %xor3A_423 : vector<16xi1>, vector<16xi32>
      %broadcast_in_dim3A_430 = vector.shape_cast %select_n3A_429 : vector<16xi32> to vector<16x1xi32>
      %gather3A = vector.shape_cast %broadcast_in_dim3A_430 : vector<16x1xi32> to vector<16xi32>
      %gather3A_431 = tpu.dynamic_gather %add3A_421[%gather3A] in [0] : vector<16xf32>, vector<16xi32> -> vector<16xf32>
      %add3A_432 = arith.addf %add3A_421, %gather3A_431 : vector<16xf32>
      %xor3A_433 = arith.constant 2 : i32
      %xor3A_434 = vector.broadcast %xor3A_433 : i32 to vector<16xi32>
      %xor3A_435 = arith.xori %iota3A, %xor3A_434 : vector<16xi32>
      %lt3A_436 = arith.constant 0 : i32
      %lt3A_437 = vector.broadcast %lt3A_436 : i32 to vector<16xi32>
      %lt3A_438 = arith.cmpi slt, %xor3A_435, %lt3A_437 : vector<16xi32>
      %add3A_439 = arith.constant 16 : i32
      %add3A_440 = vector.broadcast %add3A_439 : i32 to vector<16xi32>
      %add3A_441 = arith.addi %xor3A_435, %add3A_440 : vector<16xi32>
      %select_n3A_442 = arith.select %lt3A_438, %add3A_441, %xor3A_435 : vector<16xi1>, vector<16xi32>
      %broadcast_in_dim3A_443 = vector.shape_cast %select_n3A_442 : vector<16xi32> to vector<16x1xi32>
      %gather3A_444 = vector.shape_cast %broadcast_in_dim3A_443 : vector<16x1xi32> to vector<16xi32>
      %gather3A_445 = tpu.dynamic_gather %add3A_432[%gather3A_444] in [0] : vector<16xf32>, vector<16xi32> -> vector<16xf32>
      %add3A_446 = arith.addf %add3A_432, %gather3A_445 : vector<16xf32>
      %xor3A_447 = arith.constant 4 : i32
      %xor3A_448 = vector.broadcast %xor3A_447 : i32 to vector<16xi32>
      %xor3A_449 = arith.xori %iota3A, %xor3A_448 : vector<16xi32>
      %lt3A_450 = arith.constant 0 : i32
      %lt3A_451 = vector.broadcast %lt3A_450 : i32 to vector<16xi32>
      %lt3A_452 = arith.cmpi slt, %xor3A_449, %lt3A_451 : vector<16xi32>
      %add3A_453 = arith.constant 16 : i32
      %add3A_454 = vector.broadcast %add3A_453 : i32 to vector<16xi32>
      %add3A_455 = arith.addi %xor3A_449, %add3A_454 : vector<16xi32>
      %select_n3A_456 = arith.select %lt3A_452, %add3A_455, %xor3A_449 : vector<16xi1>, vector<16xi32>
      %broadcast_in_dim3A_457 = vector.shape_cast %select_n3A_456 : vector<16xi32> to vector<16x1xi32>
      %gather3A_458 = vector.shape_cast %broadcast_in_dim3A_457 : vector<16x1xi32> to vector<16xi32>
      %gather3A_459 = tpu.dynamic_gather %add3A_446[%gather3A_458] in [0] : vector<16xf32>, vector<16xi32> -> vector<16xf32>
      %add3A_460 = arith.addf %add3A_446, %gather3A_459 : vector<16xf32>
      %xor3A_461 = arith.constant 8 : i32
      %xor3A_462 = vector.broadcast %xor3A_461 : i32 to vector<16xi32>
      %xor3A_463 = arith.xori %iota3A, %xor3A_462 : vector<16xi32>
      %lt3A_464 = arith.constant 0 : i32
      %lt3A_465 = vector.broadcast %lt3A_464 : i32 to vector<16xi32>
      %lt3A_466 = arith.cmpi slt, %xor3A_463, %lt3A_465 : vector<16xi32>
      %add3A_467 = arith.constant 16 : i32
      %add3A_468 = vector.broadcast %add3A_467 : i32 to vector<16xi32>
      %add3A_469 = arith.addi %xor3A_463, %add3A_468 : vector<16xi32>
      %select_n3A_470 = arith.select %lt3A_466, %add3A_469, %xor3A_463 : vector<16xi1>, vector<16xi32>
      %broadcast_in_dim3A_471 = vector.shape_cast %select_n3A_470 : vector<16xi32> to vector<16x1xi32>
      %gather3A_472 = vector.shape_cast %broadcast_in_dim3A_471 : vector<16x1xi32> to vector<16xi32>
      %gather3A_473 = tpu.dynamic_gather %add3A_460[%gather3A_472] in [0] : vector<16xf32>, vector<16xi32> -> vector<16xf32>
      %add3A_474 = arith.addf %add3A_460, %gather3A_473 : vector<16xf32>
      %eq3A = arith.constant 0 : i32
      %eq3A_475 = vector.broadcast %eq3A : i32 to vector<16xi32>
      %eq3A_476 = arith.cmpi eq, %iota3A, %eq3A_475 : vector<16xi32>
      %select_n3A_477 = arith.select %eq3A_476, %add3A_474, %broadcast_in_dim3A_355 : vector<16xi1>, vector<16xf32>
      %mul3A_478 = arith.constant 16 : i32
      %mul3A_479 = arith.muli %add3A_354, %mul3A_478 : i32
      %add3A_480 = arith.constant 1 : i32
      %add3A_481 = arith.addi %mul3A_479, %add3A_480 : i32
      %get3A_482 = arith.index_cast %add3A_481 : i32 to index
      %get3A_483 = arith.constant 0 : index
      %get3A_484 = tpu.vector_load %arg13[%get3A_482, %get3A_483] {strides = array<i32>} : memref<512x64xf32, #tpu.memory_space<vmem>>, vector<1x16xf32>,
      %get3A_485 = vector.shape_cast %get3A_484 : vector<1x16xf32> to vector<16xf32>
      %mul3A_486 = arith.mulf %get3A_336, %get3A_485 : vector<16xf32>
      %get3A_487 = arith.index_cast %add3A_481 : i32 to index
      %get3A_488 = arith.constant 0 : index
      %get3A_489 = tpu.vector_load %arg14[%get3A_487, %get3A_488] {strides = array<i32>} : memref<512x64xf32, #tpu.memory_space<vmem>>, vector<1x16xf32>,
      %get3A_490 = vector.shape_cast %get3A_489 : vector<1x16xf32> to vector<16xf32>
      %mul3A_491 = arith.mulf %mul3A_486, %get3A_490 : vector<16xf32>
      %swap3A_492 = arith.index_cast %add3A_481 : i32 to index
      %swap3A_493 = arith.constant 0 : index
      %swap3A_494 = tpu.vector_load %arg15[%swap3A_492, %swap3A_493] {strides = array<i32>} : memref<512x64xf32, #tpu.memory_space<vmem>>, vector<1x16xf32>,
      %swap3A_495 = vector.shape_cast %swap3A_494 : vector<1x16xf32> to vector<16xf32>
      %swap3A_496 = vector.shape_cast %mul3A_491 : vector<16xf32> to vector<1x16xf32>
      tpu.vector_store %arg15[%swap3A_492, %swap3A_493], %swap3A_496 {strides = array<i32>} : memref<512x64xf32, #tpu.memory_space<vmem>>, vector<1x16xf32>,
      %get3A_497 = arith.index_cast %add3A_481 : i32 to index
      %get3A_498 = arith.constant 16 : index
      %get3A_499 = tpu.vector_load %arg13[%get3A_497, %get3A_498] {strides = array<i32>} : memref<512x64xf32, #tpu.memory_space<vmem>>, vector<1x16xf32>,
      %get3A_500 = vector.shape_cast %get3A_499 : vector<1x16xf32> to vector<16xf32>
      %mul3A_501 = arith.mulf %get3A_339, %get3A_500 : vector<16xf32>
      %get3A_502 = arith.index_cast %add3A_481 : i32 to index
      %get3A_503 = arith.constant 16 : index
      %get3A_504 = tpu.vector_load %arg14[%get3A_502, %get3A_503] {strides = array<i32>} : memref<512x64xf32, #tpu.memory_space<vmem>>, vector<1x16xf32>,
      %get3A_505 = vector.shape_cast %get3A_504 : vector<1x16xf32> to vector<16xf32>
      %mul3A_506 = arith.mulf %mul3A_501, %get3A_505 : vector<16xf32>
      %swap3A_507 = arith.index_cast %add3A_481 : i32 to index
      %swap3A_508 = arith.constant 16 : index
      %swap3A_509 = tpu.vector_load %arg15[%swap3A_507, %swap3A_508] {strides = array<i32>} : memref<512x64xf32, #tpu.memory_space<vmem>>, vector<1x16xf32>,
      %swap3A_510 = vector.shape_cast %swap3A_509 : vector<1x16xf32> to vector<16xf32>
      %swap3A_511 = vector.shape_cast %mul3A_506 : vector<16xf32> to vector<1x16xf32>
      tpu.vector_store %arg15[%swap3A_507, %swap3A_508], %swap3A_511 {strides = array<i32>} : memref<512x64xf32, #tpu.memory_space<vmem>>, vector<1x16xf32>,
      %add3A_512 = arith.addf %mul3A_491, %mul3A_506 : vector<16xf32>
      %get3A_513 = arith.index_cast %add3A_481 : i32 to index
      %get3A_514 = arith.constant 32 : index
      %get3A_515 = tpu.vector_load %arg13[%get3A_513, %get3A_514] {strides = array<i32>} : memref<512x64xf32, #tpu.memory_space<vmem>>, vector<1x16xf32>,
      %get3A_516 = vector.shape_cast %get3A_515 : vector<1x16xf32> to vector<16xf32>
      %mul3A_517 = arith.mulf %get3A_342, %get3A_516 : vector<16xf32>
      %get3A_518 = arith.index_cast %add3A_481 : i32 to index
      %get3A_519 = arith.constant 32 : index
      %get3A_520 = tpu.vector_load %arg14[%get3A_518, %get3A_519] {strides = array<i32>} : memref<512x64xf32, #tpu.memory_space<vmem>>, vector<1x16xf32>,
      %get3A_521 = vector.shape_cast %get3A_520 : vector<1x16xf32> to vector<16xf32>
      %mul3A_522 = arith.mulf %mul3A_517, %get3A_521 : vector<16xf32>
      %swap3A_523 = arith.index_cast %add3A_481 : i32 to index
      %swap3A_524 = arith.constant 32 : index
      %swap3A_525 = tpu.vector_load %arg15[%swap3A_523, %swap3A_524] {strides = array<i32>} : memref<512x64xf32, #tpu.memory_space<vmem>>, vector<1x16xf32>,
      %swap3A_526 = vector.shape_cast %swap3A_525 : vector<1x16xf32> to vector<16xf32>
      %swap3A_527 = vector.shape_cast %mul3A_522 : vector<16xf32> to vector<1x16xf32>
      tpu.vector_store %arg15[%swap3A_523, %swap3A_524], %swap3A_527 {strides = array<i32>} : memref<512x64xf32, #tpu.memory_space<vmem>>, vector<1x16xf32>,
      %add3A_528 = arith.addf %add3A_512, %mul3A_522 : vector<16xf32>
      %get3A_529 = arith.index_cast %add3A_481 : i32 to index
      %get3A_530 = arith.constant 48 : index
      %get3A_531 = tpu.vector_load %arg13[%get3A_529, %get3A_530] {strides = array<i32>} : memref<512x64xf32, #tpu.memory_space<vmem>>, vector<1x16xf32>,
      %get3A_532 = vector.shape_cast %get3A_531 : vector<1x16xf32> to vector<16xf32>
      %mul3A_533 = arith.mulf %get3A_345, %get3A_532 : vector<16xf32>
      %get3A_534 = arith.index_cast %add3A_481 : i32 to index
      %get3A_535 = arith.constant 48 : index
      %get3A_536 = tpu.vector_load %arg14[%get3A_534, %get3A_535] {strides = array<i32>} : memref<512x64xf32, #tpu.memory_space<vmem>>, vector<1x16xf32>,
      %get3A_537 = vector.shape_cast %get3A_536 : vector<1x16xf32> to vector<16xf32>
      %mul3A_538 = arith.mulf %mul3A_533, %get3A_537 : vector<16xf32>
      %swap3A_539 = arith.index_cast %add3A_481 : i32 to index
      %swap3A_540 = arith.constant 48 : index
      %swap3A_541 = tpu.vector_load %arg15[%swap3A_539, %swap3A_540] {strides = array<i32>} : memref<512x64xf32, #tpu.memory_space<vmem>>, vector<1x16xf32>,
      %swap3A_542 = vector.shape_cast %swap3A_541 : vector<1x16xf32> to vector<16xf32>
      %swap3A_543 = vector.shape_cast %mul3A_538 : vector<16xf32> to vector<1x16xf32>
      tpu.vector_store %arg15[%swap3A_539, %swap3A_540], %swap3A_543 {strides = array<i32>} : memref<512x64xf32, #tpu.memory_space<vmem>>, vector<1x16xf32>,
      %add3A_544 = arith.addf %add3A_528, %mul3A_538 : vector<16xf32>
      %xor3A_545 = arith.constant 1 : i32
      %xor3A_546 = vector.broadcast %xor3A_545 : i32 to vector<16xi32>
      %xor3A_547 = arith.xori %iota3A, %xor3A_546 : vector<16xi32>
      %lt3A_548 = arith.constant 0 : i32
      %lt3A_549 = vector.broadcast %lt3A_548 : i32 to vector<16xi32>
      %lt3A_550 = arith.cmpi slt, %xor3A_547, %lt3A_549 : vector<16xi32>
      %add3A_551 = arith.constant 16 : i32
      %add3A_552 = vector.broadcast %add3A_551 : i32 to vector<16xi32>
      %add3A_553 = arith.addi %xor3A_547, %add3A_552 : vector<16xi32>
      %select_n3A_554 = arith.select %lt3A_550, %add3A_553, %xor3A_547 : vector<16xi1>, vector<16xi32>
      %broadcast_in_dim3A_555 = vector.shape_cast %select_n3A_554 : vector<16xi32> to vector<16x1xi32>
      %gather3A_556 = vector.shape_cast %broadcast_in_dim3A_555 : vector<16x1xi32> to vector<16xi32>
      %gather3A_557 = tpu.dynamic_gather %add3A_544[%gather3A_556] in [0] : vector<16xf32>, vector<16xi32> -> vector<16xf32>
      %add3A_558 = arith.addf %add3A_544, %gather3A_557 : vector<16xf32>
      %xor3A_559 = arith.constant 2 : i32
      %xor3A_560 = vector.broadcast %xor3A_559 : i32 to vector<16xi32>
      %xor3A_561 = arith.xori %iota3A, %xor3A_560 : vector<16xi32>
      %lt3A_562 = arith.constant 0 : i32
      %lt3A_563 = vector.broadcast %lt3A_562 : i32 to vector<16xi32>
      %lt3A_564 = arith.cmpi slt, %xor3A_561, %lt3A_563 : vector<16xi32>
      %add3A_565 = arith.constant 16 : i32
      %add3A_566 = vector.broadcast %add3A_565 : i32 to vector<16xi32>
      %add3A_567 = arith.addi %xor3A_561, %add3A_566 : vector<16xi32>
      %select_n3A_568 = arith.select %lt3A_564, %add3A_567, %xor3A_561 : vector<16xi1>, vector<16xi32>
      %broadcast_in_dim3A_569 = vector.shape_cast %select_n3A_568 : vector<16xi32> to vector<16x1xi32>
      %gather3A_570 = vector.shape_cast %broadcast_in_dim3A_569 : vector<16x1xi32> to vector<16xi32>
      %gather3A_571 = tpu.dynamic_gather %add3A_558[%gather3A_570] in [0] : vector<16xf32>, vector<16xi32> -> vector<16xf32>
      %add3A_572 = arith.addf %add3A_558, %gather3A_571 : vector<16xf32>
      %xor3A_573 = arith.constant 4 : i32
      %xor3A_574 = vector.broadcast %xor3A_573 : i32 to vector<16xi32>
      %xor3A_575 = arith.xori %iota3A, %xor3A_574 : vector<16xi32>
      %lt3A_576 = arith.constant 0 : i32
      %lt3A_577 = vector.broadcast %lt3A_576 : i32 to vector<16xi32>
      %lt3A_578 = arith.cmpi slt, %xor3A_575, %lt3A_577 : vector<16xi32>
      %add3A_579 = arith.constant 16 : i32
      %add3A_580 = vector.broadcast %add3A_579 : i32 to vector<16xi32>
      %add3A_581 = arith.addi %xor3A_575, %add3A_580 : vector<16xi32>
      %select_n3A_582 = arith.select %lt3A_578, %add3A_581, %xor3A_575 : vector<16xi1>, vector<16xi32>
      %broadcast_in_dim3A_583 = vector.shape_cast %select_n3A_582 : vector<16xi32> to vector<16x1xi32>
      %gather3A_584 = vector.shape_cast %broadcast_in_dim3A_583 : vector<16x1xi32> to vector<16xi32>
      %gather3A_585 = tpu.dynamic_gather %add3A_572[%gather3A_584] in [0] : vector<16xf32>, vector<16xi32> -> vector<16xf32>
      %add3A_586 = arith.addf %add3A_572, %gather3A_585 : vector<16xf32>
      %xor3A_587 = arith.constant 8 : i32
      %xor3A_588 = vector.broadcast %xor3A_587 : i32 to vector<16xi32>
      %xor3A_589 = arith.xori %iota3A, %xor3A_588 : vector<16xi32>
      %lt3A_590 = arith.constant 0 : i32
      %lt3A_591 = vector.broadcast %lt3A_590 : i32 to vector<16xi32>
      %lt3A_592 = arith.cmpi slt, %xor3A_589, %lt3A_591 : vector<16xi32>
      %add3A_593 = arith.constant 16 : i32
      %add3A_594 = vector.broadcast %add3A_593 : i32 to vector<16xi32>
      %add3A_595 = arith.addi %xor3A_589, %add3A_594 : vector<16xi32>
      %select_n3A_596 = arith.select %lt3A_592, %add3A_595, %xor3A_589 : vector<16xi1>, vector<16xi32>
      %broadcast_in_dim3A_597 = vector.shape_cast %select_n3A_596 : vector<16xi32> to vector<16x1xi32>
      %gather3A_598 = vector.shape_cast %broadcast_in_dim3A_597 : vector<16x1xi32> to vector<16xi32>
      %gather3A_599 = tpu.dynamic_gather %add3A_586[%gather3A_598] in [0] : vector<16xf32>, vector<16xi32> -> vector<16xf32>
      %add3A_600 = arith.addf %add3A_586, %gather3A_599 : vector<16xf32>
      %eq3A_601 = arith.constant 1 : i32
      %eq3A_602 = vector.broadcast %eq3A_601 : i32 to vector<16xi32>
      %eq3A_603 = arith.cmpi eq, %iota3A, %eq3A_602 : vector<16xi32>
      %select_n3A_604 = arith.select %eq3A_603, %add3A_600, %select_n3A_477 : vector<16xi1>, vector<16xf32>
      %mul3A_605 = arith.constant 16 : i32
      %mul3A_606 = arith.muli %add3A_354, %mul3A_605 : i32
      %add3A_607 = arith.constant 2 : i32
      %add3A_608 = arith.addi %mul3A_606, %add3A_607 : i32
      %get3A_609 = arith.index_cast %add3A_608 : i32 to index
      %get3A_610 = arith.constant 0 : index
      %get3A_611 = tpu.vector_load %arg13[%get3A_609, %get3A_610] {strides = array<i32>} : memref<512x64xf32, #tpu.memory_space<vmem>>, vector<1x16xf32>,
      %get3A_612 = vector.shape_cast %get3A_611 : vector<1x16xf32> to vector<16xf32>
      %mul3A_613 = arith.mulf %get3A_336, %get3A_612 : vector<16xf32>
      %get3A_614 = arith.index_cast %add3A_608 : i32 to index
      %get3A_615 = arith.constant 0 : index
      %get3A_616 = tpu.vector_load %arg14[%get3A_614, %get3A_615] {strides = array<i32>} : memref<512x64xf32, #tpu.memory_space<vmem>>, vector<1x16xf32>,
      %get3A_617 = vector.shape_cast %get3A_616 : vector<1x16xf32> to vector<16xf32>
      %mul3A_618 = arith.mulf %mul3A_613, %get3A_617 : vector<16xf32>
      %swap3A_619 = arith.index_cast %add3A_608 : i32 to index
      %swap3A_620 = arith.constant 0 : index
      %swap3A_621 = tpu.vector_load %arg15[%swap3A_619, %swap3A_620] {strides = array<i32>} : memref<512x64xf32, #tpu.memory_space<vmem>>, vector<1x16xf32>,
      %swap3A_622 = vector.shape_cast %swap3A_621 : vector<1x16xf32> to vector<16xf32>
      %swap3A_623 = vector.shape_cast %mul3A_618 : vector<16xf32> to vector<1x16xf32>
      tpu.vector_store %arg15[%swap3A_619, %swap3A_620], %swap3A_623 {strides = array<i32>} : memref<512x64xf32, #tpu.memory_space<vmem>>, vector<1x16xf32>,
      %get3A_624 = arith.index_cast %add3A_608 : i32 to index
      %get3A_625 = arith.constant 16 : index
      %get3A_626 = tpu.vector_load %arg13[%get3A_624, %get3A_625] {strides = array<i32>} : memref<512x64xf32, #tpu.memory_space<vmem>>, vector<1x16xf32>,
      %get3A_627 = vector.shape_cast %get3A_626 : vector<1x16xf32> to vector<16xf32>
      %mul3A_628 = arith.mulf %get3A_339, %get3A_627 : vector<16xf32>
      %get3A_629 = arith.index_cast %add3A_608 : i32 to index
      %get3A_630 = arith.constant 16 : index
      %get3A_631 = tpu.vector_load %arg14[%get3A_629, %get3A_630] {strides = array<i32>} : memref<512x64xf32, #tpu.memory_space<vmem>>, vector<1x16xf32>,
      %get3A_632 = vector.shape_cast %get3A_631 : vector<1x16xf32> to vector<16xf32>
      %mul3A_633 = arith.mulf %mul3A_628, %get3A_632 : vector<16xf32>
      %swap3A_634 = arith.index_cast %add3A_608 : i32 to index
      %swap3A_635 = arith.constant 16 : index
      %swap3A_636 = tpu.vector_load %arg15[%swap3A_634, %swap3A_635] {strides = array<i32>} : memref<512x64xf32, #tpu.memory_space<vmem>>, vector<1x16xf32>,
      %swap3A_637 = vector.shape_cast %swap3A_636 : vector<1x16xf32> to vector<16xf32>
      %swap3A_638 = vector.shape_cast %mul3A_633 : vector<16xf32> to vector<1x16xf32>
      tpu.vector_store %arg15[%swap3A_634, %swap3A_635], %swap3A_638 {strides = array<i32>} : memref<512x64xf32, #tpu.memory_space<vmem>>, vector<1x16xf32>,
      %add3A_639 = arith.addf %mul3A_618, %mul3A_633 : vector<16xf32>
      %get3A_640 = arith.index_cast %add3A_608 : i32 to index
      %get3A_641 = arith.constant 32 : index
      %get3A_642 = tpu.vector_load %arg13[%get3A_640, %get3A_641] {strides = array<i32>} : memref<512x64xf32, #tpu.memory_space<vmem>>, vector<1x16xf32>,
      %get3A_643 = vector.shape_cast %get3A_642 : vector<1x16xf32> to vector<16xf32>
      %mul3A_644 = arith.mulf %get3A_342, %get3A_643 : vector<16xf32>
      %get3A_645 = arith.index_cast %add3A_608 : i32 to index
      %get3A_646 = arith.constant 32 : index
      %get3A_647 = tpu.vector_load %arg14[%get3A_645, %get3A_646] {strides = array<i32>} : memref<512x64xf32, #tpu.memory_space<vmem>>, vector<1x16xf32>,
      %get3A_648 = vector.shape_cast %get3A_647 : vector<1x16xf32> to vector<16xf32>
      %mul3A_649 = arith.mulf %mul3A_644, %get3A_648 : vector<16xf32>
      %swap3A_650 = arith.index_cast %add3A_608 : i32 to index
      %swap3A_651 = arith.constant 32 : index
      %swap3A_652 = tpu.vector_load %arg15[%swap3A_650, %swap3A_651] {strides = array<i32>} : memref<512x64xf32, #tpu.memory_space<vmem>>, vector<1x16xf32>,
      %swap3A_653 = vector.shape_cast %swap3A_652 : vector<1x16xf32> to vector<16xf32>
      %swap3A_654 = vector.shape_cast %mul3A_649 : vector<16xf32> to vector<1x16xf32>
      tpu.vector_store %arg15[%swap3A_650, %swap3A_651], %swap3A_654 {strides = array<i32>} : memref<512x64xf32, #tpu.memory_space<vmem>>, vector<1x16xf32>,
      %add3A_655 = arith.addf %add3A_639, %mul3A_649 : vector<16xf32>
      %get3A_656 = arith.index_cast %add3A_608 : i32 to index
      %get3A_657 = arith.constant 48 : index
      %get3A_658 = tpu.vector_load %arg13[%get3A_656, %get3A_657] {strides = array<i32>} : memref<512x64xf32, #tpu.memory_space<vmem>>, vector<1x16xf32>,
      %get3A_659 = vector.shape_cast %get3A_658 : vector<1x16xf32> to vector<16xf32>
      %mul3A_660 = arith.mulf %get3A_345, %get3A_659 : vector<16xf32>
      %get3A_661 = arith.index_cast %add3A_608 : i32 to index
      %get3A_662 = arith.constant 48 : index
      %get3A_663 = tpu.vector_load %arg14[%get3A_661, %get3A_662] {strides = array<i32>} : memref<512x64xf32, #tpu.memory_space<vmem>>, vector<1x16xf32>,
      %get3A_664 = vector.shape_cast %get3A_663 : vector<1x16xf32> to vector<16xf32>
      %mul3A_665 = arith.mulf %mul3A_660, %get3A_664 : vector<16xf32>
      %swap3A_666 = arith.index_cast %add3A_608 : i32 to index
      %swap3A_667 = arith.constant 48 : index
      %swap3A_668 = tpu.vector_load %arg15[%swap3A_666, %swap3A_667] {strides = array<i32>} : memref<512x64xf32, #tpu.memory_space<vmem>>, vector<1x16xf32>,
      %swap3A_669 = vector.shape_cast %swap3A_668 : vector<1x16xf32> to vector<16xf32>
      %swap3A_670 = vector.shape_cast %mul3A_665 : vector<16xf32> to vector<1x16xf32>
      tpu.vector_store %arg15[%swap3A_666, %swap3A_667], %swap3A_670 {strides = array<i32>} : memref<512x64xf32, #tpu.memory_space<vmem>>, vector<1x16xf32>,
      %add3A_671 = arith.addf %add3A_655, %mul3A_665 : vector<16xf32>
      %xor3A_672 = arith.constant 1 : i32
      %xor3A_673 = vector.broadcast %xor3A_672 : i32 to vector<16xi32>
      %xor3A_674 = arith.xori %iota3A, %xor3A_673 : vector<16xi32>
      %lt3A_675 = arith.constant 0 : i32
      %lt3A_676 = vector.broadcast %lt3A_675 : i32 to vector<16xi32>
      %lt3A_677 = arith.cmpi slt, %xor3A_674, %lt3A_676 : vector<16xi32>
      %add3A_678 = arith.constant 16 : i32
      %add3A_679 = vector.broadcast %add3A_678 : i32 to vector<16xi32>
      %add3A_680 = arith.addi %xor3A_674, %add3A_679 : vector<16xi32>
      %select_n3A_681 = arith.select %lt3A_677, %add3A_680, %xor3A_674 : vector<16xi1>, vector<16xi32>
      %broadcast_in_dim3A_682 = vector.shape_cast %select_n3A_681 : vector<16xi32> to vector<16x1xi32>
      %gather3A_683 = vector.shape_cast %broadcast_in_dim3A_682 : vector<16x1xi32> to vector<16xi32>
      %gather3A_684 = tpu.dynamic_gather %add3A_671[%gather3A_683] in [0] : vector<16xf32>, vector<16xi32> -> vector<16xf32>
      %add3A_685 = arith.addf %add3A_671, %gather3A_684 : vector<16xf32>
      %xor3A_686 = arith.constant 2 : i32
      %xor3A_687 = vector.broadcast %xor3A_686 : i32 to vector<16xi32>
      %xor3A_688 = arith.xori %iota3A, %xor3A_687 : vector<16xi32>
      %lt3A_689 = arith.constant 0 : i32
      %lt3A_690 = vector.broadcast %lt3A_689 : i32 to vector<16xi32>
      %lt3A_691 = arith.cmpi slt, %xor3A_688, %lt3A_690 : vector<16xi32>
      %add3A_692 = arith.constant 16 : i32
      %add3A_693 = vector.broadcast %add3A_692 : i32 to vector<16xi32>
      %add3A_694 = arith.addi %xor3A_688, %add3A_693 : vector<16xi32>
      %select_n3A_695 = arith.select %lt3A_691, %add3A_694, %xor3A_688 : vector<16xi1>, vector<16xi32>
      %broadcast_in_dim3A_696 = vector.shape_cast %select_n3A_695 : vector<16xi32> to vector<16x1xi32>
      %gather3A_697 = vector.shape_cast %broadcast_in_dim3A_696 : vector<16x1xi32> to vector<16xi32>
      %gather3A_698 = tpu.dynamic_gather %add3A_685[%gather3A_697] in [0] : vector<16xf32>, vector<16xi32> -> vector<16xf32>
      %add3A_699 = arith.addf %add3A_685, %gather3A_698 : vector<16xf32>
      %xor3A_700 = arith.constant 4 : i32
      %xor3A_701 = vector.broadcast %xor3A_700 : i32 to vector<16xi32>
      %xor3A_702 = arith.xori %iota3A, %xor3A_701 : vector<16xi32>
      %lt3A_703 = arith.constant 0 : i32
      %lt3A_704 = vector.broadcast %lt3A_703 : i32 to vector<16xi32>
      %lt3A_705 = arith.cmpi slt, %xor3A_702, %lt3A_704 : vector<16xi32>
      %add3A_706 = arith.constant 16 : i32
      %add3A_707 = vector.broadcast %add3A_706 : i32 to vector<16xi32>
      %add3A_708 = arith.addi %xor3A_702, %add3A_707 : vector<16xi32>
      %select_n3A_709 = arith.select %lt3A_705, %add3A_708, %xor3A_702 : vector<16xi1>, vector<16xi32>
      %broadcast_in_dim3A_710 = vector.shape_cast %select_n3A_709 : vector<16xi32> to vector<16x1xi32>
      %gather3A_711 = vector.shape_cast %broadcast_in_dim3A_710 : vector<16x1xi32> to vector<16xi32>
      %gather3A_712 = tpu.dynamic_gather %add3A_699[%gather3A_711] in [0] : vector<16xf32>, vector<16xi32> -> vector<16xf32>
      %add3A_713 = arith.addf %add3A_699, %gather3A_712 : vector<16xf32>
      %xor3A_714 = arith.constant 8 : i32
      %xor3A_715 = vector.broadcast %xor3A_714 : i32 to vector<16xi32>
      %xor3A_716 = arith.xori %iota3A, %xor3A_715 : vector<16xi32>
      %lt3A_717 = arith.constant 0 : i32
      %lt3A_718 = vector.broadcast %lt3A_717 : i32 to vector<16xi32>
      %lt3A_719 = arith.cmpi slt, %xor3A_716, %lt3A_718 : vector<16xi32>
      %add3A_720 = arith.constant 16 : i32
      %add3A_721 = vector.broadcast %add3A_720 : i32 to vector<16xi32>
      %add3A_722 = arith.addi %xor3A_716, %add3A_721 : vector<16xi32>
      %select_n3A_723 = arith.select %lt3A_719, %add3A_722, %xor3A_716 : vector<16xi1>, vector<16xi32>
      %broadcast_in_dim3A_724 = vector.shape_cast %select_n3A_723 : vector<16xi32> to vector<16x1xi32>
      %gather3A_725 = vector.shape_cast %broadcast_in_dim3A_724 : vector<16x1xi32> to vector<16xi32>
      %gather3A_726 = tpu.dynamic_gather %add3A_713[%gather3A_725] in [0] : vector<16xf32>, vector<16xi32> -> vector<16xf32>
      %add3A_727 = arith.addf %add3A_713, %gather3A_726 : vector<16xf32>
      %eq3A_728 = arith.constant 2 : i32
      %eq3A_729 = vector.broadcast %eq3A_728 : i32 to vector<16xi32>
      %eq3A_730 = arith.cmpi eq, %iota3A, %eq3A_729 : vector<16xi32>
      %select_n3A_731 = arith.select %eq3A_730, %add3A_727, %select_n3A_604 : vector<16xi1>, vector<16xf32>
      %mul3A_732 = arith.constant 16 : i32
      %mul3A_733 = arith.muli %add3A_354, %mul3A_732 : i32
      %add3A_734 = arith.constant 3 : i32
      %add3A_735 = arith.addi %mul3A_733, %add3A_734 : i32
      %get3A_736 = arith.index_cast %add3A_735 : i32 to index
      %get3A_737 = arith.constant 0 : index
      %get3A_738 = tpu.vector_load %arg13[%get3A_736, %get3A_737] {strides = array<i32>} : memref<512x64xf32, #tpu.memory_space<vmem>>, vector<1x16xf32>,
      %get3A_739 = vector.shape_cast %get3A_738 : vector<1x16xf32> to vector<16xf32>
      %mul3A_740 = arith.mulf %get3A_336, %get3A_739 : vector<16xf32>
      %get3A_741 = arith.index_cast %add3A_735 : i32 to index
      %get3A_742 = arith.constant 0 : index
      %get3A_743 = tpu.vector_load %arg14[%get3A_741, %get3A_742] {strides = array<i32>} : memref<512x64xf32, #tpu.memory_space<vmem>>, vector<1x16xf32>,
      %get3A_744 = vector.shape_cast %get3A_743 : vector<1x16xf32> to vector<16xf32>
      %mul3A_745 = arith.mulf %mul3A_740, %get3A_744 : vector<16xf32>
      %swap3A_746 = arith.index_cast %add3A_735 : i32 to index
      %swap3A_747 = arith.constant 0 : index
      %swap3A_748 = tpu.vector_load %arg15[%swap3A_746, %swap3A_747] {strides = array<i32>} : memref<512x64xf32, #tpu.memory_space<vmem>>, vector<1x16xf32>,
      %swap3A_749 = vector.shape_cast %swap3A_748 : vector<1x16xf32> to vector<16xf32>
      %swap3A_750 = vector.shape_cast %mul3A_745 : vector<16xf32> to vector<1x16xf32>
      tpu.vector_store %arg15[%swap3A_746, %swap3A_747], %swap3A_750 {strides = array<i32>} : memref<512x64xf32, #tpu.memory_space<vmem>>, vector<1x16xf32>,
      %get3A_751 = arith.index_cast %add3A_735 : i32 to index
      %get3A_752 = arith.constant 16 : index
      %get3A_753 = tpu.vector_load %arg13[%get3A_751, %get3A_752] {strides = array<i32>} : memref<512x64xf32, #tpu.memory_space<vmem>>, vector<1x16xf32>,
      %get3A_754 = vector.shape_cast %get3A_753 : vector<1x16xf32> to vector<16xf32>
      %mul3A_755 = arith.mulf %get3A_339, %get3A_754 : vector<16xf32>
      %get3A_756 = arith.index_cast %add3A_735 : i32 to index
      %get3A_757 = arith.constant 16 : index
      %get3A_758 = tpu.vector_load %arg14[%get3A_756, %get3A_757] {strides = array<i32>} : memref<512x64xf32, #tpu.memory_space<vmem>>, vector<1x16xf32>,
      %get3A_759 = vector.shape_cast %get3A_758 : vector<1x16xf32> to vector<16xf32>
      %mul3A_760 = arith.mulf %mul3A_755, %get3A_759 : vector<16xf32>
      %swap3A_761 = arith.index_cast %add3A_735 : i32 to index
      %swap3A_762 = arith.constant 16 : index
      %swap3A_763 = tpu.vector_load %arg15[%swap3A_761, %swap3A_762] {strides = array<i32>} : memref<512x64xf32, #tpu.memory_space<vmem>>, vector<1x16xf32>,
      %swap3A_764 = vector.shape_cast %swap3A_763 : vector<1x16xf32> to vector<16xf32>
      %swap3A_765 = vector.shape_cast %mul3A_760 : vector<16xf32> to vector<1x16xf32>
      tpu.vector_store %arg15[%swap3A_761, %swap3A_762], %swap3A_765 {strides = array<i32>} : memref<512x64xf32, #tpu.memory_space<vmem>>, vector<1x16xf32>,
      %add3A_766 = arith.addf %mul3A_745, %mul3A_760 : vector<16xf32>
      %get3A_767 = arith.index_cast %add3A_735 : i32 to index
      %get3A_768 = arith.constant 32 : index
      %get3A_769 = tpu.vector_load %arg13[%get3A_767, %get3A_768] {strides = array<i32>} : memref<512x64xf32, #tpu.memory_space<vmem>>, vector<1x16xf32>,
      %get3A_770 = vector.shape_cast %get3A_769 : vector<1x16xf32> to vector<16xf32>
      %mul3A_771 = arith.mulf %get3A_342, %get3A_770 : vector<16xf32>
      %get3A_772 = arith.index_cast %add3A_735 : i32 to index
      %get3A_773 = arith.constant 32 : index
      %get3A_774 = tpu.vector_load %arg14[%get3A_772, %get3A_773] {strides = array<i32>} : memref<512x64xf32, #tpu.memory_space<vmem>>, vector<1x16xf32>,
      %get3A_775 = vector.shape_cast %get3A_774 : vector<1x16xf32> to vector<16xf32>
      %mul3A_776 = arith.mulf %mul3A_771, %get3A_775 : vector<16xf32>
      %swap3A_777 = arith.index_cast %add3A_735 : i32 to index
      %swap3A_778 = arith.constant 32 : index
      %swap3A_779 = tpu.vector_load %arg15[%swap3A_777, %swap3A_778] {strides = array<i32>} : memref<512x64xf32, #tpu.memory_space<vmem>>, vector<1x16xf32>,
      %swap3A_780 = vector.shape_cast %swap3A_779 : vector<1x16xf32> to vector<16xf32>
      %swap3A_781 = vector.shape_cast %mul3A_776 : vector<16xf32> to vector<1x16xf32>
      tpu.vector_store %arg15[%swap3A_777, %swap3A_778], %swap3A_781 {strides = array<i32>} : memref<512x64xf32, #tpu.memory_space<vmem>>, vector<1x16xf32>,
      %add3A_782 = arith.addf %add3A_766, %mul3A_776 : vector<16xf32>
      %get3A_783 = arith.index_cast %add3A_735 : i32 to index
      %get3A_784 = arith.constant 48 : index
      %get3A_785 = tpu.vector_load %arg13[%get3A_783, %get3A_784] {strides = array<i32>} : memref<512x64xf32, #tpu.memory_space<vmem>>, vector<1x16xf32>,
      %get3A_786 = vector.shape_cast %get3A_785 : vector<1x16xf32> to vector<16xf32>
      %mul3A_787 = arith.mulf %get3A_345, %get3A_786 : vector<16xf32>
      %get3A_788 = arith.index_cast %add3A_735 : i32 to index
      %get3A_789 = arith.constant 48 : index
      %get3A_790 = tpu.vector_load %arg14[%get3A_788, %get3A_789] {strides = array<i32>} : memref<512x64xf32, #tpu.memory_space<vmem>>, vector<1x16xf32>,
      %get3A_791 = vector.shape_cast %get3A_790 : vector<1x16xf32> to vector<16xf32>
      %mul3A_792 = arith.mulf %mul3A_787, %get3A_791 : vector<16xf32>
      %swap3A_793 = arith.index_cast %add3A_735 : i32 to index
      %swap3A_794 = arith.constant 48 : index
      %swap3A_795 = tpu.vector_load %arg15[%swap3A_793, %swap3A_794] {strides = array<i32>} : memref<512x64xf32, #tpu.memory_space<vmem>>, vector<1x16xf32>,
      %swap3A_796 = vector.shape_cast %swap3A_795 : vector<1x16xf32> to vector<16xf32>
      %swap3A_797 = vector.shape_cast %mul3A_792 : vector<16xf32> to vector<1x16xf32>
      tpu.vector_store %arg15[%swap3A_793, %swap3A_794], %swap3A_797 {strides = array<i32>} : memref<512x64xf32, #tpu.memory_space<vmem>>, vector<1x16xf32>,
      %add3A_798 = arith.addf %add3A_782, %mul3A_792 : vector<16xf32>
      %xor3A_799 = arith.constant 1 : i32
      %xor3A_800 = vector.broadcast %xor3A_799 : i32 to vector<16xi32>
      %xor3A_801 = arith.xori %iota3A, %xor3A_800 : vector<16xi32>
      %lt3A_802 = arith.constant 0 : i32
      %lt3A_803 = vector.broadcast %lt3A_802 : i32 to vector<16xi32>
      %lt3A_804 = arith.cmpi slt, %xor3A_801, %lt3A_803 : vector<16xi32>
      %add3A_805 = arith.constant 16 : i32
      %add3A_806 = vector.broadcast %add3A_805 : i32 to vector<16xi32>
      %add3A_807 = arith.addi %xor3A_801, %add3A_806 : vector<16xi32>
      %select_n3A_808 = arith.select %lt3A_804, %add3A_807, %xor3A_801 : vector<16xi1>, vector<16xi32>
      %broadcast_in_dim3A_809 = vector.shape_cast %select_n3A_808 : vector<16xi32> to vector<16x1xi32>
      %gather3A_810 = vector.shape_cast %broadcast_in_dim3A_809 : vector<16x1xi32> to vector<16xi32>
      %gather3A_811 = tpu.dynamic_gather %add3A_798[%gather3A_810] in [0] : vector<16xf32>, vector<16xi32> -> vector<16xf32>
      %add3A_812 = arith.addf %add3A_798, %gather3A_811 : vector<16xf32>
      %xor3A_813 = arith.constant 2 : i32
      %xor3A_814 = vector.broadcast %xor3A_813 : i32 to vector<16xi32>
      %xor3A_815 = arith.xori %iota3A, %xor3A_814 : vector<16xi32>
      %lt3A_816 = arith.constant 0 : i32
      %lt3A_817 = vector.broadcast %lt3A_816 : i32 to vector<16xi32>
      %lt3A_818 = arith.cmpi slt, %xor3A_815, %lt3A_817 : vector<16xi32>
      %add3A_819 = arith.constant 16 : i32
      %add3A_820 = vector.broadcast %add3A_819 : i32 to vector<16xi32>
      %add3A_821 = arith.addi %xor3A_815, %add3A_820 : vector<16xi32>
      %select_n3A_822 = arith.select %lt3A_818, %add3A_821, %xor3A_815 : vector<16xi1>, vector<16xi32>
      %broadcast_in_dim3A_823 = vector.shape_cast %select_n3A_822 : vector<16xi32> to vector<16x1xi32>
      %gather3A_824 = vector.shape_cast %broadcast_in_dim3A_823 : vector<16x1xi32> to vector<16xi32>
      %gather3A_825 = tpu.dynamic_gather %add3A_812[%gather3A_824] in [0] : vector<16xf32>, vector<16xi32> -> vector<16xf32>
      %add3A_826 = arith.addf %add3A_812, %gather3A_825 : vector<16xf32>
      %xor3A_827 = arith.constant 4 : i32
      %xor3A_828 = vector.broadcast %xor3A_827 : i32 to vector<16xi32>
      %xor3A_829 = arith.xori %iota3A, %xor3A_828 : vector<16xi32>
      %lt3A_830 = arith.constant 0 : i32
      %lt3A_831 = vector.broadcast %lt3A_830 : i32 to vector<16xi32>
      %lt3A_832 = arith.cmpi slt, %xor3A_829, %lt3A_831 : vector<16xi32>
      %add3A_833 = arith.constant 16 : i32
      %add3A_834 = vector.broadcast %add3A_833 : i32 to vector<16xi32>
      %add3A_835 = arith.addi %xor3A_829, %add3A_834 : vector<16xi32>
      %select_n3A_836 = arith.select %lt3A_832, %add3A_835, %xor3A_829 : vector<16xi1>, vector<16xi32>
      %broadcast_in_dim3A_837 = vector.shape_cast %select_n3A_836 : vector<16xi32> to vector<16x1xi32>
      %gather3A_838 = vector.shape_cast %broadcast_in_dim3A_837 : vector<16x1xi32> to vector<16xi32>
      %gather3A_839 = tpu.dynamic_gather %add3A_826[%gather3A_838] in [0] : vector<16xf32>, vector<16xi32> -> vector<16xf32>
      %add3A_840 = arith.addf %add3A_826, %gather3A_839 : vector<16xf32>
      %xor3A_841 = arith.constant 8 : i32
      %xor3A_842 = vector.broadcast %xor3A_841 : i32 to vector<16xi32>
      %xor3A_843 = arith.xori %iota3A, %xor3A_842 : vector<16xi32>
      %lt3A_844 = arith.constant 0 : i32
      %lt3A_845 = vector.broadcast %lt3A_844 : i32 to vector<16xi32>
      %lt3A_846 = arith.cmpi slt, %xor3A_843, %lt3A_845 : vector<16xi32>
      %add3A_847 = arith.constant 16 : i32
      %add3A_848 = vector.broadcast %add3A_847 : i32 to vector<16xi32>
      %add3A_849 = arith.addi %xor3A_843, %add3A_848 : vector<16xi32>
      %select_n3A_850 = arith.select %lt3A_846, %add3A_849, %xor3A_843 : vector<16xi1>, vector<16xi32>
      %broadcast_in_dim3A_851 = vector.shape_cast %select_n3A_850 : vector<16xi32> to vector<16x1xi32>
      %gather3A_852 = vector.shape_cast %broadcast_in_dim3A_851 : vector<16x1xi32> to vector<16xi32>
      %gather3A_853 = tpu.dynamic_gather %add3A_840[%gather3A_852] in [0] : vector<16xf32>, vector<16xi32> -> vector<16xf32>
      %add3A_854 = arith.addf %add3A_840, %gather3A_853 : vector<16xf32>
      %eq3A_855 = arith.constant 3 : i32
      %eq3A_856 = vector.broadcast %eq3A_855 : i32 to vector<16xi32>
      %eq3A_857 = arith.cmpi eq, %iota3A, %eq3A_856 : vector<16xi32>
      %select_n3A_858 = arith.select %eq3A_857, %add3A_854, %select_n3A_731 : vector<16xi1>, vector<16xf32>
      %mul3A_859 = arith.constant 16 : i32
      %mul3A_860 = arith.muli %add3A_354, %mul3A_859 : i32
      %add3A_861 = arith.constant 4 : i32
      %add3A_862 = arith.addi %mul3A_860, %add3A_861 : i32
      %get3A_863 = arith.index_cast %add3A_862 : i32 to index
      %get3A_864 = arith.constant 0 : index
      %get3A_865 = tpu.vector_load %arg13[%get3A_863, %get3A_864] {strides = array<i32>} : memref<512x64xf32, #tpu.memory_space<vmem>>, vector<1x16xf32>,
      %get3A_866 = vector.shape_cast %get3A_865 : vector<1x16xf32> to vector<16xf32>
      %mul3A_867 = arith.mulf %get3A_336, %get3A_866 : vector<16xf32>
      %get3A_868 = arith.index_cast %add3A_862 : i32 to index
      %get3A_869 = arith.constant 0 : index
      %get3A_870 = tpu.vector_load %arg14[%get3A_868, %get3A_869] {strides = array<i32>} : memref<512x64xf32, #tpu.memory_space<vmem>>, vector<1x16xf32>,
      %get3A_871 = vector.shape_cast %get3A_870 : vector<1x16xf32> to vector<16xf32>
      %mul3A_872 = arith.mulf %mul3A_867, %get3A_871 : vector<16xf32>
      %swap3A_873 = arith.index_cast %add3A_862 : i32 to index
      %swap3A_874 = arith.constant 0 : index
      %swap3A_875 = tpu.vector_load %arg15[%swap3A_873, %swap3A_874] {strides = array<i32>} : memref<512x64xf32, #tpu.memory_space<vmem>>, vector<1x16xf32>,
      %swap3A_876 = vector.shape_cast %swap3A_875 : vector<1x16xf32> to vector<16xf32>
      %swap3A_877 = vector.shape_cast %mul3A_872 : vector<16xf32> to vector<1x16xf32>
      tpu.vector_store %arg15[%swap3A_873, %swap3A_874], %swap3A_877 {strides = array<i32>} : memref<512x64xf32, #tpu.memory_space<vmem>>, vector<1x16xf32>,
      %get3A_878 = arith.index_cast %add3A_862 : i32 to index
      %get3A_879 = arith.constant 16 : index
      %get3A_880 = tpu.vector_load %arg13[%get3A_878, %get3A_879] {strides = array<i32>} : memref<512x64xf32, #tpu.memory_space<vmem>>, vector<1x16xf32>,
      %get3A_881 = vector.shape_cast %get3A_880 : vector<1x16xf32> to vector<16xf32>
      %mul3A_882 = arith.mulf %get3A_339, %get3A_881 : vector<16xf32>
      %get3A_883 = arith.index_cast %add3A_862 : i32 to index
      %get3A_884 = arith.constant 16 : index
      %get3A_885 = tpu.vector_load %arg14[%get3A_883, %get3A_884] {strides = array<i32>} : memref<512x64xf32, #tpu.memory_space<vmem>>, vector<1x16xf32>,
      %get3A_886 = vector.shape_cast %get3A_885 : vector<1x16xf32> to vector<16xf32>
      %mul3A_887 = arith.mulf %mul3A_882, %get3A_886 : vector<16xf32>
      %swap3A_888 = arith.index_cast %add3A_862 : i32 to index
      %swap3A_889 = arith.constant 16 : index
      %swap3A_890 = tpu.vector_load %arg15[%swap3A_888, %swap3A_889] {strides = array<i32>} : memref<512x64xf32, #tpu.memory_space<vmem>>, vector<1x16xf32>,
      %swap3A_891 = vector.shape_cast %swap3A_890 : vector<1x16xf32> to vector<16xf32>
      %swap3A_892 = vector.shape_cast %mul3A_887 : vector<16xf32> to vector<1x16xf32>
      tpu.vector_store %arg15[%swap3A_888, %swap3A_889], %swap3A_892 {strides = array<i32>} : memref<512x64xf32, #tpu.memory_space<vmem>>, vector<1x16xf32>,
      %add3A_893 = arith.addf %mul3A_872, %mul3A_887 : vector<16xf32>
      %get3A_894 = arith.index_cast %add3A_862 : i32 to index
      %get3A_895 = arith.constant 32 : index
      %get3A_896 = tpu.vector_load %arg13[%get3A_894, %get3A_895] {strides = array<i32>} : memref<512x64xf32, #tpu.memory_space<vmem>>, vector<1x16xf32>,
      %get3A_897 = vector.shape_cast %get3A_896 : vector<1x16xf32> to vector<16xf32>
      %mul3A_898 = arith.mulf %get3A_342, %get3A_897 : vector<16xf32>
      %get3A_899 = arith.index_cast %add3A_862 : i32 to index
      %get3A_900 = arith.constant 32 : index
      %get3A_901 = tpu.vector_load %arg14[%get3A_899, %get3A_900] {strides = array<i32>} : memref<512x64xf32, #tpu.memory_space<vmem>>, vector<1x16xf32>,
      %get3A_902 = vector.shape_cast %get3A_901 : vector<1x16xf32> to vector<16xf32>
      %mul3A_903 = arith.mulf %mul3A_898, %get3A_902 : vector<16xf32>
      %swap3A_904 = arith.index_cast %add3A_862 : i32 to index
      %swap3A_905 = arith.constant 32 : index
      %swap3A_906 = tpu.vector_load %arg15[%swap3A_904, %swap3A_905] {strides = array<i32>} : memref<512x64xf32, #tpu.memory_space<vmem>>, vector<1x16xf32>,
      %swap3A_907 = vector.shape_cast %swap3A_906 : vector<1x16xf32> to vector<16xf32>
      %swap3A_908 = vector.shape_cast %mul3A_903 : vector<16xf32> to vector<1x16xf32>
      tpu.vector_store %arg15[%swap3A_904, %swap3A_905], %swap3A_908 {strides = array<i32>} : memref<512x64xf32, #tpu.memory_space<vmem>>, vector<1x16xf32>,
      %add3A_909 = arith.addf %add3A_893, %mul3A_903 : vector<16xf32>
      %get3A_910 = arith.index_cast %add3A_862 : i32 to index
      %get3A_911 = arith.constant 48 : index
      %get3A_912 = tpu.vector_load %arg13[%get3A_910, %get3A_911] {strides = array<i32>} : memref<512x64xf32, #tpu.memory_space<vmem>>, vector<1x16xf32>,
      %get3A_913 = vector.shape_cast %get3A_912 : vector<1x16xf32> to vector<16xf32>
      %mul3A_914 = arith.mulf %get3A_345, %get3A_913 : vector<16xf32>
      %get3A_915 = arith.index_cast %add3A_862 : i32 to index
      %get3A_916 = arith.constant 48 : index
      %get3A_917 = tpu.vector_load %arg14[%get3A_915, %get3A_916] {strides = array<i32>} : memref<512x64xf32, #tpu.memory_space<vmem>>, vector<1x16xf32>,
      %get3A_918 = vector.shape_cast %get3A_917 : vector<1x16xf32> to vector<16xf32>
      %mul3A_919 = arith.mulf %mul3A_914, %get3A_918 : vector<16xf32>
      %swap3A_920 = arith.index_cast %add3A_862 : i32 to index
      %swap3A_921 = arith.constant 48 : index
      %swap3A_922 = tpu.vector_load %arg15[%swap3A_920, %swap3A_921] {strides = array<i32>} : memref<512x64xf32, #tpu.memory_space<vmem>>, vector<1x16xf32>,
      %swap3A_923 = vector.shape_cast %swap3A_922 : vector<1x16xf32> to vector<16xf32>
      %swap3A_924 = vector.shape_cast %mul3A_919 : vector<16xf32> to vector<1x16xf32>
      tpu.vector_store %arg15[%swap3A_920, %swap3A_921], %swap3A_924 {strides = array<i32>} : memref<512x64xf32, #tpu.memory_space<vmem>>, vector<1x16xf32>,
      %add3A_925 = arith.addf %add3A_909, %mul3A_919 : vector<16xf32>
      %xor3A_926 = arith.constant 1 : i32
      %xor3A_927 = vector.broadcast %xor3A_926 : i32 to vector<16xi32>
      %xor3A_928 = arith.xori %iota3A, %xor3A_927 : vector<16xi32>
      %lt3A_929 = arith.constant 0 : i32
      %lt3A_930 = vector.broadcast %lt3A_929 : i32 to vector<16xi32>
      %lt3A_931 = arith.cmpi slt, %xor3A_928, %lt3A_930 : vector<16xi32>
      %add3A_932 = arith.constant 16 : i32
      %add3A_933 = vector.broadcast %add3A_932 : i32 to vector<16xi32>
      %add3A_934 = arith.addi %xor3A_928, %add3A_933 : vector<16xi32>
      %select_n3A_935 = arith.select %lt3A_931, %add3A_934, %xor3A_928 : vector<16xi1>, vector<16xi32>
      %broadcast_in_dim3A_936 = vector.shape_cast %select_n3A_935 : vector<16xi32> to vector<16x1xi32>
      %gather3A_937 = vector.shape_cast %broadcast_in_dim3A_936 : vector<16x1xi32> to vector<16xi32>
      %gather3A_938 = tpu.dynamic_gather %add3A_925[%gather3A_937] in [0] : vector<16xf32>, vector<16xi32> -> vector<16xf32>
      %add3A_939 = arith.addf %add3A_925, %gather3A_938 : vector<16xf32>
      %xor3A_940 = arith.constant 2 : i32
      %xor3A_941 = vector.broadcast %xor3A_940 : i32 to vector<16xi32>
      %xor3A_942 = arith.xori %iota3A, %xor3A_941 : vector<16xi32>
      %lt3A_943 = arith.constant 0 : i32
      %lt3A_944 = vector.broadcast %lt3A_943 : i32 to vector<16xi32>
      %lt3A_945 = arith.cmpi slt, %xor3A_942, %lt3A_944 : vector<16xi32>
      %add3A_946 = arith.constant 16 : i32
      %add3A_947 = vector.broadcast %add3A_946 : i32 to vector<16xi32>
      %add3A_948 = arith.addi %xor3A_942, %add3A_947 : vector<16xi32>
      %select_n3A_949 = arith.select %lt3A_945, %add3A_948, %xor3A_942 : vector<16xi1>, vector<16xi32>
      %broadcast_in_dim3A_950 = vector.shape_cast %select_n3A_949 : vector<16xi32> to vector<16x1xi32>
      %gather3A_951 = vector.shape_cast %broadcast_in_dim3A_950 : vector<16x1xi32> to vector<16xi32>
      %gather3A_952 = tpu.dynamic_gather %add3A_939[%gather3A_951] in [0] : vector<16xf32>, vector<16xi32> -> vector<16xf32>
      %add3A_953 = arith.addf %add3A_939, %gather3A_952 : vector<16xf32>
      %xor3A_954 = arith.constant 4 : i32
      %xor3A_955 = vector.broadcast %xor3A_954 : i32 to vector<16xi32>
      %xor3A_956 = arith.xori %iota3A, %xor3A_955 : vector<16xi32>
      %lt3A_957 = arith.constant 0 : i32
      %lt3A_958 = vector.broadcast %lt3A_957 : i32 to vector<16xi32>
      %lt3A_959 = arith.cmpi slt, %xor3A_956, %lt3A_958 : vector<16xi32>
      %add3A_960 = arith.constant 16 : i32
      %add3A_961 = vector.broadcast %add3A_960 : i32 to vector<16xi32>
      %add3A_962 = arith.addi %xor3A_956, %add3A_961 : vector<16xi32>
      %select_n3A_963 = arith.select %lt3A_959, %add3A_962, %xor3A_956 : vector<16xi1>, vector<16xi32>
      %broadcast_in_dim3A_964 = vector.shape_cast %select_n3A_963 : vector<16xi32> to vector<16x1xi32>
      %gather3A_965 = vector.shape_cast %broadcast_in_dim3A_964 : vector<16x1xi32> to vector<16xi32>
      %gather3A_966 = tpu.dynamic_gather %add3A_953[%gather3A_965] in [0] : vector<16xf32>, vector<16xi32> -> vector<16xf32>
      %add3A_967 = arith.addf %add3A_953, %gather3A_966 : vector<16xf32>
      %xor3A_968 = arith.constant 8 : i32
      %xor3A_969 = vector.broadcast %xor3A_968 : i32 to vector<16xi32>
      %xor3A_970 = arith.xori %iota3A, %xor3A_969 : vector<16xi32>
      %lt3A_971 = arith.constant 0 : i32
      %lt3A_972 = vector.broadcast %lt3A_971 : i32 to vector<16xi32>
      %lt3A_973 = arith.cmpi slt, %xor3A_970, %lt3A_972 : vector<16xi32>
      %add3A_974 = arith.constant 16 : i32
      %add3A_975 = vector.broadcast %add3A_974 : i32 to vector<16xi32>
      %add3A_976 = arith.addi %xor3A_970, %add3A_975 : vector<16xi32>
      %select_n3A_977 = arith.select %lt3A_973, %add3A_976, %xor3A_970 : vector<16xi1>, vector<16xi32>
      %broadcast_in_dim3A_978 = vector.shape_cast %select_n3A_977 : vector<16xi32> to vector<16x1xi32>
      %gather3A_979 = vector.shape_cast %broadcast_in_dim3A_978 : vector<16x1xi32> to vector<16xi32>
      %gather3A_980 = tpu.dynamic_gather %add3A_967[%gather3A_979] in [0] : vector<16xf32>, vector<16xi32> -> vector<16xf32>
      %add3A_981 = arith.addf %add3A_967, %gather3A_980 : vector<16xf32>
      %eq3A_982 = arith.constant 4 : i32
      %eq3A_983 = vector.broadcast %eq3A_982 : i32 to vector<16xi32>
      %eq3A_984 = arith.cmpi eq, %iota3A, %eq3A_983 : vector<16xi32>
      %select_n3A_985 = arith.select %eq3A_984, %add3A_981, %select_n3A_858 : vector<16xi1>, vector<16xf32>
      %mul3A_986 = arith.constant 16 : i32
      %mul3A_987 = arith.muli %add3A_354, %mul3A_986 : i32
      %add3A_988 = arith.constant 5 : i32
      %add3A_989 = arith.addi %mul3A_987, %add3A_988 : i32
      %get3A_990 = arith.index_cast %add3A_989 : i32 to index
      %get3A_991 = arith.constant 0 : index
      %get3A_992 = tpu.vector_load %arg13[%get3A_990, %get3A_991] {strides = array<i32>} : memref<512x64xf32, #tpu.memory_space<vmem>>, vector<1x16xf32>,
      %get3A_993 = vector.shape_cast %get3A_992 : vector<1x16xf32> to vector<16xf32>
      %mul3A_994 = arith.mulf %get3A_336, %get3A_993 : vector<16xf32>
      %get3A_995 = arith.index_cast %add3A_989 : i32 to index
      %get3A_996 = arith.constant 0 : index
      %get3A_997 = tpu.vector_load %arg14[%get3A_995, %get3A_996] {strides = array<i32>} : memref<512x64xf32, #tpu.memory_space<vmem>>, vector<1x16xf32>,
      %get3A_998 = vector.shape_cast %get3A_997 : vector<1x16xf32> to vector<16xf32>
      %mul3A_999 = arith.mulf %mul3A_994, %get3A_998 : vector<16xf32>
      %swap3A_1000 = arith.index_cast %add3A_989 : i32 to index
      %swap3A_1001 = arith.constant 0 : index
      %swap3A_1002 = tpu.vector_load %arg15[%swap3A_1000, %swap3A_1001] {strides = array<i32>} : memref<512x64xf32, #tpu.memory_space<vmem>>, vector<1x16xf32>,
      %swap3A_1003 = vector.shape_cast %swap3A_1002 : vector<1x16xf32> to vector<16xf32>
      %swap3A_1004 = vector.shape_cast %mul3A_999 : vector<16xf32> to vector<1x16xf32>
      tpu.vector_store %arg15[%swap3A_1000, %swap3A_1001], %swap3A_1004 {strides = array<i32>} : memref<512x64xf32, #tpu.memory_space<vmem>>, vector<1x16xf32>,
      %get3A_1005 = arith.index_cast %add3A_989 : i32 to index
      %get3A_1006 = arith.constant 16 : index
      %get3A_1007 = tpu.vector_load %arg13[%get3A_1005, %get3A_1006] {strides = array<i32>} : memref<512x64xf32, #tpu.memory_space<vmem>>, vector<1x16xf32>,
      %get3A_1008 = vector.shape_cast %get3A_1007 : vector<1x16xf32> to vector<16xf32>
      %mul3A_1009 = arith.mulf %get3A_339, %get3A_1008 : vector<16xf32>
      %get3A_1010 = arith.index_cast %add3A_989 : i32 to index
      %get3A_1011 = arith.constant 16 : index
      %get3A_1012 = tpu.vector_load %arg14[%get3A_1010, %get3A_1011] {strides = array<i32>} : memref<512x64xf32, #tpu.memory_space<vmem>>, vector<1x16xf32>,
      %get3A_1013 = vector.shape_cast %get3A_1012 : vector<1x16xf32> to vector<16xf32>
      %mul3A_1014 = arith.mulf %mul3A_1009, %get3A_1013 : vector<16xf32>
      %swap3A_1015 = arith.index_cast %add3A_989 : i32 to index
      %swap3A_1016 = arith.constant 16 : index
      %swap3A_1017 = tpu.vector_load %arg15[%swap3A_1015, %swap3A_1016] {strides = array<i32>} : memref<512x64xf32, #tpu.memory_space<vmem>>, vector<1x16xf32>,
      %swap3A_1018 = vector.shape_cast %swap3A_1017 : vector<1x16xf32> to vector<16xf32>
      %swap3A_1019 = vector.shape_cast %mul3A_1014 : vector<16xf32> to vector<1x16xf32>
      tpu.vector_store %arg15[%swap3A_1015, %swap3A_1016], %swap3A_1019 {strides = array<i32>} : memref<512x64xf32, #tpu.memory_space<vmem>>, vector<1x16xf32>,
      %add3A_1020 = arith.addf %mul3A_999, %mul3A_1014 : vector<16xf32>
      %get3A_1021 = arith.index_cast %add3A_989 : i32 to index
      %get3A_1022 = arith.constant 32 : index
      %get3A_1023 = tpu.vector_load %arg13[%get3A_1021, %get3A_1022] {strides = array<i32>} : memref<512x64xf32, #tpu.memory_space<vmem>>, vector<1x16xf32>,
      %get3A_1024 = vector.shape_cast %get3A_1023 : vector<1x16xf32> to vector<16xf32>
      %mul3A_1025 = arith.mulf %get3A_342, %get3A_1024 : vector<16xf32>
      %get3A_1026 = arith.index_cast %add3A_989 : i32 to index
      %get3A_1027 = arith.constant 32 : index
      %get3A_1028 = tpu.vector_load %arg14[%get3A_1026, %get3A_1027] {strides = array<i32>} : memref<512x64xf32, #tpu.memory_space<vmem>>, vector<1x16xf32>,
      %get3A_1029 = vector.shape_cast %get3A_1028 : vector<1x16xf32> to vector<16xf32>
      %mul3A_1030 = arith.mulf %mul3A_1025, %get3A_1029 : vector<16xf32>
      %swap3A_1031 = arith.index_cast %add3A_989 : i32 to index
      %swap3A_1032 = arith.constant 32 : index
      %swap3A_1033 = tpu.vector_load %arg15[%swap3A_1031, %swap3A_1032] {strides = array<i32>} : memref<512x64xf32, #tpu.memory_space<vmem>>, vector<1x16xf32>,
      %swap3A_1034 = vector.shape_cast %swap3A_1033 : vector<1x16xf32> to vector<16xf32>
      %swap3A_1035 = vector.shape_cast %mul3A_1030 : vector<16xf32> to vector<1x16xf32>
      tpu.vector_store %arg15[%swap3A_1031, %swap3A_1032], %swap3A_1035 {strides = array<i32>} : memref<512x64xf32, #tpu.memory_space<vmem>>, vector<1x16xf32>,
      %add3A_1036 = arith.addf %add3A_1020, %mul3A_1030 : vector<16xf32>
      %get3A_1037 = arith.index_cast %add3A_989 : i32 to index
      %get3A_1038 = arith.constant 48 : index
      %get3A_1039 = tpu.vector_load %arg13[%get3A_1037, %get3A_1038] {strides = array<i32>} : memref<512x64xf32, #tpu.memory_space<vmem>>, vector<1x16xf32>,
      %get3A_1040 = vector.shape_cast %get3A_1039 : vector<1x16xf32> to vector<16xf32>
      %mul3A_1041 = arith.mulf %get3A_345, %get3A_1040 : vector<16xf32>
      %get3A_1042 = arith.index_cast %add3A_989 : i32 to index
      %get3A_1043 = arith.constant 48 : index
      %get3A_1044 = tpu.vector_load %arg14[%get3A_1042, %get3A_1043] {strides = array<i32>} : memref<512x64xf32, #tpu.memory_space<vmem>>, vector<1x16xf32>,
      %get3A_1045 = vector.shape_cast %get3A_1044 : vector<1x16xf32> to vector<16xf32>
      %mul3A_1046 = arith.mulf %mul3A_1041, %get3A_1045 : vector<16xf32>
      %swap3A_1047 = arith.index_cast %add3A_989 : i32 to index
      %swap3A_1048 = arith.constant 48 : index
      %swap3A_1049 = tpu.vector_load %arg15[%swap3A_1047, %swap3A_1048] {strides = array<i32>} : memref<512x64xf32, #tpu.memory_space<vmem>>, vector<1x16xf32>,
      %swap3A_1050 = vector.shape_cast %swap3A_1049 : vector<1x16xf32> to vector<16xf32>
      %swap3A_1051 = vector.shape_cast %mul3A_1046 : vector<16xf32> to vector<1x16xf32>
      tpu.vector_store %arg15[%swap3A_1047, %swap3A_1048], %swap3A_1051 {strides = array<i32>} : memref<512x64xf32, #tpu.memory_space<vmem>>, vector<1x16xf32>,
      %add3A_1052 = arith.addf %add3A_1036, %mul3A_1046 : vector<16xf32>
      %xor3A_1053 = arith.constant 1 : i32
      %xor3A_1054 = vector.broadcast %xor3A_1053 : i32 to vector<16xi32>
      %xor3A_1055 = arith.xori %iota3A, %xor3A_1054 : vector<16xi32>
      %lt3A_1056 = arith.constant 0 : i32
      %lt3A_1057 = vector.broadcast %lt3A_1056 : i32 to vector<16xi32>
      %lt3A_1058 = arith.cmpi slt, %xor3A_1055, %lt3A_1057 : vector<16xi32>
      %add3A_1059 = arith.constant 16 : i32
      %add3A_1060 = vector.broadcast %add3A_1059 : i32 to vector<16xi32>
      %add3A_1061 = arith.addi %xor3A_1055, %add3A_1060 : vector<16xi32>
      %select_n3A_1062 = arith.select %lt3A_1058, %add3A_1061, %xor3A_1055 : vector<16xi1>, vector<16xi32>
      %broadcast_in_dim3A_1063 = vector.shape_cast %select_n3A_1062 : vector<16xi32> to vector<16x1xi32>
      %gather3A_1064 = vector.shape_cast %broadcast_in_dim3A_1063 : vector<16x1xi32> to vector<16xi32>
      %gather3A_1065 = tpu.dynamic_gather %add3A_1052[%gather3A_1064] in [0] : vector<16xf32>, vector<16xi32> -> vector<16xf32>
      %add3A_1066 = arith.addf %add3A_1052, %gather3A_1065 : vector<16xf32>
      %xor3A_1067 = arith.constant 2 : i32
      %xor3A_1068 = vector.broadcast %xor3A_1067 : i32 to vector<16xi32>
      %xor3A_1069 = arith.xori %iota3A, %xor3A_1068 : vector<16xi32>
      %lt3A_1070 = arith.constant 0 : i32
      %lt3A_1071 = vector.broadcast %lt3A_1070 : i32 to vector<16xi32>
      %lt3A_1072 = arith.cmpi slt, %xor3A_1069, %lt3A_1071 : vector<16xi32>
      %add3A_1073 = arith.constant 16 : i32
      %add3A_1074 = vector.broadcast %add3A_1073 : i32 to vector<16xi32>
      %add3A_1075 = arith.addi %xor3A_1069, %add3A_1074 : vector<16xi32>
      %select_n3A_1076 = arith.select %lt3A_1072, %add3A_1075, %xor3A_1069 : vector<16xi1>, vector<16xi32>
      %broadcast_in_dim3A_1077 = vector.shape_cast %select_n3A_1076 : vector<16xi32> to vector<16x1xi32>
      %gather3A_1078 = vector.shape_cast %broadcast_in_dim3A_1077 : vector<16x1xi32> to vector<16xi32>
      %gather3A_1079 = tpu.dynamic_gather %add3A_1066[%gather3A_1078] in [0] : vector<16xf32>, vector<16xi32> -> vector<16xf32>
      %add3A_1080 = arith.addf %add3A_1066, %gather3A_1079 : vector<16xf32>
      %xor3A_1081 = arith.constant 4 : i32
      %xor3A_1082 = vector.broadcast %xor3A_1081 : i32 to vector<16xi32>
      %xor3A_1083 = arith.xori %iota3A, %xor3A_1082 : vector<16xi32>
      %lt3A_1084 = arith.constant 0 : i32
      %lt3A_1085 = vector.broadcast %lt3A_1084 : i32 to vector<16xi32>
      %lt3A_1086 = arith.cmpi slt, %xor3A_1083, %lt3A_1085 : vector<16xi32>
      %add3A_1087 = arith.constant 16 : i32
      %add3A_1088 = vector.broadcast %add3A_1087 : i32 to vector<16xi32>
      %add3A_1089 = arith.addi %xor3A_1083, %add3A_1088 : vector<16xi32>
      %select_n3A_1090 = arith.select %lt3A_1086, %add3A_1089, %xor3A_1083 : vector<16xi1>, vector<16xi32>
      %broadcast_in_dim3A_1091 = vector.shape_cast %select_n3A_1090 : vector<16xi32> to vector<16x1xi32>
      %gather3A_1092 = vector.shape_cast %broadcast_in_dim3A_1091 : vector<16x1xi32> to vector<16xi32>
      %gather3A_1093 = tpu.dynamic_gather %add3A_1080[%gather3A_1092] in [0] : vector<16xf32>, vector<16xi32> -> vector<16xf32>
      %add3A_1094 = arith.addf %add3A_1080, %gather3A_1093 : vector<16xf32>
      %xor3A_1095 = arith.constant 8 : i32
      %xor3A_1096 = vector.broadcast %xor3A_1095 : i32 to vector<16xi32>
      %xor3A_1097 = arith.xori %iota3A, %xor3A_1096 : vector<16xi32>
      %lt3A_1098 = arith.constant 0 : i32
      %lt3A_1099 = vector.broadcast %lt3A_1098 : i32 to vector<16xi32>
      %lt3A_1100 = arith.cmpi slt, %xor3A_1097, %lt3A_1099 : vector<16xi32>
      %add3A_1101 = arith.constant 16 : i32
      %add3A_1102 = vector.broadcast %add3A_1101 : i32 to vector<16xi32>
      %add3A_1103 = arith.addi %xor3A_1097, %add3A_1102 : vector<16xi32>
      %select_n3A_1104 = arith.select %lt3A_1100, %add3A_1103, %xor3A_1097 : vector<16xi1>, vector<16xi32>
      %broadcast_in_dim3A_1105 = vector.shape_cast %select_n3A_1104 : vector<16xi32> to vector<16x1xi32>
      %gather3A_1106 = vector.shape_cast %broadcast_in_dim3A_1105 : vector<16x1xi32> to vector<16xi32>
      %gather3A_1107 = tpu.dynamic_gather %add3A_1094[%gather3A_1106] in [0] : vector<16xf32>, vector<16xi32> -> vector<16xf32>
      %add3A_1108 = arith.addf %add3A_1094, %gather3A_1107 : vector<16xf32>
      %eq3A_1109 = arith.constant 5 : i32
      %eq3A_1110 = vector.broadcast %eq3A_1109 : i32 to vector<16xi32>
      %eq3A_1111 = arith.cmpi eq, %iota3A, %eq3A_1110 : vector<16xi32>
      %select_n3A_1112 = arith.select %eq3A_1111, %add3A_1108, %select_n3A_985 : vector<16xi1>, vector<16xf32>
      %mul3A_1113 = arith.constant 16 : i32
      %mul3A_1114 = arith.muli %add3A_354, %mul3A_1113 : i32
      %add3A_1115 = arith.constant 6 : i32
      %add3A_1116 = arith.addi %mul3A_1114, %add3A_1115 : i32
      %get3A_1117 = arith.index_cast %add3A_1116 : i32 to index
      %get3A_1118 = arith.constant 0 : index
      %get3A_1119 = tpu.vector_load %arg13[%get3A_1117, %get3A_1118] {strides = array<i32>} : memref<512x64xf32, #tpu.memory_space<vmem>>, vector<1x16xf32>,
      %get3A_1120 = vector.shape_cast %get3A_1119 : vector<1x16xf32> to vector<16xf32>
      %mul3A_1121 = arith.mulf %get3A_336, %get3A_1120 : vector<16xf32>
      %get3A_1122 = arith.index_cast %add3A_1116 : i32 to index
      %get3A_1123 = arith.constant 0 : index
      %get3A_1124 = tpu.vector_load %arg14[%get3A_1122, %get3A_1123] {strides = array<i32>} : memref<512x64xf32, #tpu.memory_space<vmem>>, vector<1x16xf32>,
      %get3A_1125 = vector.shape_cast %get3A_1124 : vector<1x16xf32> to vector<16xf32>
      %mul3A_1126 = arith.mulf %mul3A_1121, %get3A_1125 : vector<16xf32>
      %swap3A_1127 = arith.index_cast %add3A_1116 : i32 to index
      %swap3A_1128 = arith.constant 0 : index
      %swap3A_1129 = tpu.vector_load %arg15[%swap3A_1127, %swap3A_1128] {strides = array<i32>} : memref<512x64xf32, #tpu.memory_space<vmem>>, vector<1x16xf32>,
      %swap3A_1130 = vector.shape_cast %swap3A_1129 : vector<1x16xf32> to vector<16xf32>
      %swap3A_1131 = vector.shape_cast %mul3A_1126 : vector<16xf32> to vector<1x16xf32>
      tpu.vector_store %arg15[%swap3A_1127, %swap3A_1128], %swap3A_1131 {strides = array<i32>} : memref<512x64xf32, #tpu.memory_space<vmem>>, vector<1x16xf32>,
      %get3A_1132 = arith.index_cast %add3A_1116 : i32 to index
      %get3A_1133 = arith.constant 16 : index
      %get3A_1134 = tpu.vector_load %arg13[%get3A_1132, %get3A_1133] {strides = array<i32>} : memref<512x64xf32, #tpu.memory_space<vmem>>, vector<1x16xf32>,
      %get3A_1135 = vector.shape_cast %get3A_1134 : vector<1x16xf32> to vector<16xf32>
      %mul3A_1136 = arith.mulf %get3A_339, %get3A_1135 : vector<16xf32>
      %get3A_1137 = arith.index_cast %add3A_1116 : i32 to index
      %get3A_1138 = arith.constant 16 : index
      %get3A_1139 = tpu.vector_load %arg14[%get3A_1137, %get3A_1138] {strides = array<i32>} : memref<512x64xf32, #tpu.memory_space<vmem>>, vector<1x16xf32>,
      %get3A_1140 = vector.shape_cast %get3A_1139 : vector<1x16xf32> to vector<16xf32>
      %mul3A_1141 = arith.mulf %mul3A_1136, %get3A_1140 : vector<16xf32>
      %swap3A_1142 = arith.index_cast %add3A_1116 : i32 to index
      %swap3A_1143 = arith.constant 16 : index
      %swap3A_1144 = tpu.vector_load %arg15[%swap3A_1142, %swap3A_1143] {strides = array<i32>} : memref<512x64xf32, #tpu.memory_space<vmem>>, vector<1x16xf32>,
      %swap3A_1145 = vector.shape_cast %swap3A_1144 : vector<1x16xf32> to vector<16xf32>
      %swap3A_1146 = vector.shape_cast %mul3A_1141 : vector<16xf32> to vector<1x16xf32>
      tpu.vector_store %arg15[%swap3A_1142, %swap3A_1143], %swap3A_1146 {strides = array<i32>} : memref<512x64xf32, #tpu.memory_space<vmem>>, vector<1x16xf32>,
      %add3A_1147 = arith.addf %mul3A_1126, %mul3A_1141 : vector<16xf32>
      %get3A_1148 = arith.index_cast %add3A_1116 : i32 to index
      %get3A_1149 = arith.constant 32 : index
      %get3A_1150 = tpu.vector_load %arg13[%get3A_1148, %get3A_1149] {strides = array<i32>} : memref<512x64xf32, #tpu.memory_space<vmem>>, vector<1x16xf32>,
      %get3A_1151 = vector.shape_cast %get3A_1150 : vector<1x16xf32> to vector<16xf32>
      %mul3A_1152 = arith.mulf %get3A_342, %get3A_1151 : vector<16xf32>
      %get3A_1153 = arith.index_cast %add3A_1116 : i32 to index
      %get3A_1154 = arith.constant 32 : index
      %get3A_1155 = tpu.vector_load %arg14[%get3A_1153, %get3A_1154] {strides = array<i32>} : memref<512x64xf32, #tpu.memory_space<vmem>>, vector<1x16xf32>,
      %get3A_1156 = vector.shape_cast %get3A_1155 : vector<1x16xf32> to vector<16xf32>
      %mul3A_1157 = arith.mulf %mul3A_1152, %get3A_1156 : vector<16xf32>
      %swap3A_1158 = arith.index_cast %add3A_1116 : i32 to index
      %swap3A_1159 = arith.constant 32 : index
      %swap3A_1160 = tpu.vector_load %arg15[%swap3A_1158, %swap3A_1159] {strides = array<i32>} : memref<512x64xf32, #tpu.memory_space<vmem>>, vector<1x16xf32>,
      %swap3A_1161 = vector.shape_cast %swap3A_1160 : vector<1x16xf32> to vector<16xf32>
      %swap3A_1162 = vector.shape_cast %mul3A_1157 : vector<16xf32> to vector<1x16xf32>
      tpu.vector_store %arg15[%swap3A_1158, %swap3A_1159], %swap3A_1162 {strides = array<i32>} : memref<512x64xf32, #tpu.memory_space<vmem>>, vector<1x16xf32>,
      %add3A_1163 = arith.addf %add3A_1147, %mul3A_1157 : vector<16xf32>
      %get3A_1164 = arith.index_cast %add3A_1116 : i32 to index
      %get3A_1165 = arith.constant 48 : index
      %get3A_1166 = tpu.vector_load %arg13[%get3A_1164, %get3A_1165] {strides = array<i32>} : memref<512x64xf32, #tpu.memory_space<vmem>>, vector<1x16xf32>,
      %get3A_1167 = vector.shape_cast %get3A_1166 : vector<1x16xf32> to vector<16xf32>
      %mul3A_1168 = arith.mulf %get3A_345, %get3A_1167 : vector<16xf32>
      %get3A_1169 = arith.index_cast %add3A_1116 : i32 to index
      %get3A_1170 = arith.constant 48 : index
      %get3A_1171 = tpu.vector_load %arg14[%get3A_1169, %get3A_1170] {strides = array<i32>} : memref<512x64xf32, #tpu.memory_space<vmem>>, vector<1x16xf32>,
      %get3A_1172 = vector.shape_cast %get3A_1171 : vector<1x16xf32> to vector<16xf32>
      %mul3A_1173 = arith.mulf %mul3A_1168, %get3A_1172 : vector<16xf32>
      %swap3A_1174 = arith.index_cast %add3A_1116 : i32 to index
      %swap3A_1175 = arith.constant 48 : index
      %swap3A_1176 = tpu.vector_load %arg15[%swap3A_1174, %swap3A_1175] {strides = array<i32>} : memref<512x64xf32, #tpu.memory_space<vmem>>, vector<1x16xf32>,
      %swap3A_1177 = vector.shape_cast %swap3A_1176 : vector<1x16xf32> to vector<16xf32>
      %swap3A_1178 = vector.shape_cast %mul3A_1173 : vector<16xf32> to vector<1x16xf32>
      tpu.vector_store %arg15[%swap3A_1174, %swap3A_1175], %swap3A_1178 {strides = array<i32>} : memref<512x64xf32, #tpu.memory_space<vmem>>, vector<1x16xf32>,
      %add3A_1179 = arith.addf %add3A_1163, %mul3A_1173 : vector<16xf32>
      %xor3A_1180 = arith.constant 1 : i32
      %xor3A_1181 = vector.broadcast %xor3A_1180 : i32 to vector<16xi32>
      %xor3A_1182 = arith.xori %iota3A, %xor3A_1181 : vector<16xi32>
      %lt3A_1183 = arith.constant 0 : i32
      %lt3A_1184 = vector.broadcast %lt3A_1183 : i32 to vector<16xi32>
      %lt3A_1185 = arith.cmpi slt, %xor3A_1182, %lt3A_1184 : vector<16xi32>
      %add3A_1186 = arith.constant 16 : i32
      %add3A_1187 = vector.broadcast %add3A_1186 : i32 to vector<16xi32>
      %add3A_1188 = arith.addi %xor3A_1182, %add3A_1187 : vector<16xi32>
      %select_n3A_1189 = arith.select %lt3A_1185, %add3A_1188, %xor3A_1182 : vector<16xi1>, vector<16xi32>
      %broadcast_in_dim3A_1190 = vector.shape_cast %select_n3A_1189 : vector<16xi32> to vector<16x1xi32>
      %gather3A_1191 = vector.shape_cast %broadcast_in_dim3A_1190 : vector<16x1xi32> to vector<16xi32>
      %gather3A_1192 = tpu.dynamic_gather %add3A_1179[%gather3A_1191] in [0] : vector<16xf32>, vector<16xi32> -> vector<16xf32>
      %add3A_1193 = arith.addf %add3A_1179, %gather3A_1192 : vector<16xf32>
      %xor3A_1194 = arith.constant 2 : i32
      %xor3A_1195 = vector.broadcast %xor3A_1194 : i32 to vector<16xi32>
      %xor3A_1196 = arith.xori %iota3A, %xor3A_1195 : vector<16xi32>
      %lt3A_1197 = arith.constant 0 : i32
      %lt3A_1198 = vector.broadcast %lt3A_1197 : i32 to vector<16xi32>
      %lt3A_1199 = arith.cmpi slt, %xor3A_1196, %lt3A_1198 : vector<16xi32>
      %add3A_1200 = arith.constant 16 : i32
      %add3A_1201 = vector.broadcast %add3A_1200 : i32 to vector<16xi32>
      %add3A_1202 = arith.addi %xor3A_1196, %add3A_1201 : vector<16xi32>
      %select_n3A_1203 = arith.select %lt3A_1199, %add3A_1202, %xor3A_1196 : vector<16xi1>, vector<16xi32>
      %broadcast_in_dim3A_1204 = vector.shape_cast %select_n3A_1203 : vector<16xi32> to vector<16x1xi32>
      %gather3A_1205 = vector.shape_cast %broadcast_in_dim3A_1204 : vector<16x1xi32> to vector<16xi32>
      %gather3A_1206 = tpu.dynamic_gather %add3A_1193[%gather3A_1205] in [0] : vector<16xf32>, vector<16xi32> -> vector<16xf32>
      %add3A_1207 = arith.addf %add3A_1193, %gather3A_1206 : vector<16xf32>
      %xor3A_1208 = arith.constant 4 : i32
      %xor3A_1209 = vector.broadcast %xor3A_1208 : i32 to vector<16xi32>
      %xor3A_1210 = arith.xori %iota3A, %xor3A_1209 : vector<16xi32>
      %lt3A_1211 = arith.constant 0 : i32
      %lt3A_1212 = vector.broadcast %lt3A_1211 : i32 to vector<16xi32>
      %lt3A_1213 = arith.cmpi slt, %xor3A_1210, %lt3A_1212 : vector<16xi32>
      %add3A_1214 = arith.constant 16 : i32
      %add3A_1215 = vector.broadcast %add3A_1214 : i32 to vector<16xi32>
      %add3A_1216 = arith.addi %xor3A_1210, %add3A_1215 : vector<16xi32>
      %select_n3A_1217 = arith.select %lt3A_1213, %add3A_1216, %xor3A_1210 : vector<16xi1>, vector<16xi32>
      %broadcast_in_dim3A_1218 = vector.shape_cast %select_n3A_1217 : vector<16xi32> to vector<16x1xi32>
      %gather3A_1219 = vector.shape_cast %broadcast_in_dim3A_1218 : vector<16x1xi32> to vector<16xi32>
      %gather3A_1220 = tpu.dynamic_gather %add3A_1207[%gather3A_1219] in [0] : vector<16xf32>, vector<16xi32> -> vector<16xf32>
      %add3A_1221 = arith.addf %add3A_1207, %gather3A_1220 : vector<16xf32>
      %xor3A_1222 = arith.constant 8 : i32
      %xor3A_1223 = vector.broadcast %xor3A_1222 : i32 to vector<16xi32>
      %xor3A_1224 = arith.xori %iota3A, %xor3A_1223 : vector<16xi32>
      %lt3A_1225 = arith.constant 0 : i32
      %lt3A_1226 = vector.broadcast %lt3A_1225 : i32 to vector<16xi32>
      %lt3A_1227 = arith.cmpi slt, %xor3A_1224, %lt3A_1226 : vector<16xi32>
      %add3A_1228 = arith.constant 16 : i32
      %add3A_1229 = vector.broadcast %add3A_1228 : i32 to vector<16xi32>
      %add3A_1230 = arith.addi %xor3A_1224, %add3A_1229 : vector<16xi32>
      %select_n3A_1231 = arith.select %lt3A_1227, %add3A_1230, %xor3A_1224 : vector<16xi1>, vector<16xi32>
      %broadcast_in_dim3A_1232 = vector.shape_cast %select_n3A_1231 : vector<16xi32> to vector<16x1xi32>
      %gather3A_1233 = vector.shape_cast %broadcast_in_dim3A_1232 : vector<16x1xi32> to vector<16xi32>
      %gather3A_1234 = tpu.dynamic_gather %add3A_1221[%gather3A_1233] in [0] : vector<16xf32>, vector<16xi32> -> vector<16xf32>
      %add3A_1235 = arith.addf %add3A_1221, %gather3A_1234 : vector<16xf32>
      %eq3A_1236 = arith.constant 6 : i32
      %eq3A_1237 = vector.broadcast %eq3A_1236 : i32 to vector<16xi32>
      %eq3A_1238 = arith.cmpi eq, %iota3A, %eq3A_1237 : vector<16xi32>
      %select_n3A_1239 = arith.select %eq3A_1238, %add3A_1235, %select_n3A_1112 : vector<16xi1>, vector<16xf32>
      %mul3A_1240 = arith.constant 16 : i32
      %mul3A_1241 = arith.muli %add3A_354, %mul3A_1240 : i32
      %add3A_1242 = arith.constant 7 : i32
      %add3A_1243 = arith.addi %mul3A_1241, %add3A_1242 : i32
      %get3A_1244 = arith.index_cast %add3A_1243 : i32 to index
      %get3A_1245 = arith.constant 0 : index
      %get3A_1246 = tpu.vector_load %arg13[%get3A_1244, %get3A_1245] {strides = array<i32>} : memref<512x64xf32, #tpu.memory_space<vmem>>, vector<1x16xf32>,
      %get3A_1247 = vector.shape_cast %get3A_1246 : vector<1x16xf32> to vector<16xf32>
      %mul3A_1248 = arith.mulf %get3A_336, %get3A_1247 : vector<16xf32>
      %get3A_1249 = arith.index_cast %add3A_1243 : i32 to index
      %get3A_1250 = arith.constant 0 : index
      %get3A_1251 = tpu.vector_load %arg14[%get3A_1249, %get3A_1250] {strides = array<i32>} : memref<512x64xf32, #tpu.memory_space<vmem>>, vector<1x16xf32>,
      %get3A_1252 = vector.shape_cast %get3A_1251 : vector<1x16xf32> to vector<16xf32>
      %mul3A_1253 = arith.mulf %mul3A_1248, %get3A_1252 : vector<16xf32>
      %swap3A_1254 = arith.index_cast %add3A_1243 : i32 to index
      %swap3A_1255 = arith.constant 0 : index
      %swap3A_1256 = tpu.vector_load %arg15[%swap3A_1254, %swap3A_1255] {strides = array<i32>} : memref<512x64xf32, #tpu.memory_space<vmem>>, vector<1x16xf32>,
      %swap3A_1257 = vector.shape_cast %swap3A_1256 : vector<1x16xf32> to vector<16xf32>
      %swap3A_1258 = vector.shape_cast %mul3A_1253 : vector<16xf32> to vector<1x16xf32>
      tpu.vector_store %arg15[%swap3A_1254, %swap3A_1255], %swap3A_1258 {strides = array<i32>} : memref<512x64xf32, #tpu.memory_space<vmem>>, vector<1x16xf32>,
      %get3A_1259 = arith.index_cast %add3A_1243 : i32 to index
      %get3A_1260 = arith.constant 16 : index
      %get3A_1261 = tpu.vector_load %arg13[%get3A_1259, %get3A_1260] {strides = array<i32>} : memref<512x64xf32, #tpu.memory_space<vmem>>, vector<1x16xf32>,
      %get3A_1262 = vector.shape_cast %get3A_1261 : vector<1x16xf32> to vector<16xf32>
      %mul3A_1263 = arith.mulf %get3A_339, %get3A_1262 : vector<16xf32>
      %get3A_1264 = arith.index_cast %add3A_1243 : i32 to index
      %get3A_1265 = arith.constant 16 : index
      %get3A_1266 = tpu.vector_load %arg14[%get3A_1264, %get3A_1265] {strides = array<i32>} : memref<512x64xf32, #tpu.memory_space<vmem>>, vector<1x16xf32>,
      %get3A_1267 = vector.shape_cast %get3A_1266 : vector<1x16xf32> to vector<16xf32>
      %mul3A_1268 = arith.mulf %mul3A_1263, %get3A_1267 : vector<16xf32>
      %swap3A_1269 = arith.index_cast %add3A_1243 : i32 to index
      %swap3A_1270 = arith.constant 16 : index
      %swap3A_1271 = tpu.vector_load %arg15[%swap3A_1269, %swap3A_1270] {strides = array<i32>} : memref<512x64xf32, #tpu.memory_space<vmem>>, vector<1x16xf32>,
      %swap3A_1272 = vector.shape_cast %swap3A_1271 : vector<1x16xf32> to vector<16xf32>
      %swap3A_1273 = vector.shape_cast %mul3A_1268 : vector<16xf32> to vector<1x16xf32>
      tpu.vector_store %arg15[%swap3A_1269, %swap3A_1270], %swap3A_1273 {strides = array<i32>} : memref<512x64xf32, #tpu.memory_space<vmem>>, vector<1x16xf32>,
      %add3A_1274 = arith.addf %mul3A_1253, %mul3A_1268 : vector<16xf32>
      %get3A_1275 = arith.index_cast %add3A_1243 : i32 to index
      %get3A_1276 = arith.constant 32 : index
      %get3A_1277 = tpu.vector_load %arg13[%get3A_1275, %get3A_1276] {strides = array<i32>} : memref<512x64xf32, #tpu.memory_space<vmem>>, vector<1x16xf32>,
      %get3A_1278 = vector.shape_cast %get3A_1277 : vector<1x16xf32> to vector<16xf32>
      %mul3A_1279 = arith.mulf %get3A_342, %get3A_1278 : vector<16xf32>
      %get3A_1280 = arith.index_cast %add3A_1243 : i32 to index
      %get3A_1281 = arith.constant 32 : index
      %get3A_1282 = tpu.vector_load %arg14[%get3A_1280, %get3A_1281] {strides = array<i32>} : memref<512x64xf32, #tpu.memory_space<vmem>>, vector<1x16xf32>,
      %get3A_1283 = vector.shape_cast %get3A_1282 : vector<1x16xf32> to vector<16xf32>
      %mul3A_1284 = arith.mulf %mul3A_1279, %get3A_1283 : vector<16xf32>
      %swap3A_1285 = arith.index_cast %add3A_1243 : i32 to index
      %swap3A_1286 = arith.constant 32 : index
      %swap3A_1287 = tpu.vector_load %arg15[%swap3A_1285, %swap3A_1286] {strides = array<i32>} : memref<512x64xf32, #tpu.memory_space<vmem>>, vector<1x16xf32>,
      %swap3A_1288 = vector.shape_cast %swap3A_1287 : vector<1x16xf32> to vector<16xf32>
      %swap3A_1289 = vector.shape_cast %mul3A_1284 : vector<16xf32> to vector<1x16xf32>
      tpu.vector_store %arg15[%swap3A_1285, %swap3A_1286], %swap3A_1289 {strides = array<i32>} : memref<512x64xf32, #tpu.memory_space<vmem>>, vector<1x16xf32>,
      %add3A_1290 = arith.addf %add3A_1274, %mul3A_1284 : vector<16xf32>
      %get3A_1291 = arith.index_cast %add3A_1243 : i32 to index
      %get3A_1292 = arith.constant 48 : index
      %get3A_1293 = tpu.vector_load %arg13[%get3A_1291, %get3A_1292] {strides = array<i32>} : memref<512x64xf32, #tpu.memory_space<vmem>>, vector<1x16xf32>,
      %get3A_1294 = vector.shape_cast %get3A_1293 : vector<1x16xf32> to vector<16xf32>
      %mul3A_1295 = arith.mulf %get3A_345, %get3A_1294 : vector<16xf32>
      %get3A_1296 = arith.index_cast %add3A_1243 : i32 to index
      %get3A_1297 = arith.constant 48 : index
      %get3A_1298 = tpu.vector_load %arg14[%get3A_1296, %get3A_1297] {strides = array<i32>} : memref<512x64xf32, #tpu.memory_space<vmem>>, vector<1x16xf32>,
      %get3A_1299 = vector.shape_cast %get3A_1298 : vector<1x16xf32> to vector<16xf32>
      %mul3A_1300 = arith.mulf %mul3A_1295, %get3A_1299 : vector<16xf32>
      %swap3A_1301 = arith.index_cast %add3A_1243 : i32 to index
      %swap3A_1302 = arith.constant 48 : index
      %swap3A_1303 = tpu.vector_load %arg15[%swap3A_1301, %swap3A_1302] {strides = array<i32>} : memref<512x64xf32, #tpu.memory_space<vmem>>, vector<1x16xf32>,
      %swap3A_1304 = vector.shape_cast %swap3A_1303 : vector<1x16xf32> to vector<16xf32>
      %swap3A_1305 = vector.shape_cast %mul3A_1300 : vector<16xf32> to vector<1x16xf32>
      tpu.vector_store %arg15[%swap3A_1301, %swap3A_1302], %swap3A_1305 {strides = array<i32>} : memref<512x64xf32, #tpu.memory_space<vmem>>, vector<1x16xf32>,
      %add3A_1306 = arith.addf %add3A_1290, %mul3A_1300 : vector<16xf32>
      %xor3A_1307 = arith.constant 1 : i32
      %xor3A_1308 = vector.broadcast %xor3A_1307 : i32 to vector<16xi32>
      %xor3A_1309 = arith.xori %iota3A, %xor3A_1308 : vector<16xi32>
      %lt3A_1310 = arith.constant 0 : i32
      %lt3A_1311 = vector.broadcast %lt3A_1310 : i32 to vector<16xi32>
      %lt3A_1312 = arith.cmpi slt, %xor3A_1309, %lt3A_1311 : vector<16xi32>
      %add3A_1313 = arith.constant 16 : i32
      %add3A_1314 = vector.broadcast %add3A_1313 : i32 to vector<16xi32>
      %add3A_1315 = arith.addi %xor3A_1309, %add3A_1314 : vector<16xi32>
      %select_n3A_1316 = arith.select %lt3A_1312, %add3A_1315, %xor3A_1309 : vector<16xi1>, vector<16xi32>
      %broadcast_in_dim3A_1317 = vector.shape_cast %select_n3A_1316 : vector<16xi32> to vector<16x1xi32>
      %gather3A_1318 = vector.shape_cast %broadcast_in_dim3A_1317 : vector<16x1xi32> to vector<16xi32>
      %gather3A_1319 = tpu.dynamic_gather %add3A_1306[%gather3A_1318] in [0] : vector<16xf32>, vector<16xi32> -> vector<16xf32>
      %add3A_1320 = arith.addf %add3A_1306, %gather3A_1319 : vector<16xf32>
      %xor3A_1321 = arith.constant 2 : i32
      %xor3A_1322 = vector.broadcast %xor3A_1321 : i32 to vector<16xi32>
      %xor3A_1323 = arith.xori %iota3A, %xor3A_1322 : vector<16xi32>
      %lt3A_1324 = arith.constant 0 : i32
      %lt3A_1325 = vector.broadcast %lt3A_1324 : i32 to vector<16xi32>
      %lt3A_1326 = arith.cmpi slt, %xor3A_1323, %lt3A_1325 : vector<16xi32>
      %add3A_1327 = arith.constant 16 : i32
      %add3A_1328 = vector.broadcast %add3A_1327 : i32 to vector<16xi32>
      %add3A_1329 = arith.addi %xor3A_1323, %add3A_1328 : vector<16xi32>
      %select_n3A_1330 = arith.select %lt3A_1326, %add3A_1329, %xor3A_1323 : vector<16xi1>, vector<16xi32>
      %broadcast_in_dim3A_1331 = vector.shape_cast %select_n3A_1330 : vector<16xi32> to vector<16x1xi32>
      %gather3A_1332 = vector.shape_cast %broadcast_in_dim3A_1331 : vector<16x1xi32> to vector<16xi32>
      %gather3A_1333 = tpu.dynamic_gather %add3A_1320[%gather3A_1332] in [0] : vector<16xf32>, vector<16xi32> -> vector<16xf32>
      %add3A_1334 = arith.addf %add3A_1320, %gather3A_1333 : vector<16xf32>
      %xor3A_1335 = arith.constant 4 : i32
      %xor3A_1336 = vector.broadcast %xor3A_1335 : i32 to vector<16xi32>
      %xor3A_1337 = arith.xori %iota3A, %xor3A_1336 : vector<16xi32>
      %lt3A_1338 = arith.constant 0 : i32
      %lt3A_1339 = vector.broadcast %lt3A_1338 : i32 to vector<16xi32>
      %lt3A_1340 = arith.cmpi slt, %xor3A_1337, %lt3A_1339 : vector<16xi32>
      %add3A_1341 = arith.constant 16 : i32
      %add3A_1342 = vector.broadcast %add3A_1341 : i32 to vector<16xi32>
      %add3A_1343 = arith.addi %xor3A_1337, %add3A_1342 : vector<16xi32>
      %select_n3A_1344 = arith.select %lt3A_1340, %add3A_1343, %xor3A_1337 : vector<16xi1>, vector<16xi32>
      %broadcast_in_dim3A_1345 = vector.shape_cast %select_n3A_1344 : vector<16xi32> to vector<16x1xi32>
      %gather3A_1346 = vector.shape_cast %broadcast_in_dim3A_1345 : vector<16x1xi32> to vector<16xi32>
      %gather3A_1347 = tpu.dynamic_gather %add3A_1334[%gather3A_1346] in [0] : vector<16xf32>, vector<16xi32> -> vector<16xf32>
      %add3A_1348 = arith.addf %add3A_1334, %gather3A_1347 : vector<16xf32>
      %xor3A_1349 = arith.constant 8 : i32
      %xor3A_1350 = vector.broadcast %xor3A_1349 : i32 to vector<16xi32>
      %xor3A_1351 = arith.xori %iota3A, %xor3A_1350 : vector<16xi32>
      %lt3A_1352 = arith.constant 0 : i32
      %lt3A_1353 = vector.broadcast %lt3A_1352 : i32 to vector<16xi32>
      %lt3A_1354 = arith.cmpi slt, %xor3A_1351, %lt3A_1353 : vector<16xi32>
      %add3A_1355 = arith.constant 16 : i32
      %add3A_1356 = vector.broadcast %add3A_1355 : i32 to vector<16xi32>
      %add3A_1357 = arith.addi %xor3A_1351, %add3A_1356 : vector<16xi32>
      %select_n3A_1358 = arith.select %lt3A_1354, %add3A_1357, %xor3A_1351 : vector<16xi1>, vector<16xi32>
      %broadcast_in_dim3A_1359 = vector.shape_cast %select_n3A_1358 : vector<16xi32> to vector<16x1xi32>
      %gather3A_1360 = vector.shape_cast %broadcast_in_dim3A_1359 : vector<16x1xi32> to vector<16xi32>
      %gather3A_1361 = tpu.dynamic_gather %add3A_1348[%gather3A_1360] in [0] : vector<16xf32>, vector<16xi32> -> vector<16xf32>
      %add3A_1362 = arith.addf %add3A_1348, %gather3A_1361 : vector<16xf32>
      %eq3A_1363 = arith.constant 7 : i32
      %eq3A_1364 = vector.broadcast %eq3A_1363 : i32 to vector<16xi32>
      %eq3A_1365 = arith.cmpi eq, %iota3A, %eq3A_1364 : vector<16xi32>
      %select_n3A_1366 = arith.select %eq3A_1365, %add3A_1362, %select_n3A_1239 : vector<16xi1>, vector<16xf32>
      %mul3A_1367 = arith.constant 16 : i32
      %mul3A_1368 = arith.muli %add3A_354, %mul3A_1367 : i32
      %add3A_1369 = arith.constant 8 : i32
      %add3A_1370 = arith.addi %mul3A_1368, %add3A_1369 : i32
      %get3A_1371 = arith.index_cast %add3A_1370 : i32 to index
      %get3A_1372 = arith.constant 0 : index
      %get3A_1373 = tpu.vector_load %arg13[%get3A_1371, %get3A_1372] {strides = array<i32>} : memref<512x64xf32, #tpu.memory_space<vmem>>, vector<1x16xf32>,
      %get3A_1374 = vector.shape_cast %get3A_1373 : vector<1x16xf32> to vector<16xf32>
      %mul3A_1375 = arith.mulf %get3A_336, %get3A_1374 : vector<16xf32>
      %get3A_1376 = arith.index_cast %add3A_1370 : i32 to index
      %get3A_1377 = arith.constant 0 : index
      %get3A_1378 = tpu.vector_load %arg14[%get3A_1376, %get3A_1377] {strides = array<i32>} : memref<512x64xf32, #tpu.memory_space<vmem>>, vector<1x16xf32>,
      %get3A_1379 = vector.shape_cast %get3A_1378 : vector<1x16xf32> to vector<16xf32>
      %mul3A_1380 = arith.mulf %mul3A_1375, %get3A_1379 : vector<16xf32>
      %swap3A_1381 = arith.index_cast %add3A_1370 : i32 to index
      %swap3A_1382 = arith.constant 0 : index
      %swap3A_1383 = tpu.vector_load %arg15[%swap3A_1381, %swap3A_1382] {strides = array<i32>} : memref<512x64xf32, #tpu.memory_space<vmem>>, vector<1x16xf32>,
      %swap3A_1384 = vector.shape_cast %swap3A_1383 : vector<1x16xf32> to vector<16xf32>
      %swap3A_1385 = vector.shape_cast %mul3A_1380 : vector<16xf32> to vector<1x16xf32>
      tpu.vector_store %arg15[%swap3A_1381, %swap3A_1382], %swap3A_1385 {strides = array<i32>} : memref<512x64xf32, #tpu.memory_space<vmem>>, vector<1x16xf32>,
      %get3A_1386 = arith.index_cast %add3A_1370 : i32 to index
      %get3A_1387 = arith.constant 16 : index
      %get3A_1388 = tpu.vector_load %arg13[%get3A_1386, %get3A_1387] {strides = array<i32>} : memref<512x64xf32, #tpu.memory_space<vmem>>, vector<1x16xf32>,
      %get3A_1389 = vector.shape_cast %get3A_1388 : vector<1x16xf32> to vector<16xf32>
      %mul3A_1390 = arith.mulf %get3A_339, %get3A_1389 : vector<16xf32>
      %get3A_1391 = arith.index_cast %add3A_1370 : i32 to index
      %get3A_1392 = arith.constant 16 : index
      %get3A_1393 = tpu.vector_load %arg14[%get3A_1391, %get3A_1392] {strides = array<i32>} : memref<512x64xf32, #tpu.memory_space<vmem>>, vector<1x16xf32>,
      %get3A_1394 = vector.shape_cast %get3A_1393 : vector<1x16xf32> to vector<16xf32>
      %mul3A_1395 = arith.mulf %mul3A_1390, %get3A_1394 : vector<16xf32>
      %swap3A_1396 = arith.index_cast %add3A_1370 : i32 to index
      %swap3A_1397 = arith.constant 16 : index
      %swap3A_1398 = tpu.vector_load %arg15[%swap3A_1396, %swap3A_1397] {strides = array<i32>} : memref<512x64xf32, #tpu.memory_space<vmem>>, vector<1x16xf32>,
      %swap3A_1399 = vector.shape_cast %swap3A_1398 : vector<1x16xf32> to vector<16xf32>
      %swap3A_1400 = vector.shape_cast %mul3A_1395 : vector<16xf32> to vector<1x16xf32>
      tpu.vector_store %arg15[%swap3A_1396, %swap3A_1397], %swap3A_1400 {strides = array<i32>} : memref<512x64xf32, #tpu.memory_space<vmem>>, vector<1x16xf32>,
      %add3A_1401 = arith.addf %mul3A_1380, %mul3A_1395 : vector<16xf32>
      %get3A_1402 = arith.index_cast %add3A_1370 : i32 to index
      %get3A_1403 = arith.constant 32 : index
      %get3A_1404 = tpu.vector_load %arg13[%get3A_1402, %get3A_1403] {strides = array<i32>} : memref<512x64xf32, #tpu.memory_space<vmem>>, vector<1x16xf32>,
      %get3A_1405 = vector.shape_cast %get3A_1404 : vector<1x16xf32> to vector<16xf32>
      %mul3A_1406 = arith.mulf %get3A_342, %get3A_1405 : vector<16xf32>
      %get3A_1407 = arith.index_cast %add3A_1370 : i32 to index
      %get3A_1408 = arith.constant 32 : index
      %get3A_1409 = tpu.vector_load %arg14[%get3A_1407, %get3A_1408] {strides = array<i32>} : memref<512x64xf32, #tpu.memory_space<vmem>>, vector<1x16xf32>,
      %get3A_1410 = vector.shape_cast %get3A_1409 : vector<1x16xf32> to vector<16xf32>
      %mul3A_1411 = arith.mulf %mul3A_1406, %get3A_1410 : vector<16xf32>
      %swap3A_1412 = arith.index_cast %add3A_1370 : i32 to index
      %swap3A_1413 = arith.constant 32 : index
      %swap3A_1414 = tpu.vector_load %arg15[%swap3A_1412, %swap3A_1413] {strides = array<i32>} : memref<512x64xf32, #tpu.memory_space<vmem>>, vector<1x16xf32>,
      %swap3A_1415 = vector.shape_cast %swap3A_1414 : vector<1x16xf32> to vector<16xf32>
      %swap3A_1416 = vector.shape_cast %mul3A_1411 : vector<16xf32> to vector<1x16xf32>
      tpu.vector_store %arg15[%swap3A_1412, %swap3A_1413], %swap3A_1416 {strides = array<i32>} : memref<512x64xf32, #tpu.memory_space<vmem>>, vector<1x16xf32>,
      %add3A_1417 = arith.addf %add3A_1401, %mul3A_1411 : vector<16xf32>
      %get3A_1418 = arith.index_cast %add3A_1370 : i32 to index
      %get3A_1419 = arith.constant 48 : index
      %get3A_1420 = tpu.vector_load %arg13[%get3A_1418, %get3A_1419] {strides = array<i32>} : memref<512x64xf32, #tpu.memory_space<vmem>>, vector<1x16xf32>,
      %get3A_1421 = vector.shape_cast %get3A_1420 : vector<1x16xf32> to vector<16xf32>
      %mul3A_1422 = arith.mulf %get3A_345, %get3A_1421 : vector<16xf32>
      %get3A_1423 = arith.index_cast %add3A_1370 : i32 to index
      %get3A_1424 = arith.constant 48 : index
      %get3A_1425 = tpu.vector_load %arg14[%get3A_1423, %get3A_1424] {strides = array<i32>} : memref<512x64xf32, #tpu.memory_space<vmem>>, vector<1x16xf32>,
      %get3A_1426 = vector.shape_cast %get3A_1425 : vector<1x16xf32> to vector<16xf32>
      %mul3A_1427 = arith.mulf %mul3A_1422, %get3A_1426 : vector<16xf32>
      %swap3A_1428 = arith.index_cast %add3A_1370 : i32 to index
      %swap3A_1429 = arith.constant 48 : index
      %swap3A_1430 = tpu.vector_load %arg15[%swap3A_1428, %swap3A_1429] {strides = array<i32>} : memref<512x64xf32, #tpu.memory_space<vmem>>, vector<1x16xf32>,
      %swap3A_1431 = vector.shape_cast %swap3A_1430 : vector<1x16xf32> to vector<16xf32>
      %swap3A_1432 = vector.shape_cast %mul3A_1427 : vector<16xf32> to vector<1x16xf32>
      tpu.vector_store %arg15[%swap3A_1428, %swap3A_1429], %swap3A_1432 {strides = array<i32>} : memref<512x64xf32, #tpu.memory_space<vmem>>, vector<1x16xf32>,
      %add3A_1433 = arith.addf %add3A_1417, %mul3A_1427 : vector<16xf32>
      %xor3A_1434 = arith.constant 1 : i32
      %xor3A_1435 = vector.broadcast %xor3A_1434 : i32 to vector<16xi32>
      %xor3A_1436 = arith.xori %iota3A, %xor3A_1435 : vector<16xi32>
      %lt3A_1437 = arith.constant 0 : i32
      %lt3A_1438 = vector.broadcast %lt3A_1437 : i32 to vector<16xi32>
      %lt3A_1439 = arith.cmpi slt, %xor3A_1436, %lt3A_1438 : vector<16xi32>
      %add3A_1440 = arith.constant 16 : i32
      %add3A_1441 = vector.broadcast %add3A_1440 : i32 to vector<16xi32>
      %add3A_1442 = arith.addi %xor3A_1436, %add3A_1441 : vector<16xi32>
      %select_n3A_1443 = arith.select %lt3A_1439, %add3A_1442, %xor3A_1436 : vector<16xi1>, vector<16xi32>
      %broadcast_in_dim3A_1444 = vector.shape_cast %select_n3A_1443 : vector<16xi32> to vector<16x1xi32>
      %gather3A_1445 = vector.shape_cast %broadcast_in_dim3A_1444 : vector<16x1xi32> to vector<16xi32>
      %gather3A_1446 = tpu.dynamic_gather %add3A_1433[%gather3A_1445] in [0] : vector<16xf32>, vector<16xi32> -> vector<16xf32>
      %add3A_1447 = arith.addf %add3A_1433, %gather3A_1446 : vector<16xf32>
      %xor3A_1448 = arith.constant 2 : i32
      %xor3A_1449 = vector.broadcast %xor3A_1448 : i32 to vector<16xi32>
      %xor3A_1450 = arith.xori %iota3A, %xor3A_1449 : vector<16xi32>
      %lt3A_1451 = arith.constant 0 : i32
      %lt3A_1452 = vector.broadcast %lt3A_1451 : i32 to vector<16xi32>
      %lt3A_1453 = arith.cmpi slt, %xor3A_1450, %lt3A_1452 : vector<16xi32>
      %add3A_1454 = arith.constant 16 : i32
      %add3A_1455 = vector.broadcast %add3A_1454 : i32 to vector<16xi32>
      %add3A_1456 = arith.addi %xor3A_1450, %add3A_1455 : vector<16xi32>
      %select_n3A_1457 = arith.select %lt3A_1453, %add3A_1456, %xor3A_1450 : vector<16xi1>, vector<16xi32>
      %broadcast_in_dim3A_1458 = vector.shape_cast %select_n3A_1457 : vector<16xi32> to vector<16x1xi32>
      %gather3A_1459 = vector.shape_cast %broadcast_in_dim3A_1458 : vector<16x1xi32> to vector<16xi32>
      %gather3A_1460 = tpu.dynamic_gather %add3A_1447[%gather3A_1459] in [0] : vector<16xf32>, vector<16xi32> -> vector<16xf32>
      %add3A_1461 = arith.addf %add3A_1447, %gather3A_1460 : vector<16xf32>
      %xor3A_1462 = arith.constant 4 : i32
      %xor3A_1463 = vector.broadcast %xor3A_1462 : i32 to vector<16xi32>
      %xor3A_1464 = arith.xori %iota3A, %xor3A_1463 : vector<16xi32>
      %lt3A_1465 = arith.constant 0 : i32
      %lt3A_1466 = vector.broadcast %lt3A_1465 : i32 to vector<16xi32>
      %lt3A_1467 = arith.cmpi slt, %xor3A_1464, %lt3A_1466 : vector<16xi32>
      %add3A_1468 = arith.constant 16 : i32
      %add3A_1469 = vector.broadcast %add3A_1468 : i32 to vector<16xi32>
      %add3A_1470 = arith.addi %xor3A_1464, %add3A_1469 : vector<16xi32>
      %select_n3A_1471 = arith.select %lt3A_1467, %add3A_1470, %xor3A_1464 : vector<16xi1>, vector<16xi32>
      %broadcast_in_dim3A_1472 = vector.shape_cast %select_n3A_1471 : vector<16xi32> to vector<16x1xi32>
      %gather3A_1473 = vector.shape_cast %broadcast_in_dim3A_1472 : vector<16x1xi32> to vector<16xi32>
      %gather3A_1474 = tpu.dynamic_gather %add3A_1461[%gather3A_1473] in [0] : vector<16xf32>, vector<16xi32> -> vector<16xf32>
      %add3A_1475 = arith.addf %add3A_1461, %gather3A_1474 : vector<16xf32>
      %xor3A_1476 = arith.constant 8 : i32
      %xor3A_1477 = vector.broadcast %xor3A_1476 : i32 to vector<16xi32>
      %xor3A_1478 = arith.xori %iota3A, %xor3A_1477 : vector<16xi32>
      %lt3A_1479 = arith.constant 0 : i32
      %lt3A_1480 = vector.broadcast %lt3A_1479 : i32 to vector<16xi32>
      %lt3A_1481 = arith.cmpi slt, %xor3A_1478, %lt3A_1480 : vector<16xi32>
      %add3A_1482 = arith.constant 16 : i32
      %add3A_1483 = vector.broadcast %add3A_1482 : i32 to vector<16xi32>
      %add3A_1484 = arith.addi %xor3A_1478, %add3A_1483 : vector<16xi32>
      %select_n3A_1485 = arith.select %lt3A_1481, %add3A_1484, %xor3A_1478 : vector<16xi1>, vector<16xi32>
      %broadcast_in_dim3A_1486 = vector.shape_cast %select_n3A_1485 : vector<16xi32> to vector<16x1xi32>
      %gather3A_1487 = vector.shape_cast %broadcast_in_dim3A_1486 : vector<16x1xi32> to vector<16xi32>
      %gather3A_1488 = tpu.dynamic_gather %add3A_1475[%gather3A_1487] in [0] : vector<16xf32>, vector<16xi32> -> vector<16xf32>
      %add3A_1489 = arith.addf %add3A_1475, %gather3A_1488 : vector<16xf32>
      %eq3A_1490 = arith.constant 8 : i32
      %eq3A_1491 = vector.broadcast %eq3A_1490 : i32 to vector<16xi32>
      %eq3A_1492 = arith.cmpi eq, %iota3A, %eq3A_1491 : vector<16xi32>
      %select_n3A_1493 = arith.select %eq3A_1492, %add3A_1489, %select_n3A_1366 : vector<16xi1>, vector<16xf32>
      %mul3A_1494 = arith.constant 16 : i32
      %mul3A_1495 = arith.muli %add3A_354, %mul3A_1494 : i32
      %add3A_1496 = arith.constant 9 : i32
      %add3A_1497 = arith.addi %mul3A_1495, %add3A_1496 : i32
      %get3A_1498 = arith.index_cast %add3A_1497 : i32 to index
      %get3A_1499 = arith.constant 0 : index
      %get3A_1500 = tpu.vector_load %arg13[%get3A_1498, %get3A_1499] {strides = array<i32>} : memref<512x64xf32, #tpu.memory_space<vmem>>, vector<1x16xf32>,
      %get3A_1501 = vector.shape_cast %get3A_1500 : vector<1x16xf32> to vector<16xf32>
      %mul3A_1502 = arith.mulf %get3A_336, %get3A_1501 : vector<16xf32>
      %get3A_1503 = arith.index_cast %add3A_1497 : i32 to index
      %get3A_1504 = arith.constant 0 : index
      %get3A_1505 = tpu.vector_load %arg14[%get3A_1503, %get3A_1504] {strides = array<i32>} : memref<512x64xf32, #tpu.memory_space<vmem>>, vector<1x16xf32>,
      %get3A_1506 = vector.shape_cast %get3A_1505 : vector<1x16xf32> to vector<16xf32>
      %mul3A_1507 = arith.mulf %mul3A_1502, %get3A_1506 : vector<16xf32>
      %swap3A_1508 = arith.index_cast %add3A_1497 : i32 to index
      %swap3A_1509 = arith.constant 0 : index
      %swap3A_1510 = tpu.vector_load %arg15[%swap3A_1508, %swap3A_1509] {strides = array<i32>} : memref<512x64xf32, #tpu.memory_space<vmem>>, vector<1x16xf32>,
      %swap3A_1511 = vector.shape_cast %swap3A_1510 : vector<1x16xf32> to vector<16xf32>
      %swap3A_1512 = vector.shape_cast %mul3A_1507 : vector<16xf32> to vector<1x16xf32>
      tpu.vector_store %arg15[%swap3A_1508, %swap3A_1509], %swap3A_1512 {strides = array<i32>} : memref<512x64xf32, #tpu.memory_space<vmem>>, vector<1x16xf32>,
      %get3A_1513 = arith.index_cast %add3A_1497 : i32 to index
      %get3A_1514 = arith.constant 16 : index
      %get3A_1515 = tpu.vector_load %arg13[%get3A_1513, %get3A_1514] {strides = array<i32>} : memref<512x64xf32, #tpu.memory_space<vmem>>, vector<1x16xf32>,
      %get3A_1516 = vector.shape_cast %get3A_1515 : vector<1x16xf32> to vector<16xf32>
      %mul3A_1517 = arith.mulf %get3A_339, %get3A_1516 : vector<16xf32>
      %get3A_1518 = arith.index_cast %add3A_1497 : i32 to index
      %get3A_1519 = arith.constant 16 : index
      %get3A_1520 = tpu.vector_load %arg14[%get3A_1518, %get3A_1519] {strides = array<i32>} : memref<512x64xf32, #tpu.memory_space<vmem>>, vector<1x16xf32>,
      %get3A_1521 = vector.shape_cast %get3A_1520 : vector<1x16xf32> to vector<16xf32>
      %mul3A_1522 = arith.mulf %mul3A_1517, %get3A_1521 : vector<16xf32>
      %swap3A_1523 = arith.index_cast %add3A_1497 : i32 to index
      %swap3A_1524 = arith.constant 16 : index
      %swap3A_1525 = tpu.vector_load %arg15[%swap3A_1523, %swap3A_1524] {strides = array<i32>} : memref<512x64xf32, #tpu.memory_space<vmem>>, vector<1x16xf32>,
      %swap3A_1526 = vector.shape_cast %swap3A_1525 : vector<1x16xf32> to vector<16xf32>
      %swap3A_1527 = vector.shape_cast %mul3A_1522 : vector<16xf32> to vector<1x16xf32>
      tpu.vector_store %arg15[%swap3A_1523, %swap3A_1524], %swap3A_1527 {strides = array<i32>} : memref<512x64xf32, #tpu.memory_space<vmem>>, vector<1x16xf32>,
      %add3A_1528 = arith.addf %mul3A_1507, %mul3A_1522 : vector<16xf32>
      %get3A_1529 = arith.index_cast %add3A_1497 : i32 to index
      %get3A_1530 = arith.constant 32 : index
      %get3A_1531 = tpu.vector_load %arg13[%get3A_1529, %get3A_1530] {strides = array<i32>} : memref<512x64xf32, #tpu.memory_space<vmem>>, vector<1x16xf32>,
      %get3A_1532 = vector.shape_cast %get3A_1531 : vector<1x16xf32> to vector<16xf32>
      %mul3A_1533 = arith.mulf %get3A_342, %get3A_1532 : vector<16xf32>
      %get3A_1534 = arith.index_cast %add3A_1497 : i32 to index
      %get3A_1535 = arith.constant 32 : index
      %get3A_1536 = tpu.vector_load %arg14[%get3A_1534, %get3A_1535] {strides = array<i32>} : memref<512x64xf32, #tpu.memory_space<vmem>>, vector<1x16xf32>,
      %get3A_1537 = vector.shape_cast %get3A_1536 : vector<1x16xf32> to vector<16xf32>
      %mul3A_1538 = arith.mulf %mul3A_1533, %get3A_1537 : vector<16xf32>
      %swap3A_1539 = arith.index_cast %add3A_1497 : i32 to index
      %swap3A_1540 = arith.constant 32 : index
      %swap3A_1541 = tpu.vector_load %arg15[%swap3A_1539, %swap3A_1540] {strides = array<i32>} : memref<512x64xf32, #tpu.memory_space<vmem>>, vector<1x16xf32>,
      %swap3A_1542 = vector.shape_cast %swap3A_1541 : vector<1x16xf32> to vector<16xf32>
      %swap3A_1543 = vector.shape_cast %mul3A_1538 : vector<16xf32> to vector<1x16xf32>
      tpu.vector_store %arg15[%swap3A_1539, %swap3A_1540], %swap3A_1543 {strides = array<i32>} : memref<512x64xf32, #tpu.memory_space<vmem>>, vector<1x16xf32>,
      %add3A_1544 = arith.addf %add3A_1528, %mul3A_1538 : vector<16xf32>
      %get3A_1545 = arith.index_cast %add3A_1497 : i32 to index
      %get3A_1546 = arith.constant 48 : index
      %get3A_1547 = tpu.vector_load %arg13[%get3A_1545, %get3A_1546] {strides = array<i32>} : memref<512x64xf32, #tpu.memory_space<vmem>>, vector<1x16xf32>,
      %get3A_1548 = vector.shape_cast %get3A_1547 : vector<1x16xf32> to vector<16xf32>
      %mul3A_1549 = arith.mulf %get3A_345, %get3A_1548 : vector<16xf32>
      %get3A_1550 = arith.index_cast %add3A_1497 : i32 to index
      %get3A_1551 = arith.constant 48 : index
      %get3A_1552 = tpu.vector_load %arg14[%get3A_1550, %get3A_1551] {strides = array<i32>} : memref<512x64xf32, #tpu.memory_space<vmem>>, vector<1x16xf32>,
      %get3A_1553 = vector.shape_cast %get3A_1552 : vector<1x16xf32> to vector<16xf32>
      %mul3A_1554 = arith.mulf %mul3A_1549, %get3A_1553 : vector<16xf32>
      %swap3A_1555 = arith.index_cast %add3A_1497 : i32 to index
      %swap3A_1556 = arith.constant 48 : index
      %swap3A_1557 = tpu.vector_load %arg15[%swap3A_1555, %swap3A_1556] {strides = array<i32>} : memref<512x64xf32, #tpu.memory_space<vmem>>, vector<1x16xf32>,
      %swap3A_1558 = vector.shape_cast %swap3A_1557 : vector<1x16xf32> to vector<16xf32>
      %swap3A_1559 = vector.shape_cast %mul3A_1554 : vector<16xf32> to vector<1x16xf32>
      tpu.vector_store %arg15[%swap3A_1555, %swap3A_1556], %swap3A_1559 {strides = array<i32>} : memref<512x64xf32, #tpu.memory_space<vmem>>, vector<1x16xf32>,
      %add3A_1560 = arith.addf %add3A_1544, %mul3A_1554 : vector<16xf32>
      %xor3A_1561 = arith.constant 1 : i32
      %xor3A_1562 = vector.broadcast %xor3A_1561 : i32 to vector<16xi32>
      %xor3A_1563 = arith.xori %iota3A, %xor3A_1562 : vector<16xi32>
      %lt3A_1564 = arith.constant 0 : i32
      %lt3A_1565 = vector.broadcast %lt3A_1564 : i32 to vector<16xi32>
      %lt3A_1566 = arith.cmpi slt, %xor3A_1563, %lt3A_1565 : vector<16xi32>
      %add3A_1567 = arith.constant 16 : i32
      %add3A_1568 = vector.broadcast %add3A_1567 : i32 to vector<16xi32>
      %add3A_1569 = arith.addi %xor3A_1563, %add3A_1568 : vector<16xi32>
      %select_n3A_1570 = arith.select %lt3A_1566, %add3A_1569, %xor3A_1563 : vector<16xi1>, vector<16xi32>
      %broadcast_in_dim3A_1571 = vector.shape_cast %select_n3A_1570 : vector<16xi32> to vector<16x1xi32>
      %gather3A_1572 = vector.shape_cast %broadcast_in_dim3A_1571 : vector<16x1xi32> to vector<16xi32>
      %gather3A_1573 = tpu.dynamic_gather %add3A_1560[%gather3A_1572] in [0] : vector<16xf32>, vector<16xi32> -> vector<16xf32>
      %add3A_1574 = arith.addf %add3A_1560, %gather3A_1573 : vector<16xf32>
      %xor3A_1575 = arith.constant 2 : i32
      %xor3A_1576 = vector.broadcast %xor3A_1575 : i32 to vector<16xi32>
      %xor3A_1577 = arith.xori %iota3A, %xor3A_1576 : vector<16xi32>
      %lt3A_1578 = arith.constant 0 : i32
      %lt3A_1579 = vector.broadcast %lt3A_1578 : i32 to vector<16xi32>
      %lt3A_1580 = arith.cmpi slt, %xor3A_1577, %lt3A_1579 : vector<16xi32>
      %add3A_1581 = arith.constant 16 : i32
      %add3A_1582 = vector.broadcast %add3A_1581 : i32 to vector<16xi32>
      %add3A_1583 = arith.addi %xor3A_1577, %add3A_1582 : vector<16xi32>
      %select_n3A_1584 = arith.select %lt3A_1580, %add3A_1583, %xor3A_1577 : vector<16xi1>, vector<16xi32>
      %broadcast_in_dim3A_1585 = vector.shape_cast %select_n3A_1584 : vector<16xi32> to vector<16x1xi32>
      %gather3A_1586 = vector.shape_cast %broadcast_in_dim3A_1585 : vector<16x1xi32> to vector<16xi32>
      %gather3A_1587 = tpu.dynamic_gather %add3A_1574[%gather3A_1586] in [0] : vector<16xf32>, vector<16xi32> -> vector<16xf32>
      %add3A_1588 = arith.addf %add3A_1574, %gather3A_1587 : vector<16xf32>
      %xor3A_1589 = arith.constant 4 : i32
      %xor3A_1590 = vector.broadcast %xor3A_1589 : i32 to vector<16xi32>
      %xor3A_1591 = arith.xori %iota3A, %xor3A_1590 : vector<16xi32>
      %lt3A_1592 = arith.constant 0 : i32
      %lt3A_1593 = vector.broadcast %lt3A_1592 : i32 to vector<16xi32>
      %lt3A_1594 = arith.cmpi slt, %xor3A_1591, %lt3A_1593 : vector<16xi32>
      %add3A_1595 = arith.constant 16 : i32
      %add3A_1596 = vector.broadcast %add3A_1595 : i32 to vector<16xi32>
      %add3A_1597 = arith.addi %xor3A_1591, %add3A_1596 : vector<16xi32>
      %select_n3A_1598 = arith.select %lt3A_1594, %add3A_1597, %xor3A_1591 : vector<16xi1>, vector<16xi32>
      %broadcast_in_dim3A_1599 = vector.shape_cast %select_n3A_1598 : vector<16xi32> to vector<16x1xi32>
      %gather3A_1600 = vector.shape_cast %broadcast_in_dim3A_1599 : vector<16x1xi32> to vector<16xi32>
      %gather3A_1601 = tpu.dynamic_gather %add3A_1588[%gather3A_1600] in [0] : vector<16xf32>, vector<16xi32> -> vector<16xf32>
      %add3A_1602 = arith.addf %add3A_1588, %gather3A_1601 : vector<16xf32>
      %xor3A_1603 = arith.constant 8 : i32
      %xor3A_1604 = vector.broadcast %xor3A_1603 : i32 to vector<16xi32>
      %xor3A_1605 = arith.xori %iota3A, %xor3A_1604 : vector<16xi32>
      %lt3A_1606 = arith.constant 0 : i32
      %lt3A_1607 = vector.broadcast %lt3A_1606 : i32 to vector<16xi32>
      %lt3A_1608 = arith.cmpi slt, %xor3A_1605, %lt3A_1607 : vector<16xi32>
      %add3A_1609 = arith.constant 16 : i32
      %add3A_1610 = vector.broadcast %add3A_1609 : i32 to vector<16xi32>
      %add3A_1611 = arith.addi %xor3A_1605, %add3A_1610 : vector<16xi32>
      %select_n3A_1612 = arith.select %lt3A_1608, %add3A_1611, %xor3A_1605 : vector<16xi1>, vector<16xi32>
      %broadcast_in_dim3A_1613 = vector.shape_cast %select_n3A_1612 : vector<16xi32> to vector<16x1xi32>
      %gather3A_1614 = vector.shape_cast %broadcast_in_dim3A_1613 : vector<16x1xi32> to vector<16xi32>
      %gather3A_1615 = tpu.dynamic_gather %add3A_1602[%gather3A_1614] in [0] : vector<16xf32>, vector<16xi32> -> vector<16xf32>
      %add3A_1616 = arith.addf %add3A_1602, %gather3A_1615 : vector<16xf32>
      %eq3A_1617 = arith.constant 9 : i32
      %eq3A_1618 = vector.broadcast %eq3A_1617 : i32 to vector<16xi32>
      %eq3A_1619 = arith.cmpi eq, %iota3A, %eq3A_1618 : vector<16xi32>
      %select_n3A_1620 = arith.select %eq3A_1619, %add3A_1616, %select_n3A_1493 : vector<16xi1>, vector<16xf32>
      %mul3A_1621 = arith.constant 16 : i32
      %mul3A_1622 = arith.muli %add3A_354, %mul3A_1621 : i32
      %add3A_1623 = arith.constant 10 : i32
      %add3A_1624 = arith.addi %mul3A_1622, %add3A_1623 : i32
      %get3A_1625 = arith.index_cast %add3A_1624 : i32 to index
      %get3A_1626 = arith.constant 0 : index
      %get3A_1627 = tpu.vector_load %arg13[%get3A_1625, %get3A_1626] {strides = array<i32>} : memref<512x64xf32, #tpu.memory_space<vmem>>, vector<1x16xf32>,
      %get3A_1628 = vector.shape_cast %get3A_1627 : vector<1x16xf32> to vector<16xf32>
      %mul3A_1629 = arith.mulf %get3A_336, %get3A_1628 : vector<16xf32>
      %get3A_1630 = arith.index_cast %add3A_1624 : i32 to index
      %get3A_1631 = arith.constant 0 : index
      %get3A_1632 = tpu.vector_load %arg14[%get3A_1630, %get3A_1631] {strides = array<i32>} : memref<512x64xf32, #tpu.memory_space<vmem>>, vector<1x16xf32>,
      %get3A_1633 = vector.shape_cast %get3A_1632 : vector<1x16xf32> to vector<16xf32>
      %mul3A_1634 = arith.mulf %mul3A_1629, %get3A_1633 : vector<16xf32>
      %swap3A_1635 = arith.index_cast %add3A_1624 : i32 to index
      %swap3A_1636 = arith.constant 0 : index
      %swap3A_1637 = tpu.vector_load %arg15[%swap3A_1635, %swap3A_1636] {strides = array<i32>} : memref<512x64xf32, #tpu.memory_space<vmem>>, vector<1x16xf32>,
      %swap3A_1638 = vector.shape_cast %swap3A_1637 : vector<1x16xf32> to vector<16xf32>
      %swap3A_1639 = vector.shape_cast %mul3A_1634 : vector<16xf32> to vector<1x16xf32>
      tpu.vector_store %arg15[%swap3A_1635, %swap3A_1636], %swap3A_1639 {strides = array<i32>} : memref<512x64xf32, #tpu.memory_space<vmem>>, vector<1x16xf32>,
      %get3A_1640 = arith.index_cast %add3A_1624 : i32 to index
      %get3A_1641 = arith.constant 16 : index
      %get3A_1642 = tpu.vector_load %arg13[%get3A_1640, %get3A_1641] {strides = array<i32>} : memref<512x64xf32, #tpu.memory_space<vmem>>, vector<1x16xf32>,
      %get3A_1643 = vector.shape_cast %get3A_1642 : vector<1x16xf32> to vector<16xf32>
      %mul3A_1644 = arith.mulf %get3A_339, %get3A_1643 : vector<16xf32>
      %get3A_1645 = arith.index_cast %add3A_1624 : i32 to index
      %get3A_1646 = arith.constant 16 : index
      %get3A_1647 = tpu.vector_load %arg14[%get3A_1645, %get3A_1646] {strides = array<i32>} : memref<512x64xf32, #tpu.memory_space<vmem>>, vector<1x16xf32>,
      %get3A_1648 = vector.shape_cast %get3A_1647 : vector<1x16xf32> to vector<16xf32>
      %mul3A_1649 = arith.mulf %mul3A_1644, %get3A_1648 : vector<16xf32>
      %swap3A_1650 = arith.index_cast %add3A_1624 : i32 to index
      %swap3A_1651 = arith.constant 16 : index
      %swap3A_1652 = tpu.vector_load %arg15[%swap3A_1650, %swap3A_1651] {strides = array<i32>} : memref<512x64xf32, #tpu.memory_space<vmem>>, vector<1x16xf32>,
      %swap3A_1653 = vector.shape_cast %swap3A_1652 : vector<1x16xf32> to vector<16xf32>
      %swap3A_1654 = vector.shape_cast %mul3A_1649 : vector<16xf32> to vector<1x16xf32>
      tpu.vector_store %arg15[%swap3A_1650, %swap3A_1651], %swap3A_1654 {strides = array<i32>} : memref<512x64xf32, #tpu.memory_space<vmem>>, vector<1x16xf32>,
      %add3A_1655 = arith.addf %mul3A_1634, %mul3A_1649 : vector<16xf32>
      %get3A_1656 = arith.index_cast %add3A_1624 : i32 to index
      %get3A_1657 = arith.constant 32 : index
      %get3A_1658 = tpu.vector_load %arg13[%get3A_1656, %get3A_1657] {strides = array<i32>} : memref<512x64xf32, #tpu.memory_space<vmem>>, vector<1x16xf32>,
      %get3A_1659 = vector.shape_cast %get3A_1658 : vector<1x16xf32> to vector<16xf32>
      %mul3A_1660 = arith.mulf %get3A_342, %get3A_1659 : vector<16xf32>
      %get3A_1661 = arith.index_cast %add3A_1624 : i32 to index
      %get3A_1662 = arith.constant 32 : index
      %get3A_1663 = tpu.vector_load %arg14[%get3A_1661, %get3A_1662] {strides = array<i32>} : memref<512x64xf32, #tpu.memory_space<vmem>>, vector<1x16xf32>,
      %get3A_1664 = vector.shape_cast %get3A_1663 : vector<1x16xf32> to vector<16xf32>
      %mul3A_1665 = arith.mulf %mul3A_1660, %get3A_1664 : vector<16xf32>
      %swap3A_1666 = arith.index_cast %add3A_1624 : i32 to index
      %swap3A_1667 = arith.constant 32 : index
      %swap3A_1668 = tpu.vector_load %arg15[%swap3A_1666, %swap3A_1667] {strides = array<i32>} : memref<512x64xf32, #tpu.memory_space<vmem>>, vector<1x16xf32>,
      %swap3A_1669 = vector.shape_cast %swap3A_1668 : vector<1x16xf32> to vector<16xf32>
      %swap3A_1670 = vector.shape_cast %mul3A_1665 : vector<16xf32> to vector<1x16xf32>
      tpu.vector_store %arg15[%swap3A_1666, %swap3A_1667], %swap3A_1670 {strides = array<i32>} : memref<512x64xf32, #tpu.memory_space<vmem>>, vector<1x16xf32>,
      %add3A_1671 = arith.addf %add3A_1655, %mul3A_1665 : vector<16xf32>
      %get3A_1672 = arith.index_cast %add3A_1624 : i32 to index
      %get3A_1673 = arith.constant 48 : index
      %get3A_1674 = tpu.vector_load %arg13[%get3A_1672, %get3A_1673] {strides = array<i32>} : memref<512x64xf32, #tpu.memory_space<vmem>>, vector<1x16xf32>,
      %get3A_1675 = vector.shape_cast %get3A_1674 : vector<1x16xf32> to vector<16xf32>
      %mul3A_1676 = arith.mulf %get3A_345, %get3A_1675 : vector<16xf32>
      %get3A_1677 = arith.index_cast %add3A_1624 : i32 to index
      %get3A_1678 = arith.constant 48 : index
      %get3A_1679 = tpu.vector_load %arg14[%get3A_1677, %get3A_1678] {strides = array<i32>} : memref<512x64xf32, #tpu.memory_space<vmem>>, vector<1x16xf32>,
      %get3A_1680 = vector.shape_cast %get3A_1679 : vector<1x16xf32> to vector<16xf32>
      %mul3A_1681 = arith.mulf %mul3A_1676, %get3A_1680 : vector<16xf32>
      %swap3A_1682 = arith.index_cast %add3A_1624 : i32 to index
      %swap3A_1683 = arith.constant 48 : index
      %swap3A_1684 = tpu.vector_load %arg15[%swap3A_1682, %swap3A_1683] {strides = array<i32>} : memref<512x64xf32, #tpu.memory_space<vmem>>, vector<1x16xf32>,
      %swap3A_1685 = vector.shape_cast %swap3A_1684 : vector<1x16xf32> to vector<16xf32>
      %swap3A_1686 = vector.shape_cast %mul3A_1681 : vector<16xf32> to vector<1x16xf32>
      tpu.vector_store %arg15[%swap3A_1682, %swap3A_1683], %swap3A_1686 {strides = array<i32>} : memref<512x64xf32, #tpu.memory_space<vmem>>, vector<1x16xf32>,
      %add3A_1687 = arith.addf %add3A_1671, %mul3A_1681 : vector<16xf32>
      %xor3A_1688 = arith.constant 1 : i32
      %xor3A_1689 = vector.broadcast %xor3A_1688 : i32 to vector<16xi32>
      %xor3A_1690 = arith.xori %iota3A, %xor3A_1689 : vector<16xi32>
      %lt3A_1691 = arith.constant 0 : i32
      %lt3A_1692 = vector.broadcast %lt3A_1691 : i32 to vector<16xi32>
      %lt3A_1693 = arith.cmpi slt, %xor3A_1690, %lt3A_1692 : vector<16xi32>
      %add3A_1694 = arith.constant 16 : i32
      %add3A_1695 = vector.broadcast %add3A_1694 : i32 to vector<16xi32>
      %add3A_1696 = arith.addi %xor3A_1690, %add3A_1695 : vector<16xi32>
      %select_n3A_1697 = arith.select %lt3A_1693, %add3A_1696, %xor3A_1690 : vector<16xi1>, vector<16xi32>
      %broadcast_in_dim3A_1698 = vector.shape_cast %select_n3A_1697 : vector<16xi32> to vector<16x1xi32>
      %gather3A_1699 = vector.shape_cast %broadcast_in_dim3A_1698 : vector<16x1xi32> to vector<16xi32>
      %gather3A_1700 = tpu.dynamic_gather %add3A_1687[%gather3A_1699] in [0] : vector<16xf32>, vector<16xi32> -> vector<16xf32>
      %add3A_1701 = arith.addf %add3A_1687, %gather3A_1700 : vector<16xf32>
      %xor3A_1702 = arith.constant 2 : i32
      %xor3A_1703 = vector.broadcast %xor3A_1702 : i32 to vector<16xi32>
      %xor3A_1704 = arith.xori %iota3A, %xor3A_1703 : vector<16xi32>
      %lt3A_1705 = arith.constant 0 : i32
      %lt3A_1706 = vector.broadcast %lt3A_1705 : i32 to vector<16xi32>
      %lt3A_1707 = arith.cmpi slt, %xor3A_1704, %lt3A_1706 : vector<16xi32>
      %add3A_1708 = arith.constant 16 : i32
      %add3A_1709 = vector.broadcast %add3A_1708 : i32 to vector<16xi32>
      %add3A_1710 = arith.addi %xor3A_1704, %add3A_1709 : vector<16xi32>
      %select_n3A_1711 = arith.select %lt3A_1707, %add3A_1710, %xor3A_1704 : vector<16xi1>, vector<16xi32>
      %broadcast_in_dim3A_1712 = vector.shape_cast %select_n3A_1711 : vector<16xi32> to vector<16x1xi32>
      %gather3A_1713 = vector.shape_cast %broadcast_in_dim3A_1712 : vector<16x1xi32> to vector<16xi32>
      %gather3A_1714 = tpu.dynamic_gather %add3A_1701[%gather3A_1713] in [0] : vector<16xf32>, vector<16xi32> -> vector<16xf32>
      %add3A_1715 = arith.addf %add3A_1701, %gather3A_1714 : vector<16xf32>
      %xor3A_1716 = arith.constant 4 : i32
      %xor3A_1717 = vector.broadcast %xor3A_1716 : i32 to vector<16xi32>
      %xor3A_1718 = arith.xori %iota3A, %xor3A_1717 : vector<16xi32>
      %lt3A_1719 = arith.constant 0 : i32
      %lt3A_1720 = vector.broadcast %lt3A_1719 : i32 to vector<16xi32>
      %lt3A_1721 = arith.cmpi slt, %xor3A_1718, %lt3A_1720 : vector<16xi32>
      %add3A_1722 = arith.constant 16 : i32
      %add3A_1723 = vector.broadcast %add3A_1722 : i32 to vector<16xi32>
      %add3A_1724 = arith.addi %xor3A_1718, %add3A_1723 : vector<16xi32>
      %select_n3A_1725 = arith.select %lt3A_1721, %add3A_1724, %xor3A_1718 : vector<16xi1>, vector<16xi32>
      %broadcast_in_dim3A_1726 = vector.shape_cast %select_n3A_1725 : vector<16xi32> to vector<16x1xi32>
      %gather3A_1727 = vector.shape_cast %broadcast_in_dim3A_1726 : vector<16x1xi32> to vector<16xi32>
      %gather3A_1728 = tpu.dynamic_gather %add3A_1715[%gather3A_1727] in [0] : vector<16xf32>, vector<16xi32> -> vector<16xf32>
      %add3A_1729 = arith.addf %add3A_1715, %gather3A_1728 : vector<16xf32>
      %xor3A_1730 = arith.constant 8 : i32
      %xor3A_1731 = vector.broadcast %xor3A_1730 : i32 to vector<16xi32>
      %xor3A_1732 = arith.xori %iota3A, %xor3A_1731 : vector<16xi32>
      %lt3A_1733 = arith.constant 0 : i32
      %lt3A_1734 = vector.broadcast %lt3A_1733 : i32 to vector<16xi32>
      %lt3A_1735 = arith.cmpi slt, %xor3A_1732, %lt3A_1734 : vector<16xi32>
      %add3A_1736 = arith.constant 16 : i32
      %add3A_1737 = vector.broadcast %add3A_1736 : i32 to vector<16xi32>
      %add3A_1738 = arith.addi %xor3A_1732, %add3A_1737 : vector<16xi32>
      %select_n3A_1739 = arith.select %lt3A_1735, %add3A_1738, %xor3A_1732 : vector<16xi1>, vector<16xi32>
      %broadcast_in_dim3A_1740 = vector.shape_cast %select_n3A_1739 : vector<16xi32> to vector<16x1xi32>
      %gather3A_1741 = vector.shape_cast %broadcast_in_dim3A_1740 : vector<16x1xi32> to vector<16xi32>
      %gather3A_1742 = tpu.dynamic_gather %add3A_1729[%gather3A_1741] in [0] : vector<16xf32>, vector<16xi32> -> vector<16xf32>
      %add3A_1743 = arith.addf %add3A_1729, %gather3A_1742 : vector<16xf32>
      %eq3A_1744 = arith.constant 10 : i32
      %eq3A_1745 = vector.broadcast %eq3A_1744 : i32 to vector<16xi32>
      %eq3A_1746 = arith.cmpi eq, %iota3A, %eq3A_1745 : vector<16xi32>
      %select_n3A_1747 = arith.select %eq3A_1746, %add3A_1743, %select_n3A_1620 : vector<16xi1>, vector<16xf32>
      %mul3A_1748 = arith.constant 16 : i32
      %mul3A_1749 = arith.muli %add3A_354, %mul3A_1748 : i32
      %add3A_1750 = arith.constant 11 : i32
      %add3A_1751 = arith.addi %mul3A_1749, %add3A_1750 : i32
      %get3A_1752 = arith.index_cast %add3A_1751 : i32 to index
      %get3A_1753 = arith.constant 0 : index
      %get3A_1754 = tpu.vector_load %arg13[%get3A_1752, %get3A_1753] {strides = array<i32>} : memref<512x64xf32, #tpu.memory_space<vmem>>, vector<1x16xf32>,
      %get3A_1755 = vector.shape_cast %get3A_1754 : vector<1x16xf32> to vector<16xf32>
      %mul3A_1756 = arith.mulf %get3A_336, %get3A_1755 : vector<16xf32>
      %get3A_1757 = arith.index_cast %add3A_1751 : i32 to index
      %get3A_1758 = arith.constant 0 : index
      %get3A_1759 = tpu.vector_load %arg14[%get3A_1757, %get3A_1758] {strides = array<i32>} : memref<512x64xf32, #tpu.memory_space<vmem>>, vector<1x16xf32>,
      %get3A_1760 = vector.shape_cast %get3A_1759 : vector<1x16xf32> to vector<16xf32>
      %mul3A_1761 = arith.mulf %mul3A_1756, %get3A_1760 : vector<16xf32>
      %swap3A_1762 = arith.index_cast %add3A_1751 : i32 to index
      %swap3A_1763 = arith.constant 0 : index
      %swap3A_1764 = tpu.vector_load %arg15[%swap3A_1762, %swap3A_1763] {strides = array<i32>} : memref<512x64xf32, #tpu.memory_space<vmem>>, vector<1x16xf32>,
      %swap3A_1765 = vector.shape_cast %swap3A_1764 : vector<1x16xf32> to vector<16xf32>
      %swap3A_1766 = vector.shape_cast %mul3A_1761 : vector<16xf32> to vector<1x16xf32>
      tpu.vector_store %arg15[%swap3A_1762, %swap3A_1763], %swap3A_1766 {strides = array<i32>} : memref<512x64xf32, #tpu.memory_space<vmem>>, vector<1x16xf32>,
      %get3A_1767 = arith.index_cast %add3A_1751 : i32 to index
      %get3A_1768 = arith.constant 16 : index
      %get3A_1769 = tpu.vector_load %arg13[%get3A_1767, %get3A_1768] {strides = array<i32>} : memref<512x64xf32, #tpu.memory_space<vmem>>, vector<1x16xf32>,
      %get3A_1770 = vector.shape_cast %get3A_1769 : vector<1x16xf32> to vector<16xf32>
      %mul3A_1771 = arith.mulf %get3A_339, %get3A_1770 : vector<16xf32>
      %get3A_1772 = arith.index_cast %add3A_1751 : i32 to index
      %get3A_1773 = arith.constant 16 : index
      %get3A_1774 = tpu.vector_load %arg14[%get3A_1772, %get3A_1773] {strides = array<i32>} : memref<512x64xf32, #tpu.memory_space<vmem>>, vector<1x16xf32>,
      %get3A_1775 = vector.shape_cast %get3A_1774 : vector<1x16xf32> to vector<16xf32>
      %mul3A_1776 = arith.mulf %mul3A_1771, %get3A_1775 : vector<16xf32>
      %swap3A_1777 = arith.index_cast %add3A_1751 : i32 to index
      %swap3A_1778 = arith.constant 16 : index
      %swap3A_1779 = tpu.vector_load %arg15[%swap3A_1777, %swap3A_1778] {strides = array<i32>} : memref<512x64xf32, #tpu.memory_space<vmem>>, vector<1x16xf32>,
      %swap3A_1780 = vector.shape_cast %swap3A_1779 : vector<1x16xf32> to vector<16xf32>
      %swap3A_1781 = vector.shape_cast %mul3A_1776 : vector<16xf32> to vector<1x16xf32>
      tpu.vector_store %arg15[%swap3A_1777, %swap3A_1778], %swap3A_1781 {strides = array<i32>} : memref<512x64xf32, #tpu.memory_space<vmem>>, vector<1x16xf32>,
      %add3A_1782 = arith.addf %mul3A_1761, %mul3A_1776 : vector<16xf32>
      %get3A_1783 = arith.index_cast %add3A_1751 : i32 to index
      %get3A_1784 = arith.constant 32 : index
      %get3A_1785 = tpu.vector_load %arg13[%get3A_1783, %get3A_1784] {strides = array<i32>} : memref<512x64xf32, #tpu.memory_space<vmem>>, vector<1x16xf32>,
      %get3A_1786 = vector.shape_cast %get3A_1785 : vector<1x16xf32> to vector<16xf32>
      %mul3A_1787 = arith.mulf %get3A_342, %get3A_1786 : vector<16xf32>
      %get3A_1788 = arith.index_cast %add3A_1751 : i32 to index
      %get3A_1789 = arith.constant 32 : index
      %get3A_1790 = tpu.vector_load %arg14[%get3A_1788, %get3A_1789] {strides = array<i32>} : memref<512x64xf32, #tpu.memory_space<vmem>>, vector<1x16xf32>,
      %get3A_1791 = vector.shape_cast %get3A_1790 : vector<1x16xf32> to vector<16xf32>
      %mul3A_1792 = arith.mulf %mul3A_1787, %get3A_1791 : vector<16xf32>
      %swap3A_1793 = arith.index_cast %add3A_1751 : i32 to index
      %swap3A_1794 = arith.constant 32 : index
      %swap3A_1795 = tpu.vector_load %arg15[%swap3A_1793, %swap3A_1794] {strides = array<i32>} : memref<512x64xf32, #tpu.memory_space<vmem>>, vector<1x16xf32>,
      %swap3A_1796 = vector.shape_cast %swap3A_1795 : vector<1x16xf32> to vector<16xf32>
      %swap3A_1797 = vector.shape_cast %mul3A_1792 : vector<16xf32> to vector<1x16xf32>
      tpu.vector_store %arg15[%swap3A_1793, %swap3A_1794], %swap3A_1797 {strides = array<i32>} : memref<512x64xf32, #tpu.memory_space<vmem>>, vector<1x16xf32>,
      %add3A_1798 = arith.addf %add3A_1782, %mul3A_1792 : vector<16xf32>
      %get3A_1799 = arith.index_cast %add3A_1751 : i32 to index
      %get3A_1800 = arith.constant 48 : index
      %get3A_1801 = tpu.vector_load %arg13[%get3A_1799, %get3A_1800] {strides = array<i32>} : memref<512x64xf32, #tpu.memory_space<vmem>>, vector<1x16xf32>,
      %get3A_1802 = vector.shape_cast %get3A_1801 : vector<1x16xf32> to vector<16xf32>
      %mul3A_1803 = arith.mulf %get3A_345, %get3A_1802 : vector<16xf32>
      %get3A_1804 = arith.index_cast %add3A_1751 : i32 to index
      %get3A_1805 = arith.constant 48 : index
      %get3A_1806 = tpu.vector_load %arg14[%get3A_1804, %get3A_1805] {strides = array<i32>} : memref<512x64xf32, #tpu.memory_space<vmem>>, vector<1x16xf32>,
      %get3A_1807 = vector.shape_cast %get3A_1806 : vector<1x16xf32> to vector<16xf32>
      %mul3A_1808 = arith.mulf %mul3A_1803, %get3A_1807 : vector<16xf32>
      %swap3A_1809 = arith.index_cast %add3A_1751 : i32 to index
      %swap3A_1810 = arith.constant 48 : index
      %swap3A_1811 = tpu.vector_load %arg15[%swap3A_1809, %swap3A_1810] {strides = array<i32>} : memref<512x64xf32, #tpu.memory_space<vmem>>, vector<1x16xf32>,
      %swap3A_1812 = vector.shape_cast %swap3A_1811 : vector<1x16xf32> to vector<16xf32>
      %swap3A_1813 = vector.shape_cast %mul3A_1808 : vector<16xf32> to vector<1x16xf32>
      tpu.vector_store %arg15[%swap3A_1809, %swap3A_1810], %swap3A_1813 {strides = array<i32>} : memref<512x64xf32, #tpu.memory_space<vmem>>, vector<1x16xf32>,
      %add3A_1814 = arith.addf %add3A_1798, %mul3A_1808 : vector<16xf32>
      %xor3A_1815 = arith.constant 1 : i32
      %xor3A_1816 = vector.broadcast %xor3A_1815 : i32 to vector<16xi32>
      %xor3A_1817 = arith.xori %iota3A, %xor3A_1816 : vector<16xi32>
      %lt3A_1818 = arith.constant 0 : i32
      %lt3A_1819 = vector.broadcast %lt3A_1818 : i32 to vector<16xi32>
      %lt3A_1820 = arith.cmpi slt, %xor3A_1817, %lt3A_1819 : vector<16xi32>
      %add3A_1821 = arith.constant 16 : i32
      %add3A_1822 = vector.broadcast %add3A_1821 : i32 to vector<16xi32>
      %add3A_1823 = arith.addi %xor3A_1817, %add3A_1822 : vector<16xi32>
      %select_n3A_1824 = arith.select %lt3A_1820, %add3A_1823, %xor3A_1817 : vector<16xi1>, vector<16xi32>
      %broadcast_in_dim3A_1825 = vector.shape_cast %select_n3A_1824 : vector<16xi32> to vector<16x1xi32>
      %gather3A_1826 = vector.shape_cast %broadcast_in_dim3A_1825 : vector<16x1xi32> to vector<16xi32>
      %gather3A_1827 = tpu.dynamic_gather %add3A_1814[%gather3A_1826] in [0] : vector<16xf32>, vector<16xi32> -> vector<16xf32>
      %add3A_1828 = arith.addf %add3A_1814, %gather3A_1827 : vector<16xf32>
      %xor3A_1829 = arith.constant 2 : i32
      %xor3A_1830 = vector.broadcast %xor3A_1829 : i32 to vector<16xi32>
      %xor3A_1831 = arith.xori %iota3A, %xor3A_1830 : vector<16xi32>
      %lt3A_1832 = arith.constant 0 : i32
      %lt3A_1833 = vector.broadcast %lt3A_1832 : i32 to vector<16xi32>
      %lt3A_1834 = arith.cmpi slt, %xor3A_1831, %lt3A_1833 : vector<16xi32>
      %add3A_1835 = arith.constant 16 : i32
      %add3A_1836 = vector.broadcast %add3A_1835 : i32 to vector<16xi32>
      %add3A_1837 = arith.addi %xor3A_1831, %add3A_1836 : vector<16xi32>
      %select_n3A_1838 = arith.select %lt3A_1834, %add3A_1837, %xor3A_1831 : vector<16xi1>, vector<16xi32>
      %broadcast_in_dim3A_1839 = vector.shape_cast %select_n3A_1838 : vector<16xi32> to vector<16x1xi32>
      %gather3A_1840 = vector.shape_cast %broadcast_in_dim3A_1839 : vector<16x1xi32> to vector<16xi32>
      %gather3A_1841 = tpu.dynamic_gather %add3A_1828[%gather3A_1840] in [0] : vector<16xf32>, vector<16xi32> -> vector<16xf32>
      %add3A_1842 = arith.addf %add3A_1828, %gather3A_1841 : vector<16xf32>
      %xor3A_1843 = arith.constant 4 : i32
      %xor3A_1844 = vector.broadcast %xor3A_1843 : i32 to vector<16xi32>
      %xor3A_1845 = arith.xori %iota3A, %xor3A_1844 : vector<16xi32>
      %lt3A_1846 = arith.constant 0 : i32
      %lt3A_1847 = vector.broadcast %lt3A_1846 : i32 to vector<16xi32>
      %lt3A_1848 = arith.cmpi slt, %xor3A_1845, %lt3A_1847 : vector<16xi32>
      %add3A_1849 = arith.constant 16 : i32
      %add3A_1850 = vector.broadcast %add3A_1849 : i32 to vector<16xi32>
      %add3A_1851 = arith.addi %xor3A_1845, %add3A_1850 : vector<16xi32>
      %select_n3A_1852 = arith.select %lt3A_1848, %add3A_1851, %xor3A_1845 : vector<16xi1>, vector<16xi32>
      %broadcast_in_dim3A_1853 = vector.shape_cast %select_n3A_1852 : vector<16xi32> to vector<16x1xi32>
      %gather3A_1854 = vector.shape_cast %broadcast_in_dim3A_1853 : vector<16x1xi32> to vector<16xi32>
      %gather3A_1855 = tpu.dynamic_gather %add3A_1842[%gather3A_1854] in [0] : vector<16xf32>, vector<16xi32> -> vector<16xf32>
      %add3A_1856 = arith.addf %add3A_1842, %gather3A_1855 : vector<16xf32>
      %xor3A_1857 = arith.constant 8 : i32
      %xor3A_1858 = vector.broadcast %xor3A_1857 : i32 to vector<16xi32>
      %xor3A_1859 = arith.xori %iota3A, %xor3A_1858 : vector<16xi32>
      %lt3A_1860 = arith.constant 0 : i32
      %lt3A_1861 = vector.broadcast %lt3A_1860 : i32 to vector<16xi32>
      %lt3A_1862 = arith.cmpi slt, %xor3A_1859, %lt3A_1861 : vector<16xi32>
      %add3A_1863 = arith.constant 16 : i32
      %add3A_1864 = vector.broadcast %add3A_1863 : i32 to vector<16xi32>
      %add3A_1865 = arith.addi %xor3A_1859, %add3A_1864 : vector<16xi32>
      %select_n3A_1866 = arith.select %lt3A_1862, %add3A_1865, %xor3A_1859 : vector<16xi1>, vector<16xi32>
      %broadcast_in_dim3A_1867 = vector.shape_cast %select_n3A_1866 : vector<16xi32> to vector<16x1xi32>
      %gather3A_1868 = vector.shape_cast %broadcast_in_dim3A_1867 : vector<16x1xi32> to vector<16xi32>
      %gather3A_1869 = tpu.dynamic_gather %add3A_1856[%gather3A_1868] in [0] : vector<16xf32>, vector<16xi32> -> vector<16xf32>
      %add3A_1870 = arith.addf %add3A_1856, %gather3A_1869 : vector<16xf32>
      %eq3A_1871 = arith.constant 11 : i32
      %eq3A_1872 = vector.broadcast %eq3A_1871 : i32 to vector<16xi32>
      %eq3A_1873 = arith.cmpi eq, %iota3A, %eq3A_1872 : vector<16xi32>
      %select_n3A_1874 = arith.select %eq3A_1873, %add3A_1870, %select_n3A_1747 : vector<16xi1>, vector<16xf32>
      %mul3A_1875 = arith.constant 16 : i32
      %mul3A_1876 = arith.muli %add3A_354, %mul3A_1875 : i32
      %add3A_1877 = arith.constant 12 : i32
      %add3A_1878 = arith.addi %mul3A_1876, %add3A_1877 : i32
      %get3A_1879 = arith.index_cast %add3A_1878 : i32 to index
      %get3A_1880 = arith.constant 0 : index
      %get3A_1881 = tpu.vector_load %arg13[%get3A_1879, %get3A_1880] {strides = array<i32>} : memref<512x64xf32, #tpu.memory_space<vmem>>, vector<1x16xf32>,
      %get3A_1882 = vector.shape_cast %get3A_1881 : vector<1x16xf32> to vector<16xf32>
      %mul3A_1883 = arith.mulf %get3A_336, %get3A_1882 : vector<16xf32>
      %get3A_1884 = arith.index_cast %add3A_1878 : i32 to index
      %get3A_1885 = arith.constant 0 : index
      %get3A_1886 = tpu.vector_load %arg14[%get3A_1884, %get3A_1885] {strides = array<i32>} : memref<512x64xf32, #tpu.memory_space<vmem>>, vector<1x16xf32>,
      %get3A_1887 = vector.shape_cast %get3A_1886 : vector<1x16xf32> to vector<16xf32>
      %mul3A_1888 = arith.mulf %mul3A_1883, %get3A_1887 : vector<16xf32>
      %swap3A_1889 = arith.index_cast %add3A_1878 : i32 to index
      %swap3A_1890 = arith.constant 0 : index
      %swap3A_1891 = tpu.vector_load %arg15[%swap3A_1889, %swap3A_1890] {strides = array<i32>} : memref<512x64xf32, #tpu.memory_space<vmem>>, vector<1x16xf32>,
      %swap3A_1892 = vector.shape_cast %swap3A_1891 : vector<1x16xf32> to vector<16xf32>
      %swap3A_1893 = vector.shape_cast %mul3A_1888 : vector<16xf32> to vector<1x16xf32>
      tpu.vector_store %arg15[%swap3A_1889, %swap3A_1890], %swap3A_1893 {strides = array<i32>} : memref<512x64xf32, #tpu.memory_space<vmem>>, vector<1x16xf32>,
      %get3A_1894 = arith.index_cast %add3A_1878 : i32 to index
      %get3A_1895 = arith.constant 16 : index
      %get3A_1896 = tpu.vector_load %arg13[%get3A_1894, %get3A_1895] {strides = array<i32>} : memref<512x64xf32, #tpu.memory_space<vmem>>, vector<1x16xf32>,
      %get3A_1897 = vector.shape_cast %get3A_1896 : vector<1x16xf32> to vector<16xf32>
      %mul3A_1898 = arith.mulf %get3A_339, %get3A_1897 : vector<16xf32>
      %get3A_1899 = arith.index_cast %add3A_1878 : i32 to index
      %get3A_1900 = arith.constant 16 : index
      %get3A_1901 = tpu.vector_load %arg14[%get3A_1899, %get3A_1900] {strides = array<i32>} : memref<512x64xf32, #tpu.memory_space<vmem>>, vector<1x16xf32>,
      %get3A_1902 = vector.shape_cast %get3A_1901 : vector<1x16xf32> to vector<16xf32>
      %mul3A_1903 = arith.mulf %mul3A_1898, %get3A_1902 : vector<16xf32>
      %swap3A_1904 = arith.index_cast %add3A_1878 : i32 to index
      %swap3A_1905 = arith.constant 16 : index
      %swap3A_1906 = tpu.vector_load %arg15[%swap3A_1904, %swap3A_1905] {strides = array<i32>} : memref<512x64xf32, #tpu.memory_space<vmem>>, vector<1x16xf32>,
      %swap3A_1907 = vector.shape_cast %swap3A_1906 : vector<1x16xf32> to vector<16xf32>
      %swap3A_1908 = vector.shape_cast %mul3A_1903 : vector<16xf32> to vector<1x16xf32>
      tpu.vector_store %arg15[%swap3A_1904, %swap3A_1905], %swap3A_1908 {strides = array<i32>} : memref<512x64xf32, #tpu.memory_space<vmem>>, vector<1x16xf32>,
      %add3A_1909 = arith.addf %mul3A_1888, %mul3A_1903 : vector<16xf32>
      %get3A_1910 = arith.index_cast %add3A_1878 : i32 to index
      %get3A_1911 = arith.constant 32 : index
      %get3A_1912 = tpu.vector_load %arg13[%get3A_1910, %get3A_1911] {strides = array<i32>} : memref<512x64xf32, #tpu.memory_space<vmem>>, vector<1x16xf32>,
      %get3A_1913 = vector.shape_cast %get3A_1912 : vector<1x16xf32> to vector<16xf32>
      %mul3A_1914 = arith.mulf %get3A_342, %get3A_1913 : vector<16xf32>
      %get3A_1915 = arith.index_cast %add3A_1878 : i32 to index
      %get3A_1916 = arith.constant 32 : index
      %get3A_1917 = tpu.vector_load %arg14[%get3A_1915, %get3A_1916] {strides = array<i32>} : memref<512x64xf32, #tpu.memory_space<vmem>>, vector<1x16xf32>,
      %get3A_1918 = vector.shape_cast %get3A_1917 : vector<1x16xf32> to vector<16xf32>
      %mul3A_1919 = arith.mulf %mul3A_1914, %get3A_1918 : vector<16xf32>
      %swap3A_1920 = arith.index_cast %add3A_1878 : i32 to index
      %swap3A_1921 = arith.constant 32 : index
      %swap3A_1922 = tpu.vector_load %arg15[%swap3A_1920, %swap3A_1921] {strides = array<i32>} : memref<512x64xf32, #tpu.memory_space<vmem>>, vector<1x16xf32>,
      %swap3A_1923 = vector.shape_cast %swap3A_1922 : vector<1x16xf32> to vector<16xf32>
      %swap3A_1924 = vector.shape_cast %mul3A_1919 : vector<16xf32> to vector<1x16xf32>
      tpu.vector_store %arg15[%swap3A_1920, %swap3A_1921], %swap3A_1924 {strides = array<i32>} : memref<512x64xf32, #tpu.memory_space<vmem>>, vector<1x16xf32>,
      %add3A_1925 = arith.addf %add3A_1909, %mul3A_1919 : vector<16xf32>
      %get3A_1926 = arith.index_cast %add3A_1878 : i32 to index
      %get3A_1927 = arith.constant 48 : index
      %get3A_1928 = tpu.vector_load %arg13[%get3A_1926, %get3A_1927] {strides = array<i32>} : memref<512x64xf32, #tpu.memory_space<vmem>>, vector<1x16xf32>,
      %get3A_1929 = vector.shape_cast %get3A_1928 : vector<1x16xf32> to vector<16xf32>
      %mul3A_1930 = arith.mulf %get3A_345, %get3A_1929 : vector<16xf32>
      %get3A_1931 = arith.index_cast %add3A_1878 : i32 to index
      %get3A_1932 = arith.constant 48 : index
      %get3A_1933 = tpu.vector_load %arg14[%get3A_1931, %get3A_1932] {strides = array<i32>} : memref<512x64xf32, #tpu.memory_space<vmem>>, vector<1x16xf32>,
      %get3A_1934 = vector.shape_cast %get3A_1933 : vector<1x16xf32> to vector<16xf32>
      %mul3A_1935 = arith.mulf %mul3A_1930, %get3A_1934 : vector<16xf32>
      %swap3A_1936 = arith.index_cast %add3A_1878 : i32 to index
      %swap3A_1937 = arith.constant 48 : index
      %swap3A_1938 = tpu.vector_load %arg15[%swap3A_1936, %swap3A_1937] {strides = array<i32>} : memref<512x64xf32, #tpu.memory_space<vmem>>, vector<1x16xf32>,
      %swap3A_1939 = vector.shape_cast %swap3A_1938 : vector<1x16xf32> to vector<16xf32>
      %swap3A_1940 = vector.shape_cast %mul3A_1935 : vector<16xf32> to vector<1x16xf32>
      tpu.vector_store %arg15[%swap3A_1936, %swap3A_1937], %swap3A_1940 {strides = array<i32>} : memref<512x64xf32, #tpu.memory_space<vmem>>, vector<1x16xf32>,
      %add3A_1941 = arith.addf %add3A_1925, %mul3A_1935 : vector<16xf32>
      %xor3A_1942 = arith.constant 1 : i32
      %xor3A_1943 = vector.broadcast %xor3A_1942 : i32 to vector<16xi32>
      %xor3A_1944 = arith.xori %iota3A, %xor3A_1943 : vector<16xi32>
      %lt3A_1945 = arith.constant 0 : i32
      %lt3A_1946 = vector.broadcast %lt3A_1945 : i32 to vector<16xi32>
      %lt3A_1947 = arith.cmpi slt, %xor3A_1944, %lt3A_1946 : vector<16xi32>
      %add3A_1948 = arith.constant 16 : i32
      %add3A_1949 = vector.broadcast %add3A_1948 : i32 to vector<16xi32>
      %add3A_1950 = arith.addi %xor3A_1944, %add3A_1949 : vector<16xi32>
      %select_n3A_1951 = arith.select %lt3A_1947, %add3A_1950, %xor3A_1944 : vector<16xi1>, vector<16xi32>
      %broadcast_in_dim3A_1952 = vector.shape_cast %select_n3A_1951 : vector<16xi32> to vector<16x1xi32>
      %gather3A_1953 = vector.shape_cast %broadcast_in_dim3A_1952 : vector<16x1xi32> to vector<16xi32>
      %gather3A_1954 = tpu.dynamic_gather %add3A_1941[%gather3A_1953] in [0] : vector<16xf32>, vector<16xi32> -> vector<16xf32>
      %add3A_1955 = arith.addf %add3A_1941, %gather3A_1954 : vector<16xf32>
      %xor3A_1956 = arith.constant 2 : i32
      %xor3A_1957 = vector.broadcast %xor3A_1956 : i32 to vector<16xi32>
      %xor3A_1958 = arith.xori %iota3A, %xor3A_1957 : vector<16xi32>
      %lt3A_1959 = arith.constant 0 : i32
      %lt3A_1960 = vector.broadcast %lt3A_1959 : i32 to vector<16xi32>
      %lt3A_1961 = arith.cmpi slt, %xor3A_1958, %lt3A_1960 : vector<16xi32>
      %add3A_1962 = arith.constant 16 : i32
      %add3A_1963 = vector.broadcast %add3A_1962 : i32 to vector<16xi32>
      %add3A_1964 = arith.addi %xor3A_1958, %add3A_1963 : vector<16xi32>
      %select_n3A_1965 = arith.select %lt3A_1961, %add3A_1964, %xor3A_1958 : vector<16xi1>, vector<16xi32>
      %broadcast_in_dim3A_1966 = vector.shape_cast %select_n3A_1965 : vector<16xi32> to vector<16x1xi32>
      %gather3A_1967 = vector.shape_cast %broadcast_in_dim3A_1966 : vector<16x1xi32> to vector<16xi32>
      %gather3A_1968 = tpu.dynamic_gather %add3A_1955[%gather3A_1967] in [0] : vector<16xf32>, vector<16xi32> -> vector<16xf32>
      %add3A_1969 = arith.addf %add3A_1955, %gather3A_1968 : vector<16xf32>
      %xor3A_1970 = arith.constant 4 : i32
      %xor3A_1971 = vector.broadcast %xor3A_1970 : i32 to vector<16xi32>
      %xor3A_1972 = arith.xori %iota3A, %xor3A_1971 : vector<16xi32>
      %lt3A_1973 = arith.constant 0 : i32
      %lt3A_1974 = vector.broadcast %lt3A_1973 : i32 to vector<16xi32>
      %lt3A_1975 = arith.cmpi slt, %xor3A_1972, %lt3A_1974 : vector<16xi32>
      %add3A_1976 = arith.constant 16 : i32
      %add3A_1977 = vector.broadcast %add3A_1976 : i32 to vector<16xi32>
      %add3A_1978 = arith.addi %xor3A_1972, %add3A_1977 : vector<16xi32>
      %select_n3A_1979 = arith.select %lt3A_1975, %add3A_1978, %xor3A_1972 : vector<16xi1>, vector<16xi32>
      %broadcast_in_dim3A_1980 = vector.shape_cast %select_n3A_1979 : vector<16xi32> to vector<16x1xi32>
      %gather3A_1981 = vector.shape_cast %broadcast_in_dim3A_1980 : vector<16x1xi32> to vector<16xi32>
      %gather3A_1982 = tpu.dynamic_gather %add3A_1969[%gather3A_1981] in [0] : vector<16xf32>, vector<16xi32> -> vector<16xf32>
      %add3A_1983 = arith.addf %add3A_1969, %gather3A_1982 : vector<16xf32>
      %xor3A_1984 = arith.constant 8 : i32
      %xor3A_1985 = vector.broadcast %xor3A_1984 : i32 to vector<16xi32>
      %xor3A_1986 = arith.xori %iota3A, %xor3A_1985 : vector<16xi32>
      %lt3A_1987 = arith.constant 0 : i32
      %lt3A_1988 = vector.broadcast %lt3A_1987 : i32 to vector<16xi32>
      %lt3A_1989 = arith.cmpi slt, %xor3A_1986, %lt3A_1988 : vector<16xi32>
      %add3A_1990 = arith.constant 16 : i32
      %add3A_1991 = vector.broadcast %add3A_1990 : i32 to vector<16xi32>
      %add3A_1992 = arith.addi %xor3A_1986, %add3A_1991 : vector<16xi32>
      %select_n3A_1993 = arith.select %lt3A_1989, %add3A_1992, %xor3A_1986 : vector<16xi1>, vector<16xi32>
      %broadcast_in_dim3A_1994 = vector.shape_cast %select_n3A_1993 : vector<16xi32> to vector<16x1xi32>
      %gather3A_1995 = vector.shape_cast %broadcast_in_dim3A_1994 : vector<16x1xi32> to vector<16xi32>
      %gather3A_1996 = tpu.dynamic_gather %add3A_1983[%gather3A_1995] in [0] : vector<16xf32>, vector<16xi32> -> vector<16xf32>
      %add3A_1997 = arith.addf %add3A_1983, %gather3A_1996 : vector<16xf32>
      %eq3A_1998 = arith.constant 12 : i32
      %eq3A_1999 = vector.broadcast %eq3A_1998 : i32 to vector<16xi32>
      %eq3A_2000 = arith.cmpi eq, %iota3A, %eq3A_1999 : vector<16xi32>
      %select_n3A_2001 = arith.select %eq3A_2000, %add3A_1997, %select_n3A_1874 : vector<16xi1>, vector<16xf32>
      %mul3A_2002 = arith.constant 16 : i32
      %mul3A_2003 = arith.muli %add3A_354, %mul3A_2002 : i32
      %add3A_2004 = arith.constant 13 : i32
      %add3A_2005 = arith.addi %mul3A_2003, %add3A_2004 : i32
      %get3A_2006 = arith.index_cast %add3A_2005 : i32 to index
      %get3A_2007 = arith.constant 0 : index
      %get3A_2008 = tpu.vector_load %arg13[%get3A_2006, %get3A_2007] {strides = array<i32>} : memref<512x64xf32, #tpu.memory_space<vmem>>, vector<1x16xf32>,
      %get3A_2009 = vector.shape_cast %get3A_2008 : vector<1x16xf32> to vector<16xf32>
      %mul3A_2010 = arith.mulf %get3A_336, %get3A_2009 : vector<16xf32>
      %get3A_2011 = arith.index_cast %add3A_2005 : i32 to index
      %get3A_2012 = arith.constant 0 : index
      %get3A_2013 = tpu.vector_load %arg14[%get3A_2011, %get3A_2012] {strides = array<i32>} : memref<512x64xf32, #tpu.memory_space<vmem>>, vector<1x16xf32>,
      %get3A_2014 = vector.shape_cast %get3A_2013 : vector<1x16xf32> to vector<16xf32>
      %mul3A_2015 = arith.mulf %mul3A_2010, %get3A_2014 : vector<16xf32>
      %swap3A_2016 = arith.index_cast %add3A_2005 : i32 to index
      %swap3A_2017 = arith.constant 0 : index
      %swap3A_2018 = tpu.vector_load %arg15[%swap3A_2016, %swap3A_2017] {strides = array<i32>} : memref<512x64xf32, #tpu.memory_space<vmem>>, vector<1x16xf32>,
      %swap3A_2019 = vector.shape_cast %swap3A_2018 : vector<1x16xf32> to vector<16xf32>
      %swap3A_2020 = vector.shape_cast %mul3A_2015 : vector<16xf32> to vector<1x16xf32>
      tpu.vector_store %arg15[%swap3A_2016, %swap3A_2017], %swap3A_2020 {strides = array<i32>} : memref<512x64xf32, #tpu.memory_space<vmem>>, vector<1x16xf32>,
      %get3A_2021 = arith.index_cast %add3A_2005 : i32 to index
      %get3A_2022 = arith.constant 16 : index
      %get3A_2023 = tpu.vector_load %arg13[%get3A_2021, %get3A_2022] {strides = array<i32>} : memref<512x64xf32, #tpu.memory_space<vmem>>, vector<1x16xf32>,
      %get3A_2024 = vector.shape_cast %get3A_2023 : vector<1x16xf32> to vector<16xf32>
      %mul3A_2025 = arith.mulf %get3A_339, %get3A_2024 : vector<16xf32>
      %get3A_2026 = arith.index_cast %add3A_2005 : i32 to index
      %get3A_2027 = arith.constant 16 : index
      %get3A_2028 = tpu.vector_load %arg14[%get3A_2026, %get3A_2027] {strides = array<i32>} : memref<512x64xf32, #tpu.memory_space<vmem>>, vector<1x16xf32>,
      %get3A_2029 = vector.shape_cast %get3A_2028 : vector<1x16xf32> to vector<16xf32>
      %mul3A_2030 = arith.mulf %mul3A_2025, %get3A_2029 : vector<16xf32>
      %swap3A_2031 = arith.index_cast %add3A_2005 : i32 to index
      %swap3A_2032 = arith.constant 16 : index
      %swap3A_2033 = tpu.vector_load %arg15[%swap3A_2031, %swap3A_2032] {strides = array<i32>} : memref<512x64xf32, #tpu.memory_space<vmem>>, vector<1x16xf32>,
      %swap3A_2034 = vector.shape_cast %swap3A_2033 : vector<1x16xf32> to vector<16xf32>
      %swap3A_2035 = vector.shape_cast %mul3A_2030 : vector<16xf32> to vector<1x16xf32>
      tpu.vector_store %arg15[%swap3A_2031, %swap3A_2032], %swap3A_2035 {strides = array<i32>} : memref<512x64xf32, #tpu.memory_space<vmem>>, vector<1x16xf32>,
      %add3A_2036 = arith.addf %mul3A_2015, %mul3A_2030 : vector<16xf32>
      %get3A_2037 = arith.index_cast %add3A_2005 : i32 to index
      %get3A_2038 = arith.constant 32 : index
      %get3A_2039 = tpu.vector_load %arg13[%get3A_2037, %get3A_2038] {strides = array<i32>} : memref<512x64xf32, #tpu.memory_space<vmem>>, vector<1x16xf32>,
      %get3A_2040 = vector.shape_cast %get3A_2039 : vector<1x16xf32> to vector<16xf32>
      %mul3A_2041 = arith.mulf %get3A_342, %get3A_2040 : vector<16xf32>
      %get3A_2042 = arith.index_cast %add3A_2005 : i32 to index
      %get3A_2043 = arith.constant 32 : index
      %get3A_2044 = tpu.vector_load %arg14[%get3A_2042, %get3A_2043] {strides = array<i32>} : memref<512x64xf32, #tpu.memory_space<vmem>>, vector<1x16xf32>,
      %get3A_2045 = vector.shape_cast %get3A_2044 : vector<1x16xf32> to vector<16xf32>
      %mul3A_2046 = arith.mulf %mul3A_2041, %get3A_2045 : vector<16xf32>
      %swap3A_2047 = arith.index_cast %add3A_2005 : i32 to index
      %swap3A_2048 = arith.constant 32 : index
      %swap3A_2049 = tpu.vector_load %arg15[%swap3A_2047, %swap3A_2048] {strides = array<i32>} : memref<512x64xf32, #tpu.memory_space<vmem>>, vector<1x16xf32>,
      %swap3A_2050 = vector.shape_cast %swap3A_2049 : vector<1x16xf32> to vector<16xf32>
      %swap3A_2051 = vector.shape_cast %mul3A_2046 : vector<16xf32> to vector<1x16xf32>
      tpu.vector_store %arg15[%swap3A_2047, %swap3A_2048], %swap3A_2051 {strides = array<i32>} : memref<512x64xf32, #tpu.memory_space<vmem>>, vector<1x16xf32>,
      %add3A_2052 = arith.addf %add3A_2036, %mul3A_2046 : vector<16xf32>
      %get3A_2053 = arith.index_cast %add3A_2005 : i32 to index
      %get3A_2054 = arith.constant 48 : index
      %get3A_2055 = tpu.vector_load %arg13[%get3A_2053, %get3A_2054] {strides = array<i32>} : memref<512x64xf32, #tpu.memory_space<vmem>>, vector<1x16xf32>,
      %get3A_2056 = vector.shape_cast %get3A_2055 : vector<1x16xf32> to vector<16xf32>
      %mul3A_2057 = arith.mulf %get3A_345, %get3A_2056 : vector<16xf32>
      %get3A_2058 = arith.index_cast %add3A_2005 : i32 to index
      %get3A_2059 = arith.constant 48 : index
      %get3A_2060 = tpu.vector_load %arg14[%get3A_2058, %get3A_2059] {strides = array<i32>} : memref<512x64xf32, #tpu.memory_space<vmem>>, vector<1x16xf32>,
      %get3A_2061 = vector.shape_cast %get3A_2060 : vector<1x16xf32> to vector<16xf32>
      %mul3A_2062 = arith.mulf %mul3A_2057, %get3A_2061 : vector<16xf32>
      %swap3A_2063 = arith.index_cast %add3A_2005 : i32 to index
      %swap3A_2064 = arith.constant 48 : index
      %swap3A_2065 = tpu.vector_load %arg15[%swap3A_2063, %swap3A_2064] {strides = array<i32>} : memref<512x64xf32, #tpu.memory_space<vmem>>, vector<1x16xf32>,
      %swap3A_2066 = vector.shape_cast %swap3A_2065 : vector<1x16xf32> to vector<16xf32>
      %swap3A_2067 = vector.shape_cast %mul3A_2062 : vector<16xf32> to vector<1x16xf32>
      tpu.vector_store %arg15[%swap3A_2063, %swap3A_2064], %swap3A_2067 {strides = array<i32>} : memref<512x64xf32, #tpu.memory_space<vmem>>, vector<1x16xf32>,
      %add3A_2068 = arith.addf %add3A_2052, %mul3A_2062 : vector<16xf32>
      %xor3A_2069 = arith.constant 1 : i32
      %xor3A_2070 = vector.broadcast %xor3A_2069 : i32 to vector<16xi32>
      %xor3A_2071 = arith.xori %iota3A, %xor3A_2070 : vector<16xi32>
      %lt3A_2072 = arith.constant 0 : i32
      %lt3A_2073 = vector.broadcast %lt3A_2072 : i32 to vector<16xi32>
      %lt3A_2074 = arith.cmpi slt, %xor3A_2071, %lt3A_2073 : vector<16xi32>
      %add3A_2075 = arith.constant 16 : i32
      %add3A_2076 = vector.broadcast %add3A_2075 : i32 to vector<16xi32>
      %add3A_2077 = arith.addi %xor3A_2071, %add3A_2076 : vector<16xi32>
      %select_n3A_2078 = arith.select %lt3A_2074, %add3A_2077, %xor3A_2071 : vector<16xi1>, vector<16xi32>
      %broadcast_in_dim3A_2079 = vector.shape_cast %select_n3A_2078 : vector<16xi32> to vector<16x1xi32>
      %gather3A_2080 = vector.shape_cast %broadcast_in_dim3A_2079 : vector<16x1xi32> to vector<16xi32>
      %gather3A_2081 = tpu.dynamic_gather %add3A_2068[%gather3A_2080] in [0] : vector<16xf32>, vector<16xi32> -> vector<16xf32>
      %add3A_2082 = arith.addf %add3A_2068, %gather3A_2081 : vector<16xf32>
      %xor3A_2083 = arith.constant 2 : i32
      %xor3A_2084 = vector.broadcast %xor3A_2083 : i32 to vector<16xi32>
      %xor3A_2085 = arith.xori %iota3A, %xor3A_2084 : vector<16xi32>
      %lt3A_2086 = arith.constant 0 : i32
      %lt3A_2087 = vector.broadcast %lt3A_2086 : i32 to vector<16xi32>
      %lt3A_2088 = arith.cmpi slt, %xor3A_2085, %lt3A_2087 : vector<16xi32>
      %add3A_2089 = arith.constant 16 : i32
      %add3A_2090 = vector.broadcast %add3A_2089 : i32 to vector<16xi32>
      %add3A_2091 = arith.addi %xor3A_2085, %add3A_2090 : vector<16xi32>
      %select_n3A_2092 = arith.select %lt3A_2088, %add3A_2091, %xor3A_2085 : vector<16xi1>, vector<16xi32>
      %broadcast_in_dim3A_2093 = vector.shape_cast %select_n3A_2092 : vector<16xi32> to vector<16x1xi32>
      %gather3A_2094 = vector.shape_cast %broadcast_in_dim3A_2093 : vector<16x1xi32> to vector<16xi32>
      %gather3A_2095 = tpu.dynamic_gather %add3A_2082[%gather3A_2094] in [0] : vector<16xf32>, vector<16xi32> -> vector<16xf32>
      %add3A_2096 = arith.addf %add3A_2082, %gather3A_2095 : vector<16xf32>
      %xor3A_2097 = arith.constant 4 : i32
      %xor3A_2098 = vector.broadcast %xor3A_2097 : i32 to vector<16xi32>
      %xor3A_2099 = arith.xori %iota3A, %xor3A_2098 : vector<16xi32>
      %lt3A_2100 = arith.constant 0 : i32
      %lt3A_2101 = vector.broadcast %lt3A_2100 : i32 to vector<16xi32>
      %lt3A_2102 = arith.cmpi slt, %xor3A_2099, %lt3A_2101 : vector<16xi32>
      %add3A_2103 = arith.constant 16 : i32
      %add3A_2104 = vector.broadcast %add3A_2103 : i32 to vector<16xi32>
      %add3A_2105 = arith.addi %xor3A_2099, %add3A_2104 : vector<16xi32>
      %select_n3A_2106 = arith.select %lt3A_2102, %add3A_2105, %xor3A_2099 : vector<16xi1>, vector<16xi32>
      %broadcast_in_dim3A_2107 = vector.shape_cast %select_n3A_2106 : vector<16xi32> to vector<16x1xi32>
      %gather3A_2108 = vector.shape_cast %broadcast_in_dim3A_2107 : vector<16x1xi32> to vector<16xi32>
      %gather3A_2109 = tpu.dynamic_gather %add3A_2096[%gather3A_2108] in [0] : vector<16xf32>, vector<16xi32> -> vector<16xf32>
      %add3A_2110 = arith.addf %add3A_2096, %gather3A_2109 : vector<16xf32>
      %xor3A_2111 = arith.constant 8 : i32
      %xor3A_2112 = vector.broadcast %xor3A_2111 : i32 to vector<16xi32>
      %xor3A_2113 = arith.xori %iota3A, %xor3A_2112 : vector<16xi32>
      %lt3A_2114 = arith.constant 0 : i32
      %lt3A_2115 = vector.broadcast %lt3A_2114 : i32 to vector<16xi32>
      %lt3A_2116 = arith.cmpi slt, %xor3A_2113, %lt3A_2115 : vector<16xi32>
      %add3A_2117 = arith.constant 16 : i32
      %add3A_2118 = vector.broadcast %add3A_2117 : i32 to vector<16xi32>
      %add3A_2119 = arith.addi %xor3A_2113, %add3A_2118 : vector<16xi32>
      %select_n3A_2120 = arith.select %lt3A_2116, %add3A_2119, %xor3A_2113 : vector<16xi1>, vector<16xi32>
      %broadcast_in_dim3A_2121 = vector.shape_cast %select_n3A_2120 : vector<16xi32> to vector<16x1xi32>
      %gather3A_2122 = vector.shape_cast %broadcast_in_dim3A_2121 : vector<16x1xi32> to vector<16xi32>
      %gather3A_2123 = tpu.dynamic_gather %add3A_2110[%gather3A_2122] in [0] : vector<16xf32>, vector<16xi32> -> vector<16xf32>
      %add3A_2124 = arith.addf %add3A_2110, %gather3A_2123 : vector<16xf32>
      %eq3A_2125 = arith.constant 13 : i32
      %eq3A_2126 = vector.broadcast %eq3A_2125 : i32 to vector<16xi32>
      %eq3A_2127 = arith.cmpi eq, %iota3A, %eq3A_2126 : vector<16xi32>
      %select_n3A_2128 = arith.select %eq3A_2127, %add3A_2124, %select_n3A_2001 : vector<16xi1>, vector<16xf32>
      %mul3A_2129 = arith.constant 16 : i32
      %mul3A_2130 = arith.muli %add3A_354, %mul3A_2129 : i32
      %add3A_2131 = arith.constant 14 : i32
      %add3A_2132 = arith.addi %mul3A_2130, %add3A_2131 : i32
      %get3A_2133 = arith.index_cast %add3A_2132 : i32 to index
      %get3A_2134 = arith.constant 0 : index
      %get3A_2135 = tpu.vector_load %arg13[%get3A_2133, %get3A_2134] {strides = array<i32>} : memref<512x64xf32, #tpu.memory_space<vmem>>, vector<1x16xf32>,
      %get3A_2136 = vector.shape_cast %get3A_2135 : vector<1x16xf32> to vector<16xf32>
      %mul3A_2137 = arith.mulf %get3A_336, %get3A_2136 : vector<16xf32>
      %get3A_2138 = arith.index_cast %add3A_2132 : i32 to index
      %get3A_2139 = arith.constant 0 : index
      %get3A_2140 = tpu.vector_load %arg14[%get3A_2138, %get3A_2139] {strides = array<i32>} : memref<512x64xf32, #tpu.memory_space<vmem>>, vector<1x16xf32>,
      %get3A_2141 = vector.shape_cast %get3A_2140 : vector<1x16xf32> to vector<16xf32>
      %mul3A_2142 = arith.mulf %mul3A_2137, %get3A_2141 : vector<16xf32>
      %swap3A_2143 = arith.index_cast %add3A_2132 : i32 to index
      %swap3A_2144 = arith.constant 0 : index
      %swap3A_2145 = tpu.vector_load %arg15[%swap3A_2143, %swap3A_2144] {strides = array<i32>} : memref<512x64xf32, #tpu.memory_space<vmem>>, vector<1x16xf32>,
      %swap3A_2146 = vector.shape_cast %swap3A_2145 : vector<1x16xf32> to vector<16xf32>
      %swap3A_2147 = vector.shape_cast %mul3A_2142 : vector<16xf32> to vector<1x16xf32>
      tpu.vector_store %arg15[%swap3A_2143, %swap3A_2144], %swap3A_2147 {strides = array<i32>} : memref<512x64xf32, #tpu.memory_space<vmem>>, vector<1x16xf32>,
      %get3A_2148 = arith.index_cast %add3A_2132 : i32 to index
      %get3A_2149 = arith.constant 16 : index
      %get3A_2150 = tpu.vector_load %arg13[%get3A_2148, %get3A_2149] {strides = array<i32>} : memref<512x64xf32, #tpu.memory_space<vmem>>, vector<1x16xf32>,
      %get3A_2151 = vector.shape_cast %get3A_2150 : vector<1x16xf32> to vector<16xf32>
      %mul3A_2152 = arith.mulf %get3A_339, %get3A_2151 : vector<16xf32>
      %get3A_2153 = arith.index_cast %add3A_2132 : i32 to index
      %get3A_2154 = arith.constant 16 : index
      %get3A_2155 = tpu.vector_load %arg14[%get3A_2153, %get3A_2154] {strides = array<i32>} : memref<512x64xf32, #tpu.memory_space<vmem>>, vector<1x16xf32>,
      %get3A_2156 = vector.shape_cast %get3A_2155 : vector<1x16xf32> to vector<16xf32>
      %mul3A_2157 = arith.mulf %mul3A_2152, %get3A_2156 : vector<16xf32>
      %swap3A_2158 = arith.index_cast %add3A_2132 : i32 to index
      %swap3A_2159 = arith.constant 16 : index
      %swap3A_2160 = tpu.vector_load %arg15[%swap3A_2158, %swap3A_2159] {strides = array<i32>} : memref<512x64xf32, #tpu.memory_space<vmem>>, vector<1x16xf32>,
      %swap3A_2161 = vector.shape_cast %swap3A_2160 : vector<1x16xf32> to vector<16xf32>
      %swap3A_2162 = vector.shape_cast %mul3A_2157 : vector<16xf32> to vector<1x16xf32>
      tpu.vector_store %arg15[%swap3A_2158, %swap3A_2159], %swap3A_2162 {strides = array<i32>} : memref<512x64xf32, #tpu.memory_space<vmem>>, vector<1x16xf32>,
      %add3A_2163 = arith.addf %mul3A_2142, %mul3A_2157 : vector<16xf32>
      %get3A_2164 = arith.index_cast %add3A_2132 : i32 to index
      %get3A_2165 = arith.constant 32 : index
      %get3A_2166 = tpu.vector_load %arg13[%get3A_2164, %get3A_2165] {strides = array<i32>} : memref<512x64xf32, #tpu.memory_space<vmem>>, vector<1x16xf32>,
      %get3A_2167 = vector.shape_cast %get3A_2166 : vector<1x16xf32> to vector<16xf32>
      %mul3A_2168 = arith.mulf %get3A_342, %get3A_2167 : vector<16xf32>
      %get3A_2169 = arith.index_cast %add3A_2132 : i32 to index
      %get3A_2170 = arith.constant 32 : index
      %get3A_2171 = tpu.vector_load %arg14[%get3A_2169, %get3A_2170] {strides = array<i32>} : memref<512x64xf32, #tpu.memory_space<vmem>>, vector<1x16xf32>,
      %get3A_2172 = vector.shape_cast %get3A_2171 : vector<1x16xf32> to vector<16xf32>
      %mul3A_2173 = arith.mulf %mul3A_2168, %get3A_2172 : vector<16xf32>
      %swap3A_2174 = arith.index_cast %add3A_2132 : i32 to index
      %swap3A_2175 = arith.constant 32 : index
      %swap3A_2176 = tpu.vector_load %arg15[%swap3A_2174, %swap3A_2175] {strides = array<i32>} : memref<512x64xf32, #tpu.memory_space<vmem>>, vector<1x16xf32>,
      %swap3A_2177 = vector.shape_cast %swap3A_2176 : vector<1x16xf32> to vector<16xf32>
      %swap3A_2178 = vector.shape_cast %mul3A_2173 : vector<16xf32> to vector<1x16xf32>
      tpu.vector_store %arg15[%swap3A_2174, %swap3A_2175], %swap3A_2178 {strides = array<i32>} : memref<512x64xf32, #tpu.memory_space<vmem>>, vector<1x16xf32>,
      %add3A_2179 = arith.addf %add3A_2163, %mul3A_2173 : vector<16xf32>
      %get3A_2180 = arith.index_cast %add3A_2132 : i32 to index
      %get3A_2181 = arith.constant 48 : index
      %get3A_2182 = tpu.vector_load %arg13[%get3A_2180, %get3A_2181] {strides = array<i32>} : memref<512x64xf32, #tpu.memory_space<vmem>>, vector<1x16xf32>,
      %get3A_2183 = vector.shape_cast %get3A_2182 : vector<1x16xf32> to vector<16xf32>
      %mul3A_2184 = arith.mulf %get3A_345, %get3A_2183 : vector<16xf32>
      %get3A_2185 = arith.index_cast %add3A_2132 : i32 to index
      %get3A_2186 = arith.constant 48 : index
      %get3A_2187 = tpu.vector_load %arg14[%get3A_2185, %get3A_2186] {strides = array<i32>} : memref<512x64xf32, #tpu.memory_space<vmem>>, vector<1x16xf32>,
      %get3A_2188 = vector.shape_cast %get3A_2187 : vector<1x16xf32> to vector<16xf32>
      %mul3A_2189 = arith.mulf %mul3A_2184, %get3A_2188 : vector<16xf32>
      %swap3A_2190 = arith.index_cast %add3A_2132 : i32 to index
      %swap3A_2191 = arith.constant 48 : index
      %swap3A_2192 = tpu.vector_load %arg15[%swap3A_2190, %swap3A_2191] {strides = array<i32>} : memref<512x64xf32, #tpu.memory_space<vmem>>, vector<1x16xf32>,
      %swap3A_2193 = vector.shape_cast %swap3A_2192 : vector<1x16xf32> to vector<16xf32>
      %swap3A_2194 = vector.shape_cast %mul3A_2189 : vector<16xf32> to vector<1x16xf32>
      tpu.vector_store %arg15[%swap3A_2190, %swap3A_2191], %swap3A_2194 {strides = array<i32>} : memref<512x64xf32, #tpu.memory_space<vmem>>, vector<1x16xf32>,
      %add3A_2195 = arith.addf %add3A_2179, %mul3A_2189 : vector<16xf32>
      %xor3A_2196 = arith.constant 1 : i32
      %xor3A_2197 = vector.broadcast %xor3A_2196 : i32 to vector<16xi32>
      %xor3A_2198 = arith.xori %iota3A, %xor3A_2197 : vector<16xi32>
      %lt3A_2199 = arith.constant 0 : i32
      %lt3A_2200 = vector.broadcast %lt3A_2199 : i32 to vector<16xi32>
      %lt3A_2201 = arith.cmpi slt, %xor3A_2198, %lt3A_2200 : vector<16xi32>
      %add3A_2202 = arith.constant 16 : i32
      %add3A_2203 = vector.broadcast %add3A_2202 : i32 to vector<16xi32>
      %add3A_2204 = arith.addi %xor3A_2198, %add3A_2203 : vector<16xi32>
      %select_n3A_2205 = arith.select %lt3A_2201, %add3A_2204, %xor3A_2198 : vector<16xi1>, vector<16xi32>
      %broadcast_in_dim3A_2206 = vector.shape_cast %select_n3A_2205 : vector<16xi32> to vector<16x1xi32>
      %gather3A_2207 = vector.shape_cast %broadcast_in_dim3A_2206 : vector<16x1xi32> to vector<16xi32>
      %gather3A_2208 = tpu.dynamic_gather %add3A_2195[%gather3A_2207] in [0] : vector<16xf32>, vector<16xi32> -> vector<16xf32>
      %add3A_2209 = arith.addf %add3A_2195, %gather3A_2208 : vector<16xf32>
      %xor3A_2210 = arith.constant 2 : i32
      %xor3A_2211 = vector.broadcast %xor3A_2210 : i32 to vector<16xi32>
      %xor3A_2212 = arith.xori %iota3A, %xor3A_2211 : vector<16xi32>
      %lt3A_2213 = arith.constant 0 : i32
      %lt3A_2214 = vector.broadcast %lt3A_2213 : i32 to vector<16xi32>
      %lt3A_2215 = arith.cmpi slt, %xor3A_2212, %lt3A_2214 : vector<16xi32>
      %add3A_2216 = arith.constant 16 : i32
      %add3A_2217 = vector.broadcast %add3A_2216 : i32 to vector<16xi32>
      %add3A_2218 = arith.addi %xor3A_2212, %add3A_2217 : vector<16xi32>
      %select_n3A_2219 = arith.select %lt3A_2215, %add3A_2218, %xor3A_2212 : vector<16xi1>, vector<16xi32>
      %broadcast_in_dim3A_2220 = vector.shape_cast %select_n3A_2219 : vector<16xi32> to vector<16x1xi32>
      %gather3A_2221 = vector.shape_cast %broadcast_in_dim3A_2220 : vector<16x1xi32> to vector<16xi32>
      %gather3A_2222 = tpu.dynamic_gather %add3A_2209[%gather3A_2221] in [0] : vector<16xf32>, vector<16xi32> -> vector<16xf32>
      %add3A_2223 = arith.addf %add3A_2209, %gather3A_2222 : vector<16xf32>
      %xor3A_2224 = arith.constant 4 : i32
      %xor3A_2225 = vector.broadcast %xor3A_2224 : i32 to vector<16xi32>
      %xor3A_2226 = arith.xori %iota3A, %xor3A_2225 : vector<16xi32>
      %lt3A_2227 = arith.constant 0 : i32
      %lt3A_2228 = vector.broadcast %lt3A_2227 : i32 to vector<16xi32>
      %lt3A_2229 = arith.cmpi slt, %xor3A_2226, %lt3A_2228 : vector<16xi32>
      %add3A_2230 = arith.constant 16 : i32
      %add3A_2231 = vector.broadcast %add3A_2230 : i32 to vector<16xi32>
      %add3A_2232 = arith.addi %xor3A_2226, %add3A_2231 : vector<16xi32>
      %select_n3A_2233 = arith.select %lt3A_2229, %add3A_2232, %xor3A_2226 : vector<16xi1>, vector<16xi32>
      %broadcast_in_dim3A_2234 = vector.shape_cast %select_n3A_2233 : vector<16xi32> to vector<16x1xi32>
      %gather3A_2235 = vector.shape_cast %broadcast_in_dim3A_2234 : vector<16x1xi32> to vector<16xi32>
      %gather3A_2236 = tpu.dynamic_gather %add3A_2223[%gather3A_2235] in [0] : vector<16xf32>, vector<16xi32> -> vector<16xf32>
      %add3A_2237 = arith.addf %add3A_2223, %gather3A_2236 : vector<16xf32>
      %xor3A_2238 = arith.constant 8 : i32
      %xor3A_2239 = vector.broadcast %xor3A_2238 : i32 to vector<16xi32>
      %xor3A_2240 = arith.xori %iota3A, %xor3A_2239 : vector<16xi32>
      %lt3A_2241 = arith.constant 0 : i32
      %lt3A_2242 = vector.broadcast %lt3A_2241 : i32 to vector<16xi32>
      %lt3A_2243 = arith.cmpi slt, %xor3A_2240, %lt3A_2242 : vector<16xi32>
      %add3A_2244 = arith.constant 16 : i32
      %add3A_2245 = vector.broadcast %add3A_2244 : i32 to vector<16xi32>
      %add3A_2246 = arith.addi %xor3A_2240, %add3A_2245 : vector<16xi32>
      %select_n3A_2247 = arith.select %lt3A_2243, %add3A_2246, %xor3A_2240 : vector<16xi1>, vector<16xi32>
      %broadcast_in_dim3A_2248 = vector.shape_cast %select_n3A_2247 : vector<16xi32> to vector<16x1xi32>
      %gather3A_2249 = vector.shape_cast %broadcast_in_dim3A_2248 : vector<16x1xi32> to vector<16xi32>
      %gather3A_2250 = tpu.dynamic_gather %add3A_2237[%gather3A_2249] in [0] : vector<16xf32>, vector<16xi32> -> vector<16xf32>
      %add3A_2251 = arith.addf %add3A_2237, %gather3A_2250 : vector<16xf32>
      %eq3A_2252 = arith.constant 14 : i32
      %eq3A_2253 = vector.broadcast %eq3A_2252 : i32 to vector<16xi32>
      %eq3A_2254 = arith.cmpi eq, %iota3A, %eq3A_2253 : vector<16xi32>
      %select_n3A_2255 = arith.select %eq3A_2254, %add3A_2251, %select_n3A_2128 : vector<16xi1>, vector<16xf32>
      %mul3A_2256 = arith.constant 16 : i32
      %mul3A_2257 = arith.muli %add3A_354, %mul3A_2256 : i32
      %add3A_2258 = arith.constant 15 : i32
      %add3A_2259 = arith.addi %mul3A_2257, %add3A_2258 : i32
      %get3A_2260 = arith.index_cast %add3A_2259 : i32 to index
      %get3A_2261 = arith.constant 0 : index
      %get3A_2262 = tpu.vector_load %arg13[%get3A_2260, %get3A_2261] {strides = array<i32>} : memref<512x64xf32, #tpu.memory_space<vmem>>, vector<1x16xf32>,
      %get3A_2263 = vector.shape_cast %get3A_2262 : vector<1x16xf32> to vector<16xf32>
      %mul3A_2264 = arith.mulf %get3A_336, %get3A_2263 : vector<16xf32>
      %get3A_2265 = arith.index_cast %add3A_2259 : i32 to index
      %get3A_2266 = arith.constant 0 : index
      %get3A_2267 = tpu.vector_load %arg14[%get3A_2265, %get3A_2266] {strides = array<i32>} : memref<512x64xf32, #tpu.memory_space<vmem>>, vector<1x16xf32>,
      %get3A_2268 = vector.shape_cast %get3A_2267 : vector<1x16xf32> to vector<16xf32>
      %mul3A_2269 = arith.mulf %mul3A_2264, %get3A_2268 : vector<16xf32>
      %swap3A_2270 = arith.index_cast %add3A_2259 : i32 to index
      %swap3A_2271 = arith.constant 0 : index
      %swap3A_2272 = tpu.vector_load %arg15[%swap3A_2270, %swap3A_2271] {strides = array<i32>} : memref<512x64xf32, #tpu.memory_space<vmem>>, vector<1x16xf32>,
      %swap3A_2273 = vector.shape_cast %swap3A_2272 : vector<1x16xf32> to vector<16xf32>
      %swap3A_2274 = vector.shape_cast %mul3A_2269 : vector<16xf32> to vector<1x16xf32>
      tpu.vector_store %arg15[%swap3A_2270, %swap3A_2271], %swap3A_2274 {strides = array<i32>} : memref<512x64xf32, #tpu.memory_space<vmem>>, vector<1x16xf32>,
      %get3A_2275 = arith.index_cast %add3A_2259 : i32 to index
      %get3A_2276 = arith.constant 16 : index
      %get3A_2277 = tpu.vector_load %arg13[%get3A_2275, %get3A_2276] {strides = array<i32>} : memref<512x64xf32, #tpu.memory_space<vmem>>, vector<1x16xf32>,
      %get3A_2278 = vector.shape_cast %get3A_2277 : vector<1x16xf32> to vector<16xf32>
      %mul3A_2279 = arith.mulf %get3A_339, %get3A_2278 : vector<16xf32>
      %get3A_2280 = arith.index_cast %add3A_2259 : i32 to index
      %get3A_2281 = arith.constant 16 : index
      %get3A_2282 = tpu.vector_load %arg14[%get3A_2280, %get3A_2281] {strides = array<i32>} : memref<512x64xf32, #tpu.memory_space<vmem>>, vector<1x16xf32>,
      %get3A_2283 = vector.shape_cast %get3A_2282 : vector<1x16xf32> to vector<16xf32>
      %mul3A_2284 = arith.mulf %mul3A_2279, %get3A_2283 : vector<16xf32>
      %swap3A_2285 = arith.index_cast %add3A_2259 : i32 to index
      %swap3A_2286 = arith.constant 16 : index
      %swap3A_2287 = tpu.vector_load %arg15[%swap3A_2285, %swap3A_2286] {strides = array<i32>} : memref<512x64xf32, #tpu.memory_space<vmem>>, vector<1x16xf32>,
      %swap3A_2288 = vector.shape_cast %swap3A_2287 : vector<1x16xf32> to vector<16xf32>
      %swap3A_2289 = vector.shape_cast %mul3A_2284 : vector<16xf32> to vector<1x16xf32>
      tpu.vector_store %arg15[%swap3A_2285, %swap3A_2286], %swap3A_2289 {strides = array<i32>} : memref<512x64xf32, #tpu.memory_space<vmem>>, vector<1x16xf32>,
      %add3A_2290 = arith.addf %mul3A_2269, %mul3A_2284 : vector<16xf32>
      %get3A_2291 = arith.index_cast %add3A_2259 : i32 to index
      %get3A_2292 = arith.constant 32 : index
      %get3A_2293 = tpu.vector_load %arg13[%get3A_2291, %get3A_2292] {strides = array<i32>} : memref<512x64xf32, #tpu.memory_space<vmem>>, vector<1x16xf32>,
      %get3A_2294 = vector.shape_cast %get3A_2293 : vector<1x16xf32> to vector<16xf32>
      %mul3A_2295 = arith.mulf %get3A_342, %get3A_2294 : vector<16xf32>
      %get3A_2296 = arith.index_cast %add3A_2259 : i32 to index
      %get3A_2297 = arith.constant 32 : index
      %get3A_2298 = tpu.vector_load %arg14[%get3A_2296, %get3A_2297] {strides = array<i32>} : memref<512x64xf32, #tpu.memory_space<vmem>>, vector<1x16xf32>,
      %get3A_2299 = vector.shape_cast %get3A_2298 : vector<1x16xf32> to vector<16xf32>
      %mul3A_2300 = arith.mulf %mul3A_2295, %get3A_2299 : vector<16xf32>
      %swap3A_2301 = arith.index_cast %add3A_2259 : i32 to index
      %swap3A_2302 = arith.constant 32 : index
      %swap3A_2303 = tpu.vector_load %arg15[%swap3A_2301, %swap3A_2302] {strides = array<i32>} : memref<512x64xf32, #tpu.memory_space<vmem>>, vector<1x16xf32>,
      %swap3A_2304 = vector.shape_cast %swap3A_2303 : vector<1x16xf32> to vector<16xf32>
      %swap3A_2305 = vector.shape_cast %mul3A_2300 : vector<16xf32> to vector<1x16xf32>
      tpu.vector_store %arg15[%swap3A_2301, %swap3A_2302], %swap3A_2305 {strides = array<i32>} : memref<512x64xf32, #tpu.memory_space<vmem>>, vector<1x16xf32>,
      %add3A_2306 = arith.addf %add3A_2290, %mul3A_2300 : vector<16xf32>
      %get3A_2307 = arith.index_cast %add3A_2259 : i32 to index
      %get3A_2308 = arith.constant 48 : index
      %get3A_2309 = tpu.vector_load %arg13[%get3A_2307, %get3A_2308] {strides = array<i32>} : memref<512x64xf32, #tpu.memory_space<vmem>>, vector<1x16xf32>,
      %get3A_2310 = vector.shape_cast %get3A_2309 : vector<1x16xf32> to vector<16xf32>
      %mul3A_2311 = arith.mulf %get3A_345, %get3A_2310 : vector<16xf32>
      %get3A_2312 = arith.index_cast %add3A_2259 : i32 to index
      %get3A_2313 = arith.constant 48 : index
      %get3A_2314 = tpu.vector_load %arg14[%get3A_2312, %get3A_2313] {strides = array<i32>} : memref<512x64xf32, #tpu.memory_space<vmem>>, vector<1x16xf32>,
      %get3A_2315 = vector.shape_cast %get3A_2314 : vector<1x16xf32> to vector<16xf32>
      %mul3A_2316 = arith.mulf %mul3A_2311, %get3A_2315 : vector<16xf32>
      %swap3A_2317 = arith.index_cast %add3A_2259 : i32 to index
      %swap3A_2318 = arith.constant 48 : index
      %swap3A_2319 = tpu.vector_load %arg15[%swap3A_2317, %swap3A_2318] {strides = array<i32>} : memref<512x64xf32, #tpu.memory_space<vmem>>, vector<1x16xf32>,
      %swap3A_2320 = vector.shape_cast %swap3A_2319 : vector<1x16xf32> to vector<16xf32>
      %swap3A_2321 = vector.shape_cast %mul3A_2316 : vector<16xf32> to vector<1x16xf32>
      tpu.vector_store %arg15[%swap3A_2317, %swap3A_2318], %swap3A_2321 {strides = array<i32>} : memref<512x64xf32, #tpu.memory_space<vmem>>, vector<1x16xf32>,
      %add3A_2322 = arith.addf %add3A_2306, %mul3A_2316 : vector<16xf32>
      %xor3A_2323 = arith.constant 1 : i32
      %xor3A_2324 = vector.broadcast %xor3A_2323 : i32 to vector<16xi32>
      %xor3A_2325 = arith.xori %iota3A, %xor3A_2324 : vector<16xi32>
      %lt3A_2326 = arith.constant 0 : i32
      %lt3A_2327 = vector.broadcast %lt3A_2326 : i32 to vector<16xi32>
      %lt3A_2328 = arith.cmpi slt, %xor3A_2325, %lt3A_2327 : vector<16xi32>
      %add3A_2329 = arith.constant 16 : i32
      %add3A_2330 = vector.broadcast %add3A_2329 : i32 to vector<16xi32>
      %add3A_2331 = arith.addi %xor3A_2325, %add3A_2330 : vector<16xi32>
      %select_n3A_2332 = arith.select %lt3A_2328, %add3A_2331, %xor3A_2325 : vector<16xi1>, vector<16xi32>
      %broadcast_in_dim3A_2333 = vector.shape_cast %select_n3A_2332 : vector<16xi32> to vector<16x1xi32>
      %gather3A_2334 = vector.shape_cast %broadcast_in_dim3A_2333 : vector<16x1xi32> to vector<16xi32>
      %gather3A_2335 = tpu.dynamic_gather %add3A_2322[%gather3A_2334] in [0] : vector<16xf32>, vector<16xi32> -> vector<16xf32>
      %add3A_2336 = arith.addf %add3A_2322, %gather3A_2335 : vector<16xf32>
      %xor3A_2337 = arith.constant 2 : i32
      %xor3A_2338 = vector.broadcast %xor3A_2337 : i32 to vector<16xi32>
      %xor3A_2339 = arith.xori %iota3A, %xor3A_2338 : vector<16xi32>
      %lt3A_2340 = arith.constant 0 : i32
      %lt3A_2341 = vector.broadcast %lt3A_2340 : i32 to vector<16xi32>
      %lt3A_2342 = arith.cmpi slt, %xor3A_2339, %lt3A_2341 : vector<16xi32>
      %add3A_2343 = arith.constant 16 : i32
      %add3A_2344 = vector.broadcast %add3A_2343 : i32 to vector<16xi32>
      %add3A_2345 = arith.addi %xor3A_2339, %add3A_2344 : vector<16xi32>
      %select_n3A_2346 = arith.select %lt3A_2342, %add3A_2345, %xor3A_2339 : vector<16xi1>, vector<16xi32>
      %broadcast_in_dim3A_2347 = vector.shape_cast %select_n3A_2346 : vector<16xi32> to vector<16x1xi32>
      %gather3A_2348 = vector.shape_cast %broadcast_in_dim3A_2347 : vector<16x1xi32> to vector<16xi32>
      %gather3A_2349 = tpu.dynamic_gather %add3A_2336[%gather3A_2348] in [0] : vector<16xf32>, vector<16xi32> -> vector<16xf32>
      %add3A_2350 = arith.addf %add3A_2336, %gather3A_2349 : vector<16xf32>
      %xor3A_2351 = arith.constant 4 : i32
      %xor3A_2352 = vector.broadcast %xor3A_2351 : i32 to vector<16xi32>
      %xor3A_2353 = arith.xori %iota3A, %xor3A_2352 : vector<16xi32>
      %lt3A_2354 = arith.constant 0 : i32
      %lt3A_2355 = vector.broadcast %lt3A_2354 : i32 to vector<16xi32>
      %lt3A_2356 = arith.cmpi slt, %xor3A_2353, %lt3A_2355 : vector<16xi32>
      %add3A_2357 = arith.constant 16 : i32
      %add3A_2358 = vector.broadcast %add3A_2357 : i32 to vector<16xi32>
      %add3A_2359 = arith.addi %xor3A_2353, %add3A_2358 : vector<16xi32>
      %select_n3A_2360 = arith.select %lt3A_2356, %add3A_2359, %xor3A_2353 : vector<16xi1>, vector<16xi32>
      %broadcast_in_dim3A_2361 = vector.shape_cast %select_n3A_2360 : vector<16xi32> to vector<16x1xi32>
      %gather3A_2362 = vector.shape_cast %broadcast_in_dim3A_2361 : vector<16x1xi32> to vector<16xi32>
      %gather3A_2363 = tpu.dynamic_gather %add3A_2350[%gather3A_2362] in [0] : vector<16xf32>, vector<16xi32> -> vector<16xf32>
      %add3A_2364 = arith.addf %add3A_2350, %gather3A_2363 : vector<16xf32>
      %xor3A_2365 = arith.constant 8 : i32
      %xor3A_2366 = vector.broadcast %xor3A_2365 : i32 to vector<16xi32>
      %xor3A_2367 = arith.xori %iota3A, %xor3A_2366 : vector<16xi32>
      %lt3A_2368 = arith.constant 0 : i32
      %lt3A_2369 = vector.broadcast %lt3A_2368 : i32 to vector<16xi32>
      %lt3A_2370 = arith.cmpi slt, %xor3A_2367, %lt3A_2369 : vector<16xi32>
      %add3A_2371 = arith.constant 16 : i32
      %add3A_2372 = vector.broadcast %add3A_2371 : i32 to vector<16xi32>
      %add3A_2373 = arith.addi %xor3A_2367, %add3A_2372 : vector<16xi32>
      %select_n3A_2374 = arith.select %lt3A_2370, %add3A_2373, %xor3A_2367 : vector<16xi1>, vector<16xi32>
      %broadcast_in_dim3A_2375 = vector.shape_cast %select_n3A_2374 : vector<16xi32> to vector<16x1xi32>
      %gather3A_2376 = vector.shape_cast %broadcast_in_dim3A_2375 : vector<16x1xi32> to vector<16xi32>
      %gather3A_2377 = tpu.dynamic_gather %add3A_2364[%gather3A_2376] in [0] : vector<16xf32>, vector<16xi32> -> vector<16xf32>
      %add3A_2378 = arith.addf %add3A_2364, %gather3A_2377 : vector<16xf32>
      %eq3A_2379 = arith.constant 15 : i32
      %eq3A_2380 = vector.broadcast %eq3A_2379 : i32 to vector<16xi32>
      %eq3A_2381 = arith.cmpi eq, %iota3A, %eq3A_2380 : vector<16xi32>
      %select_n3A_2382 = arith.select %eq3A_2381, %add3A_2378, %select_n3A_2255 : vector<16xi1>, vector<16xf32>
      %neg3A = arith.constant 0.000000e+00 : f32
      %neg3A_2383 = vector.broadcast %neg3A : f32 to vector<16xf32>
      %neg3A_2384 = arith.subf %neg3A_2383, %select_n3A_2382 : vector<16xf32>
      %exp3A = math.exp %neg3A_2384 : vector<16xf32>
      %add3A_2385 = arith.constant 1.000000e+00 : f32
      %add3A_2386 = vector.broadcast %add3A_2385 : f32 to vector<16xf32>
      %add3A_2387 = arith.addf %add3A_2386, %exp3A : vector<16xf32>
      %div3A_2388 = arith.constant 1.000000e+00 : f32
      %div3A_2389 = vector.broadcast %div3A_2388 : f32 to vector<16xf32>
      %div3A_2390 = arith.divf %div3A_2389, %add3A_2387 : vector<16xf32>
      %mul3A_2391 = arith.constant 16 : i32
      %mul3A_2392 = arith.muli %add3A_354, %mul3A_2391 : i32
      %swap3A_2393 = arith.index_cast %mul3A_2392 : i32 to index
      %swap3A_2394 = tpu.vector_load %arg16[%swap3A_2393] {strides = array<i32>} : memref<512xf32, #tpu.memory_space<vmem>>, vector<16xf32>,
      %swap3A_2395 = vector.shape_cast %swap3A_2394 : vector<16xf32> to vector<16xf32>
      %swap3A_2396 = vector.shape_cast %div3A_2390 : vector<16xf32> to vector<16xf32>
      tpu.vector_store %arg16[%swap3A_2393], %swap3A_2396 {strides = array<i32>} : memref<512xf32, #tpu.memory_space<vmem>>, vector<16xf32>,
    }
    %scan3A_349 = arith.constant 32 : i32
    "tpu.region"() ({
      %run_scoped3A = tpu.sem_alloc : memref<!tpu.dma_semaphore, #tpu.memory_space<semaphore_mem>>
      %dma_start3A_350 = arith.constant 0 : i32
      %dma_start3A_351 = arith.constant 0 : i32
      %dma_start3A_352 = tpu.memref_slice %arg7[%add3A, %dma_start3A_350, %dma_start3A_351] : memref<32x512x64xf32, #tpu.memory_space<hbm>> -> memref<1x512x64xf32, #tpu.memory_space<hbm>>
      %dma_start3A_353 = tpu.memref_squeeze %dma_start3A_352 : memref<1x512x64xf32, #tpu.memory_space<hbm>> -> memref<512x64xf32, #tpu.memory_space<hbm>>
      %dma_start3A_354 = arith.constant 0 : i32
      %dma_start3A_355 = arith.constant 0 : i32
      %dma_start3A_356 = tpu.memref_slice %arg7[%add3A, %dma_start3A_354, %dma_start3A_355] : memref<32x512x64xf32, #tpu.memory_space<hbm>> -> memref<1x512x64xf32, #tpu.memory_space<hbm>>
      %dma_start3A_357 = tpu.memref_squeeze %dma_start3A_356 : memref<1x512x64xf32, #tpu.memory_space<hbm>> -> memref<512x64xf32, #tpu.memory_space<hbm>>
      tpu.enqueue_dma source(%arg15 : memref<512x64xf32, #tpu.memory_space<vmem>>) target(%dma_start3A_357 : memref<512x64xf32, #tpu.memory_space<hbm>>) target_semaphore(%run_scoped3A : memref<!tpu.dma_semaphore, #tpu.memory_space<semaphore_mem>>)
      %dma_wait3A_358 = arith.constant 0 : i32
      %dma_wait3A_359 = arith.constant 0 : i32
      %dma_wait3A_360 = tpu.memref_slice %arg7[%add3A, %dma_wait3A_358, %dma_wait3A_359] : memref<32x512x64xf32, #tpu.memory_space<hbm>> -> memref<1x512x64xf32, #tpu.memory_space<hbm>>
      %dma_wait3A_361 = tpu.memref_squeeze %dma_wait3A_360 : memref<1x512x64xf32, #tpu.memory_space<hbm>> -> memref<512x64xf32, #tpu.memory_space<hbm>>
      %dma_wait3A_362 = arith.constant 0 : i32
      %dma_wait3A_363 = arith.constant 0 : i32
      %dma_wait3A_364 = tpu.memref_slice %arg7[%add3A, %dma_wait3A_362, %dma_wait3A_363] : memref<32x512x64xf32, #tpu.memory_space<hbm>> -> memref<1x512x64xf32, #tpu.memory_space<hbm>>
      %dma_wait3A_365 = tpu.memref_squeeze %dma_wait3A_364 : memref<1x512x64xf32, #tpu.memory_space<hbm>> -> memref<512x64xf32, #tpu.memory_space<hbm>>
      tpu.wait_dma2 semaphore(%run_scoped3A : memref<!tpu.dma_semaphore, #tpu.memory_space<semaphore_mem>>) src(%arg15 : memref<512x64xf32, #tpu.memory_space<vmem>>) dst(%dma_wait3A_365 : memref<512x64xf32, #tpu.memory_space<hbm>>)
      tpu.yield
    }) : () -> ()
    "tpu.region"() ({
      %run_scoped3A = tpu.sem_alloc : memref<!tpu.dma_semaphore, #tpu.memory_space<semaphore_mem>>
      %dma_start3A_350 = arith.constant 0 : i32
      %dma_start3A_351 = tpu.memref_slice %arg8[%add3A, %dma_start3A_350] : memref<32x512xf32, #tpu.memory_space<hbm>> -> memref<1x512xf32, #tpu.memory_space<hbm>>
      %dma_start3A_352 = tpu.memref_squeeze %dma_start3A_351 : memref<1x512xf32, #tpu.memory_space<hbm>> -> memref<512xf32, #tpu.memory_space<hbm>>
      %dma_start3A_353 = arith.constant 0 : i32
      %dma_start3A_354 = tpu.memref_slice %arg8[%add3A, %dma_start3A_353] : memref<32x512xf32, #tpu.memory_space<hbm>> -> memref<1x512xf32, #tpu.memory_space<hbm>>
      %dma_start3A_355 = tpu.memref_squeeze %dma_start3A_354 : memref<1x512xf32, #tpu.memory_space<hbm>> -> memref<512xf32, #tpu.memory_space<hbm>>
      tpu.enqueue_dma source(%arg16 : memref<512xf32, #tpu.memory_space<vmem>>) target(%dma_start3A_355 : memref<512xf32, #tpu.memory_space<hbm>>) target_semaphore(%run_scoped3A : memref<!tpu.dma_semaphore, #tpu.memory_space<semaphore_mem>>)
      %dma_wait3A_356 = arith.constant 0 : i32
      %dma_wait3A_357 = tpu.memref_slice %arg8[%add3A, %dma_wait3A_356] : memref<32x512xf32, #tpu.memory_space<hbm>> -> memref<1x512xf32, #tpu.memory_space<hbm>>
      %dma_wait3A_358 = tpu.memref_squeeze %dma_wait3A_357 : memref<1x512xf32, #tpu.memory_space<hbm>> -> memref<512xf32, #tpu.memory_space<hbm>>
      %dma_wait3A_359 = arith.constant 0 : i32
      %dma_wait3A_360 = tpu.memref_slice %arg8[%add3A, %dma_wait3A_359] : memref<32x512xf32, #tpu.memory_space<hbm>> -> memref<1x512xf32, #tpu.memory_space<hbm>>
      %dma_wait3A_361 = tpu.memref_squeeze %dma_wait3A_360 : memref<1x512xf32, #tpu.memory_space<hbm>> -> memref<512xf32, #tpu.memory_space<hbm>>
      tpu.wait_dma2 semaphore(%run_scoped3A : memref<!tpu.dma_semaphore, #tpu.memory_space<semaphore_mem>>) src(%arg16 : memref<512xf32, #tpu.memory_space<vmem>>) dst(%dma_wait3A_361 : memref<512xf32, #tpu.memory_space<hbm>>)
      tpu.yield
    }) : () -> ()
    return
  }
}

</mosaic_0001>

<sc_bundles>
// kernel: kernel.3.cloned.1.call-start
scs
__scs_entry_jumppad:
0x0: {  	(pc) =	sbr.rel $0x88, $3  }
0x1: {  	(tag) =	ssettag $0x0;
	lr =	simm.s32 $0x1  }
0x2: {  	[smem:$0x3F9A] =	sst lr;
	_ =	strace $0xD0000000  }
0x3: {  	_ = 	snop  }
0x4: {  	_ = 	snop  }
0x5: {  	_ = 	snop  }
0x6: {  	_ = 	snop  }
0x7: {  	_ = 	snop  }
__scs_overlays_trampoline_lowered:
0x8: {  	[smem:$0x3FA9] =	sst s0  }
0x9: {  	[smem:$0x3FAA] =	sst s1  }
0xa: {  	[smem:$0x3FAB] =	sst s2  }
0xb: {  	[smem:$0x3FAC] =	sst s3  }
0xc: {  	[smem:$0x3FAD] =	sst s4  }
0xd: {  	[smem:$0x3FAE] =	sst s5  }
0xe: {  	[smem:$0x3FAF] =	sst s6  }
0xf: {  	[smem:$0x3FB0] =	sst s7  }
0x10: {  	[smem:$0x3FB1] =	sst s8  }
0x11: {  	[smem:$0x3FB2] =	sst s9;
	s0 =	simm.s32 @!p0 $0x0  }
0x12: {  	s1 =	sld [smem:$0x3F98];
	s0 =	simm.s32 @p0 $0x1  }
0x13: {  	[smem:$0x3FB3] =	sst s0;
	s0 =	simm.s32 @!p1 $0x0  }
0x14: {  	s2 =	sld [smem:$0x3F97];
	s0 =	simm.s32 @p1 $0x1  }
0x15: {  	[smem:$0x3FB4] =	sst s0;
	s0 =	simm.s32 @!p2 $0x0  }
0x16: {  	s3 =	sld [smem:$0x3FDB];
	s0 =	simm.s32 @p2 $0x1  }
0x17: {  	s4 =	simm.s32 $0x1BF5;
	[smem:$0x3FB6] =	sst s0  }
0x18: {  	s0 =	sld [smem:$0x3F99];
	_ =	swait.ge [sflag:s4], $0x0  }
0x19: {  	s7 =	sld [smem:$0x3F9A]  }
0x1a: {  	s8 =	sadd.s32 $0xFFFFE003, lr  }
0x1b: {  	s9 =	sadd.s32 $0xFFFFFEF7, lr;
	s5 =	simm.s32 $0xFFFFFFFF;
	p2 =	slt.u32 s8, $0xFFFFF086  }
0x1c: {  	p1 =	slt.u32 s9, $0xF7A;
	s5 =	simm.s32 @!p2 $0x0  }
0x1d: {  	s5 =	simm.s32 @p1 $0x1;
	p0 =	seq.s32 s7, s2  }
0x1e: {  	s7 =	smul.u32 @!p0 $0xF7A, s2;
	p2 =	seq.s32 @!p0 s5, $0x0  }
0x1f: {  	s9 =	smul.u32 $0xF7A, s1;
	s8 =	simm.s32 @!p0 $0x1BF5;
	p2 =	por !p2, p0  }
0x20: {  	[sflag:s8] =	ssyncset.s32 @!p0 $0xFFFFF086;
	s6 =	sadd.s32 @!p0 s3, s7;
	s7 =	simm.s32 @!p0 $0x108  }
0x21: {  	s3 =	sadd.s32 s3, s9;
	s6 =	sadd.s32 @!p0 $0x88, s6;
	s7 =	simm.s32 @p2 $0x1082  }
0x22: {  	[simem:s7], [sflag:s8] =	dma.local @!p0 [hbm:s6], $0xF7A  }
0x23: {  	s9 =	sor.u32 $0xD0000000, s2;
	s6 =	simm.s32 $0x108;
	_ =	swait.ge @!p0 [sflag:s8], $0x0  }
0x24: {  	s3 =	sadd.s32 $0x88, s3;
	s6 =	simm.s32 @!p1 $0x1082;
	[sflag:s4] =	ssyncset.s32 $0xFFFFF086  }
0x25: {  	[simem:s6], [sflag:s4] =	dma.local [hbm:s3], $0xF7A  }
0x26: {  	[smem:$0x3F9A] =	sst s1;
	(tag) =	ssettag s2;
	_ =	strace s9  }
0x27: {  	s1 =	sld [smem:$0x3FAA]  }
0x28: {  	s2 =	sld [smem:$0x3FAB]  }
0x29: {  	s4 =	sld [smem:$0x3FAD]  }
0x2a: {  	p0 =	seq.s32 s5, $0x0;
	s5 =	sld [smem:$0x3FAE]  }
0x2b: {  	s6 =	sld [smem:$0x3FAF]  }
0x2c: {  	s7 =	sld [smem:$0x3FB0]  }
0x2d: {  	s3 =	simm.s32 $0x108;
	s8 =	sld [smem:$0x3FB1]  }
0x2e: {  	s3 =	simm.s32 @!p0 $0x1082;
	s9 =	sld [smem:$0x3FB2]  }
0x2f: {  	lr =	sadd.s32 s0, s3;
	s0 =	sld [smem:$0x3FA9]  }
0x30: {  	s3 =	sld [smem:$0x3FAC]  }
0x31: {  	[smem:$0x3FB5] =	sst s10  }
0x32: {  	s10 =	sld [smem:$0x3FB3];
	_ =	sdelay $0x3  }
0x33: {  	p0 =	seq.s32 s10, $0x1;
	s10 =	sld [smem:$0x3FB5];
	_ =	sdelay $0x3  }
0x34: {  	[smem:$0x3FB5] =	sst s10  }
0x35: {  	s10 =	sld [smem:$0x3FB4];
	_ =	sdelay $0x3  }
0x36: {  	p1 =	seq.s32 s10, $0x1;
	s10 =	sld [smem:$0x3FB5];
	_ =	sdelay $0x3  }
0x37: {  	[smem:$0x3FB5] =	sst s10  }
0x38: {  	s10 =	sld [smem:$0x3FB6]  }
0x39: {  	_ = 	snop;
	(pc) =	sbr.ind lr, $3  }
0x3a: {  	_ = 	snop  }
0x3b: {  	_ = 	snop  }
0x3c: {  	p2 =	seq.s32 s10, $0x1;
	s10 =	sld [smem:$0x3FB5]  }
0x3d: {  	_ =	shalt  }
0x3e: {  	_ =	shalt  }
0x3f: {  	_ =	shalt  }
0x40: {  	_ =	shalt  }
0x41: {  	_ =	shalt  }
0x42: {  	_ =	shalt  }
0x43: {  	_ =	shalt  }
0x44: {  	_ =	shalt  }
0x45: {  	_ =	shalt  }
0x46: {  	_ =	shalt  }
0x47: {  	_ =	shalt  }
0x48: {  	_ =	shalt  }
0x49: {  	_ =	shalt  }
0x4a: {  	_ =	shalt  }
0x4b: {  	_ =	shalt  }
0x4c: {  	_ =	shalt  }
0x4d: {  	_ =	shalt  }
0x4e: {  	_ =	shalt  }
0x4f: {  	_ =	shalt  }
0x50: {  	_ =	shalt  }
0x51: {  	_ =	shalt  }
0x52: {  	_ =	shalt  }
0x53: {  	_ =	shalt  }
0x54: {  	_ =	shalt  }
0x55: {  	_ =	shalt  }
0x56: {  	_ =	shalt  }
0x57: {  	_ =	shalt  }
0x58: {  	_ =	shalt  }
0x59: {  	_ =	shalt  }
0x5a: {  	_ =	shalt  }
0x5b: {  	_ =	shalt  }
0x5c: {  	_ =	shalt  }
0x5d: {  	_ =	shalt  }
0x5e: {  	_ =	shalt  }
0x5f: {  	_ =	shalt  }
0x60: {  	_ =	shalt  }
0x61: {  	_ =	shalt  }
0x62: {  	_ =	shalt  }
0x63: {  	_ =	shalt  }
0x64: {  	_ =	shalt  }
0x65: {  	_ =	shalt  }
0x66: {  	_ =	shalt  }
0x67: {  	_ =	shalt  }
0x68: {  	_ =	shalt  }
0x69: {  	_ =	shalt  }
0x6a: {  	_ =	shalt  }
0x6b: {  	_ =	shalt  }
0x6c: {  	_ =	shalt  }
0x6d: {  	_ =	shalt  }
0x6e: {  	_ =	shalt  }
0x6f: {  	_ =	shalt  }
0x70: {  	_ =	shalt  }
0x71: {  	_ =	shalt  }
0x72: {  	_ =	shalt  }
0x73: {  	_ =	shalt  }
0x74: {  	_ =	shalt  }
0x75: {  	_ =	shalt  }
0x76: {  	_ =	shalt  }
0x77: {  	_ =	shalt  }
0x78: {  	_ =	shalt  }
0x79: {  	_ =	shalt  }
0x7a: {  	_ =	shalt  }
0x7b: {  	_ =	shalt  }
0x7c: {  	_ =	shalt  }
0x7d: {  	_ =	shalt  }
0x7e: {  	_ =	shalt  }
0x7f: {  	_ =	shalt  }
0x80: {  	_ =	shalt  }
0x81: {  	_ =	shalt  }
0x82: {  	_ =	shalt  }
0x83: {  	_ =	shalt  }
0x84: {  	_ =	shalt  }
0x85: {  	_ =	shalt  }
0x86: {  	_ =	shalt  }
0x87: {  	_ =	shalt  }
.Lfunc_end0:
.L_simem_size_0:
called_computation_lowered:
.L_overlay_start_0:
0x88: {  	s2 =	sld [smem:$0x3FD9]  }
0x89: {  	s3 =	sld [smem:$0x3FFE];
	_ =	sdelay $0x1  }
0x8a: {  	s1 =	srdreg.scid  }
0x8b: {  	s0 =	sand.u32 $0x1, s1  }
0x8c: {  	s14 =	sshll.u32 s0, $0xA;
	s2 =	sadd.s32 s3, s2  }
0x8d: {  	s2 =	sadd.s32 s2, s14  }
0x8e: {  	[smem:$0x3FC1] =	sst s2  }
0x8f: {  	_ = 	snop  }
0x90: {  	s2 =	sld [smem:$0x3FD0];
	_ =	sdelay $0x2  }
0x91: {  	s4 =	simm.s32 $0xA;
	s5 =	simm.s32 $0x10;
	s15 =	sld [smem:$0x3FC9]  }
0x92: {  	[smem:s5], [sflag:s4] =	dma.local [hbm:s2], $0x1  }
0x93: {  	_ =	swait.eq [sflag:s4], $0x1  }
0x94: {  	[sflag:s4] =	ssyncset.done $0x0  }
0x95: {  	s16 =	sld [smem:$0x10];
	[sflag:s4] =	ssyncadd.s32 $0xFFFFFFFF  }
0x96: {  	s17 =	sld [smem:$0x11];
	(tm) =	ssettm $0x1  }
0x97: {  	s18 =	sld [smem:$0x3FFB];
	_ =	sdelay $0x3  }
0x98: {  	_ =	strace s18  }
0x99: {  	s5 =	sld [smem:$0x3FFC];
	_ =	sdelay $0x3  }
0x9a: {  	_ =	strace s5  }
0x9b: {  	s5 =	sld [smem:$0x3FFD];
	_ =	sdelay $0x3  }
0x9c: {  	_ =	strace s5  }
0x9d: {  	_ =	strace $0x8FFFFFFF  }
0x9e: {  	s19 =	sld [smem:$0x3FDB];
	_ =	sdelay $0x1  }
0x9f: {  	s6 =	simm.s32 $_scs_section_size  }
0xa0: {  	s7 =	simm.s32 $_size__tile_overlayer_lowered;
	s8 =	simm.s32 $_tile_overlayer_lowered  }
0xa1: {  	s22 =	simm.s32 $0x1BFF;
	s21 =	sshll.u32 s8, $0x1;
	s5 =	sadd.s32 s6, s19  }
0xa2: {  	s9 =	simm.s32 $0x0;
	s20 =	sshll.u32 s7, $0x1;
	s7 =	sadd.s32 s21, s5  }
0xa3: {  	[timem:s9], [sflag:s22] =	dma.local [hbm:s7], s20  }
0xa4: {  	_ =	swait.ge [sflag:s22], s20  }
0xa5: {  	s6 =	ssub.s32 $0x0, s20;
	[sflag:s22] =	ssyncset.done $0x0  }
0xa6: {  	[sflag:s22] =	ssyncadd.s32 s6;
	_ =	sdelay $0x1  }
0xa7: {  	s23 =	simm.s32 $0x1B8B  }
0xa8: {  	_ =	swait.ge [sflag:s23], $0x1  }
0xa9: {  	[sflag:s23] =	ssyncset.done $0x0  }
0xaa: {  	s25 =	simm.s32 $0x1B8E;
	s24 =	sld [smem:$0x3FFE];
	[sflag:s23] =	ssyncadd.s32 $0xFFFFFFFF  }
0xab: {  	s26 =	simm.s32 $execute0_lowered;
	[smem:$0x3FD2] =	sst s25  }
0xac: {  	s7 =	sshll.u32 s26, $0x1;
	_ =	strace $0x80000046;
	[dreg:$0x1] =	wrdreg $0xFFFFFFFF  }
0xad: {  	s28 =	simm.s32 $_size_execute0_lowered;
	s5 =	sadd.s32 s5, s7;
	[dreg:$0x0] =	wrdreg $0x0  }
0xae: {  	s7 =	sshll.u32 s28, $0x1;
	[dreg:$0x2] =	wrdreg s5  }
0xaf: {  	[dreg:$0x3] =	wrdreg s7  }
0xb0: {  	[dreg:$0x4] =	wrdreg $0xC0  }
0xb1: {  	_ =	task [dreg:s9], $0x5FFFF  }
0xb2: {  	[dreg:$0x1] =	wrdreg $0xFFFFFFFF  }
0xb3: {  	[dreg:$0x0] =	wrdreg $0x60  }
0xb4: {  	[dreg:$0x2] =	wrdreg s15  }
0xb5: {  	[dreg:$0x3] =	wrdreg s24  }
0xb6: {  	[dreg:$0x4] =	wrdreg s17  }
0xb7: {  	[dreg:$0x5] =	wrdreg s16  }
0xb8: {  	[dreg:$0x6] =	wrdreg $0x9  }
0xb9: {  	_ =	task.clear_ibuf [dreg:s9], $0x7FFFF;
	_ =	strace $0x90000046  }
0xba: {  	s29 =	simm.s32 $0x9;
	_ =	strace $0x80000048  }
0xbb: {  	_ =	swait.ge [sflag:s29], $0x1  }
0xbc: {  	[sflag:s29] =	ssyncadd.s32 $0xFFFFFFFF  }
0xbd: {  	_ =	strace $0x90000048  }
0xbe: {  	_ =	sfence  }
0xbf: {  	s30 =	sld [smem:$0x0];
	_ =	sdelay $0x2  }
0xc0: {  	s31 =	sshll.u32 s1, $0xD;
	s1 =	sshrl.u32 s1, $0x2  }
0xc1: {  	s3 =	sand.u32 $0x4000, s31;
	s1 =	sadd.s32 s1, s30  }
0xc2: {  	s0 =	sor.u32 s3, s0;
	s1 =	sshll.u32 s1, $0x11  }
0xc3: {  	s0 =	sor.u32 s1, s0  }
0xc4: {  	s0 =	sadd.s32 $0x8F2B, s0  }
0xc5: {  	[sflag:s0] =	ssyncadd.remote.s32 $0x1  }
0xc6: {  	_ =	sfence.sel $0xFFFF  }
0xc7: {  	[dreg:$0x0] =	wrdreg $0xFFFFFFFF;
	(pc) =	sbr.abs _section_cstart, $3  }
0xc8: {  	[dreg:$0x1] =	wrdreg $0xFFFFFFFF  }
0xc9: {  	_ =	task.clear_ibuf [dreg:s9], $0x2FFFF;
	_ =	strace $0x9FFFFFFF  }
0xca: {  	(tm) =	ssettm $0x7FFFFFFF  }
0xcb: {  	_ =	shalt  }
tec
execute0_lowered:
.L_overlay_start_1:
0x0: {  	(tag) =	ssettag $0x1  }
0x1: {  	s1 =	rddreg [dreg:$0x0]  }
0x2: {  	s0 =	rddreg [dreg:$0x1]  }
0x3: {  	s2 =	rddreg [dreg:$0x2];
	v0 =	vimm.s32 $0xEFCDAB89;
	v1 =	vimm.s32 $0x67452301  }
0x4: {  	s9 =	rddreg [dreg:$0x3];
	v2 =	vimm.s32 $0xDCFE98BA;
	v3 =	vimm.s32 $0x54761032;
	v4 =	vimm.s32 $0xBA98FEDC  }
0x5: {  	s4 =	srdreg.scid;
	s5 =	stileid.u32;
	s3 =	simm.s32 $0x0;
	v5 =	vimm.s32 $0x32107654;
	v6 =	vimm.s32 $0xFEDCBA98;
	v7 =	vimm.s32 $0x76543210  }
0x6: {  	s12 =	simm.s32 $0x200;
	s14 =	simm.s32 $0x80;
	s15 =	simm.s32 $0x400;
	vm0 =	vmmov $0x1;
	vm1 =	vmmov $0x3;
	vm2 =	vmmov $0x7  }
0x7: {  	s16 =	simm.s32 $0x600;
	s17 =	simm.s32 $0x480;
	s19 =	simm.s32 $0x680;
	vm3 =	vmmov $0xf;
	vm4 =	vmmov $0x1f;
	vm5 =	vmmov $0x3f  }
0x8: {  	s21 =	simm.s32 $0x500;
	s23 =	simm.s32 $0x700;
	s25 =	simm.s32 $0x580;
	v0 =	vunpack.c.l.s4.s8 v0;
	v1 =	vunpack.c.l.s4.s8 v1;
	v2 =	vunpack.c.l.s4.s8 v2  }
0x9: {  	s28 =	simm.s32 $0x780;
	s29 =	simm.s32 $0x1;
	s13 =	simm.s32 $0x4800;
	v3 =	vunpack.c.l.s4.s8 v3;
	v4 =	vunpack.c.l.s4.s8 v4;
	v5 =	vunpack.c.l.s4.s8 v5  }
0xa: {  	s18 =	simm.s32 $0xC800;
	s20 =	simm.s32 $0x6800;
	s22 =	simm.s32 $0xE800;
	v6 =	vunpack.c.l.s4.s8 v6;
	v0 =	vunpack.c.0.s8.s32 v0;
	v1 =	vunpack.c.0.s8.s32 v1  }
0xb: {  	s24 =	simm.s32 $0x10800;
	s26 =	simm.s32 $0x18800;
	s30 =	simm.s32 $0x0;
	v7 =	vunpack.c.l.s4.s8 v7;
	v2 =	vunpack.c.0.s8.s32 v2;
	v3 =	vunpack.c.0.s8.s32 v3  }
0xc: {  	s4 =	sand.u32 $0x1, s4;
	s5 =	sshll.u32 s5, $0x1;
	[smem:$0x7FF] =	sst s3;
	v4 =	vunpack.c.0.s8.s32 v4;
	v5 =	vunpack.c.0.s8.s32 v5;
	v0 =	vcombine.low v1, v0  }
0xd: {  	vm6 =	vmmov $0x7f;
	s7 =	sor.u32 s4, s5;
	_ =	strace $0x80000047;
	s6 =	ssub.s32 $0x2, s4;
	v57 =	vunpack.c.0.s8.s32 v6;
	v2 =	vcombine.low v3, v2  }
0xe: {  	s5 =	sand.u32 $0x18, s5;
	s4 =	sadd.s32 $0x188600, s0;
	s10 =	sshll.u32 s7, $0x6;
	v59 =	vunpack.c.0.s8.s32 v7;
	v58 =	vcombine.low v5, v4;
	v0 =	vand.u32 $0xF, v0  }
0xf: {  	vm7 =	vmmov $0xff;
	s11 =	sshrl.u32 s6, $0x1;
	s31 =	sshll.u32 s7, $0xC;
	s8 =	sadd.s32 s10, s0;
	v60 =	vand.u32 $0xF, v57;
	v61 =	vand.u32 $0xF, v2;
	[tilespmem:$0x1FFC0] =	vst v0  }
0x10: {  	vm8 =	vmmov $0x1ff;
	s0 =	sadd.s32 s5, s0;
	s11 =	ssub.s32 s6, s11;
	s9 =	sadd.s32 s9, s10;
	v63 =	vcombine.low v60, v59;
	v62 =	vand.u32 $0xF, v58;
	[tilespmem:$0x1FFD0] =	vst v61  }
0x11: {  	vm9 =	vmmov $0x3ff;
	vm10 =	vmmov $0x7ff;
	vm11 =	vmmov $0xfff;
	s5 =	sadd.s32 $0x1400, s8;
	s6 =	sadd.s32 $0xC00, s8;
	s7 =	sadd.s32 $0x1C00, s0;
	[tilespmem:$0x1FFE0] =	vst v62  }
0x12: {  	vm12 =	vmmov $0x1fff;
	vm13 =	vmmov $0x3fff;
	vm14 =	vmmov $0x7fff;
	s8 =	sadd.s32 s2, s31;
	s10 =	smax.u32 s11, $0x1;
	s11 =	simm.s32 $0x2;
	[tilespmem:$0x1FFF0] =	vst v63  }
.LBB2_1:
0x13: {  	[tilespmem:s3], [sflag:$0x2] =	stream.linear.gather [hbm4b:s5+s3], $0x200, $0x38;
	[tilespmem:$0x18A40] =	vst v63  }
0x14: {  	_ =	swait.ge [sflag:s11], $0x200  }
0x15: {  	[sflag:s11] =	ssyncset.done $0x0  }
0x16: {  	[sflag:s11] =	ssyncadd.s32 $0xFFFFFE00  }
0x17: {  	[tilespmem:s12], [sflag:$0x2] =	stream.linear.gather [hbm4b:s6+s3], $0x200, $0x38;
	[tilespmem:$0x18A40] =	vst v63  }
0x18: {  	_ =	swait.ge [sflag:s11], $0x200  }
0x19: {  	[sflag:s11] =	ssyncset.done $0x0  }
0x1a: {  	s0 =	simm.s32 $0x18A00;
	[sflag:s11] =	ssyncadd.s32 $0xFFFFFE00  }
0x1b: {  	[tilespmem:s0], [sflag:$0x2] =	stream.linear.gather [hbm4b:s7+s3], $0x40, $0x38;
	[tilespmem:$0x18A40] =	vst v63  }
0x1c: {  	_ =	swait.ge [sflag:s11], $0x40  }
0x1d: {  	[sflag:s11] =	ssyncset.done $0x0  }
0x1e: {  	[sflag:s11] =	ssyncadd.s32 $0xFFFFFFC0  }
0x1f: {  	[tilespmem:s15], [sflag:$0x1] =	stream.indirect.gather [hbm4b:s1+s14], $0x1, s3, s14, $0xb8;
	[tilespmem:$0x18A40] =	vst v63  }
0x20: {  	_ = 	snop  }
0x21: {  	[tilespmem:s16], [sflag:$0x1] =	stream.indirect.gather [hbm4b:s1+s14], $0x1, s12, s14, $0xb8;
	[tilespmem:$0x18A40] =	vst v63  }
0x22: {  	_ = 	snop  }
0x23: {  	[tilespmem:s17], [sflag:$0x1] =	stream.indirect.gather [hbm4b:s1+s14], $0x1, s14, s14, $0xb8;
	[tilespmem:$0x18A40] =	vst v63  }
0x24: {  	s2 =	simm.s32 $0x280  }
0x25: {  	[tilespmem:s19], [sflag:$0x1] =	stream.indirect.gather [hbm4b:s1+s14], $0x1, s2, s14, $0xb8;
	[tilespmem:$0x18A40] =	vst v63  }
0x26: {  	s2 =	simm.s32 $0x100  }
0x27: {  	[tilespmem:s21], [sflag:$0x1] =	stream.indirect.gather [hbm4b:s1+s14], $0x1, s2, s14, $0xb8;
	[tilespmem:$0x18A40] =	vst v63  }
0x28: {  	s2 =	simm.s32 $0x300  }
0x29: {  	[tilespmem:s23], [sflag:$0x1] =	stream.indirect.gather [hbm4b:s1+s14], $0x1, s2, s14, $0xb8;
	[tilespmem:$0x18A40] =	vst v63  }
0x2a: {  	s2 =	simm.s32 $0x180  }
0x2b: {  	[tilespmem:s25], [sflag:$0x1] =	stream.indirect.gather [hbm4b:s1+s14], $0x1, s2, s14, $0xb8;
	[tilespmem:$0x18A40] =	vst v63  }
0x2c: {  	s2 =	simm.s32 $0x380  }
0x2d: {  	[tilespmem:s28], [sflag:$0x1] =	stream.indirect.gather [hbm4b:s1+s14], $0x1, s2, s14, $0xb8;
	[tilespmem:$0x18A40] =	vst v63  }
0x2e: {  	_ =	swait.ge [sflag:s29], $0x80  }
0x2f: {  	[sflag:s29] =	ssyncset.done $0x0  }
0x30: {  	[sflag:s29] =	ssyncadd.s32 $0xFFFFFF80  }
0x31: {  	_ =	swait.ge [sflag:s29], $0x80  }
0x32: {  	[sflag:s29] =	ssyncset.done $0x0  }
0x33: {  	[sflag:s29] =	ssyncadd.s32 $0xFFFFFF80  }
0x34: {  	_ =	swait.ge [sflag:s29], $0x80  }
0x35: {  	[sflag:s29] =	ssyncset.done $0x0  }
0x36: {  	[sflag:s29] =	ssyncadd.s32 $0xFFFFFF80  }
0x37: {  	_ =	swait.ge [sflag:s29], $0x80  }
0x38: {  	[sflag:s29] =	ssyncset.done $0x0  }
0x39: {  	[sflag:s29] =	ssyncadd.s32 $0xFFFFFF80  }
0x3a: {  	_ =	swait.ge [sflag:s29], $0x80  }
0x3b: {  	[sflag:s29] =	ssyncset.done $0x0  }
0x3c: {  	[sflag:s29] =	ssyncadd.s32 $0xFFFFFF80  }
0x3d: {  	_ =	swait.ge [sflag:s29], $0x80  }
0x3e: {  	[sflag:s29] =	ssyncset.done $0x0  }
0x3f: {  	[sflag:s29] =	ssyncadd.s32 $0xFFFFFF80  }
0x40: {  	_ =	swait.ge [sflag:s29], $0x80  }
0x41: {  	[sflag:s29] =	ssyncset.done $0x0  }
0x42: {  	[sflag:s29] =	ssyncadd.s32 $0xFFFFFF80  }
0x43: {  	_ =	swait.ge [sflag:s29], $0x80  }
0x44: {  	[sflag:s29] =	ssyncset.done $0x0  }
0x45: {  	s2 =	simm.s32 $0x800;
	[sflag:s29] =	ssyncadd.s32 $0xFFFFFF80  }
0x46: {  	[tilespmem:s2], [sflag:$0x1] =	stream.indirect.gather [hbm4b:s4+s14], $0x40, s15, s14, $0xb8;
	[tilespmem:$0x18A40] =	vst v63  }
0x47: {  	s2 =	simm.s32 $0x8800  }
0x48: {  	[tilespmem:s2], [sflag:$0x1] =	stream.indirect.gather [hbm4b:s4+s14], $0x40, s16, s14, $0xb8;
	[tilespmem:$0x18A40] =	vst v63  }
0x49: {  	s2 =	simm.s32 $0x2800  }
0x4a: {  	[tilespmem:s2], [sflag:$0x1] =	stream.indirect.gather [hbm4b:s4+s14], $0x40, s17, s14, $0xb8;
	[tilespmem:$0x18A40] =	vst v63  }
0x4b: {  	s2 =	simm.s32 $0xA800  }
0x4c: {  	[tilespmem:s2], [sflag:$0x1] =	stream.indirect.gather [hbm4b:s4+s14], $0x40, s19, s14, $0xb8;
	[tilespmem:$0x18A40] =	vst v63  }
0x4d: {  	_ = 	snop  }
0x4e: {  	[tilespmem:s13], [sflag:$0x1] =	stream.indirect.gather [hbm4b:s4+s14], $0x40, s21, s14, $0xb8;
	[tilespmem:$0x18A40] =	vst v63  }
0x4f: {  	_ = 	snop  }
0x50: {  	[tilespmem:s18], [sflag:$0x1] =	stream.indirect.gather [hbm4b:s4+s14], $0x40, s23, s14, $0xb8;
	[tilespmem:$0x18A40] =	vst v63  }
0x51: {  	_ = 	snop  }
0x52: {  	[tilespmem:s20], [sflag:$0x1] =	stream.indirect.gather [hbm4b:s4+s14], $0x40, s25, s14, $0xb8;
	[tilespmem:$0x18A40] =	vst v63  }
0x53: {  	_ = 	snop  }
0x54: {  	[tilespmem:s22], [sflag:$0x1] =	stream.indirect.gather [hbm4b:s4+s14], $0x40, s28, s14, $0xb8;
	[tilespmem:$0x18A40] =	vst v63  }
0x55: {  	_ =	swait.ge [sflag:s29], $0x2000  }
0x56: {  	[sflag:s29] =	ssyncset.done $0x0  }
0x57: {  	[sflag:s29] =	ssyncadd.s32 $0xFFFFE000  }
0x58: {  	_ =	swait.ge [sflag:s29], $0x2000  }
0x59: {  	[sflag:s29] =	ssyncset.done $0x0  }
0x5a: {  	[sflag:s29] =	ssyncadd.s32 $0xFFFFE000  }
0x5b: {  	_ =	swait.ge [sflag:s29], $0x2000  }
0x5c: {  	[sflag:s29] =	ssyncset.done $0x0  }
0x5d: {  	[sflag:s29] =	ssyncadd.s32 $0xFFFFE000  }
0x5e: {  	_ =	swait.ge [sflag:s29], $0x2000  }
0x5f: {  	[sflag:s29] =	ssyncset.done $0x0  }
0x60: {  	[sflag:s29] =	ssyncadd.s32 $0xFFFFE000  }
0x61: {  	_ =	swait.ge [sflag:s29], $0x2000  }
0x62: {  	[sflag:s29] =	ssyncset.done $0x0  }
0x63: {  	[sflag:s29] =	ssyncadd.s32 $0xFFFFE000  }
0x64: {  	_ =	swait.ge [sflag:s29], $0x2000  }
0x65: {  	[sflag:s29] =	ssyncset.done $0x0  }
0x66: {  	[sflag:s29] =	ssyncadd.s32 $0xFFFFE000  }
0x67: {  	_ =	swait.ge [sflag:s29], $0x2000  }
0x68: {  	[sflag:s29] =	ssyncset.done $0x0  }
0x69: {  	[sflag:s29] =	ssyncadd.s32 $0xFFFFE000  }
0x6a: {  	_ =	swait.ge [sflag:s29], $0x2000  }
0x6b: {  	[sflag:s29] =	ssyncset.done $0x0  }
0x6c: {  	[sflag:s29] =	ssyncadd.s32 $0xFFFFE000  }
0x6d: {  	v5 =	vld [tilespmem:$0x18A00]  }
0x6e: {  	v4 =	vld [tilespmem:$0x18A10]  }
0x6f: {  	v6 =	vld [tilespmem:$0x18A20]  }
0x70: {  	s2 =	simm.s32 $0x0;
	v7 =	vld [tilespmem:$0x18A30]  }
0x71: {  	v8 =	vld [tilespmem:s2+$0x8BF0]  }
0x72: {  	v9 =	vld [tilespmem:s2+$0x8BB0]  }
0x73: {  	v10 =	vld [tilespmem:s2+$0x8BE0]  }
0x74: {  	v11 =	vld [tilespmem:s2+$0xBF0]  }
0x75: {  	v12 =	vld [tilespmem:s2+$0x8B70]  }
0x76: {  	v13 =	vld [tilespmem:s2+$0x8BA0]  }
0x77: {  	v14 =	vld [tilespmem:s2+$0xBB0]  }
0x78: {  	v15 =	vld [tilespmem:s2+$0x8BC0]  }
0x79: {  	v16 =	vld [tilespmem:s2+$0x8BD0]  }
0x7a: {  	v17 =	vld [tilespmem:s2+$0xBE0]  }
0x7b: {  	v18 =	vld [tilespmem:s2+$0x8B30]  }
0x7c: {  	v19 =	vld [tilespmem:s2+$0x8B60]  }
0x7d: {  	v20 =	vld [tilespmem:s2+$0xB70]  }
0x7e: {  	v21 =	vld [tilespmem:s2+$0x8B80]  }
0x7f: {  	v23 =	vld [tilespmem:s2+$0x8B90]  }
0x80: {  	v22 =	vld [tilespmem:s2+$0xBA0]  }
0x81: {  	v24 =	vld [tilespmem:s2+$0xBC0]  }
0x82: {  	v25 =	vld [tilespmem:s2+$0xBD0]  }
0x83: {  	v30 =	vld [tilespmem:s2+$0x8AF0]  }
0x84: {  	v31 =	vld [tilespmem:s2+$0x8B20]  }
0x85: {  	v33 =	vld [tilespmem:s2+$0xB30]  }
0x86: {  	v26 =	vld [tilespmem:s2+$0x8B40]  }
0x87: {  	v34 =	vld [tilespmem:s2+$0x8B50]  }
0x88: {  	v32 =	vld [tilespmem:s2+$0xB60]  }
0x89: {  	v35 =	vld [tilespmem:s2+$0xB80]  }
0x8a: {  	v37 =	vld [tilespmem:s2+$0xB90]  }
0x8b: {  	v39 =	vld [tilespmem:s2+$0x8AB0]  }
0x8c: {  	v38 =	vld [tilespmem:s2+$0x8AE0]  }
0x8d: {  	v40 =	vld [tilespmem:s2+$0xAF0]  }
0x8e: {  	v41 =	vld [tilespmem:s2+$0x8B00]  }
0x8f: {  	v42 =	vld [tilespmem:s2+$0x8B10]  }
0x90: {  	v43 =	vld [tilespmem:s2+$0xB20]  }
0x91: {  	v44 =	vld [tilespmem:s2+$0xB40]  }
0x92: {  	v45 =	vld [tilespmem:s2+$0xB50]  }
0x93: {  	v46 =	vld [tilespmem:s2+$0x8A70]  }
0x94: {  	v48 =	vld [tilespmem:s2+$0x8AA0]  }
0x95: {  	v49 =	vld [tilespmem:s2+$0xAB0]  }
0x96: {  	v50 =	vld [tilespmem:s2+$0x8AC0]  }
0x97: {  	v51 =	vld [tilespmem:s2+$0x8AD0]  }
0x98: {  	v52 =	vld [tilespmem:s2+$0xAE0]  }
0x99: {  	v47 =	vld [tilespmem:s2+$0xB00]  }
0x9a: {  	v53 =	vld [tilespmem:s2+$0xB10]  }
0x9b: {  	v54 =	vld [tilespmem:s2+$0x8A30]  }
0x9c: {  	v55 =	vld [tilespmem:s2+$0x8A60]  }
0x9d: {  	v56 =	vld [tilespmem:s2+$0xA70]  }
0x9e: {  	v57 =	vld [tilespmem:s2+$0x8A80]  }
0x9f: {  	v58 =	vld [tilespmem:s2+$0x8A90]  }
0xa0: {  	v59 =	vld [tilespmem:s2+$0xAA0];
	v14 =	vmul.f32 v14, v7  }
0xa1: {  	v60 =	vld [tilespmem:s2+$0xAC0];
	v11 =	vmul.f32 v11, v7  }
0xa2: {  	v61 =	vld [tilespmem:s2+$0xAD0];
	v17 =	vmul.f32 v17, v6;
	v28 =	vmul.f32 v9, v14  }
0xa3: {  	v27 =	vld [tilespmem:s2+$0x89F0];
	v36 =	vmul.f32 v8, v11;
	v9 =	vmul.f32 v20, v7  }
0xa4: {  	v2 =	vmul.f32 v10, v17;
	v10 =	vld [tilespmem:s2+$0x8A20];
	v11 =	vmul.f32 v24, v5  }
0xa5: {  	v14 =	vmul.f32 v25, v4;
	v17 =	vld [tilespmem:s2+$0xA30];
	v24 =	vmul.f32 v35, v5  }
0xa6: {  	v20 =	vld [tilespmem:s2+$0xA80];
	v35 =	vmul.f32 v37, v4;
	v8 =	vmul.f32 v12, v9  }
0xa7: {  	v9 =	vmul.f32 v22, v6;
	v12 =	vld [tilespmem:s2+$0x8A40];
	v1 =	vmul.f32 v15, v11  }
0xa8: {  	v0 =	vmul.f32 v16, v14;
	v11 =	vld [tilespmem:s2+$0x8A50];
	v14 =	vmul.f32 v32, v6  }
0xa9: {  	v15 =	vmul.f32 v44, v5;
	v16 =	vmul.f32 v45, v4;
	v44 =	vld [tilespmem:s2+$0xA90]  }
0xaa: {  	v63 =	vmul.f32 v21, v24;
	v24 =	vmul.f32 v53, v4;
	v53 =	vld [tilespmem:s2+$0x8A10]  }
0xab: {  	[tilespmem:$0x1FC00] =	vst v2;
	v45 =	vmul.f32 v23, v35;
	v22 =	vmul.f32 v13, v9;
	v13 =	vld [tilespmem:s2+$0xA60]  }
0xac: {  	v21 =	vmul.f32 v47, v5;
	[tilespmem:$0x1FC30] =	vst v1;
	v62 =	vmul.f32 v26, v15;
	v15 =	vld [tilespmem:s2+$0x89E0]  }
0xad: {  	[tilespmem:$0x1FC40] =	vst v0;
	v3 =	vmul.f32 v34, v16;
	v35 =	vmul.f32 v19, v14;
	v19 =	vld [tilespmem:s2+$0x9F0]  }
0xae: {  	v9 =	vadd.f32 v0, v1;
	[tilespmem:$0x1FC60] =	vst v45;
	v34 =	vadd.f32 v45, v63;
	v45 =	vld [tilespmem:s2+$0x8A00];
	v20 =	vmul.f32 v20, v5  }
0xaf: {  	v0 =	vld [tilespmem:$0x1FFC0];
	v17 =	vmul.f32 v17, v7;
	[tilespmem:$0x1FC70] =	vst v62;
	v14 =	vadd.f32 v3, v62;
	v62 =	vmul.f32 v43, v6  }
0xb0: {  	v1 =	vld [tilespmem:$0x1FFD0];
	[tilespmem:$0x1FC20] =	vst v22;
	v32 =	vadd.f32 v2, v9;
	v2 =	vmul.f32 v41, v21;
	v21 =	vmul.f32 v33, v7  }
0xb1: {  	[tilespmem:$0x1FC80] =	vst v3;
	v9 =	vld [tilespmem:s2+$0x89B0];
	v3 =	vadd.f32 v22, v34;
	v22 =	vmul.f32 v42, v24;
	v42 =	vmul.f32 v56, v7  }
0xb2: {  	v34 =	vld [tilespmem:s2+$0xA20];
	v37 =	vmul.f32 v31, v62;
	v47 =	vmul.f32 v18, v21  }
0xb3: {  	v24 =	vld [tilespmem:s2+$0xA40];
	v16 =	vadd.f32 v36, v32;
	v31 =	vmul.f32 v60, v5;
	v32 =	vmul.f32 v61, v4  }
0xb4: {  	v56 =	vld [tilespmem:s2+$0x8990];
	v21 =	vadd.f32 v28, v3;
	v3 =	vmul.f32 v49, v7;
	v42 =	vmul.f32 v46, v42  }
0xb5: {  	v18 =	vld [tilespmem:s2+$0xA50];
	v13 =	vmul.f32 v13, v6;
	v19 =	vmul.f32 v19, v7  }
0xb6: {  	[tilespmem:$0x1FC50] =	vst v63;
	v14 =	vadd.f32 v35, v14;
	v62 =	vld [tilespmem:s2+$0x89A0];
	v63 =	vperm.xlane v16, v0;
	v61 =	vperm.xlane v21, v0  }
0xb7: {  	v60 =	vld [tilespmem:s2+$0x9B0];
	v25 =	vmul.f32 v50, v31;
	v23 =	vmul.f32 v51, v32  }
0xb8: {  	v46 =	vld [tilespmem:s2+$0x9A0];
	v14 =	vadd.f32 v8, v14;
	v31 =	vmul.f32 v40, v7;
	v43 =	vmul.f32 v39, v3  }
0xb9: {  	[tilespmem:$0x1FBF0] =	vst v28;
	v28 =	vld [tilespmem:s2+$0x8B0];
	v24 =	vmul.f32 v24, v5;
	v32 =	vmul.f32 v55, v13  }
0xba: {  	v50 =	vld [tilespmem:s2+$0x89D0];
	v16 =	vadd.f32 v63, v16;
	v33 =	vperm.xlane v14, v0;
	v63 =	vmul.f32 v52, v6  }
0xbb: {  	[tilespmem:$0x1FC10] =	vst v8;
	v8 =	vld [tilespmem:s2+$0xA10];
	v49 =	vmul.f32 v30, v31;
	v30 =	vmul.f32 v44, v4  }
0xbc: {  	[tilespmem:$0x1FCA0] =	vst v22;
	v51 =	vld [tilespmem:s2+$0x9E0];
	v31 =	vadd.f32 v22, v2;
	v22 =	vmul.f32 v57, v20;
	v18 =	vmul.f32 v18, v4  }
0xbd: {  	v55 =	vld [tilespmem:s2+$0x8900];
	v61 =	vadd.f32 v61, v21;
	v41 =	vperm.xlane v16, v1;
	v38 =	vmul.f32 v38, v63  }
0xbe: {  	[tilespmem:$0x1FC90] =	vst v2;
	v63 =	vld [tilespmem:s2+$0xA00];
	v2 =	vmul.f32 v58, v30;
	v30 =	vadd.f32 v37, v31;
	v31 =	vmul.f32 v59, v6  }
0xbf: {  	v59 =	vmul.f32 v54, v17;
	v17 =	vld [tilespmem:s2+$0x9D0];
	v3 =	vperm.xlane v61, v1  }
0xc0: {  	v57 =	vld [tilespmem:s2+$0x960];
	v8 =	vmul.f32 v8, v4;
	v40 =	vmul.f32 v48, v31  }
0xc1: {  	v52 =	vld [tilespmem:s2+$0x89C0];
	v39 =	vadd.f32 v47, v30;
	v31 =	vmul.f32 v12, v24;
	v24 =	vmul.f32 v34, v6  }
0xc2: {  	v44 =	vld [tilespmem:s2+$0x8960];
	v58 =	vmul.f32 v51, v6;
	v30 =	vmul.f32 v11, v18  }
0xc3: {  	v14 =	vadd.f32 v33, v14;
	v48 =	vld [tilespmem:s2+$0x9C0];
	v13 =	vperm.xlane v39, v0;
	v33 =	vmul.f32 v10, v24  }
0xc4: {  	v20 =	vld [tilespmem:s2+$0x8980];
	v18 =	vmul.f32 v63, v5;
	v17 =	vmul.f32 v17, v4  }
0xc5: {  	v61 =	vadd.f32 v3, v61;
	v10 =	vld [tilespmem:s2+$0x980];
	v63 =	vmul.f32 v60, v7;
	v60 =	vmul.f32 v57, v6  }
0xc6: {  	v54 =	vld [tilespmem:s2+$0x8920];
	v13 =	vadd.f32 v13, v39;
	v39 =	vmul.f32 v15, v58;
	v15 =	vadd.f32 v2, v22  }
0xc7: {  	[tilespmem:$0x1FCB0] =	vst v25;
	v12 =	vld [tilespmem:s2+$0x8940];
	v29 =	vmul.f32 v45, v18;
	v18 =	vadd.f32 v23, v25;
	v25 =	vmul.f32 v53, v8  }
0xc8: {  	v11 =	vld [tilespmem:s2+$0x8950];
	v26 =	vadd.f32 v41, v16;
	v24 =	vmul.f32 v48, v5;
	v48 =	vperm.xlane v14, v1  }
0xc9: {  	v8 =	vld [tilespmem:s2+$0x990];
	v3 =	vmul.f32 v50, v17;
	v51 =	vmul.f32 v9, v63;
	v15 =	vadd.f32 v40, v15  }
0xca: {  	v57 =	vld [tilespmem:s2+$0x900];
	v16 =	vmul.f32 v52, v24;
	v18 =	vadd.f32 v38, v18;
	v10 =	vmul.f32 v10, v5  }
0xcb: {  	[tilespmem:$0x1FCC0] =	vst v23;
	v58 =	vld [tilespmem:s2+$0x8830];
	v23 =	vadd.f32 v48, v14;
	v48 =	vmul.f32 v27, v19;
	v19 =	vperm.xlane v13, v1  }
0xcc: {  	[tilespmem:$0x1FD00] =	vst v2;
	v45 =	vld [tilespmem:s2+$0x920];
	v15 =	vadd.f32 v43, v15;
	v2 =	vmul.f32 v20, v10;
	v10 =	vadd.f32 v49, v18  }
0xcd: {  	v27 =	vld [tilespmem:s2+$0x940];
	v21 =	vadd.f32 v19, v13;
	v19 =	vmul.f32 v46, v6;
	v46 =	vmul.f32 v44, v60  }
0xce: {  	v18 =	vld [tilespmem:s2+$0x950];
	v8 =	vmul.f32 v8, v4;
	v9 =	vperm.xlane v15, v0  }
0xcf: {  	[tilespmem:$0x1FCF0] =	vst v22;
	v22 =	vld [tilespmem:s2+$0x8A0];
	v52 =	vperm.xlane v10, v0;
	v41 =	vmul.f32 v62, v19  }
0xd0: {  	v53 =	vld [tilespmem:s2+$0x88E0];
	v62 =	vadd.f32 v30, v31;
	v34 =	vmul.f32 v56, v8;
	v8 =	vadd.f32 v25, v29  }
0xd1: {  	v17 =	vld [tilespmem:s2+$0x8910];
	v9 =	vadd.f32 v9, v15;
	v15 =	vmul.f32 v45, v6;
	v10 =	vadd.f32 v52, v10  }
0xd2: {  	v24 =	vld [tilespmem:s2+$0x870];
	v27 =	vmul.f32 v27, v5;
	v50 =	vadd.f32 v32, v62;
	v8 =	vadd.f32 v33, v8  }
0xd3: {  	v52 =	vld [tilespmem:s2+$0x8E0];
	v44 =	vmul.f32 v54, v15;
	v18 =	vmul.f32 v18, v4;
	v54 =	vadd.f32 v3, v16  }
0xd4: {  	v60 =	vld [tilespmem:s2+$0x830];
	v45 =	vmul.f32 v12, v27;
	v63 =	vperm.xlane v10, v1;
	v12 =	vadd.f32 v42, v50  }
0xd5: {  	[tilespmem:$0x1FCD0] =	vst v59;
	v8 =	vadd.f32 v59, v8;
	v59 =	vld [tilespmem:s2+$0x910];
	v50 =	vmul.f32 v11, v18;
	v11 =	vadd.f32 v39, v54  }
0xd6: {  	[tilespmem:$0x1FCE0] =	vst v32;
	v19 =	vld [tilespmem:s2+$0x88C0];
	v32 =	vperm.xlane v12, v0  }
0xd7: {  	v56 =	vld [tilespmem:s2+$0x88D0];
	v20 =	vadd.f32 v63, v10;
	v27 =	vperm.xlane v8, v0;
	v11 =	vadd.f32 v48, v11  }
0xd8: {  	[tilespmem:$0x1FD60] =	vst v3;
	v3 =	vld [tilespmem:s2+$0x8C0];
	v52 =	vmul.f32 v52, v6;
	v12 =	vadd.f32 v32, v12;
	v32 =	vadd.f32 v34, v2  }
0xd9: {  	[tilespmem:$0x1FD70] =	vst v2;
	v63 =	vld [tilespmem:s2+$0x8D0];
	v8 =	vadd.f32 v27, v8;
	v27 =	vmul.f32 v57, v5;
	v2 =	vperm.xlane v11, v0  }
0xda: {  	v62 =	vld [tilespmem:s2+$0x800];
	v52 =	vmul.f32 v53, v52;
	v18 =	vmul.f32 v59, v4  }
0xdb: {  	v15 =	vld [tilespmem:s2+$0x8820];
	v53 =	vmul.f32 v55, v27;
	v55 =	vmul.f32 v60, v7;
	v11 =	vadd.f32 v2, v11  }
0xdc: {  	v54 =	vmul.f32 v17, v18;
	v17 =	vperm.xlane v9, v1;
	v18 =	vld [tilespmem:s2+$0x820]  }
0xdd: {  	v3 =	vmul.f32 v3, v5;
	v59 =	vld [tilespmem:s2+$0x8800];
	v2 =	vperm.xlane v11, v1  }
0xde: {  	[tilespmem:$0x1FD50] =	vst v16;
	v27 =	vld [tilespmem:s2+$0x8880];
	v57 =	vmul.f32 v58, v55;
	v16 =	vadd.f32 v17, v9;
	v17 =	vmul.f32 v63, v4  }
0xdf: {  	v55 =	vmul.f32 v19, v3;
	v19 =	vadd.f32 v41, v32;
	v13 =	vadd.f32 v2, v11;
	v2 =	vld [tilespmem:$0x1FFE0]  }
0xe0: {  	v60 =	vld [tilespmem:s2+$0x810];
	v56 =	vmul.f32 v56, v17;
	v17 =	vperm.xlane v8, v1  }
0xe1: {  	v32 =	vld [tilespmem:s2+$0x840];
	v19 =	vadd.f32 v51, v19;
	v18 =	vmul.f32 v18, v6  }
0xe2: {  	v3 =	vperm.xlane v12, v1;
	v9 =	vld [tilespmem:s2+$0x8850];
	v14 =	vadd.f32 v17, v8;
	v17 =	vmul.f32 v62, v5  }
0xe3: {  	v8 =	vld [tilespmem:s2+$0x8810];
	v58 =	vmul.f32 v15, v18;
	v15 =	vperm.xlane v19, v0  }
0xe4: {  	v12 =	vadd.f32 v3, v12;
	v18 =	vld [tilespmem:s2+$0x8840];
	v59 =	vmul.f32 v59, v17;
	v11 =	vperm.xlane v26, v2  }
0xe5: {  	v62 =	vld [tilespmem:s2+$0x850];
	v17 =	vperm.xlane v61, v2;
	v3 =	vperm.xlane v23, v2;
	v10 =	vadd.f32 v15, v19  }
0xe6: {  	[tilespmem:$0x1FD30] =	vst v29;
	v15 =	vmul.f32 v60, v4;
	v60 =	vld [tilespmem:s2+$0x880];
	v29 =	vadd.f32 v11, v26;
	v11 =	vmul.f32 v32, v5  }
0xe7: {  	[tilespmem:$0x1FD40] =	vst v25;
	v25 =	vadd.f32 v17, v61;
	v61 =	vld [tilespmem:s2+$0x860];
	v19 =	vadd.f32 v3, v23;
	v3 =	vperm.xlane v16, v2  }
0xe8: {  	v32 =	vmul.f32 v8, v15;
	v8 =	vperm.xlane v21, v2;
	v15 =	vld [tilespmem:s2+$0x8890]  }
0xe9: {  	[tilespmem:$0x1FD10] =	vst v31;
	v31 =	vmul.f32 v18, v11;
	v11 =	vperm.xlane v20, v2;
	v63 =	vadd.f32 v3, v16;
	v3 =	vld [tilespmem:s2+$0x8F0]  }
0xea: {  	v18 =	vld [tilespmem:s2+$0x890];
	v16 =	vperm.xlane v13, v2;
	v21 =	vadd.f32 v8, v21;
	v8 =	vmul.f32 v62, v4  }
0xeb: {  	v17 =	vadd.f32 v11, v20;
	v60 =	vmul.f32 v60, v5;
	v20 =	vperm.xlane v12, v2;
	v11 =	vld [tilespmem:s2+$0x8860]  }
0xec: {  	v16 =	vadd.f32 v16, v13;
	v13 =	vmul.f32 v22, v6;
	v62 =	vmul.f32 v9, v8;
	v9 =	vld [tilespmem:s2+$0x88A0]  }
0xed: {  	[tilespmem:s2+$0x10BF0] =	vst v36;
	v8 =	vperm.xlane v14, v2;
	v22 =	vmul.f32 v61, v6;
	v61 =	vld [tilespmem:s2+$0x88B0]  }
0xee: {  	[tilespmem:$0x1FD20] =	vst v30;
	v20 =	vadd.f32 v20, v12;
	v30 =	vmul.f32 v27, v60;
	v36 =	vmul.f32 v3, v7;
	v3 =	vld [tilespmem:$0x1FBF0]  }
0xef: {  	v27 =	vld [tilespmem:s2+$0x8870];
	v12 =	vadd.f32 v8, v14;
	v14 =	vmul.f32 v18, v4;
	v18 =	vperm.xlane v10, v1  }
0xf0: {  	v23 =	vmul.f32 v11, v22;
	v11 =	vld [tilespmem:s2+$0x930];
	v22 =	vadd.f32 v50, v45  }
0xf1: {  	v18 =	vadd.f32 v18, v10;
	v10 =	vld [tilespmem:s2+$0x88F0]  }
0xf2: {  	v24 =	vmul.f32 v24, v7;
	v60 =	vadd.f32 v46, v22;
	v22 =	vld [tilespmem:s2+$0x8930]  }
0xf3: {  	v26 =	vmul.f32 v15, v14;
	v15 =	vmul.f32 v9, v13;
	[tilespmem:s2+$0x10BB0] =	vst v3;
	v3 =	vld [tilespmem:$0x1FC10]  }
0xf4: {  	v13 =	vld [tilespmem:$0x1FC00];
	v14 =	vmul.f32 v27, v24;
	v24 =	vmul.f32 v28, v7;
	v27 =	vadd.f32 v32, v59  }
0xf5: {  	v28 =	vld [tilespmem:s2+$0x970];
	v11 =	vmul.f32 v11, v7  }
0xf6: {  	v24 =	vmul.f32 v61, v24;
	v61 =	vadd.f32 v58, v27;
	v27 =	vld [tilespmem:s2+$0x8970]  }
0xf7: {  	v9 =	vadd.f32 v62, v31;
	v11 =	vmul.f32 v22, v11;
	v22 =	vld [tilespmem:$0x1FC30]  }
0xf8: {  	[tilespmem:s2+$0x10B70] =	vst v3;
	v3 =	vld [tilespmem:$0x1FC20]  }
0xf9: {  	v9 =	vadd.f32 v23, v9  }
0xfa: {  	v28 =	vmul.f32 v28, v7  }
0xfb: {  	v8 =	vadd.f32 v26, v30;
	v9 =	vadd.f32 v14, v9;
	[tilespmem:s2+$0x10BE0] =	vst v13;
	v13 =	vmul.f32 v10, v36  }
0xfc: {  	v36 =	vadd.f32 v56, v55;
	v61 =	vadd.f32 v57, v61;
	[tilespmem:s2+$0x10BC0] =	vst v22;
	v22 =	vmul.f32 v27, v28;
	v27 =	vld [tilespmem:$0x1FC40]  }
0xfd: {  	v10 =	vadd.f32 v15, v8;
	v8 =	vadd.f32 v54, v53;
	[tilespmem:s2+$0x10BA0] =	vst v3;
	v3 =	vperm.xlane v9, v0  }
0xfe: {  	v36 =	vadd.f32 v52, v36;
	v28 =	vperm.xlane v61, v0  }
0xff: {  	v8 =	vadd.f32 v44, v8;
	v9 =	vadd.f32 v3, v9;
	v3 =	vld [tilespmem:$0x1FC50]  }
0x100: {  	[tilespmem:s2+$0x10B30] =	vst v47;
	v10 =	vadd.f32 v24, v10;
	v28 =	vadd.f32 v28, v61;
	v61 =	vld [tilespmem:$0x1FC60]  }
0x101: {  	[tilespmem:s2+$0x10BD0] =	vst v27;
	v27 =	vadd.f32 v13, v36  }
0x102: {  	[tilespmem:s2+$0x10B60] =	vst v35;
	v8 =	vadd.f32 v11, v8;
	v47 =	vperm.xlane v10, v0;
	v35 =	vadd.f32 v22, v60  }
0x103: {  	v60 =	vperm.xlane v27, v0  }
0x104: {  	v10 =	vadd.f32 v47, v10;
	v36 =	vperm.xlane v8, v0;
	[tilespmem:s2+$0x10B80] =	vst v3;
	v3 =	vperm.xlane v35, v0  }
0x105: {  	[tilespmem:s2+$0x10B90] =	vst v61;
	v61 =	vperm.xlane v9, v1;
	v27 =	vadd.f32 v60, v27;
	v60 =	vperm.xlane v28, v1  }
0x106: {  	[tilespmem:s2+$0x10AF0] =	vst v49;
	v49 =	vld [tilespmem:$0x1FC70];
	v8 =	vadd.f32 v36, v8;
	v35 =	vadd.f32 v3, v35;
	v3 =	vperm.xlane v10, v1  }
0x107: {  	v9 =	vadd.f32 v61, v9;
	v61 =	vld [tilespmem:$0x1FC80];
	v47 =	vperm.xlane v27, v1;
	v28 =	vadd.f32 v60, v28  }
0x108: {  	v10 =	vadd.f32 v3, v10;
	v3 =	vperm.xlane v35, v1  }
0x109: {  	v60 =	vperm.xlane v8, v1;
	v27 =	vadd.f32 v47, v27;
	v47 =	vperm.xlane v28, v2  }
0x10a: {  	v35 =	vadd.f32 v3, v35;
	v3 =	vld [tilespmem:$0x1FFF0]  }
0x10b: {  	[tilespmem:s2+$0x10B40] =	vst v49;
	v49 =	vperm.xlane v9, v2;
	v8 =	vadd.f32 v60, v8;
	v28 =	vadd.f32 v47, v28;
	v47 =	vld [tilespmem:$0x1FCA0]  }
0x10c: {  	[tilespmem:s2+$0x10B50] =	vst v61;
	v60 =	vperm.xlane v10, v2;
	v61 =	vperm.xlane v27, v2  }
0x10d: {  	[tilespmem:s2+$0x10AB0] =	vst v43;
	v9 =	vadd.f32 v49, v9;
	v43 =	vperm.xlane v8, v2  }
0x10e: {  	v10 =	vadd.f32 v60, v10;
	v49 =	vperm.xlane v35, v2;
	v27 =	vadd.f32 v61, v27  }
0x10f: {  	v8 =	vadd.f32 v43, v8;
	v60 =	vperm.xlane v28, v3;
	v61 =	vperm.xlane v9, v3  }
0x110: {  	v35 =	vadd.f32 v49, v35;
	v49 =	vperm.xlane v10, v3;
	[tilespmem:s2+$0x10B10] =	vst v47;
	v47 =	vperm.xlane v18, v2  }
0x111: {  	[tilespmem:s2+$0x10B20] =	vst v37;
	v28 =	vadd.f32 v60, v28;
	v9 =	vadd.f32 v61, v9;
	v61 =	vperm.xlane v27, v3  }
0x112: {  	[tilespmem:s2+$0x10AA0] =	vst v40;
	v40 =	vperm.xlane v8, v3;
	v10 =	vadd.f32 v49, v10;
	v18 =	vadd.f32 v47, v18  }
0x113: {  	[tilespmem:s2+$0x10AE0] =	vst v38;
	v9 =	vsel vm0, v28, v9;
	v27 =	vadd.f32 v61, v27;
	v28 =	vperm.xlane v35, v3  }
0x114: {  	[tilespmem:s2+$0x10A70] =	vst v42;
	v42 =	vld [tilespmem:$0x1FCC0];
	v8 =	vadd.f32 v40, v8;
	v9 =	vsel vm1, v9, v10;
	v10 =	vperm.xlane v18, v3  }
0x115: {  	[tilespmem:s2+$0x109F0] =	vst v48;
	v9 =	vsel vm2, v9, v27;
	v27 =	vadd.f32 v28, v35;
	v28 =	vperm.xlane v16, v3  }
0x116: {  	[tilespmem:s2+$0x10A20] =	vst v33;
	v8 =	vsel vm3, v9, v8;
	v9 =	vadd.f32 v10, v18;
	v10 =	vperm.xlane v12, v3  }
0x117: {  	[tilespmem:s2+$0x109B0] =	vst v51;
	v18 =	vld [tilespmem:$0x1FD00];
	v8 =	vsel vm4, v8, v27;
	v16 =	vadd.f32 v28, v16  }
0x118: {  	[tilespmem:s2+$0x109E0] =	vst v39;
	v8 =	vsel vm5, v8, v9;
	v9 =	vadd.f32 v10, v12  }
0x119: {  	[tilespmem:s2+$0x10AD0] =	vst v42;
	v12 =	vld [tilespmem:$0x1FD10];
	v8 =	vsel vm6, v8, v16  }
0x11a: {  	[tilespmem:s2+$0x109A0] =	vst v41;
	v8 =	vsel vm7, v8, v9;
	v9 =	vld [tilespmem:$0x1FD20]  }
0x11b: {  	[tilespmem:s2+$0x10960] =	vst v46  }
0x11c: {  	[tilespmem:s2+$0x10A90] =	vst v18;
	v18 =	vperm.xlane v20, v3  }
0x11d: {  	[tilespmem:s2+$0x10990] =	vst v34;
	v10 =	vperm.xlane v63, v3  }
0x11e: {  	v16 =	vperm.xlane v17, v3;
	[tilespmem:s2+$0x10A40] =	vst v12;
	v12 =	vadd.f32 v18, v20  }
0x11f: {  	[tilespmem:s2+$0x10A50] =	vst v9;
	v9 =	vadd.f32 v10, v63;
	v10 =	vperm.xlane v21, v3  }
0x120: {  	[tilespmem:s2+$0x10920] =	vst v44;
	v8 =	vsel vm8, v8, v12;
	v12 =	vadd.f32 v16, v17;
	v16 =	vperm.xlane v19, v3  }
0x121: {  	[tilespmem:s2+$0x10940] =	vst v45;
	v8 =	vsel vm9, v8, v9;
	v9 =	vadd.f32 v10, v21;
	v10 =	vperm.xlane v25, v3  }
0x122: {  	[tilespmem:s2+$0x10950] =	vst v50;
	v8 =	vsel vm10, v8, v12;
	v12 =	vadd.f32 v16, v19;
	v16 =	vperm.xlane v29, v3  }
0x123: {  	[tilespmem:s2+$0x108E0] =	vst v52;
	v8 =	vsel vm11, v8, v9;
	v9 =	vadd.f32 v10, v25  }
0x124: {  	[tilespmem:s2+$0x10900] =	vst v53;
	v51 =	vld [tilespmem:$0x1FD40];
	v8 =	vsel vm12, v8, v12;
	v10 =	vadd.f32 v16, v29  }
0x125: {  	[tilespmem:s2+$0x10910] =	vst v54;
	v8 =	vsel vm13, v8, v9  }
0x126: {  	[tilespmem:s2+$0x10830] =	vst v57;
	v8 =	vsel vm14, v8, v10  }
0x127: {  	[tilespmem:s2+$0x108C0] =	vst v55;
	v8 =	vsub.f32 $0.0e+00, v8  }
0x128: {  	[tilespmem:s2+$0x108D0] =	vst v56  }
0x129: {  	[tilespmem:s2+$0x10A10] =	vst v51;
	v8 =	vmul.f32 $1.442695020e+00, v8  }
0x12a: {  	[tilespmem:s2+$0x10820] =	vst v58  }
0x12b: {  	[tilespmem:s2+$0x10800] =	vst v59;
	(erf) = vpow2.f32 v8  }
0x12c: {  	[tilespmem:s2+$0x10810] =	vst v32  }
0x12d: {  	[tilespmem:s2+$0x10840] =	vst v31  }
0x12e: {  	[tilespmem:s2+$0x10850] =	vst v62  }
0x12f: {  	[tilespmem:s2+$0x10880] =	vst v30  }
0x130: {  	[tilespmem:s2+$0x10860] =	vst v23  }
0x131: {  	[tilespmem:s2+$0x10890] =	vst v26  }
0x132: {  	[tilespmem:s2+$0x108A0] =	vst v15  }
0x133: {  	[tilespmem:s2+$0x10870] =	vst v14;
	v36 =	vld [tilespmem:$0x1FC90]  }
0x134: {  	[tilespmem:s2+$0x108B0] =	vst v24;
	v60 =	vld [tilespmem:$0x1FCB0];
	v8 =	vpop (erf)  }
0x135: {  	[tilespmem:s2+$0x108F0] =	vst v13;
	v43 =	vld [tilespmem:$0x1FCD0];
	v8 =	vadd.f32 $1.000000000e+00, v8  }
0x136: {  	[tilespmem:s2+$0x10930] =	vst v11;
	v49 =	vld [tilespmem:$0x1FCF0]  }
0x137: {  	[tilespmem:s2+$0x10970] =	vst v22;
	v47 =	vld [tilespmem:$0x1FCE0];
	(erf) = vrcp.f32 v8  }
0x138: {  	[tilespmem:s2+$0x10B00] =	vst v36;
	v61 =	vld [tilespmem:$0x1FD60]  }
0x139: {  	[tilespmem:s2+$0x10AC0] =	vst v60;
	v60 =	vld [tilespmem:$0x1FD50]  }
0x13a: {  	[tilespmem:s2+$0x10A30] =	vst v43;
	v17 =	vld [tilespmem:$0x1FD30]  }
0x13b: {  	[tilespmem:s2+$0x10A80] =	vst v49;
	v63 =	vld [tilespmem:$0x1FD70]  }
0x13c: {  	[tilespmem:s2+$0x10A60] =	vst v47  }
0x13d: {  	[tilespmem:s2+$0x109D0] =	vst v61  }
0x13e: {  	[tilespmem:s2+$0x109C0] =	vst v60  }
0x13f: {  	[tilespmem:s2+$0x10A00] =	vst v17  }
0x140: {  	[tilespmem:s2+$0x10980] =	vst v63;
	v8 =	vpop (erf)  }
0x141: {  	s31 =	simm.s32 $0x400;
	[tilespmem:s26+$0x0] =	vst v8  }
0x142: {  	v9 =	vld [tilespmem:s31+$0x8BF0]  }
0x143: {  	v10 =	vld [tilespmem:s31+$0x8BB0]  }
0x144: {  	v11 =	vld [tilespmem:s31+$0x8BE0]  }
0x145: {  	v8 =	vld [tilespmem:s31+$0xBF0]  }
0x146: {  	v12 =	vld [tilespmem:s31+$0x8B70]  }
0x147: {  	v13 =	vld [tilespmem:s31+$0x8BA0]  }
0x148: {  	v14 =	vld [tilespmem:s31+$0xBB0]  }
0x149: {  	v15 =	vld [tilespmem:s31+$0x8BC0]  }
0x14a: {  	v16 =	vld [tilespmem:s31+$0x8BD0]  }
0x14b: {  	v17 =	vld [tilespmem:s31+$0xBE0]  }
0x14c: {  	v18 =	vld [tilespmem:s31+$0x8B30]  }
0x14d: {  	v19 =	vld [tilespmem:s31+$0x8B60]  }
0x14e: {  	v20 =	vld [tilespmem:s31+$0xB70]  }
0x14f: {  	v21 =	vld [tilespmem:s31+$0x8B80]  }
0x150: {  	v22 =	vld [tilespmem:s31+$0x8B90]  }
0x151: {  	v23 =	vld [tilespmem:s31+$0xBA0]  }
0x152: {  	v24 =	vld [tilespmem:s31+$0xBC0]  }
0x153: {  	v25 =	vld [tilespmem:s31+$0xBD0]  }
0x154: {  	v26 =	vld [tilespmem:s31+$0x8AF0]  }
0x155: {  	v27 =	vld [tilespmem:s31+$0x8B20]  }
0x156: {  	v28 =	vld [tilespmem:s31+$0xB30]  }
0x157: {  	v29 =	vld [tilespmem:s31+$0x8B40]  }
0x158: {  	v30 =	vld [tilespmem:s31+$0x8B50]  }
0x159: {  	v31 =	vld [tilespmem:s31+$0xB60]  }
0x15a: {  	v32 =	vld [tilespmem:s31+$0xB80]  }
0x15b: {  	v33 =	vld [tilespmem:s31+$0xB90]  }
0x15c: {  	v34 =	vld [tilespmem:s31+$0x8AB0]  }
0x15d: {  	v35 =	vld [tilespmem:s31+$0x8AE0]  }
0x15e: {  	v36 =	vld [tilespmem:s31+$0xAF0]  }
0x15f: {  	v37 =	vld [tilespmem:s31+$0x8B00]  }
0x160: {  	v38 =	vld [tilespmem:s31+$0x8B10]  }
0x161: {  	v39 =	vld [tilespmem:s31+$0xB20]  }
0x162: {  	v40 =	vld [tilespmem:s31+$0xB40]  }
0x163: {  	v41 =	vld [tilespmem:s31+$0xB50]  }
0x164: {  	v42 =	vld [tilespmem:s31+$0x8A70]  }
0x165: {  	v44 =	vld [tilespmem:s31+$0x8AA0]  }
0x166: {  	v43 =	vld [tilespmem:s31+$0xAB0]  }
0x167: {  	v45 =	vld [tilespmem:s31+$0x8AC0]  }
0x168: {  	v46 =	vld [tilespmem:s31+$0x8AD0]  }
0x169: {  	v47 =	vld [tilespmem:s31+$0xAE0]  }
0x16a: {  	v48 =	vld [tilespmem:s31+$0xB00]  }
0x16b: {  	v49 =	vld [tilespmem:s31+$0xB10]  }
0x16c: {  	v50 =	vld [tilespmem:s31+$0x8A30]  }
0x16d: {  	v51 =	vld [tilespmem:s31+$0x8A60]  }
0x16e: {  	v52 =	vld [tilespmem:s31+$0xA70]  }
0x16f: {  	v53 =	vld [tilespmem:s31+$0x8A80]  }
0x170: {  	v54 =	vld [tilespmem:s31+$0x8A90]  }
0x171: {  	v61 =	vld [tilespmem:s31+$0xAA0]  }
0x172: {  	v56 =	vld [tilespmem:s31+$0xAC0];
	v14 =	vmul.f32 v14, v7  }
0x173: {  	v58 =	vld [tilespmem:s31+$0xAD0];
	v3 =	vmul.f32 v8, v7;
	v17 =	vmul.f32 v17, v6  }
0x174: {  	v8 =	vld [tilespmem:s31+$0x89F0];
	v20 =	vmul.f32 v20, v7;
	v23 =	vmul.f32 v23, v6  }
0x175: {  	v28 =	vmul.f32 v28, v7;
	v59 =	vmul.f32 v10, v14;
	v10 =	vld [tilespmem:s31+$0x8A20]  }
0x176: {  	v62 =	vmul.f32 v9, v3;
	v9 =	vmul.f32 v24, v5;
	v24 =	vld [tilespmem:s31+$0xA30]  }
0x177: {  	v36 =	vmul.f32 v36, v7;
	v14 =	vmul.f32 v25, v4;
	v25 =	vld [tilespmem:s31+$0x8A40]  }
0x178: {  	v55 =	vmul.f32 v11, v17;
	v60 =	vmul.f32 v12, v20;
	v11 =	vld [tilespmem:s31+$0xA60]  }
0x179: {  	v12 =	vmul.f32 v31, v6;
	v57 =	vmul.f32 v13, v23;
	v13 =	vld [tilespmem:s31+$0xA80]  }
0x17a: {  	v17 =	vld [tilespmem:s31+$0xA90];
	v20 =	vmul.f32 v32, v5;
	v23 =	vmul.f32 v33, v4  }
0x17b: {  	v32 =	vld [tilespmem:s31+$0x89A0];
	v9 =	vmul.f32 v15, v9;
	v3 =	vmul.f32 v16, v14  }
0x17c: {  	v14 =	vld [tilespmem:s31+$0x8A50];
	v15 =	vmul.f32 v40, v5;
	v16 =	vmul.f32 v41, v4  }
0x17d: {  	v23 =	vmul.f32 v22, v23;
	v63 =	vmul.f32 v19, v12;
	v19 =	vld [tilespmem:s31+$0x8A00]  }
0x17e: {  	v22 =	vmul.f32 v49, v4;
	v41 =	vmul.f32 v29, v15;
	v15 =	vld [tilespmem:s31+$0x89E0]  }
0x17f: {  	v30 =	vmul.f32 v30, v16;
	v29 =	vmul.f32 v21, v20;
	v20 =	vld [tilespmem:s31+$0x9F0]  }
0x180: {  	[tilespmem:$0x1FD90] =	vst v9;
	v9 =	vadd.f32 v3, v9;
	v21 =	vmul.f32 v48, v5;
	v49 =	vmul.f32 v38, v22;
	v22 =	vld [tilespmem:s31+$0xA50]  }
0x181: {  	[tilespmem:$0x1FD80] =	vst v3;
	v3 =	vmul.f32 v58, v4;
	v38 =	vld [tilespmem:s31+$0x9B0];
	v58 =	vmul.f32 v43, v7  }
0x182: {  	v13 =	vmul.f32 v13, v5;
	v17 =	vmul.f32 v17, v4;
	v31 =	vadd.f32 v55, v9;
	v9 =	vld [tilespmem:s31+$0x89B0]  }
0x183: {  	v24 =	vmul.f32 v24, v7;
	v11 =	vmul.f32 v11, v6;
	[tilespmem:$0x1FDC0] =	vst v30;
	v12 =	vadd.f32 v30, v41;
	v30 =	vld [tilespmem:s31+$0x8A10]  }
0x184: {  	v48 =	vmul.f32 v37, v21;
	v21 =	vld [tilespmem:s31+$0xA20];
	v3 =	vmul.f32 v46, v3  }
0x185: {  	[tilespmem:$0x1FDD0] =	vst v23;
	v23 =	vadd.f32 v23, v29;
	v37 =	vld [tilespmem:s31+$0x89D0];
	v58 =	vmul.f32 v34, v58;
	v50 =	vmul.f32 v50, v24  }
0x186: {  	[tilespmem:$0x1FDA0] =	vst v62;
	v46 =	vld [tilespmem:s31+$0xA00];
	v51 =	vmul.f32 v51, v11;
	v16 =	vadd.f32 v62, v31;
	v31 =	vmul.f32 v39, v6  }
0x187: {  	[tilespmem:$0x1FDF0] =	vst v63;
	v34 =	vld [tilespmem:s31+$0x8930];
	v12 =	vadd.f32 v63, v12;
	v62 =	vmul.f32 v52, v7;
	v63 =	vmul.f32 v61, v6  }
0x188: {  	[tilespmem:$0x1FE00] =	vst v57;
	v24 =	vld [tilespmem:s31+$0x8990];
	v23 =	vadd.f32 v57, v23;
	v61 =	vmul.f32 v54, v17;
	v22 =	vmul.f32 v22, v4  }
0x189: {  	[tilespmem:$0x1FDE0] =	vst v29;
	v11 =	vld [tilespmem:s31+$0x9C0];
	v29 =	vperm.xlane v16, v0;
	v57 =	vmul.f32 v27, v31  }
0x18a: {  	[tilespmem:$0x1FE20] =	vst v59;
	v23 =	vadd.f32 v59, v23;
	v59 =	vmul.f32 v18, v28;
	v27 =	vld [tilespmem:s31+$0x8970];
	v31 =	vmul.f32 v56, v5  }
0x18b: {  	[tilespmem:$0x1FE10] =	vst v60;
	v12 =	vadd.f32 v60, v12;
	v56 =	vmul.f32 v47, v6;
	v60 =	vmul.f32 v26, v36;
	v26 =	vld [tilespmem:s31+$0xA10]  }
0x18c: {  	v54 =	vmul.f32 v42, v62;
	v36 =	vld [tilespmem:s31+$0x970];
	v62 =	vmul.f32 v44, v63  }
0x18d: {  	v17 =	vadd.f32 v49, v48;
	v63 =	vld [tilespmem:s31+$0x8980];
	v21 =	vmul.f32 v21, v6;
	v45 =	vmul.f32 v45, v31  }
0x18e: {  	v16 =	vadd.f32 v29, v16;
	v29 =	vld [tilespmem:s31+$0xA40];
	v28 =	vperm.xlane v12, v0;
	v33 =	vperm.xlane v23, v0  }
0x18f: {  	v31 =	vld [tilespmem:s31+$0x89C0];
	v56 =	vmul.f32 v35, v56;
	v17 =	vadd.f32 v57, v17;
	v43 =	vmovc v45;
	v45 =	vmul.f32 v53, v13  }
0x190: {  	v35 =	vld [tilespmem:s31+$0x9E0];
	v11 =	vmul.f32 v11, v5;
	v18 =	vperm.xlane v16, v1  }
0x191: {  	v13 =	vld [tilespmem:s31+$0x8960];
	v17 =	vadd.f32 v59, v17;
	v44 =	vmovc v45;
	v45 =	vmul.f32 v14, v22;
	v22 =	vmul.f32 v46, v5  }
0x192: {  	v23 =	vadd.f32 v33, v23;
	v14 =	vld [tilespmem:s31+$0x9A0];
	v46 =	vmul.f32 v10, v21;
	v21 =	vmul.f32 v26, v4  }
0x193: {  	v26 =	vld [tilespmem:s31+$0x980];
	v16 =	vadd.f32 v18, v16;
	v18 =	vmul.f32 v20, v7;
	v29 =	vmul.f32 v29, v5  }
0x194: {  	v42 =	vmov v3;
	v10 =	vld [tilespmem:s31+$0x8920];
	v3 =	vmul.f32 v19, v22;
	v22 =	vperm.xlane v23, v1  }
0x195: {  	v40 =	vmovc v48;
	v12 =	vadd.f32 v28, v12;
	v48 =	vmul.f32 v25, v29;
	v25 =	vld [tilespmem:s31+$0x9D0];
	v29 =	vperm.xlane v17, v0  }
0x196: {  	v19 =	vld [tilespmem:s31+$0x930];
	v33 =	vmul.f32 v30, v21;
	v28 =	vadd.f32 v22, v23;
	v23 =	vmul.f32 v35, v6  }
0x197: {  	v21 =	vld [tilespmem:s31+$0x8940];
	v35 =	vmul.f32 v31, v11;
	v11 =	vadd.f32 v42, v43;
	v17 =	vadd.f32 v29, v17  }
0x198: {  	v29 =	vld [tilespmem:s31+$0x990];
	v20 =	vmul.f32 v26, v5;
	v14 =	vmul.f32 v14, v6  }
0x199: {  	[tilespmem:$0x1FE50] =	vst v56;
	v22 =	vld [tilespmem:s31+$0x8950];
	v11 =	vadd.f32 v56, v11;
	v56 =	vmul.f32 v8, v18;
	v8 =	vperm.xlane v17, v1  }
0x19a: {  	v52 =	vmul.f32 v15, v23;
	v15 =	vld [tilespmem:s31+$0x960];
	v23 =	vadd.f32 v61, v44;
	v25 =	vmul.f32 v25, v4  }
0x19b: {  	[tilespmem:$0x1FE60] =	vst v61;
	v31 =	vld [tilespmem:s31+$0x8830];
	v39 =	vmul.f32 v32, v14;
	v61 =	vadd.f32 v8, v17;
	v17 =	vmul.f32 v38, v7  }
0x19c: {  	[tilespmem:$0x1FE30] =	vst v57;
	v26 =	vld [tilespmem:s31+$0x88E0];
	v11 =	vadd.f32 v60, v11;
	v57 =	vmul.f32 v37, v25;
	v25 =	vperm.xlane v12, v1  }
0x19d: {  	v14 =	vld [tilespmem:s31+$0x940];
	v37 =	vmul.f32 v63, v20;
	v8 =	vmul.f32 v29, v4  }
0x19e: {  	v38 =	vld [tilespmem:s31+$0x810];
	v18 =	vperm.xlane v11, v0;
	v30 =	vadd.f32 v25, v12;
	v12 =	vadd.f32 v62, v23  }
0x19f: {  	[tilespmem:$0x1FDB0] =	vst v41;
	v41 =	vmov v49;
	v29 =	vld [tilespmem:s31+$0x920];
	v49 =	vmul.f32 v9, v17;
	v15 =	vmul.f32 v15, v6  }
0x1a0: {  	v20 =	vld [tilespmem:s31+$0x8900];
	v11 =	vadd.f32 v18, v11;
	v18 =	vmul.f32 v36, v7;
	v12 =	vadd.f32 v58, v12  }
0x1a1: {  	[tilespmem:$0x1FE90] =	vst v58;
	v47 =	vmul.f32 v13, v15;
	v13 =	vld [tilespmem:s31+$0x900];
	v58 =	vmul.f32 v24, v8;
	v8 =	vadd.f32 v33, v3  }
0x1a2: {  	[tilespmem:$0x1FEA0] =	vst v3;
	v14 =	vmul.f32 v14, v5;
	v24 =	vadd.f32 v45, v48;
	v3 =	vld [tilespmem:s31+$0x8E0];
	v9 =	vperm.xlane v12, v0  }
0x1a3: {  	[tilespmem:$0x1FF00] =	vst v50;
	v63 =	vld [tilespmem:s31+$0x8A0];
	v53 =	vmul.f32 v27, v18;
	v18 =	vadd.f32 v57, v35;
	v8 =	vadd.f32 v46, v8  }
0x1a4: {  	[tilespmem:$0x1FE40] =	vst v59;
	v17 =	vld [tilespmem:s31+$0x950];
	v15 =	vmul.f32 v29, v6;
	v24 =	vadd.f32 v51, v24;
	v59 =	vadd.f32 v9, v12  }
0x1a5: {  	[tilespmem:$0x1FE80] =	vst v62;
	v25 =	vld [tilespmem:s31+$0x8F0];
	v9 =	vmul.f32 v19, v7;
	v12 =	vperm.xlane v11, v1;
	v8 =	vadd.f32 v50, v8  }
0x1a6: {  	[tilespmem:$0x1FF30] =	vst v52;
	v19 =	vld [tilespmem:s31+$0x8B0];
	v50 =	vmul.f32 v10, v15;
	v10 =	vadd.f32 v52, v18;
	v52 =	vmul.f32 v21, v14  }
0x1a7: {  	[tilespmem:$0x1FF10] =	vst v54;
	v23 =	vld [tilespmem:s31+$0x8910];
	v13 =	vmul.f32 v13, v5;
	v15 =	vmul.f32 v3, v6;
	v12 =	vadd.f32 v12, v11  }
0x1a8: {  	[tilespmem:$0x1FEE0] =	vst v48;
	v48 =	vmul.f32 v34, v9;
	v9 =	vadd.f32 v54, v24;
	v11 =	vperm.xlane v8, v0;
	v24 =	vld [tilespmem:s31+$0x910]  }
0x1a9: {  	[tilespmem:$0x1FF50] =	vst v56;
	v29 =	vld [tilespmem:s31+$0x830];
	v10 =	vadd.f32 v56, v10;
	v56 =	vmul.f32 v20, v13;
	v54 =	vmul.f32 v26, v15  }
0x1aa: {  	[tilespmem:$0x1FEB0] =	vst v33;
	v62 =	vld [tilespmem:s31+$0x88C0];
	v8 =	vadd.f32 v11, v8;
	v11 =	vmul.f32 v17, v4;
	v27 =	vperm.xlane v9, v0  }
0x1ab: {  	[tilespmem:$0x1FF20] =	vst v35;
	v35 =	vld [tilespmem:s31+$0x880];
	v33 =	vperm.xlane v12, v2;
	v19 =	vmul.f32 v19, v7  }
0x1ac: {  	[tilespmem:$0x1FEF0] =	vst v51;
	v14 =	vld [tilespmem:s31+$0x870];
	v36 =	vadd.f32 v27, v9;
	v51 =	vmul.f32 v22, v11;
	v11 =	vperm.xlane v59, v1  }
0x1ad: {  	v18 =	vld [tilespmem:s31+$0x8880];
	v22 =	vadd.f32 v58, v37;
	v15 =	vmul.f32 v24, v4;
	v24 =	vperm.xlane v10, v0  }
0x1ae: {  	v34 =	vld [tilespmem:s31+$0x860];
	v21 =	vadd.f32 v11, v59;
	v11 =	vmul.f32 v29, v7;
	v20 =	vperm.xlane v36, v1  }
0x1af: {  	[tilespmem:$0x1FEC0] =	vst v46;
	v17 =	vld [tilespmem:s31+$0x88D0];
	v13 =	vadd.f32 v39, v22;
	v46 =	vmul.f32 v23, v15;
	v15 =	vmul.f32 v25, v7  }
0x1b0: {  	[tilespmem:$0x1FED0] =	vst v45;
	v23 =	vld [tilespmem:s31+$0x8C0];
	v10 =	vadd.f32 v24, v10;
	v45 =	vmul.f32 v31, v11;
	v11 =	vperm.xlane v8, v1  }
0x1b1: {  	[tilespmem:$0x1FF40] =	vst v6;
	v29 =	vld [tilespmem:s31+$0x8D0];
	v13 =	vadd.f32 v49, v13;
	v24 =	vadd.f32 v20, v36;
	v20 =	vmul.f32 v14, v7  }
0x1b2: {  	[tilespmem:$0x1FF90] =	vst v7;
	v9 =	vld [tilespmem:s31+$0x8820];
	v14 =	vperm.xlane v61, v2;
	v22 =	vadd.f32 v11, v8;
	v8 =	vperm.xlane v10, v1  }
0x1b3: {  	[tilespmem:$0x1FFA0] =	vst v5;
	v27 =	vld [tilespmem:s31+$0x8810];
	v31 =	vperm.xlane v21, v2;
	v11 =	vperm.xlane v13, v0  }
0x1b4: {  	[tilespmem:$0x1FF60] =	vst v37;
	v37 =	vld [tilespmem:s31+$0x820];
	v61 =	vadd.f32 v14, v61;
	v26 =	vadd.f32 v8, v10;
	v10 =	vperm.xlane v16, v2  }
0x1b5: {  	[tilespmem:$0x1FF80] =	vst v39;
	v25 =	vld [tilespmem:s31+$0x8800];
	v8 =	vmul.f32 v23, v5;
	v23 =	vadd.f32 v11, v13;
	v11 =	vperm.xlane v28, v2  }
0x1b6: {  	[tilespmem:$0x1FF70] =	vst v58;
	v36 =	vld [tilespmem:s31+$0x890];
	v39 =	vmul.f32 v29, v4;
	v58 =	vadd.f32 v10, v16;
	v10 =	vperm.xlane v30, v2  }
0x1b7: {  	[tilespmem:$0x1FFB0] =	vst v4;
	v13 =	vld [tilespmem:s31+$0x800];
	v59 =	vadd.f32 v11, v28;
	v28 =	vperm.xlane v22, v2;
	v32 =	vperm.xlane v26, v2  }
0x1b8: {  	s0 =	simm.s32 $0x18800;
	s2 =	simm.s32 $0x2000;
	[tilespmem:$0x1FE70] =	vst v60;
	v29 =	vperm.xlane v23, v1;
	v11 =	vld [tilespmem:s31+$0x840];
	v60 =	vadd.f32 v10, v30;
	v30 =	vperm.xlane v24, v2  }
.LBB2_2:
0x1b9: {  	v7 =	vld [tilespmem:$0x1FF40]  }
0x1ba: {  	v14 =	vld [tilespmem:s31+$0x850]  }
0x1bb: {  	v6 =	vld [tilespmem:$0x1FFA0]  }
0x1bc: {  	v5 =	vld [tilespmem:$0x1FFB0]  }
0x1bd: {  	v16 =	vadd.f32 v33, v12;
	v12 =	vld [tilespmem:s31+$0x8840]  }
0x1be: {  	v22 =	vadd.f32 v28, v22;
	v28 =	vld [tilespmem:s31+$0x8860];
	v8 =	vmul.f32 v62, v8;
	v62 =	vmul.f32 v17, v39  }
0x1bf: {  	v4 =	vld [tilespmem:s31+$0x8890];
	v17 =	vadd.f32 v31, v21;
	v10 =	vmul.f32 v37, v7;
	v37 =	vmul.f32 v63, v7  }
0x1c0: {  	v1 =	vld [tilespmem:$0x1FFC0];
	v21 =	vadd.f32 v30, v24;
	v39 =	vmul.f32 v34, v7;
	v30 =	vmul.f32 v35, v6  }
0x1c1: {  	v31 =	vld [tilespmem:s31+$0x8850];
	v3 =	vmul.f32 v36, v5;
	v11 =	vmul.f32 v11, v6  }
0x1c2: {  	v24 =	vadd.f32 v32, v26;
	v26 =	vld [tilespmem:s31+$0x88A0];
	v63 =	vmul.f32 v9, v10;
	v9 =	vmul.f32 v13, v6  }
0x1c3: {  	v13 =	vmul.f32 v38, v5;
	v28 =	vmul.f32 v28, v39;
	v39 =	vld [tilespmem:$0x1FE20]  }
0x1c4: {  	v14 =	vmul.f32 v14, v5;
	v36 =	vadd.f32 v51, v52;
	v10 =	vmul.f32 v25, v9;
	v25 =	vld [tilespmem:s31+$0x8870]  }
0x1c5: {  	v12 =	vmul.f32 v12, v11;
	v9 =	vmul.f32 v27, v13;
	v27 =	vadd.f32 v29, v23;
	v29 =	vld [tilespmem:s31+$0x88B0]  }
0x1c6: {  	v11 =	vmul.f32 v31, v14;
	v14 =	vmul.f32 v18, v30;
	v30 =	vld [tilespmem:s31+$0x88F0]  }
0x1c7: {  	v2 =	vld [tilespmem:$0x1FFD0];
	v32 =	vadd.f32 v46, v56;
	v31 =	vadd.f32 v47, v36;
	v13 =	vmul.f32 v4, v3  }
0x1c8: {  	v18 =	vmul.f32 v26, v37;
	v37 =	vld [tilespmem:$0x1FE10];
	v23 =	vadd.f32 v9, v10;
	v38 =	vadd.f32 v11, v12  }
0x1c9: {  	v26 =	vadd.f32 v62, v8;
	v4 =	vadd.f32 v13, v14;
	[tilespmem:s31+$0x10BB0] =	vst v39;
	v39 =	vld [tilespmem:$0x1FD90]  }
0x1ca: {  	[tilespmem:s31+$0x10AC0] =	vst v43;
	v36 =	vadd.f32 v63, v23;
	v34 =	vadd.f32 v28, v38;
	v38 =	vld [tilespmem:$0x1FE00];
	v23 =	vmul.f32 v25, v20  }
0x1cb: {  	[tilespmem:s31+$0x10BE0] =	vst v55;
	v55 =	vld [tilespmem:$0x1FD80];
	v20 =	vmul.f32 v29, v19;
	v19 =	vadd.f32 v54, v26;
	v15 =	vmul.f32 v30, v15  }
0x1cc: {  	[tilespmem:s31+$0x10AD0] =	vst v42;
	v35 =	vld [tilespmem:$0x1FE40];
	v25 =	vadd.f32 v18, v4;
	v30 =	vadd.f32 v50, v32  }
0x1cd: {  	[tilespmem:s31+$0x10B70] =	vst v37;
	v37 =	vld [tilespmem:$0x1FDF0];
	v29 =	vadd.f32 v23, v34;
	v19 =	vadd.f32 v15, v19  }
0x1ce: {  	v26 =	vadd.f32 v45, v36;
	v25 =	vadd.f32 v20, v25;
	[tilespmem:s31+$0x10BC0] =	vst v39;
	v39 =	vld [tilespmem:$0x1FDD0]  }
0x1cf: {  	v30 =	vadd.f32 v48, v30;
	[tilespmem:s31+$0x10BA0] =	vst v38;
	v34 =	vperm.xlane v29, v1;
	v33 =	vperm.xlane v19, v1;
	v38 =	vld [tilespmem:$0x1FDE0]  }
0x1d0: {  	[tilespmem:s31+$0x10BD0] =	vst v55;
	v31 =	vadd.f32 v53, v31;
	v4 =	vperm.xlane v26, v1;
	v36 =	vperm.xlane v25, v1  }
0x1d1: {  	v0 =	vld [tilespmem:$0x1FDA0];
	[tilespmem:s31+$0x10B30] =	vst v35;
	v29 =	vadd.f32 v34, v29;
	v34 =	vperm.xlane v30, v1;
	v19 =	vadd.f32 v33, v19  }
0x1d2: {  	v3 =	vld [tilespmem:$0x1FFE0];
	v35 =	vperm.xlane v31, v1;
	[tilespmem:s31+$0x10B60] =	vst v37;
	v26 =	vadd.f32 v4, v26;
	v25 =	vadd.f32 v36, v25  }
0x1d3: {  	v37 =	vld [tilespmem:$0x1FDC0];
	[tilespmem:s31+$0x10B90] =	vst v39;
	v4 =	vperm.xlane v29, v2;
	v30 =	vadd.f32 v34, v30;
	v34 =	vperm.xlane v19, v2  }
0x1d4: {  	v31 =	vadd.f32 v35, v31;
	v55 =	vperm.xlane v26, v2;
	v39 =	vld [tilespmem:$0x1FE30];
	[tilespmem:s31+$0x10B80] =	vst v38;
	v38 =	vperm.xlane v25, v2  }
0x1d5: {  	[tilespmem:s31+$0x10A80] =	vst v44;
	v29 =	vadd.f32 v4, v29;
	v4 =	vperm.xlane v30, v2;
	v19 =	vadd.f32 v34, v19  }
0x1d6: {  	[tilespmem:s31+$0x109B0] =	vst v49;
	v35 =	vperm.xlane v31, v2;
	v26 =	vadd.f32 v55, v26  }
0x1d7: {  	[tilespmem:s31+$0x10BF0] =	vst v0;
	v0 =	vld [tilespmem:$0x1FFF0];
	v25 =	vadd.f32 v38, v25;
	v30 =	vadd.f32 v4, v30;
	v4 =	vperm.xlane v19, v3  }
0x1d8: {  	[tilespmem:s31+$0x10B50] =	vst v37;
	v36 =	vperm.xlane v26, v3;
	v37 =	vperm.xlane v29, v3  }
0x1d9: {  	v31 =	vadd.f32 v35, v31;
	[tilespmem:s31+$0x10B20] =	vst v39;
	v39 =	vperm.xlane v25, v3;
	v19 =	vadd.f32 v4, v19;
	v4 =	vld [tilespmem:$0x1FF10]  }
0x1da: {  	[tilespmem:s31+$0x10970] =	vst v53;
	v32 =	vperm.xlane v27, v3;
	v26 =	vadd.f32 v36, v26;
	v29 =	vadd.f32 v37, v29  }
0x1db: {  	[tilespmem:s31+$0x10B00] =	vst v40;
	v35 =	vperm.xlane v31, v3;
	v40 =	vperm.xlane v30, v3;
	v25 =	vadd.f32 v39, v25  }
0x1dc: {  	[tilespmem:s31+$0x109D0] =	vst v57;
	v36 =	vperm.xlane v26, v0;
	v37 =	vperm.xlane v29, v0  }
0x1dd: {  	[tilespmem:s31+$0x10B10] =	vst v41;
	v31 =	vadd.f32 v35, v31;
	v30 =	vadd.f32 v40, v30;
	v41 =	vperm.xlane v25, v0  }
0x1de: {  	v26 =	vadd.f32 v36, v26;
	v29 =	vadd.f32 v37, v29;
	[tilespmem:s31+$0x10A70] =	vst v4;
	v4 =	vperm.xlane v19, v0  }
0x1df: {  	[tilespmem:s31+$0x10930] =	vst v48;
	v27 =	vadd.f32 v32, v27;
	v36 =	vperm.xlane v30, v0;
	v25 =	vadd.f32 v41, v25  }
0x1e0: {  	[tilespmem:s31+$0x10960] =	vst v47;
	v26 =	vsel vm0, v26, v29;
	v29 =	vperm.xlane v31, v0;
	v19 =	vadd.f32 v4, v19  }
0x1e1: {  	[tilespmem:s31+$0x10920] =	vst v50;
	v25 =	vsel vm1, v26, v25;
	v26 =	vadd.f32 v36, v30;
	v30 =	vperm.xlane v27, v0  }
0x1e2: {  	[tilespmem:s31+$0x10900] =	vst v56;
	v19 =	vsel vm2, v25, v19;
	v25 =	vadd.f32 v29, v31;
	v29 =	vperm.xlane v24, v0  }
0x1e3: {  	v42 =	vld [tilespmem:$0x1FEE0];
	[tilespmem:s31+$0x10910] =	vst v46;
	v19 =	vsel vm3, v19, v26;
	v26 =	vadd.f32 v30, v27;
	v27 =	vperm.xlane v22, v0  }
0x1e4: {  	v43 =	vld [tilespmem:$0x1FED0];
	[tilespmem:s31+$0x10940] =	vst v52;
	v19 =	vsel vm4, v19, v25;
	v24 =	vadd.f32 v29, v24;
	v25 =	vperm.xlane v21, v0  }
0x1e5: {  	v44 =	vld [tilespmem:$0x1FF30];
	[tilespmem:s31+$0x10950] =	vst v51;
	v19 =	vsel vm5, v19, v26;
	v22 =	vadd.f32 v27, v22;
	v26 =	vperm.xlane v17, v0  }
0x1e6: {  	v49 =	vld [tilespmem:$0x1FEA0];
	[tilespmem:s31+$0x108E0] =	vst v54;
	v19 =	vsel vm6, v19, v24;
	v21 =	vadd.f32 v25, v21;
	v24 =	vperm.xlane v16, v0  }
0x1e7: {  	[tilespmem:s31+$0x10830] =	vst v45;
	v19 =	vsel vm7, v19, v22;
	v17 =	vadd.f32 v26, v17;
	v22 =	vperm.xlane v61, v0  }
0x1e8: {  	[tilespmem:s31+$0x10A40] =	vst v42;
	v19 =	vsel vm8, v19, v21;
	v16 =	vadd.f32 v24, v16;
	v21 =	vperm.xlane v60, v0  }
0x1e9: {  	[tilespmem:s31+$0x10A50] =	vst v43;
	v17 =	vsel vm9, v19, v17;
	v19 =	vadd.f32 v22, v61;
	v22 =	vperm.xlane v59, v0  }
0x1ea: {  	[tilespmem:s31+$0x109E0] =	vst v44;
	v16 =	vsel vm10, v17, v16;
	v17 =	vadd.f32 v21, v60;
	v21 =	vperm.xlane v58, v0  }
0x1eb: {  	[tilespmem:s31+$0x10A00] =	vst v49;
	v16 =	vsel vm11, v16, v19;
	v19 =	vadd.f32 v22, v59  }
0x1ec: {  	[tilespmem:s31+$0x108C0] =	vst v8;
	v16 =	vsel vm12, v16, v17;
	v17 =	vadd.f32 v21, v58  }
0x1ed: {  	[tilespmem:s31+$0x108D0] =	vst v62;
	v16 =	vsel vm13, v16, v19  }
0x1ee: {  	[tilespmem:s31+$0x10820] =	vst v63;
	v16 =	vsel vm14, v16, v17  }
0x1ef: {  	[tilespmem:s31+$0x10860] =	vst v28;
	v16 =	vsub.f32 $0.0e+00, v16  }
0x1f0: {  	[tilespmem:s31+$0x10840] =	vst v12;
	v55 =	vld [tilespmem:$0x1FDB0]  }
0x1f1: {  	[tilespmem:s31+$0x108A0] =	vst v18;
	v16 =	vmul.f32 $1.442695020e+00, v16  }
0x1f2: {  	[tilespmem:s31+$0x10880] =	vst v14  }
0x1f3: {  	[tilespmem:s31+$0x10890] =	vst v13;
	(erf) = vpow2.f32 v16  }
0x1f4: {  	[tilespmem:s31+$0x10800] =	vst v10  }
0x1f5: {  	[tilespmem:s31+$0x10B40] =	vst v55;
	v55 =	vld [tilespmem:$0x1FE50]  }
0x1f6: {  	[tilespmem:s31+$0x10810] =	vst v9;
	v38 =	vld [tilespmem:$0x1FE90]  }
0x1f7: {  	[tilespmem:s31+$0x10850] =	vst v11  }
0x1f8: {  	[tilespmem:s31+$0x108F0] =	vst v15;
	v33 =	vld [tilespmem:$0x1FE70]  }
0x1f9: {  	[tilespmem:s31+$0x108B0] =	vst v20;
	v39 =	vld [tilespmem:$0x1FE60]  }
0x1fa: {  	[tilespmem:s31+$0x10AE0] =	vst v55;
	v55 =	vld [tilespmem:$0x1FE80]  }
0x1fb: {  	[tilespmem:s31+$0x10AB0] =	vst v38;
	v38 =	vld [tilespmem:$0x1FEF0]  }
0x1fc: {  	[tilespmem:s31+$0x10870] =	vst v23;
	v40 =	vld [tilespmem:$0x1FF50];
	v15 =	vpop (erf)  }
0x1fd: {  	[tilespmem:s31+$0x10AF0] =	vst v33;
	v37 =	vld [tilespmem:$0x1FF00];
	v15 =	vadd.f32 $1.000000000e+00, v15  }
0x1fe: {  	v41 =	vld [tilespmem:$0x1FEC0];
	[tilespmem:s31+$0x10A90] =	vst v39  }
0x1ff: {  	[tilespmem:s31+$0x10AA0] =	vst v55;
	v55 =	vld [tilespmem:$0x1FEB0];
	(erf) = vrcp.f32 v15  }
0x200: {  	[tilespmem:s31+$0x10A60] =	vst v38;
	v61 =	vld [tilespmem:$0x1FF70]  }
0x201: {  	[tilespmem:s31+$0x109F0] =	vst v40;
	v60 =	vld [tilespmem:$0x1FF60]  }
0x202: {  	[tilespmem:s31+$0x10A30] =	vst v37;
	v59 =	vld [tilespmem:$0x1FF20]  }
0x203: {  	[tilespmem:s31+$0x10A20] =	vst v41;
	v58 =	vld [tilespmem:$0x1FF80]  }
0x204: {  	[tilespmem:s31+$0x10A10] =	vst v55  }
0x205: {  	[tilespmem:s31+$0x10990] =	vst v61  }
0x206: {  	[tilespmem:s31+$0x10980] =	vst v60  }
0x207: {  	[tilespmem:s31+$0x109C0] =	vst v59  }
0x208: {  	s0 =	sadd.s32 $0x10, s0;
	[tilespmem:s31+$0x109A0] =	vst v58;
	v8 =	vpop (erf)  }
0x209: {  	v0 =	vld [tilespmem:$0x1FF90];
	s31 =	sshra.s32 s2, $0x2;
	[tilespmem:s0+$0x0] =	vst v8  }
0x20a: {  	v9 =	vld [tilespmem:s31+$0x8BF0]  }
0x20b: {  	v12 =	vld [tilespmem:s31+$0x8BB0]  }
0x20c: {  	v15 =	vld [tilespmem:s31+$0x8BE0]  }
0x20d: {  	v20 =	vld [tilespmem:s31+$0xBF0]  }
0x20e: {  	v21 =	vld [tilespmem:s31+$0x8B70]  }
0x20f: {  	v23 =	vld [tilespmem:s31+$0x8BA0]  }
0x210: {  	v24 =	vld [tilespmem:s31+$0xBB0]  }
0x211: {  	v27 =	vld [tilespmem:s31+$0x8BC0]  }
0x212: {  	v28 =	vld [tilespmem:s31+$0x8BD0]  }
0x213: {  	v29 =	vld [tilespmem:s31+$0xBE0]  }
0x214: {  	v8 =	vld [tilespmem:s31+$0x8B30]  }
0x215: {  	v32 =	vld [tilespmem:s31+$0x8B60]  }
0x216: {  	v31 =	vld [tilespmem:s31+$0xB70]  }
0x217: {  	v33 =	vld [tilespmem:s31+$0x8B80]  }
0x218: {  	v34 =	vld [tilespmem:s31+$0x8B90]  }
0x219: {  	v36 =	vld [tilespmem:s31+$0xBA0]  }
0x21a: {  	v37 =	vld [tilespmem:s31+$0xBC0]  }
0x21b: {  	v4 =	vld [tilespmem:s31+$0xBD0]  }
0x21c: {  	v10 =	vld [tilespmem:s31+$0x8AF0]  }
0x21d: {  	v39 =	vld [tilespmem:s31+$0x8B20]  }
0x21e: {  	v40 =	vld [tilespmem:s31+$0xB30]  }
0x21f: {  	v41 =	vld [tilespmem:s31+$0x8B40]  }
0x220: {  	v42 =	vld [tilespmem:s31+$0x8B50]  }
0x221: {  	v43 =	vld [tilespmem:s31+$0xB60]  }
0x222: {  	v44 =	vld [tilespmem:s31+$0xB80]  }
0x223: {  	v45 =	vld [tilespmem:s31+$0xB90]  }
0x224: {  	v56 =	vld [tilespmem:s31+$0x8AB0]  }
0x225: {  	v11 =	vld [tilespmem:s31+$0x8AE0]  }
0x226: {  	v13 =	vld [tilespmem:s31+$0xAF0]  }
0x227: {  	v46 =	vld [tilespmem:s31+$0x8B00]  }
0x228: {  	v47 =	vld [tilespmem:s31+$0x8B10]  }
0x229: {  	v48 =	vld [tilespmem:s31+$0xB20]  }
0x22a: {  	v49 =	vld [tilespmem:s31+$0xB40]  }
0x22b: {  	v50 =	vld [tilespmem:s31+$0xB50]  }
0x22c: {  	v22 =	vld [tilespmem:s31+$0x8A70]  }
0x22d: {  	v17 =	vld [tilespmem:s31+$0x8AA0]  }
0x22e: {  	v16 =	vld [tilespmem:s31+$0xAB0]  }
0x22f: {  	v51 =	vld [tilespmem:s31+$0x8AC0]  }
0x230: {  	v52 =	vld [tilespmem:s31+$0x8AD0]  }
0x231: {  	v53 =	vld [tilespmem:s31+$0xAE0]  }
0x232: {  	v54 =	vld [tilespmem:s31+$0xB00]  }
0x233: {  	v55 =	vld [tilespmem:s31+$0xB10]  }
0x234: {  	v19 =	vld [tilespmem:s31+$0x8A30]  }
0x235: {  	v18 =	vld [tilespmem:s31+$0x8A60]  }
0x236: {  	v26 =	vld [tilespmem:s31+$0xA70]  }
0x237: {  	v25 =	vld [tilespmem:s31+$0x8A80]  }
0x238: {  	v30 =	vld [tilespmem:s31+$0x8A90]  }
0x239: {  	v35 =	vld [tilespmem:s31+$0xAA0];
	v24 =	vmul.f32 v24, v0  }
0x23a: {  	v38 =	vld [tilespmem:s31+$0xA60];
	v29 =	vmul.f32 v29, v7  }
0x23b: {  	v20 =	vmul.f32 v20, v0;
	v58 =	vmul.f32 v12, v24;
	v24 =	vld [tilespmem:s31+$0xAC0]  }
0x23c: {  	v61 =	vmul.f32 v15, v29;
	v29 =	vld [tilespmem:s31+$0xAD0]  }
0x23d: {  	v60 =	vmul.f32 v9, v20;
	v9 =	vmul.f32 v31, v0;
	v12 =	vld [tilespmem:s31+$0x89F0]  }
0x23e: {  	v15 =	vmul.f32 v37, v6;
	v37 =	vld [tilespmem:s31+$0xA30]  }
0x23f: {  	v20 =	vmul.f32 v4, v5;
	v31 =	vld [tilespmem:s31+$0x8A40];
	v59 =	vmul.f32 v21, v9  }
0x240: {  	v9 =	vmul.f32 v36, v7;
	v21 =	vld [tilespmem:s31+$0x8A20];
	v14 =	vmul.f32 v27, v15  }
0x241: {  	v63 =	vmul.f32 v28, v20;
	v20 =	vld [tilespmem:s31+$0x8A50];
	v28 =	vmul.f32 v49, v6  }
0x242: {  	v49 =	vmul.f32 v55, v5;
	v55 =	vmul.f32 v48, v7;
	v48 =	vld [tilespmem:s31+$0xA20]  }
0x243: {  	[tilespmem:$0x1FD80] =	vst v63;
	v27 =	vadd.f32 v63, v14;
	v63 =	vmul.f32 v41, v28;
	v28 =	vld [tilespmem:s31+$0xA90]  }
0x244: {  	v57 =	vmul.f32 v23, v9;
	v9 =	vmul.f32 v44, v6;
	v44 =	vld [tilespmem:s31+$0x9B0]  }
0x245: {  	v50 =	vmul.f32 v50, v5;
	v23 =	vmul.f32 v45, v5;
	v41 =	vld [tilespmem:s31+$0x830]  }
0x246: {  	v15 =	vmul.f32 v43, v7;
	[tilespmem:$0x1FD90] =	vst v14;
	v14 =	vmul.f32 v33, v9;
	v9 =	vadd.f32 v61, v27;
	v27 =	vld [tilespmem:s31+$0xA80]  }
0x247: {  	v36 =	vmul.f32 v42, v50;
	v62 =	vmul.f32 v34, v23;
	v34 =	vld [tilespmem:s31+$0x89E0]  }
0x248: {  	[tilespmem:$0x1FBD0] =	vst v61;
	v23 =	vmul.f32 v54, v6;
	v54 =	vmul.f32 v39, v55;
	v39 =	vld [tilespmem:s31+$0x8A10]  }
0x249: {  	[tilespmem:$0x1FDA0] =	vst v60;
	v61 =	vmul.f32 v47, v49;
	v49 =	vld [tilespmem:s31+$0xA50]  }
0x24a: {  	[tilespmem:$0x1FDC0] =	vst v36;
	v50 =	vadd.f32 v60, v9;
	v9 =	vld [tilespmem:s31+$0x89B0];
	v60 =	vmul.f32 v32, v15  }
0x24b: {  	[tilespmem:$0x1FDE0] =	vst v14;
	v15 =	vadd.f32 v62, v14;
	v14 =	vmul.f32 v46, v23;
	v23 =	vadd.f32 v36, v63;
	v36 =	vld [tilespmem:s31+$0x9F0]  }
0x24c: {  	v16 =	vmul.f32 v16, v0;
	[tilespmem:$0x1FDB0] =	vst v63;
	v46 =	vld [tilespmem:s31+$0x8A00]  }
0x24d: {  	v26 =	vmul.f32 v26, v0;
	v29 =	vmul.f32 v29, v5;
	[tilespmem:$0x1FDD0] =	vst v62;
	v32 =	vld [tilespmem:s31+$0xA40]  }
0x24e: {  	v35 =	vmul.f32 v35, v7;
	[tilespmem:$0x1FDF0] =	vst v60;
	v23 =	vadd.f32 v60, v23;
	v60 =	vmul.f32 v24, v6;
	v24 =	vld [tilespmem:s31+$0x89A0]  }
0x24f: {  	v62 =	vmul.f32 v40, v0;
	[tilespmem:$0x1FBB0] =	vst v14;
	v47 =	vadd.f32 v61, v14;
	v14 =	vmul.f32 v52, v29;
	v29 =	vld [tilespmem:s31+$0x89C0]  }
0x250: {  	[tilespmem:$0x1FE00] =	vst v57;
	v28 =	vmul.f32 v28, v5;
	v15 =	vadd.f32 v57, v15;
	v63 =	vperm.xlane v50, v1;
	v52 =	vld [tilespmem:s31+$0x89D0]  }
0x251: {  	[tilespmem:$0x1FBC0] =	vst v61;
	v57 =	vmul.f32 v8, v62;
	v61 =	vmul.f32 v53, v7;
	v53 =	vld [tilespmem:s31+$0x9E0]  }
0x252: {  	v30 =	vmul.f32 v30, v28;
	v28 =	vmul.f32 v37, v0;
	v37 =	vld [tilespmem:s31+$0x8F0];
	v55 =	vadd.f32 v58, v15  }
0x253: {  	[tilespmem:$0x1FE30] =	vst v54;
	v27 =	vmul.f32 v27, v6;
	v33 =	vadd.f32 v63, v50;
	v15 =	vadd.f32 v54, v47;
	v54 =	vld [tilespmem:s31+$0xA10]  }
0x254: {  	[tilespmem:$0x1FE10] =	vst v59;
	v8 =	vadd.f32 v59, v23;
	v63 =	vmul.f32 v13, v0;
	v47 =	vld [tilespmem:s31+$0x8930];
	v59 =	vperm.xlane v55, v1  }
0x255: {  	v50 =	vld [tilespmem:s31+$0x8960];
	v4 =	vmul.f32 v25, v27;
	v23 =	vperm.xlane v33, v2;
	v40 =	vadd.f32 v57, v15  }
0x256: {  	[tilespmem:$0x1FE20] =	vst v58;
	v27 =	vld [tilespmem:s31+$0x9C0];
	v58 =	vperm.xlane v8, v1;
	v42 =	vadd.f32 v59, v55;
	v55 =	vmul.f32 v51, v60  }
0x257: {  	[tilespmem:$0x1FE40] =	vst v57;
	v15 =	vld [tilespmem:s31+$0x8970];
	v57 =	vmul.f32 v11, v61;
	v62 =	vperm.xlane v40, v1;
	v13 =	vadd.f32 v23, v33  }
0x258: {  	v43 =	vadd.f32 v58, v8;
	v33 =	vld [tilespmem:s31+$0xA00];
	v58 =	vmul.f32 v10, v63;
	v51 =	vadd.f32 v14, v55  }
0x259: {  	v63 =	vmul.f32 v17, v35;
	v35 =	vld [tilespmem:s31+$0x930];
	v40 =	vadd.f32 v62, v40;
	v59 =	vperm.xlane v13, v3  }
0x25a: {  	[tilespmem:$0x1FE50] =	vst v57;
	v8 =	vperm.xlane v42, v2;
	v23 =	vadd.f32 v57, v51;
	v57 =	vmul.f32 v56, v16;
	v56 =	vld [tilespmem:s31+$0x8980]  }
0x25b: {  	v11 =	vperm.xlane v43, v2;
	v10 =	vperm.xlane v40, v2;
	[tilespmem:$0x1FBA0] =	vst v59;
	v59 =	vld [tilespmem:s31+$0x9A0]  }
0x25c: {  	v41 =	vmul.f32 v41, v0;
	v27 =	vmul.f32 v27, v6;
	v8 =	vadd.f32 v8, v42;
	v51 =	vld [tilespmem:s31+$0x8920]  }
0x25d: {  	v11 =	vadd.f32 v11, v43;
	v43 =	vmul.f32 v19, v28;
	v19 =	vld [tilespmem:s31+$0x8940];
	v10 =	vadd.f32 v10, v40  }
0x25e: {  	v28 =	vmul.f32 v38, v7;
	v38 =	vld [tilespmem:s31+$0x8950];
	v29 =	vmul.f32 v29, v27;
	v60 =	vadd.f32 v58, v23  }
0x25f: {  	v45 =	vperm.xlane v8, v3;
	v23 =	vld [tilespmem:s31+$0x970];
	v62 =	vperm.xlane v10, v3  }
0x260: {  	[tilespmem:$0x1FE60] =	vst v30;
	v27 =	vld [tilespmem:s31+$0x920];
	v16 =	vperm.xlane v11, v3;
	v61 =	vperm.xlane v60, v1  }
0x261: {  	v42 =	vld [tilespmem:s31+$0x870];
	[tilespmem:$0x1FBE0] =	vst v62;
	v62 =	vmul.f32 v22, v26;
	v26 =	vadd.f32 v30, v4;
	v30 =	vmul.f32 v32, v6  }
0x262: {  	[tilespmem:$0x1FE70] =	vst v58;
	v58 =	vld [tilespmem:s31+$0x8990];
	v25 =	vadd.f32 v61, v60;
	v60 =	vmul.f32 v49, v5;
	v61 =	vmul.f32 v48, v7  }
0x263: {  	v22 =	vld [tilespmem:s31+$0x9D0];
	v48 =	vmul.f32 v18, v28;
	v28 =	vmul.f32 v54, v5  }
0x264: {  	v23 =	vmul.f32 v23, v0;
	v26 =	vadd.f32 v63, v26;
	v49 =	vmul.f32 v20, v60;
	v20 =	vld [tilespmem:s31+$0x960]  }
0x265: {  	[tilespmem:$0x1FE80] =	vst v63;
	v17 =	vperm.xlane v25, v2;
	v63 =	vmul.f32 v31, v30;
	v30 =	vld [tilespmem:s31+$0x980]  }
0x266: {  	v54 =	vmul.f32 v21, v61;
	v31 =	vld [tilespmem:s31+$0x990];
	v18 =	vadd.f32 v57, v26;
	v26 =	vmul.f32 v33, v6  }
0x267: {  	v40 =	vld [tilespmem:s31+$0x8830];
	v61 =	vmul.f32 v39, v28;
	v28 =	vmul.f32 v53, v7  }
0x268: {  	[tilespmem:$0x1FE90] =	vst v57;
	v39 =	vld [tilespmem:s31+$0x88E0];
	v22 =	vmul.f32 v22, v5;
	v60 =	vmul.f32 v46, v26  }
0x269: {  	[tilespmem:$0x1FEE0] =	vst v63;
	v21 =	vperm.xlane v18, v1;
	v26 =	vadd.f32 v49, v63;
	v63 =	vmul.f32 v34, v28;
	v34 =	vld [tilespmem:s31+$0x940]  }
0x26a: {  	v57 =	vmul.f32 v52, v22;
	v30 =	vmul.f32 v30, v6;
	[tilespmem:$0x1FEA0] =	vst v60;
	v32 =	vadd.f32 v61, v60;
	v60 =	vld [tilespmem:s31+$0x8900]  }
0x26b: {  	[tilespmem:$0x1FEB0] =	vst v61;
	v31 =	vmul.f32 v31, v5;
	v20 =	vmul.f32 v20, v7;
	v26 =	vadd.f32 v48, v26;
	v61 =	vld [tilespmem:s31+$0x8910]  }
0x26c: {  	[tilespmem:$0x1FEF0] =	vst v48;
	v18 =	vadd.f32 v21, v18;
	v21 =	vmul.f32 v36, v0;
	v36 =	vld [tilespmem:s31+$0x950];
	v48 =	vmul.f32 v59, v7  }
0x26d: {  	[tilespmem:$0x1FF20] =	vst v29;
	v59 =	vld [tilespmem:s31+$0x910];
	v29 =	vadd.f32 v57, v29;
	v52 =	vmul.f32 v56, v30;
	v31 =	vmul.f32 v58, v31  }
0x26e: {  	v56 =	vld [tilespmem:s31+$0x8E0];
	v22 =	vadd.f32 v54, v32;
	v26 =	vadd.f32 v62, v26;
	v28 =	vperm.xlane v18, v2  }
0x26f: {  	[tilespmem:$0x1FF00] =	vst v43;
	v58 =	vld [tilespmem:s31+$0x900];
	v46 =	vmul.f32 v12, v21;
	v12 =	vadd.f32 v17, v25;
	v53 =	vmul.f32 v24, v48  }
0x270: {  	[tilespmem:$0x1FEC0] =	vst v54;
	v54 =	vld [tilespmem:s31+$0x8B0];
	v29 =	vadd.f32 v63, v29;
	v34 =	vmul.f32 v34, v6;
	v21 =	vadd.f32 v43, v22  }
0x271: {  	[tilespmem:$0x1FF10] =	vst v62;
	v62 =	vld [tilespmem:s31+$0x88C0];
	v22 =	vperm.xlane v26, v1;
	v33 =	vperm.xlane v12, v3  }
0x272: {  	[tilespmem:$0x1FED0] =	vst v49;
	v17 =	vld [tilespmem:s31+$0x88D0];
	v25 =	vadd.f32 v46, v29;
	v29 =	vmul.f32 v44, v0;
	v49 =	vperm.xlane v21, v1  }
0x273: {  	[tilespmem:$0x1FF60] =	vst v52;
	v43 =	vld [tilespmem:s31+$0x8C0];
	v26 =	vadd.f32 v22, v26;
	v22 =	vadd.f32 v31, v52;
	v52 =	vmul.f32 v19, v34  }
0x274: {  	[tilespmem:$0x1FF50] =	vst v46;
	v46 =	vmul.f32 v58, v6;
	v58 =	vld [tilespmem:$0x1FBA0];
	v24 =	vperm.xlane v25, v1;
	v30 =	vadd.f32 v49, v21  }
0x275: {  	[tilespmem:$0x1FF30] =	vst v63;
	v44 =	vld [tilespmem:s31+$0x8D0];
	v63 =	vperm.xlane v26, v2;
	v21 =	vadd.f32 v28, v18;
	v18 =	vadd.f32 v53, v22  }
0x276: {  	[tilespmem:$0x1FF80] =	vst v53;
	v34 =	vld [tilespmem:s31+$0x860];
	v49 =	vmul.f32 v9, v29;
	v53 =	vmul.f32 v15, v23;
	v25 =	vadd.f32 v24, v25  }
0x277: {  	[tilespmem:$0x1FF70] =	vst v31;
	v9 =	vld [tilespmem:s31+$0x8820];
	v15 =	vmul.f32 v37, v0;
	v31 =	vperm.xlane v30, v2  }
0x278: {  	v37 =	vld [tilespmem:s31+$0x820];
	v24 =	vadd.f32 v63, v26;
	v29 =	vadd.f32 v49, v18;
	v18 =	vperm.xlane v25, v2  }
0x279: {  	v59 =	vmul.f32 v59, v5;
	v63 =	vld [tilespmem:s31+$0x8A0];
	v58 =	vadd.f32 v58, v13;
	v22 =	vadd.f32 v31, v30  }
0x27a: {  	v13 =	vld [tilespmem:s31+$0x800];
	v31 =	vperm.xlane v21, v3;
	v26 =	vadd.f32 v18, v25;
	v25 =	vmul.f32 v35, v0  }
0x27b: {  	v30 =	vperm.xlane v24, v3;
	v1 =	vperm.xlane v29, v1;
	v18 =	vld [tilespmem:s31+$0x8880]  }
0x27c: {  	v35 =	vld [tilespmem:s31+$0x880];
	v28 =	vperm.xlane v22, v3;
	v48 =	vmul.f32 v47, v25  }
0x27d: {  	v47 =	vmul.f32 v50, v20;
	v20 =	vmul.f32 v27, v7;
	v25 =	vld [tilespmem:s31+$0x8800]  }
0x27e: {  	v32 =	vperm.xlane v26, v3;
	v3 =	vmul.f32 v36, v5;
	v27 =	vld [tilespmem:s31+$0x8810]  }
0x27f: {  	v36 =	vld [tilespmem:s31+$0x890];
	v50 =	vmul.f32 v51, v20;
	v20 =	vmul.f32 v56, v7  }
0x280: {  	p0 =	sne.s32 s2, $0x1F000;
	v56 =	vmul.f32 v60, v46;
	v46 =	vmul.f32 v61, v59;
	v61 =	vld [tilespmem:$0x1FBE0]  }
.Ltmp0:
0x281: {  	v23 =	vadd.f32 v1, v29;
	v51 =	vmul.f32 v38, v3;
	v38 =	vld [tilespmem:s31+$0x810];
	(pc) =	sbr.rel @p0 .LBB2_2-.Ltmp0, $4  }
0x282: {  	v19 =	vmul.f32 v54, v0;
	v59 =	vadd.f32 v45, v8;
	v45 =	vmul.f32 v40, v41;
	v40 =	vld [tilespmem:$0x1FBB0]  }
0x283: {  	v29 =	vperm.xlane v23, v2;
	v41 =	vld [tilespmem:$0x1FBC0];
	v8 =	vmul.f32 v43, v6  }
0x284: {  	v60 =	vadd.f32 v16, v11;
	v11 =	vld [tilespmem:s31+$0x840];
	v54 =	vmul.f32 v39, v20;
	v20 =	vmul.f32 v42, v0  }
0x285: {  	s2 =	sadd.s32 $0x1000, s2;
	v43 =	vmovc v55;
	v55 =	vld [tilespmem:$0x1FBD0];
	v42 =	vmovc v14;
	v39 =	vmul.f32 v44, v5;
	v44 =	vmov v4;
	v61 =	vadd.f32 v61, v10  }
0x286: {  	v0 =	vld [tilespmem:$0x1FF40];
	_ =	sdelay $0x4  }
0x287: {  	v21 =	vadd.f32 v31, v21;
	v31 =	vmul.f32 v34, v0;
	v34 =	vld [tilespmem:$0x1FFA0]  }
0x288: {  	v10 =	vmul.f32 v37, v0;
	v37 =	vld [tilespmem:$0x1FFB0]  }
0x289: {  	v14 =	vld [tilespmem:s31+$0x850]  }
0x28a: {  	v16 =	vadd.f32 v33, v12;
	v12 =	vld [tilespmem:s31+$0x8850]  }
0x28b: {  	v9 =	vmul.f32 v9, v10;
	v10 =	vld [tilespmem:s31+$0x8840]  }
0x28c: {  	v6 =	vmul.f32 v13, v34;
	v13 =	vld [tilespmem:s31+$0x8890]  }
0x28d: {  	v7 =	vmul.f32 v62, v8;
	v5 =	vmul.f32 v38, v37;
	v38 =	vld [tilespmem:s31+$0x8860]  }
0x28e: {  	v24 =	vadd.f32 v30, v24;
	v8 =	vmul.f32 v17, v39;
	v30 =	vmul.f32 v35, v34  }
0x28f: {  	v11 =	vmul.f32 v11, v34;
	v14 =	vmul.f32 v14, v37  }
0x290: {  	v39 =	vmul.f32 v36, v37;
	v4 =	vmul.f32 v25, v6  }
0x291: {  	v62 =	vld [tilespmem:s31+$0x88A0];
	v6 =	vmul.f32 v10, v11;
	v10 =	vmul.f32 v12, v14  }
0x292: {  	v12 =	vmul.f32 v13, v39;
	v13 =	vmul.f32 v38, v31;
	v38 =	vld [tilespmem:$0x1FE20]  }
0x293: {  	v22 =	vadd.f32 v28, v22;
	v5 =	vmul.f32 v27, v5;
	v27 =	vld [tilespmem:s31+$0x88B0]  }
0x294: {  	v26 =	vadd.f32 v32, v26;
	v17 =	vmul.f32 v63, v0;
	v63 =	vld [tilespmem:s31+$0x8870];
	v11 =	vmul.f32 v18, v30  }
0x295: {  	v23 =	vadd.f32 v29, v23;
	v29 =	vld [tilespmem:s31+$0x88F0];
	v34 =	vadd.f32 v51, v52  }
0x296: {  	v33 =	vadd.f32 v46, v56;
	v36 =	vld [tilespmem:$0x1FDA0];
	v14 =	vmul.f32 v62, v17;
	v32 =	vadd.f32 v12, v11  }
0x297: {  	v28 =	vadd.f32 v47, v34;
	v35 =	vadd.f32 v5, v4;
	[tilespmem:s31+$0x10BB0] =	vst v38;
	v38 =	vld [tilespmem:$0x1FFC0]  }
0x298: {  	v37 =	vadd.f32 v10, v6;
	v18 =	vmul.f32 v27, v19;
	v32 =	vadd.f32 v14, v32  }
0x299: {  	v17 =	vmul.f32 v63, v20;
	v63 =	vadd.f32 v8, v7;
	v39 =	vadd.f32 v9, v35  }
0x29a: {  	[tilespmem:s31+$0x10AC0] =	vst v43;
	v35 =	vld [tilespmem:$0x1FD90];
	v62 =	vadd.f32 v13, v37;
	v19 =	vadd.f32 v18, v32  }
0x29b: {  	[tilespmem:s31+$0x10AD0] =	vst v42;
	v15 =	vmul.f32 v29, v15;
	v25 =	vadd.f32 v54, v63;
	v27 =	vadd.f32 v50, v33;
	v37 =	vld [tilespmem:$0x1FE40]  }
0x29c: {  	[tilespmem:s31+$0x10BF0] =	vst v36;
	v36 =	vld [tilespmem:$0x1FD80];
	v29 =	vadd.f32 v45, v39;
	v20 =	vadd.f32 v17, v62;
	v62 =	vperm.xlane v19, v38  }
0x29d: {  	v1 =	vld [tilespmem:$0x1FDF0];
	[tilespmem:s31+$0x10A80] =	vst v44;
	v28 =	vadd.f32 v53, v28;
	v25 =	vadd.f32 v15, v25  }
0x29e: {  	[tilespmem:s31+$0x10BE0] =	vst v55;
	v27 =	vadd.f32 v48, v27;
	v39 =	vperm.xlane v29, v38;
	v19 =	vadd.f32 v62, v19;
	v62 =	vld [tilespmem:$0x1FE30]  }
0x29f: {  	v0 =	vld [tilespmem:$0x1FFD0];
	[tilespmem:s31+$0x10BC0] =	vst v35;
	v55 =	vperm.xlane v20, v38;
	v63 =	vperm.xlane v25, v38  }
0x2a0: {  	[tilespmem:s31+$0x10B30] =	vst v37;
	v35 =	vperm.xlane v27, v38;
	v37 =	vperm.xlane v28, v38;
	v38 =	vld [tilespmem:$0x1FE70]  }
0x2a1: {  	[tilespmem:s31+$0x10BD0] =	vst v36;
	v36 =	vld [tilespmem:$0x1FDD0]  }
0x2a2: {  	[tilespmem:s31+$0x10B60] =	vst v1;
	v1 =	vld [tilespmem:$0x1FFF0];
	v29 =	vadd.f32 v39, v29;
	v20 =	vadd.f32 v55, v20  }
0x2a3: {  	v25 =	vadd.f32 v63, v25;
	[tilespmem:s31+$0x10B20] =	vst v62;
	v62 =	vld [tilespmem:$0x1FFE0]  }
0x2a4: {  	[tilespmem:s31+$0x109B0] =	vst v49;
	v34 =	vld [tilespmem:$0x1FE00];
	v27 =	vadd.f32 v35, v27;
	v39 =	vperm.xlane v29, v0;
	v55 =	vperm.xlane v20, v0  }
0x2a5: {  	v28 =	vadd.f32 v37, v28;
	v63 =	vperm.xlane v19, v0;
	v33 =	vperm.xlane v25, v0;
	[tilespmem:s31+$0x10AF0] =	vst v38;
	v38 =	vld [tilespmem:$0x1FDC0]  }
0x2a6: {  	[tilespmem:s31+$0x10B90] =	vst v36;
	v36 =	vld [tilespmem:$0x1FDB0];
	v37 =	vperm.xlane v27, v0;
	v29 =	vadd.f32 v39, v29;
	v20 =	vadd.f32 v55, v20  }
0x2a7: {  	[tilespmem:s31+$0x10970] =	vst v53;
	v19 =	vadd.f32 v63, v19;
	v25 =	vadd.f32 v33, v25;
	v39 =	vperm.xlane v28, v0;
	v55 =	vld [tilespmem:$0x1FE90]  }
0x2a8: {  	[tilespmem:s31+$0x10B10] =	vst v41;
	v27 =	vadd.f32 v37, v27;
	v63 =	vperm.xlane v29, v62;
	v32 =	vperm.xlane v20, v62  }
0x2a9: {  	[tilespmem:s31+$0x10BA0] =	vst v34;
	v28 =	vadd.f32 v39, v28;
	v37 =	vperm.xlane v19, v62;
	v33 =	vperm.xlane v25, v62  }
0x2aa: {  	v34 =	vld [tilespmem:$0x1FDE0];
	[tilespmem:s31+$0x10B50] =	vst v38;
	v38 =	vperm.xlane v27, v62;
	v29 =	vadd.f32 v63, v29;
	v20 =	vadd.f32 v32, v20  }
0x2ab: {  	[tilespmem:s31+$0x10B40] =	vst v36;
	v36 =	vld [tilespmem:$0x1FE50];
	v39 =	vperm.xlane v28, v62;
	v62 =	vperm.xlane v23, v62;
	v19 =	vadd.f32 v37, v19  }
0x2ac: {  	[tilespmem:s31+$0x10AB0] =	vst v55;
	v25 =	vadd.f32 v33, v25;
	v41 =	vperm.xlane v29, v1;
	v55 =	vperm.xlane v20, v1  }
0x2ad: {  	[tilespmem:s31+$0x10B00] =	vst v40;
	v40 =	vld [tilespmem:$0x1FF10];
	v27 =	vadd.f32 v38, v27;
	v28 =	vadd.f32 v39, v28;
	v2 =	vperm.xlane v19, v1  }
0x2ae: {  	[tilespmem:s31+$0x109D0] =	vst v57;
	v3 =	vperm.xlane v25, v1;
	v29 =	vadd.f32 v41, v29;
	v20 =	vadd.f32 v55, v20  }
0x2af: {  	[tilespmem:s31+$0x10B80] =	vst v34;
	v63 =	vld [tilespmem:$0x1FE80];
	v23 =	vadd.f32 v62, v23;
	v34 =	vperm.xlane v27, v1;
	v19 =	vadd.f32 v2, v19  }
0x2b0: {  	v30 =	vld [tilespmem:$0x1FE10];
	[tilespmem:s31+$0x10AE0] =	vst v36;
	v36 =	vperm.xlane v28, v1;
	v25 =	vadd.f32 v3, v25;
	v20 =	vsel vm0, v29, v20  }
0x2b1: {  	[tilespmem:s31+$0x10930] =	vst v48;
	v39 =	vperm.xlane v23, v1;
	v37 =	vadd.f32 v34, v27;
	v19 =	vsel vm1, v20, v19  }
0x2b2: {  	[tilespmem:s31+$0x10A70] =	vst v40;
	v35 =	vld [tilespmem:$0x1FF00];
	v40 =	vadd.f32 v36, v28;
	v41 =	vperm.xlane v26, v1;
	v19 =	vsel vm2, v19, v25  }
0x2b3: {  	[tilespmem:s31+$0x10960] =	vst v47;
	v44 =	vperm.xlane v22, v1;
	v42 =	vadd.f32 v39, v23;
	v19 =	vsel vm3, v19, v37  }
0x2b4: {  	[tilespmem:s31+$0x10AA0] =	vst v63;
	v63 =	vperm.xlane v24, v1;
	v62 =	vadd.f32 v41, v26;
	v19 =	vsel vm4, v19, v40  }
0x2b5: {  	v43 =	vld [tilespmem:$0x1FE60];
	[tilespmem:s31+$0x10B70] =	vst v30;
	v30 =	vperm.xlane v21, v1;
	v29 =	vadd.f32 v44, v22;
	v19 =	vsel vm5, v19, v42  }
0x2b6: {  	[tilespmem:s31+$0x10920] =	vst v50;
	v33 =	vperm.xlane v16, v1;
	v32 =	vadd.f32 v63, v24;
	v19 =	vsel vm6, v19, v62  }
0x2b7: {  	[tilespmem:s31+$0x10A30] =	vst v35;
	v35 =	vadd.f32 v30, v21;
	v55 =	vld [tilespmem:$0x1FF50];
	v36 =	vperm.xlane v61, v1;
	v19 =	vsel vm7, v19, v29  }
0x2b8: {  	[tilespmem:s31+$0x10940] =	vst v52;
	v16 =	vadd.f32 v33, v16;
	v37 =	vperm.xlane v60, v1;
	v19 =	vsel vm8, v19, v32  }
0x2b9: {  	[tilespmem:s31+$0x10950] =	vst v51;
	v39 =	vadd.f32 v36, v61;
	v40 =	vperm.xlane v59, v1;
	v19 =	vsel vm9, v19, v35  }
0x2ba: {  	[tilespmem:s31+$0x10A90] =	vst v43;
	v43 =	vperm.xlane v58, v1;
	v42 =	vadd.f32 v37, v60;
	v16 =	vsel vm10, v19, v16  }
0x2bb: {  	[tilespmem:s31+$0x108E0] =	vst v54;
	v49 =	vadd.f32 v40, v59;
	v16 =	vsel vm11, v16, v39  }
0x2bc: {  	[tilespmem:s31+$0x109F0] =	vst v55;
	v55 =	vadd.f32 v43, v58;
	v16 =	vsel vm12, v16, v42  }
0x2bd: {  	[tilespmem:s31+$0x10900] =	vst v56;
	v16 =	vsel vm13, v16, v49  }
0x2be: {  	[tilespmem:s31+$0x10910] =	vst v46;
	v16 =	vsel vm14, v16, v55  }
0x2bf: {  	[tilespmem:s31+$0x10830] =	vst v45;
	v16 =	vsub.f32 $0.0e+00, v16  }
0x2c0: {  	[tilespmem:s31+$0x108C0] =	vst v7  }
0x2c1: {  	[tilespmem:s31+$0x108D0] =	vst v8;
	v16 =	vmul.f32 $1.442695020e+00, v16  }
0x2c2: {  	[tilespmem:s31+$0x108F0] =	vst v15  }
0x2c3: {  	[tilespmem:s31+$0x10820] =	vst v9;
	(erf) = vpow2.f32 v16  }
0x2c4: {  	[tilespmem:s31+$0x10870] =	vst v17  }
0x2c5: {  	[tilespmem:s31+$0x108A0] =	vst v14  }
0x2c6: {  	[tilespmem:s31+$0x10880] =	vst v11  }
0x2c7: {  	[tilespmem:s31+$0x10800] =	vst v4  }
0x2c8: {  	[tilespmem:s31+$0x10810] =	vst v5;
	v38 =	vld [tilespmem:$0x1FEF0]  }
0x2c9: {  	[tilespmem:s31+$0x10840] =	vst v6  }
0x2ca: {  	[tilespmem:s31+$0x10850] =	vst v10;
	v31 =	vld [tilespmem:$0x1FEE0]  }
0x2cb: {  	[tilespmem:s31+$0x10860] =	vst v13;
	v28 =	vld [tilespmem:$0x1FEC0]  }
0x2cc: {  	[tilespmem:s31+$0x10890] =	vst v12;
	v34 =	vld [tilespmem:$0x1FED0];
	v62 =	vpop (erf)  }
0x2cd: {  	[tilespmem:s31+$0x10A60] =	vst v38;
	v38 =	vld [tilespmem:$0x1FF30];
	v15 =	vadd.f32 $1.000000000e+00, v62  }
0x2ce: {  	[tilespmem:s31+$0x108B0] =	vst v18;
	v41 =	vld [tilespmem:$0x1FEA0]  }
0x2cf: {  	[tilespmem:s31+$0x10A40] =	vst v31;
	v44 =	vld [tilespmem:$0x1FEB0];
	(erf) = vrcp.f32 v15  }
0x2d0: {  	v61 =	vld [tilespmem:$0x1FF70];
	[tilespmem:s31+$0x10A20] =	vst v28  }
0x2d1: {  	[tilespmem:s31+$0x10A50] =	vst v34;
	v58 =	vld [tilespmem:$0x1FF80]  }
0x2d2: {  	[tilespmem:s31+$0x109E0] =	vst v38;
	v60 =	vld [tilespmem:$0x1FF60]  }
0x2d3: {  	[tilespmem:s31+$0x10A00] =	vst v41;
	v59 =	vld [tilespmem:$0x1FF20]  }
0x2d4: {  	[tilespmem:s31+$0x10A10] =	vst v44  }
0x2d5: {  	[tilespmem:s31+$0x10990] =	vst v61  }
0x2d6: {  	[tilespmem:s31+$0x109A0] =	vst v58  }
0x2d7: {  	[tilespmem:s31+$0x10980] =	vst v60  }
0x2d8: {  	s0 =	sadd.s32 $0x10, s0;
	[tilespmem:s31+$0x109C0] =	vst v59;
	v63 =	vpop (erf)  }
0x2d9: {  	[tilespmem:s0+$0x0] =	vst v63  }
0x2da: {  	[hbm4b:s8+s3] =	stream.linear.scatter [tilespmem:s24], [sflag:$0x2], $0x8000, $0x38;
	[tilespmem:$0x18A40] =	vst v63  }
0x2db: {  	s30 =	sadd.s32 $0x1, s30;
	_ =	swait.ge [sflag:s11], $0x8000  }
0x2dc: {  	p0 =	sne.s32 s30, s10;
	[sflag:s11] =	ssyncset.done $0x0  }
.Ltmp1:
0x2dd: {  	[sflag:s11] =	ssyncadd.s32 $0xFFFF8000;
	(pc) =	sbr.rel @p0 .LBB2_1-.Ltmp1, $4  }
0x2de: {  	[hbm4b:s9+s3] =	stream.linear.scatter [tilespmem:s26], [sflag:$0x2], $0x200, $0x38;
	[tilespmem:$0x18A40] =	vst v63  }
0x2df: {  	_ =	swait.ge [sflag:s11], $0x200  }
0x2e0: {  	[sflag:s11] =	ssyncset.done $0x0  }
0x2e1: {  	[sflag:s11] =	ssyncadd.s32 $0xFFFFFE00  }
0x2e2: {  	_ =	sfence.sel $0x180000  }
0x2e3: {  	[bflag:$0x0] =	sbarrier.arrive $0xFFFF  }
0x2e4: {  	_ =	strace $0x90000047  }
0x2e5: {  	s0 =	stileid.u32;
	[bflag:$0x2] =	sbarrier.arrive $0xFFFF  }
0x2e6: {  	p0 =	sne.s32 s0, $0x0;
	s0 =	rddreg [dreg:$0x4]  }
0x2e7: {  	s0 =	sadd.s32 @!p0 $0x100000, s0  }
0x2e8: {  	[sflag:s0] =	ssyncadd.tile.s32 @!p0 $0x1;
	_ =	shalt  }
.Lfunc_end2:
_tile_overlayer_lowered:
.L_overlay_start_2:
0x2e9: {  	(tag) =	ssettag $0x2  }
0x2ea: {  	s0 =	rddreg [dreg:$0x0];
	s2 =	stileid.u32  }
0x2eb: {  	s1 =	rddreg [dreg:$0x1];
	p0 =	sne.s32 s2, $0x0  }
0x2ec: {  	s3 =	rddreg [dreg:$0x2];
	[bflag:$0x3] =	sbarrier.arrive $0xFFFF;
	s2 =	simm.s32 @!p0 $0x1C02  }
0x2ed: {  	[timem:s3], [sflag:s2] =	dma.local @!p0 [hbm:s0], s1  }
0x2ee: {  	s0 =	simm.s32 @!p0 $0x2  }
0x2ef: {  	_ =	swait.ge @!p0 [sflag:s0], s1  }
0x2f0: {  	s1 =	ssub.s32 @!p0 $0x0, s1;
	[sflag:s0] =	ssyncset.done @!p0 $0x0  }
0x2f1: {  	[sflag:s0] =	ssyncadd.s32 @!p0 s1  }
0x2f2: {  	[bflag:$0x3] =	sbarrier.arrive $0xFFFF  }
0x2f3: {  	_ =	shalt  }

</sc_bundles>
